<compile_context>
chip_gen: v7x
topology: tpu7x:2x2x1
jax: 0.10.2.dev20260603
libtpu: 0.0.44.dev20260713+nightly
codegen_flags: <defaults>
</compile_context>

<pallas_src>
import functools

import jax
import jax.numpy as jnp
from jax import lax
from jax.experimental import pallas as pl
from jax.experimental.pallas import tpu as pltpu
from jax.experimental.pallas import tpu_sc as plsc

BATCH = 1024
VOCAB = 1000
T_STEPS = 200
D_DIM = 128
DECAY = 0.9

NUM_CORES = 2
NUM_SUBCORES = 16
NUM_WORKERS = NUM_CORES * NUM_SUBCORES
ROWS_PER_WORKER = BATCH // NUM_WORKERS
LANES = 16
DC = D_DIM // LANES
NBUF = 8
ULEN = (104, 96)
UOFF = (0, 104)
NUNITS = 2 * ROWS_PER_WORKER


def kernel(ctrl_tokens, prev_trace, embed_table):
    idx = ctrl_tokens[:, :, 1].astype(jnp.int32).reshape(BATCH * T_STEPS)

    mesh = plsc.VectorSubcoreMesh(core_axis_name="c", subcore_axis_name="s")

    @functools.partial(
        pl.kernel,
        out_type=jax.ShapeDtypeStruct((BATCH * T_STEPS, D_DIM), jnp.float32),
        mesh=mesh,
        scratch_types=[
            pltpu.VMEM((ROWS_PER_WORKER * T_STEPS,), jnp.int32),
            pltpu.VMEM((NBUF, ULEN[0], D_DIM), jnp.float32),
            pltpu.VMEM((ROWS_PER_WORKER, D_DIM), jnp.float32),
            pltpu.SemaphoreType.DMA((NBUF,)),
            pltpu.SemaphoreType.DMA((NBUF,)),
            pltpu.VMEM_SHARED((VOCAB, D_DIM), jnp.float32),
        ],
    )
    def ev_kernel(idx_hbm, prev_hbm, table_hbm, out_hbm,
                  idx_v, rows_v, prev_v, gsem, osem, table_sh):
        wid = lax.axis_index("s") * NUM_CORES + lax.axis_index("c")
        base = wid * ROWS_PER_WORKER
        @pl.when(lax.axis_index("s") == 0)
        def _():
            pltpu.sync_copy(table_hbm, table_sh)
        plsc.subcore_barrier()
        pltpu.sync_copy(
            idx_hbm.at[pl.ds(base * T_STEPS, ROWS_PER_WORKER * T_STEPS)], idx_v)
        pltpu.sync_copy(prev_hbm.at[pl.ds(base, ROWS_PER_WORKER)], prev_v)

        def bufref(b, h):
            return rows_v.at[b] if ULEN[h] == ULEN[0] else (
                rows_v.at[b, pl.ds(0, ULEN[h])])

        def gather(u, b, h):
            rl = u // 2
            return pltpu.make_async_copy(
                table_sh.at[idx_v.at[pl.ds(rl * T_STEPS + UOFF[h], ULEN[h])]],
                bufref(b, h), gsem.at[b])

        def out_copy(u, b, h):
            rl = u // 2
            return pltpu.make_async_copy(
                bufref(b, h),
                out_hbm.at[pl.ds((base + rl) * T_STEPS + UOFF[h], ULEN[h])],
                osem.at[b])

        for b in range(4):
            gather(b, b, b % 2).start()

        @pl.loop(0, NUNITS, step=NBUF)
        def _(ubase):
            acc = None
            for j in range(NBUF):
                h = j % 2
                pb = (j + 4) % NBUF
                u = ubase + j

                @pl.when(u < NUNITS - 4)
                def _():
                    @pl.when(u >= 4)
                    def _():
                        out_copy(u - 4, pb, h).wait()

                    gather(u + 4, pb, h).start()

                gather(u, j, h).wait()

                def step(t, acc, j=j):
                    new = tuple(
                        rows_v[j, t, pl.ds(c * LANES, LANES)] + DECAY * acc[c]
                        for c in range(DC)
                    )
                    for c in range(DC):
                        rows_v[j, t, pl.ds(c * LANES, LANES)] = new[c]
                    return new

                if h == 0:
                    rl = u // 2
                    acc = tuple(
                        prev_v[rl, pl.ds(c * LANES, LANES)] for c in range(DC))
                acc = lax.fori_loop(0, ULEN[h], step, acc)

                out_copy(u, j, h).start()

        for b in range(NBUF):
            out_copy(NUNITS - NBUF + b, b, b % 2).wait()

    out = ev_kernel(idx, prev_trace, embed_table)
    return out.reshape(BATCH, T_STEPS, D_DIM)

# --- scband reference (transcript-rebuilt; emitter-appended) ---
"""Pipeline reference for scband-event-trace-44753559224664 (READ-ONLY COPY).

The authoritative reference and input builder live on the scoring server;
editing this copy changes nothing except your own understanding.
"""

import jax, jax.numpy as jnp
import numpy as np

VOCAB = 1000
D_MODEL = 128
ALPHA = 0.9
B = 1024
T = 200


def setup_inputs(seed: int = 0) -> dict:
    key = jax.random.key(seed)
    k1, k2 = jax.random.split(key)
    ctrl_tokens = jax.random.randint(k1, (B, T, 4), 0, VOCAB, dtype=jnp.int64) if jax.config.jax_enable_x64 else jax.random.randint(k1, (B, T, 4), 0, VOCAB, dtype=jnp.int32)
    prev_trace = jnp.zeros((B, D_MODEL), dtype=jnp.float32)
    embed_table = jax.random.normal(k2, (VOCAB, D_MODEL), dtype=jnp.float32)
    return {"ctrl_tokens": ctrl_tokens, "prev_trace": prev_trace, "embed_table": embed_table}


def reference(ctrl_tokens, prev_trace, embed_table):
    # type tokens: channel 1 of the control tokens
    type_tokens = ctrl_tokens[:, :, 1]                      # [B, T]
    event_embeds = jnp.take(embed_table, type_tokens, axis=0)  # [B, T, d]

    def step(carry, e_t):
        new = ALPHA * carry + e_t
        return new, new

    # scan over time axis
    _, traces = jax.lax.scan(step, prev_trace, jnp.swapaxes(event_embeds, 0, 1))
    return jnp.swapaxes(traces, 0, 1)                       # [B, T, d]

if __name__ == "__main__":
    import jax
    _d = setup_inputs()
    print(jax.jit(kernel)(*tuple(_d.values())))

</pallas_src>

<mosaic_0001>
#map = affine_map<(d0, d1) -> (0)>
#map1 = affine_map<(d0, d1) -> (0, 0)>
module attributes {stable_mosaic.version = 14 : i64} {
  func.func @ev_kernel(%arg0: i32, %arg1: i32, %arg2: memref<204800xi32, #tpu.memory_space<hbm>>, %arg3: memref<1024x128xf32, #tpu.memory_space<hbm>>, %arg4: memref<1000x128xf32, #tpu.memory_space<hbm>>, %arg5: memref<204800x128xf32, #tpu.memory_space<hbm>>, %arg6: memref<6400xi32, #tpu.memory_space<vmem>>, %arg7: memref<8x104x128xf32, #tpu.memory_space<vmem>>, %arg8: memref<32x128xf32, #tpu.memory_space<vmem>>, %arg9: memref<8x!tpu.dma_semaphore, #tpu.memory_space<semaphore_mem>>, %arg10: memref<8x!tpu.dma_semaphore, #tpu.memory_space<semaphore_mem>>, %arg11: memref<1000x128xf32, #tpu.memory_space<vmem_shared>>) attributes {dimension_semantics = [#tpu.dimension_semantics<core_parallel>, #tpu.dimension_semantics<subcore_parallel>], iteration_bounds = array<i64: 2, 16>, scalar_prefetch = 0 : i64, scratch_operands = 6 : i64, tpu.core_type = #tpu.core_type<sc_vector_subcore>, window_params = [{transform_indices = #map}, {transform_indices = #map1}, {transform_indices = #map1}, {transform_indices = #map1}]} {
    %mul3A = arith.constant 2 : i32
    %mul3A_0 = arith.muli %arg1, %mul3A : i32
    %add3A = arith.addi %mul3A_0, %arg0 : i32
    %mul3A_1 = arith.constant 32 : i32
    %mul3A_2 = arith.muli %add3A, %mul3A_1 : i32
    %eq3A = arith.constant 0 : i32
    %eq3A_3 = arith.cmpi eq, %arg1, %eq3A : i32
    %convert_element_type3A = arith.extui %eq3A_3 : i1 to i32
    %cond3A = arith.constant 0 : i32
    %cond3A_4 = arith.cmpi ne, %convert_element_type3A, %cond3A : i32
    scf.if %cond3A_4 {
      "tpu.region"() ({
        %run_scoped3A = tpu.sem_alloc : memref<!tpu.dma_semaphore, #tpu.memory_space<semaphore_mem>>
        tpu.enqueue_dma source(%arg4 : memref<1000x128xf32, #tpu.memory_space<hbm>>) target(%arg11 : memref<1000x128xf32, #tpu.memory_space<vmem_shared>>) target_semaphore(%run_scoped3A : memref<!tpu.dma_semaphore, #tpu.memory_space<semaphore_mem>>)
        tpu.wait_dma2 semaphore(%run_scoped3A : memref<!tpu.dma_semaphore, #tpu.memory_space<semaphore_mem>>) src(%arg4 : memref<1000x128xf32, #tpu.memory_space<hbm>>) dst(%arg11 : memref<1000x128xf32, #tpu.memory_space<vmem_shared>>)
        tpu.yield
      }) : () -> ()
    } else {
    }
    %barrier3A = arith.constant 0 : index
    tpu.barrier barrier_id(%barrier3A)
    %mul3A_5 = arith.constant 200 : i32
    %mul3A_6 = arith.muli %mul3A_2, %mul3A_5 : i32
    "tpu.region"() ({
      %run_scoped3A = tpu.sem_alloc : memref<!tpu.dma_semaphore, #tpu.memory_space<semaphore_mem>>
      %dma_start3A_237 = tpu.memref_slice %arg2[%mul3A_6] : memref<204800xi32, #tpu.memory_space<hbm>> -> memref<6400xi32, #tpu.memory_space<hbm>>
      %dma_start3A_238 = tpu.memref_slice %arg2[%mul3A_6] : memref<204800xi32, #tpu.memory_space<hbm>> -> memref<6400xi32, #tpu.memory_space<hbm>>
      tpu.enqueue_dma source(%dma_start3A_238 : memref<6400xi32, #tpu.memory_space<hbm>>) target(%arg6 : memref<6400xi32, #tpu.memory_space<vmem>>) target_semaphore(%run_scoped3A : memref<!tpu.dma_semaphore, #tpu.memory_space<semaphore_mem>>)
      %dma_wait3A_239 = tpu.memref_slice %arg2[%mul3A_6] : memref<204800xi32, #tpu.memory_space<hbm>> -> memref<6400xi32, #tpu.memory_space<hbm>>
      %dma_wait3A_240 = tpu.memref_slice %arg2[%mul3A_6] : memref<204800xi32, #tpu.memory_space<hbm>> -> memref<6400xi32, #tpu.memory_space<hbm>>
      tpu.wait_dma2 semaphore(%run_scoped3A : memref<!tpu.dma_semaphore, #tpu.memory_space<semaphore_mem>>) src(%dma_wait3A_240 : memref<6400xi32, #tpu.memory_space<hbm>>) dst(%arg6 : memref<6400xi32, #tpu.memory_space<vmem>>)
      tpu.yield
    }) : () -> ()
    "tpu.region"() ({
      %run_scoped3A = tpu.sem_alloc : memref<!tpu.dma_semaphore, #tpu.memory_space<semaphore_mem>>
      %dma_start3A_237 = arith.constant 0 : i32
      %dma_start3A_238 = tpu.memref_slice %arg3[%mul3A_2, %dma_start3A_237] : memref<1024x128xf32, #tpu.memory_space<hbm>> -> memref<32x128xf32, #tpu.memory_space<hbm>>
      %dma_start3A_239 = arith.constant 0 : i32
      %dma_start3A_240 = tpu.memref_slice %arg3[%mul3A_2, %dma_start3A_239] : memref<1024x128xf32, #tpu.memory_space<hbm>> -> memref<32x128xf32, #tpu.memory_space<hbm>>
      tpu.enqueue_dma source(%dma_start3A_240 : memref<32x128xf32, #tpu.memory_space<hbm>>) target(%arg8 : memref<32x128xf32, #tpu.memory_space<vmem>>) target_semaphore(%run_scoped3A : memref<!tpu.dma_semaphore, #tpu.memory_space<semaphore_mem>>)
      %dma_wait3A_241 = arith.constant 0 : i32
      %dma_wait3A_242 = tpu.memref_slice %arg3[%mul3A_2, %dma_wait3A_241] : memref<1024x128xf32, #tpu.memory_space<hbm>> -> memref<32x128xf32, #tpu.memory_space<hbm>>
      %dma_wait3A_243 = arith.constant 0 : i32
      %dma_wait3A_244 = tpu.memref_slice %arg3[%mul3A_2, %dma_wait3A_243] : memref<1024x128xf32, #tpu.memory_space<hbm>> -> memref<32x128xf32, #tpu.memory_space<hbm>>
      tpu.wait_dma2 semaphore(%run_scoped3A : memref<!tpu.dma_semaphore, #tpu.memory_space<semaphore_mem>>) src(%dma_wait3A_244 : memref<32x128xf32, #tpu.memory_space<hbm>>) dst(%arg8 : memref<32x128xf32, #tpu.memory_space<vmem>>)
      tpu.yield
    }) : () -> ()
    %dma_start3A = arith.constant 0 : i32
    %dma_start3A_7 = arith.constant 0 : i32
    %dma_start3A_8 = arith.constant 0 : i32
    %dma_start3A_9 = arith.constant 0 : i32
    %dma_start3A_10 = tpu.memref_slice %arg7[%dma_start3A, %dma_start3A_8, %dma_start3A_9] : memref<8x104x128xf32, #tpu.memory_space<vmem>> -> memref<1x104x128xf32, #tpu.memory_space<vmem>>
    %dma_start3A_11 = tpu.memref_squeeze %dma_start3A_10 : memref<1x104x128xf32, #tpu.memory_space<vmem>> -> memref<104x128xf32, #tpu.memory_space<vmem>>
    %dma_start3A_12 = arith.constant 0 : i32
    %dma_start3A_13 = tpu.memref_slice %arg6[%dma_start3A_12] : memref<6400xi32, #tpu.memory_space<vmem>> -> memref<104xi32, #tpu.memory_space<vmem>>
    %dma_start3A_14 = arith.constant 0 : i32
    %dma_start3A_15 = arith.constant 0 : i32
    %dma_start3A_16 = tpu.memref_slice %arg11[%dma_start3A_14, %dma_start3A_15] : memref<1000x128xf32, #tpu.memory_space<vmem_shared>> -> memref<1000x128xf32, #tpu.memory_space<vmem_shared>>
    %dma_start3A_17 = tpu.memref_slice %arg9[%dma_start3A_7] : memref<8x!tpu.dma_semaphore, #tpu.memory_space<semaphore_mem>> -> memref<1x!tpu.dma_semaphore, #tpu.memory_space<semaphore_mem>>
    %dma_start3A_18 = tpu.memref_squeeze %dma_start3A_17 : memref<1x!tpu.dma_semaphore, #tpu.memory_space<semaphore_mem>> -> memref<!tpu.dma_semaphore, #tpu.memory_space<semaphore_mem>>
    tpu.enqueue_indirect_dma source(%dma_start3A_16 : memref<1000x128xf32, #tpu.memory_space<vmem_shared>>) target(%dma_start3A_11 : memref<104x128xf32, #tpu.memory_space<vmem>>) offsets(%dma_start3A_13 : memref<104xi32, #tpu.memory_space<vmem>>) semaphore(%dma_start3A_18 : memref<!tpu.dma_semaphore, #tpu.memory_space<semaphore_mem>>)
    %dma_start3A_19 = arith.constant 1 : i32
    %dma_start3A_20 = arith.constant 1 : i32
    %dma_start3A_21 = arith.constant 0 : i32
    %dma_start3A_22 = arith.constant 0 : i32
    %dma_start3A_23 = tpu.memref_slice %arg7[%dma_start3A_19, %dma_start3A_21, %dma_start3A_22] : memref<8x104x128xf32, #tpu.memory_space<vmem>> -> memref<1x96x128xf32, #tpu.memory_space<vmem>>
    %dma_start3A_24 = tpu.memref_squeeze %dma_start3A_23 : memref<1x96x128xf32, #tpu.memory_space<vmem>> -> memref<96x128xf32, #tpu.memory_space<vmem>>
    %dma_start3A_25 = arith.constant 104 : i32
    %dma_start3A_26 = tpu.memref_slice %arg6[%dma_start3A_25] : memref<6400xi32, #tpu.memory_space<vmem>> -> memref<96xi32, #tpu.memory_space<vmem>>
    %dma_start3A_27 = arith.constant 0 : i32
    %dma_start3A_28 = arith.constant 0 : i32
    %dma_start3A_29 = tpu.memref_slice %arg11[%dma_start3A_27, %dma_start3A_28] : memref<1000x128xf32, #tpu.memory_space<vmem_shared>> -> memref<1000x128xf32, #tpu.memory_space<vmem_shared>>
    %dma_start3A_30 = tpu.memref_slice %arg9[%dma_start3A_20] : memref<8x!tpu.dma_semaphore, #tpu.memory_space<semaphore_mem>> -> memref<1x!tpu.dma_semaphore, #tpu.memory_space<semaphore_mem>>
    %dma_start3A_31 = tpu.memref_squeeze %dma_start3A_30 : memref<1x!tpu.dma_semaphore, #tpu.memory_space<semaphore_mem>> -> memref<!tpu.dma_semaphore, #tpu.memory_space<semaphore_mem>>
    tpu.enqueue_indirect_dma source(%dma_start3A_29 : memref<1000x128xf32, #tpu.memory_space<vmem_shared>>) target(%dma_start3A_24 : memref<96x128xf32, #tpu.memory_space<vmem>>) offsets(%dma_start3A_26 : memref<96xi32, #tpu.memory_space<vmem>>) semaphore(%dma_start3A_31 : memref<!tpu.dma_semaphore, #tpu.memory_space<semaphore_mem>>)
    %dma_start3A_32 = arith.constant 2 : i32
    %dma_start3A_33 = arith.constant 2 : i32
    %dma_start3A_34 = arith.constant 0 : i32
    %dma_start3A_35 = arith.constant 0 : i32
    %dma_start3A_36 = tpu.memref_slice %arg7[%dma_start3A_32, %dma_start3A_34, %dma_start3A_35] : memref<8x104x128xf32, #tpu.memory_space<vmem>> -> memref<1x104x128xf32, #tpu.memory_space<vmem>>
    %dma_start3A_37 = tpu.memref_squeeze %dma_start3A_36 : memref<1x104x128xf32, #tpu.memory_space<vmem>> -> memref<104x128xf32, #tpu.memory_space<vmem>>
    %dma_start3A_38 = arith.constant 200 : i32
    %dma_start3A_39 = tpu.memref_slice %arg6[%dma_start3A_38] : memref<6400xi32, #tpu.memory_space<vmem>> -> memref<104xi32, #tpu.memory_space<vmem>>
    %dma_start3A_40 = arith.constant 0 : i32
    %dma_start3A_41 = arith.constant 0 : i32
    %dma_start3A_42 = tpu.memref_slice %arg11[%dma_start3A_40, %dma_start3A_41] : memref<1000x128xf32, #tpu.memory_space<vmem_shared>> -> memref<1000x128xf32, #tpu.memory_space<vmem_shared>>
    %dma_start3A_43 = tpu.memref_slice %arg9[%dma_start3A_33] : memref<8x!tpu.dma_semaphore, #tpu.memory_space<semaphore_mem>> -> memref<1x!tpu.dma_semaphore, #tpu.memory_space<semaphore_mem>>
    %dma_start3A_44 = tpu.memref_squeeze %dma_start3A_43 : memref<1x!tpu.dma_semaphore, #tpu.memory_space<semaphore_mem>> -> memref<!tpu.dma_semaphore, #tpu.memory_space<semaphore_mem>>
    tpu.enqueue_indirect_dma source(%dma_start3A_42 : memref<1000x128xf32, #tpu.memory_space<vmem_shared>>) target(%dma_start3A_37 : memref<104x128xf32, #tpu.memory_space<vmem>>) offsets(%dma_start3A_39 : memref<104xi32, #tpu.memory_space<vmem>>) semaphore(%dma_start3A_44 : memref<!tpu.dma_semaphore, #tpu.memory_space<semaphore_mem>>)
    %dma_start3A_45 = arith.constant 3 : i32
    %dma_start3A_46 = arith.constant 3 : i32
    %dma_start3A_47 = arith.constant 0 : i32
    %dma_start3A_48 = arith.constant 0 : i32
    %dma_start3A_49 = tpu.memref_slice %arg7[%dma_start3A_45, %dma_start3A_47, %dma_start3A_48] : memref<8x104x128xf32, #tpu.memory_space<vmem>> -> memref<1x96x128xf32, #tpu.memory_space<vmem>>
    %dma_start3A_50 = tpu.memref_squeeze %dma_start3A_49 : memref<1x96x128xf32, #tpu.memory_space<vmem>> -> memref<96x128xf32, #tpu.memory_space<vmem>>
    %dma_start3A_51 = arith.constant 304 : i32
    %dma_start3A_52 = tpu.memref_slice %arg6[%dma_start3A_51] : memref<6400xi32, #tpu.memory_space<vmem>> -> memref<96xi32, #tpu.memory_space<vmem>>
    %dma_start3A_53 = arith.constant 0 : i32
    %dma_start3A_54 = arith.constant 0 : i32
    %dma_start3A_55 = tpu.memref_slice %arg11[%dma_start3A_53, %dma_start3A_54] : memref<1000x128xf32, #tpu.memory_space<vmem_shared>> -> memref<1000x128xf32, #tpu.memory_space<vmem_shared>>
    %dma_start3A_56 = tpu.memref_slice %arg9[%dma_start3A_46] : memref<8x!tpu.dma_semaphore, #tpu.memory_space<semaphore_mem>> -> memref<1x!tpu.dma_semaphore, #tpu.memory_space<semaphore_mem>>
    %dma_start3A_57 = tpu.memref_squeeze %dma_start3A_56 : memref<1x!tpu.dma_semaphore, #tpu.memory_space<semaphore_mem>> -> memref<!tpu.dma_semaphore, #tpu.memory_space<semaphore_mem>>
    tpu.enqueue_indirect_dma source(%dma_start3A_55 : memref<1000x128xf32, #tpu.memory_space<vmem_shared>>) target(%dma_start3A_50 : memref<96x128xf32, #tpu.memory_space<vmem>>) offsets(%dma_start3A_52 : memref<96xi32, #tpu.memory_space<vmem>>) semaphore(%dma_start3A_57 : memref<!tpu.dma_semaphore, #tpu.memory_space<semaphore_mem>>)
    %scan3A = arith.constant 0 : i32
    %scan3A_58 = arith.constant 8 : i32
    %scan3A_59 = arith.addi %scan3A, %scan3A_58 : i32
    %scan3A_60 = arith.constant 1 : i32
    scf.for %scan3A_237 = %scan3A to %scan3A_59 step %scan3A_60  : i32 {
      %mul3A_238 = arith.constant 8 : i32
      %mul3A_239 = arith.muli %scan3A_237, %mul3A_238 : i32
      %add3A_240 = arith.constant 0 : i32
      %add3A_241 = arith.addi %add3A_240, %mul3A_239 : i32
      %add3A_242 = arith.constant 0 : i32
      %add3A_243 = arith.addi %add3A_241, %add3A_242 : i32
      %lt3A = arith.constant 60 : i32
      %lt3A_244 = arith.cmpi slt, %add3A_243, %lt3A : i32
      %convert_element_type3A_245 = arith.extui %lt3A_244 : i1 to i32
      %cond3A_246 = arith.constant 0 : i32
      %cond3A_247 = arith.cmpi ne, %convert_element_type3A_245, %cond3A_246 : i32
      scf.if %cond3A_247 {
        %ge3A = arith.constant 4 : i32
        %ge3A_1240 = arith.cmpi sge, %add3A_243, %ge3A : i32
        %convert_element_type3A_1241 = arith.extui %ge3A_1240 : i1 to i32
        %cond3A_1242 = arith.constant 0 : i32
        %cond3A_1243 = arith.cmpi ne, %convert_element_type3A_1241, %cond3A_1242 : i32
        scf.if %cond3A_1243 {
          %sub3A_1286 = arith.constant 4 : i32
          %sub3A_1287 = arith.subi %add3A_243, %sub3A_1286 : i32
          %jit3A_1288 = arith.constant 2 : i32
          %div3A_1289 = arith.divsi %sub3A_1287, %jit3A_1288 : i32
          %sign3A_1290 = arith.constant 0 : i32
          %sign3A_1291 = arith.cmpi sgt, %sub3A_1287, %sign3A_1290 : i32
          %sign3A_1292 = arith.extui %sign3A_1291 : i1 to i32
          %sign3A_1293 = arith.constant 0 : i32
          %sign3A_1294 = arith.cmpi slt, %sub3A_1287, %sign3A_1293 : i32
          %sign3A_1295 = arith.extui %sign3A_1294 : i1 to i32
          %sign3A_1296 = arith.subi %sign3A_1292, %sign3A_1295 : i32
          %sign3A_1297 = arith.constant 0 : i32
          %sign3A_1298 = arith.cmpi sgt, %jit3A_1288, %sign3A_1297 : i32
          %sign3A_1299 = arith.extui %sign3A_1298 : i1 to i32
          %sign3A_1300 = arith.constant 0 : i32
          %sign3A_1301 = arith.cmpi slt, %jit3A_1288, %sign3A_1300 : i32
          %sign3A_1302 = arith.extui %sign3A_1301 : i1 to i32
          %sign3A_1303 = arith.subi %sign3A_1299, %sign3A_1302 : i32
          %ne3A_1304 = arith.cmpi ne, %sign3A_1296, %sign3A_1303 : i32
          %rem3A_1305 = arith.remsi %sub3A_1287, %jit3A_1288 : i32
          %ne3A_1306 = arith.constant 0 : i32
          %ne3A_1307 = arith.cmpi ne, %rem3A_1305, %ne3A_1306 : i32
          %and3A_1308 = arith.andi %ne3A_1304, %ne3A_1307 : i1
          %sub3A_1309 = arith.constant 1 : i32
          %sub3A_1310 = arith.subi %div3A_1289, %sub3A_1309 : i32
          %select_n3A_1311 = arith.select %and3A_1308, %sub3A_1310, %div3A_1289 : i32
          %add3A_1312 = arith.addi %mul3A_2, %select_n3A_1311 : i32
          %mul3A_1313 = arith.constant 200 : i32
          %mul3A_1314 = arith.muli %add3A_1312, %mul3A_1313 : i32
          %add3A_1315 = arith.constant 0 : i32
          %add3A_1316 = arith.addi %mul3A_1314, %add3A_1315 : i32
          %dma_wait3A_1317 = arith.constant 4 : i32
          %dma_wait3A_1318 = arith.constant 4 : i32
          %dma_wait3A_1319 = arith.constant 0 : i32
          %dma_wait3A_1320 = arith.constant 0 : i32
          %dma_wait3A_1321 = tpu.memref_slice %arg7[%dma_wait3A_1317, %dma_wait3A_1319, %dma_wait3A_1320] : memref<8x104x128xf32, #tpu.memory_space<vmem>> -> memref<1x104x128xf32, #tpu.memory_space<vmem>>
          %dma_wait3A_1322 = tpu.memref_squeeze %dma_wait3A_1321 : memref<1x104x128xf32, #tpu.memory_space<vmem>> -> memref<104x128xf32, #tpu.memory_space<vmem>>
          %dma_wait3A_1323 = arith.constant 0 : i32
          %dma_wait3A_1324 = tpu.memref_slice %arg5[%add3A_1316, %dma_wait3A_1323] : memref<204800x128xf32, #tpu.memory_space<hbm>> -> memref<104x128xf32, #tpu.memory_space<hbm>>
          %dma_wait3A_1325 = tpu.memref_slice %arg10[%dma_wait3A_1318] : memref<8x!tpu.dma_semaphore, #tpu.memory_space<semaphore_mem>> -> memref<1x!tpu.dma_semaphore, #tpu.memory_space<semaphore_mem>>
          %dma_wait3A_1326 = tpu.memref_squeeze %dma_wait3A_1325 : memref<1x!tpu.dma_semaphore, #tpu.memory_space<semaphore_mem>> -> memref<!tpu.dma_semaphore, #tpu.memory_space<semaphore_mem>>
          %dma_wait3A_1327 = arith.constant 0 : i32
          %dma_wait3A_1328 = tpu.memref_slice %arg5[%add3A_1316, %dma_wait3A_1327] : memref<204800x128xf32, #tpu.memory_space<hbm>> -> memref<104x128xf32, #tpu.memory_space<hbm>>
          %dma_wait3A_1329 = arith.constant 0 : i32
          %dma_wait3A_1330 = arith.constant 0 : i32
          %dma_wait3A_1331 = tpu.memref_slice %arg7[%dma_wait3A_1317, %dma_wait3A_1329, %dma_wait3A_1330] : memref<8x104x128xf32, #tpu.memory_space<vmem>> -> memref<1x104x128xf32, #tpu.memory_space<vmem>>
          %dma_wait3A_1332 = tpu.memref_squeeze %dma_wait3A_1331 : memref<1x104x128xf32, #tpu.memory_space<vmem>> -> memref<104x128xf32, #tpu.memory_space<vmem>>
          tpu.wait_dma2 semaphore(%dma_wait3A_1326 : memref<!tpu.dma_semaphore, #tpu.memory_space<semaphore_mem>>) src(%dma_wait3A_1332 : memref<104x128xf32, #tpu.memory_space<vmem>>) dst(%dma_wait3A_1328 : memref<104x128xf32, #tpu.memory_space<hbm>>)
        } else {
        }
        %add3A_1244 = arith.constant 4 : i32
        %add3A_1245 = arith.addi %add3A_243, %add3A_1244 : i32
        %jit3A_1246 = arith.constant 2 : i32
        %div3A_1247 = arith.divsi %add3A_1245, %jit3A_1246 : i32
        %sign3A_1248 = arith.constant 0 : i32
        %sign3A_1249 = arith.cmpi sgt, %add3A_1245, %sign3A_1248 : i32
        %sign3A_1250 = arith.extui %sign3A_1249 : i1 to i32
        %sign3A_1251 = arith.constant 0 : i32
        %sign3A_1252 = arith.cmpi slt, %add3A_1245, %sign3A_1251 : i32
        %sign3A_1253 = arith.extui %sign3A_1252 : i1 to i32
        %sign3A_1254 = arith.subi %sign3A_1250, %sign3A_1253 : i32
        %sign3A_1255 = arith.constant 0 : i32
        %sign3A_1256 = arith.cmpi sgt, %jit3A_1246, %sign3A_1255 : i32
        %sign3A_1257 = arith.extui %sign3A_1256 : i1 to i32
        %sign3A_1258 = arith.constant 0 : i32
        %sign3A_1259 = arith.cmpi slt, %jit3A_1246, %sign3A_1258 : i32
        %sign3A_1260 = arith.extui %sign3A_1259 : i1 to i32
        %sign3A_1261 = arith.subi %sign3A_1257, %sign3A_1260 : i32
        %ne3A_1262 = arith.cmpi ne, %sign3A_1254, %sign3A_1261 : i32
        %rem3A_1263 = arith.remsi %add3A_1245, %jit3A_1246 : i32
        %ne3A_1264 = arith.constant 0 : i32
        %ne3A_1265 = arith.cmpi ne, %rem3A_1263, %ne3A_1264 : i32
        %and3A_1266 = arith.andi %ne3A_1262, %ne3A_1265 : i1
        %sub3A_1267 = arith.constant 1 : i32
        %sub3A_1268 = arith.subi %div3A_1247, %sub3A_1267 : i32
        %select_n3A_1269 = arith.select %and3A_1266, %sub3A_1268, %div3A_1247 : i32
        %mul3A_1270 = arith.constant 200 : i32
        %mul3A_1271 = arith.muli %select_n3A_1269, %mul3A_1270 : i32
        %add3A_1272 = arith.constant 0 : i32
        %add3A_1273 = arith.addi %mul3A_1271, %add3A_1272 : i32
        %dma_start3A_1274 = arith.constant 4 : i32
        %dma_start3A_1275 = arith.constant 4 : i32
        %dma_start3A_1276 = arith.constant 0 : i32
        %dma_start3A_1277 = arith.constant 0 : i32
        %dma_start3A_1278 = tpu.memref_slice %arg7[%dma_start3A_1274, %dma_start3A_1276, %dma_start3A_1277] : memref<8x104x128xf32, #tpu.memory_space<vmem>> -> memref<1x104x128xf32, #tpu.memory_space<vmem>>
        %dma_start3A_1279 = tpu.memref_squeeze %dma_start3A_1278 : memref<1x104x128xf32, #tpu.memory_space<vmem>> -> memref<104x128xf32, #tpu.memory_space<vmem>>
        %dma_start3A_1280 = tpu.memref_slice %arg6[%add3A_1273] : memref<6400xi32, #tpu.memory_space<vmem>> -> memref<104xi32, #tpu.memory_space<vmem>>
        %dma_start3A_1281 = arith.constant 0 : i32
        %dma_start3A_1282 = arith.constant 0 : i32
        %dma_start3A_1283 = tpu.memref_slice %arg11[%dma_start3A_1281, %dma_start3A_1282] : memref<1000x128xf32, #tpu.memory_space<vmem_shared>> -> memref<1000x128xf32, #tpu.memory_space<vmem_shared>>
        %dma_start3A_1284 = tpu.memref_slice %arg9[%dma_start3A_1275] : memref<8x!tpu.dma_semaphore, #tpu.memory_space<semaphore_mem>> -> memref<1x!tpu.dma_semaphore, #tpu.memory_space<semaphore_mem>>
        %dma_start3A_1285 = tpu.memref_squeeze %dma_start3A_1284 : memref<1x!tpu.dma_semaphore, #tpu.memory_space<semaphore_mem>> -> memref<!tpu.dma_semaphore, #tpu.memory_space<semaphore_mem>>
        tpu.enqueue_indirect_dma source(%dma_start3A_1283 : memref<1000x128xf32, #tpu.memory_space<vmem_shared>>) target(%dma_start3A_1279 : memref<104x128xf32, #tpu.memory_space<vmem>>) offsets(%dma_start3A_1280 : memref<104xi32, #tpu.memory_space<vmem>>) semaphore(%dma_start3A_1285 : memref<!tpu.dma_semaphore, #tpu.memory_space<semaphore_mem>>)
      } else {
      }
      %jit3A = arith.constant 2 : i32
      %div3A = arith.divsi %add3A_243, %jit3A : i32
      %sign3A = arith.constant 0 : i32
      %sign3A_248 = arith.cmpi sgt, %add3A_243, %sign3A : i32
      %sign3A_249 = arith.extui %sign3A_248 : i1 to i32
      %sign3A_250 = arith.constant 0 : i32
      %sign3A_251 = arith.cmpi slt, %add3A_243, %sign3A_250 : i32
      %sign3A_252 = arith.extui %sign3A_251 : i1 to i32
      %sign3A_253 = arith.subi %sign3A_249, %sign3A_252 : i32
      %sign3A_254 = arith.constant 0 : i32
      %sign3A_255 = arith.cmpi sgt, %jit3A, %sign3A_254 : i32
      %sign3A_256 = arith.extui %sign3A_255 : i1 to i32
      %sign3A_257 = arith.constant 0 : i32
      %sign3A_258 = arith.cmpi slt, %jit3A, %sign3A_257 : i32
      %sign3A_259 = arith.extui %sign3A_258 : i1 to i32
      %sign3A_260 = arith.subi %sign3A_256, %sign3A_259 : i32
      %ne3A = arith.cmpi ne, %sign3A_253, %sign3A_260 : i32
      %rem3A = arith.remsi %add3A_243, %jit3A : i32
      %ne3A_261 = arith.constant 0 : i32
      %ne3A_262 = arith.cmpi ne, %rem3A, %ne3A_261 : i32
      %and3A = arith.andi %ne3A, %ne3A_262 : i1
      %sub3A = arith.constant 1 : i32
      %sub3A_263 = arith.subi %div3A, %sub3A : i32
      %select_n3A = arith.select %and3A, %sub3A_263, %div3A : i32
      %mul3A_264 = arith.constant 200 : i32
      %mul3A_265 = arith.muli %select_n3A, %mul3A_264 : i32
      %add3A_266 = arith.constant 0 : i32
      %add3A_267 = arith.addi %mul3A_265, %add3A_266 : i32
      %dma_wait3A_268 = arith.constant 0 : i32
      %dma_wait3A_269 = arith.constant 0 : i32
      %dma_wait3A_270 = arith.constant 0 : i32
      %dma_wait3A_271 = arith.constant 0 : i32
      %dma_wait3A_272 = tpu.memref_slice %arg7[%dma_wait3A_268, %dma_wait3A_270, %dma_wait3A_271] : memref<8x104x128xf32, #tpu.memory_space<vmem>> -> memref<1x104x128xf32, #tpu.memory_space<vmem>>
      %dma_wait3A_273 = tpu.memref_squeeze %dma_wait3A_272 : memref<1x104x128xf32, #tpu.memory_space<vmem>> -> memref<104x128xf32, #tpu.memory_space<vmem>>
      %dma_wait3A_274 = tpu.memref_slice %arg6[%add3A_267] : memref<6400xi32, #tpu.memory_space<vmem>> -> memref<104xi32, #tpu.memory_space<vmem>>
      %dma_wait3A_275 = arith.constant 0 : i32
      %dma_wait3A_276 = arith.constant 0 : i32
      %dma_wait3A_277 = tpu.memref_slice %arg11[%dma_wait3A_275, %dma_wait3A_276] : memref<1000x128xf32, #tpu.memory_space<vmem_shared>> -> memref<1000x128xf32, #tpu.memory_space<vmem_shared>>
      %dma_wait3A_278 = tpu.memref_slice %arg9[%dma_wait3A_269] : memref<8x!tpu.dma_semaphore, #tpu.memory_space<semaphore_mem>> -> memref<1x!tpu.dma_semaphore, #tpu.memory_space<semaphore_mem>>
      %dma_wait3A_279 = tpu.memref_squeeze %dma_wait3A_278 : memref<1x!tpu.dma_semaphore, #tpu.memory_space<semaphore_mem>> -> memref<!tpu.dma_semaphore, #tpu.memory_space<semaphore_mem>>
      tpu.wait_indirect_dma semaphore(%dma_wait3A_279 : memref<!tpu.dma_semaphore, #tpu.memory_space<semaphore_mem>>) src(%dma_wait3A_277 : memref<1000x128xf32, #tpu.memory_space<vmem_shared>>) dst(%dma_wait3A_273 : memref<104x128xf32, #tpu.memory_space<vmem>>)
      %jit3A_280 = arith.constant 2 : i32
      %div3A_281 = arith.divsi %add3A_243, %jit3A_280 : i32
      %sign3A_282 = arith.constant 0 : i32
      %sign3A_283 = arith.cmpi sgt, %add3A_243, %sign3A_282 : i32
      %sign3A_284 = arith.extui %sign3A_283 : i1 to i32
      %sign3A_285 = arith.constant 0 : i32
      %sign3A_286 = arith.cmpi slt, %add3A_243, %sign3A_285 : i32
      %sign3A_287 = arith.extui %sign3A_286 : i1 to i32
      %sign3A_288 = arith.subi %sign3A_284, %sign3A_287 : i32
      %sign3A_289 = arith.constant 0 : i32
      %sign3A_290 = arith.cmpi sgt, %jit3A_280, %sign3A_289 : i32
      %sign3A_291 = arith.extui %sign3A_290 : i1 to i32
      %sign3A_292 = arith.constant 0 : i32
      %sign3A_293 = arith.cmpi slt, %jit3A_280, %sign3A_292 : i32
      %sign3A_294 = arith.extui %sign3A_293 : i1 to i32
      %sign3A_295 = arith.subi %sign3A_291, %sign3A_294 : i32
      %ne3A_296 = arith.cmpi ne, %sign3A_288, %sign3A_295 : i32
      %rem3A_297 = arith.remsi %add3A_243, %jit3A_280 : i32
      %ne3A_298 = arith.constant 0 : i32
      %ne3A_299 = arith.cmpi ne, %rem3A_297, %ne3A_298 : i32
      %and3A_300 = arith.andi %ne3A_296, %ne3A_299 : i1
      %sub3A_301 = arith.constant 1 : i32
      %sub3A_302 = arith.subi %div3A_281, %sub3A_301 : i32
      %select_n3A_303 = arith.select %and3A_300, %sub3A_302, %div3A_281 : i32
      %get3A = arith.index_cast %select_n3A_303 : i32 to index
      %get3A_304 = arith.constant 0 : index
      %get3A_305 = tpu.vector_load %arg8[%get3A, %get3A_304] {strides = array<i32>} : memref<32x128xf32, #tpu.memory_space<vmem>>, vector<1x16xf32>,
      %get3A_306 = vector.shape_cast %get3A_305 : vector<1x16xf32> to vector<16xf32>
      %get3A_307 = arith.index_cast %select_n3A_303 : i32 to index
      %get3A_308 = arith.constant 16 : index
      %get3A_309 = tpu.vector_load %arg8[%get3A_307, %get3A_308] {strides = array<i32>} : memref<32x128xf32, #tpu.memory_space<vmem>>, vector<1x16xf32>,
      %get3A_310 = vector.shape_cast %get3A_309 : vector<1x16xf32> to vector<16xf32>
      %get3A_311 = arith.index_cast %select_n3A_303 : i32 to index
      %get3A_312 = arith.constant 32 : index
      %get3A_313 = tpu.vector_load %arg8[%get3A_311, %get3A_312] {strides = array<i32>} : memref<32x128xf32, #tpu.memory_space<vmem>>, vector<1x16xf32>,
      %get3A_314 = vector.shape_cast %get3A_313 : vector<1x16xf32> to vector<16xf32>
      %get3A_315 = arith.index_cast %select_n3A_303 : i32 to index
      %get3A_316 = arith.constant 48 : index
      %get3A_317 = tpu.vector_load %arg8[%get3A_315, %get3A_316] {strides = array<i32>} : memref<32x128xf32, #tpu.memory_space<vmem>>, vector<1x16xf32>,
      %get3A_318 = vector.shape_cast %get3A_317 : vector<1x16xf32> to vector<16xf32>
      %get3A_319 = arith.index_cast %select_n3A_303 : i32 to index
      %get3A_320 = arith.constant 64 : index
      %get3A_321 = tpu.vector_load %arg8[%get3A_319, %get3A_320] {strides = array<i32>} : memref<32x128xf32, #tpu.memory_space<vmem>>, vector<1x16xf32>,
      %get3A_322 = vector.shape_cast %get3A_321 : vector<1x16xf32> to vector<16xf32>
      %get3A_323 = arith.index_cast %select_n3A_303 : i32 to index
      %get3A_324 = arith.constant 80 : index
      %get3A_325 = tpu.vector_load %arg8[%get3A_323, %get3A_324] {strides = array<i32>} : memref<32x128xf32, #tpu.memory_space<vmem>>, vector<1x16xf32>,
      %get3A_326 = vector.shape_cast %get3A_325 : vector<1x16xf32> to vector<16xf32>
      %get3A_327 = arith.index_cast %select_n3A_303 : i32 to index
      %get3A_328 = arith.constant 96 : index
      %get3A_329 = tpu.vector_load %arg8[%get3A_327, %get3A_328] {strides = array<i32>} : memref<32x128xf32, #tpu.memory_space<vmem>>, vector<1x16xf32>,
      %get3A_330 = vector.shape_cast %get3A_329 : vector<1x16xf32> to vector<16xf32>
      %get3A_331 = arith.index_cast %select_n3A_303 : i32 to index
      %get3A_332 = arith.constant 112 : index
      %get3A_333 = tpu.vector_load %arg8[%get3A_331, %get3A_332] {strides = array<i32>} : memref<32x128xf32, #tpu.memory_space<vmem>>, vector<1x16xf32>,
      %get3A_334 = vector.shape_cast %get3A_333 : vector<1x16xf32> to vector<16xf32>
      %scan3A_335 = arith.constant 0 : i32
      %scan3A_336 = arith.constant 104 : i32
      %scan3A_337 = arith.addi %scan3A_335, %scan3A_336 : i32
      %scan3A_338 = arith.constant 1 : i32
      %scan3A_339:8 = scf.for %scan3A_1240 = %scan3A_335 to %scan3A_337 step %scan3A_338 iter_args(%scan3A_1241 = %get3A_306, %scan3A_1242 = %get3A_310, %scan3A_1243 = %get3A_314, %scan3A_1244 = %get3A_318, %scan3A_1245 = %get3A_322, %scan3A_1246 = %get3A_326, %scan3A_1247 = %get3A_330, %scan3A_1248 = %get3A_334) -> (vector<16xf32>, vector<16xf32>, vector<16xf32>, vector<16xf32>, vector<16xf32>, vector<16xf32>, vector<16xf32>, vector<16xf32>)  : i32 {
        %get3A_1249 = arith.constant 0 : i32
        %get3A_1250 = arith.index_cast %get3A_1249 : i32 to index
        %get3A_1251 = arith.index_cast %scan3A_1240 : i32 to index
        %get3A_1252 = arith.constant 0 : index
        %get3A_1253 = tpu.vector_load %arg7[%get3A_1250, %get3A_1251, %get3A_1252] {strides = array<i32>} : memref<8x104x128xf32, #tpu.memory_space<vmem>>, vector<1x1x16xf32>,
        %get3A_1254 = vector.shape_cast %get3A_1253 : vector<1x1x16xf32> to vector<16xf32>
        %mul3A_1255 = arith.constant 0.899999976 : f32
        %mul3A_1256 = vector.broadcast %mul3A_1255 : f32 to vector<16xf32>
        %mul3A_1257 = arith.mulf %mul3A_1256, %scan3A_1241 : vector<16xf32>
        %add3A_1258 = arith.addf %get3A_1254, %mul3A_1257 : vector<16xf32>
        %get3A_1259 = arith.constant 0 : i32
        %get3A_1260 = arith.index_cast %get3A_1259 : i32 to index
        %get3A_1261 = arith.index_cast %scan3A_1240 : i32 to index
        %get3A_1262 = arith.constant 16 : index
        %get3A_1263 = tpu.vector_load %arg7[%get3A_1260, %get3A_1261, %get3A_1262] {strides = array<i32>} : memref<8x104x128xf32, #tpu.memory_space<vmem>>, vector<1x1x16xf32>,
        %get3A_1264 = vector.shape_cast %get3A_1263 : vector<1x1x16xf32> to vector<16xf32>
        %mul3A_1265 = arith.constant 0.899999976 : f32
        %mul3A_1266 = vector.broadcast %mul3A_1265 : f32 to vector<16xf32>
        %mul3A_1267 = arith.mulf %mul3A_1266, %scan3A_1242 : vector<16xf32>
        %add3A_1268 = arith.addf %get3A_1264, %mul3A_1267 : vector<16xf32>
        %get3A_1269 = arith.constant 0 : i32
        %get3A_1270 = arith.index_cast %get3A_1269 : i32 to index
        %get3A_1271 = arith.index_cast %scan3A_1240 : i32 to index
        %get3A_1272 = arith.constant 32 : index
        %get3A_1273 = tpu.vector_load %arg7[%get3A_1270, %get3A_1271, %get3A_1272] {strides = array<i32>} : memref<8x104x128xf32, #tpu.memory_space<vmem>>, vector<1x1x16xf32>,
        %get3A_1274 = vector.shape_cast %get3A_1273 : vector<1x1x16xf32> to vector<16xf32>
        %mul3A_1275 = arith.constant 0.899999976 : f32
        %mul3A_1276 = vector.broadcast %mul3A_1275 : f32 to vector<16xf32>
        %mul3A_1277 = arith.mulf %mul3A_1276, %scan3A_1243 : vector<16xf32>
        %add3A_1278 = arith.addf %get3A_1274, %mul3A_1277 : vector<16xf32>
        %get3A_1279 = arith.constant 0 : i32
        %get3A_1280 = arith.index_cast %get3A_1279 : i32 to index
        %get3A_1281 = arith.index_cast %scan3A_1240 : i32 to index
        %get3A_1282 = arith.constant 48 : index
        %get3A_1283 = tpu.vector_load %arg7[%get3A_1280, %get3A_1281, %get3A_1282] {strides = array<i32>} : memref<8x104x128xf32, #tpu.memory_space<vmem>>, vector<1x1x16xf32>,
        %get3A_1284 = vector.shape_cast %get3A_1283 : vector<1x1x16xf32> to vector<16xf32>
        %mul3A_1285 = arith.constant 0.899999976 : f32
        %mul3A_1286 = vector.broadcast %mul3A_1285 : f32 to vector<16xf32>
        %mul3A_1287 = arith.mulf %mul3A_1286, %scan3A_1244 : vector<16xf32>
        %add3A_1288 = arith.addf %get3A_1284, %mul3A_1287 : vector<16xf32>
        %get3A_1289 = arith.constant 0 : i32
        %get3A_1290 = arith.index_cast %get3A_1289 : i32 to index
        %get3A_1291 = arith.index_cast %scan3A_1240 : i32 to index
        %get3A_1292 = arith.constant 64 : index
        %get3A_1293 = tpu.vector_load %arg7[%get3A_1290, %get3A_1291, %get3A_1292] {strides = array<i32>} : memref<8x104x128xf32, #tpu.memory_space<vmem>>, vector<1x1x16xf32>,
        %get3A_1294 = vector.shape_cast %get3A_1293 : vector<1x1x16xf32> to vector<16xf32>
        %mul3A_1295 = arith.constant 0.899999976 : f32
        %mul3A_1296 = vector.broadcast %mul3A_1295 : f32 to vector<16xf32>
        %mul3A_1297 = arith.mulf %mul3A_1296, %scan3A_1245 : vector<16xf32>
        %add3A_1298 = arith.addf %get3A_1294, %mul3A_1297 : vector<16xf32>
        %get3A_1299 = arith.constant 0 : i32
        %get3A_1300 = arith.index_cast %get3A_1299 : i32 to index
        %get3A_1301 = arith.index_cast %scan3A_1240 : i32 to index
        %get3A_1302 = arith.constant 80 : index
        %get3A_1303 = tpu.vector_load %arg7[%get3A_1300, %get3A_1301, %get3A_1302] {strides = array<i32>} : memref<8x104x128xf32, #tpu.memory_space<vmem>>, vector<1x1x16xf32>,
        %get3A_1304 = vector.shape_cast %get3A_1303 : vector<1x1x16xf32> to vector<16xf32>
        %mul3A_1305 = arith.constant 0.899999976 : f32
        %mul3A_1306 = vector.broadcast %mul3A_1305 : f32 to vector<16xf32>
        %mul3A_1307 = arith.mulf %mul3A_1306, %scan3A_1246 : vector<16xf32>
        %add3A_1308 = arith.addf %get3A_1304, %mul3A_1307 : vector<16xf32>
        %get3A_1309 = arith.constant 0 : i32
        %get3A_1310 = arith.index_cast %get3A_1309 : i32 to index
        %get3A_1311 = arith.index_cast %scan3A_1240 : i32 to index
        %get3A_1312 = arith.constant 96 : index
        %get3A_1313 = tpu.vector_load %arg7[%get3A_1310, %get3A_1311, %get3A_1312] {strides = array<i32>} : memref<8x104x128xf32, #tpu.memory_space<vmem>>, vector<1x1x16xf32>,
        %get3A_1314 = vector.shape_cast %get3A_1313 : vector<1x1x16xf32> to vector<16xf32>
        %mul3A_1315 = arith.constant 0.899999976 : f32
        %mul3A_1316 = vector.broadcast %mul3A_1315 : f32 to vector<16xf32>
        %mul3A_1317 = arith.mulf %mul3A_1316, %scan3A_1247 : vector<16xf32>
        %add3A_1318 = arith.addf %get3A_1314, %mul3A_1317 : vector<16xf32>
        %get3A_1319 = arith.constant 0 : i32
        %get3A_1320 = arith.index_cast %get3A_1319 : i32 to index
        %get3A_1321 = arith.index_cast %scan3A_1240 : i32 to index
        %get3A_1322 = arith.constant 112 : index
        %get3A_1323 = tpu.vector_load %arg7[%get3A_1320, %get3A_1321, %get3A_1322] {strides = array<i32>} : memref<8x104x128xf32, #tpu.memory_space<vmem>>, vector<1x1x16xf32>,
        %get3A_1324 = vector.shape_cast %get3A_1323 : vector<1x1x16xf32> to vector<16xf32>
        %mul3A_1325 = arith.constant 0.899999976 : f32
        %mul3A_1326 = vector.broadcast %mul3A_1325 : f32 to vector<16xf32>
        %mul3A_1327 = arith.mulf %mul3A_1326, %scan3A_1248 : vector<16xf32>
        %add3A_1328 = arith.addf %get3A_1324, %mul3A_1327 : vector<16xf32>
        %swap3A = arith.constant 0 : i32
        %swap3A_1329 = arith.index_cast %swap3A : i32 to index
        %swap3A_1330 = arith.index_cast %scan3A_1240 : i32 to index
        %swap3A_1331 = arith.constant 0 : index
        %swap3A_1332 = tpu.vector_load %arg7[%swap3A_1329, %swap3A_1330, %swap3A_1331] {strides = array<i32>} : memref<8x104x128xf32, #tpu.memory_space<vmem>>, vector<1x1x16xf32>,
        %swap3A_1333 = vector.shape_cast %swap3A_1332 : vector<1x1x16xf32> to vector<16xf32>
        %swap3A_1334 = vector.shape_cast %add3A_1258 : vector<16xf32> to vector<1x1x16xf32>
        tpu.vector_store %arg7[%swap3A_1329, %swap3A_1330, %swap3A_1331], %swap3A_1334 {strides = array<i32>} : memref<8x104x128xf32, #tpu.memory_space<vmem>>, vector<1x1x16xf32>,
        %swap3A_1335 = arith.constant 0 : i32
        %swap3A_1336 = arith.index_cast %swap3A_1335 : i32 to index
        %swap3A_1337 = arith.index_cast %scan3A_1240 : i32 to index
        %swap3A_1338 = arith.constant 16 : index
        %swap3A_1339 = tpu.vector_load %arg7[%swap3A_1336, %swap3A_1337, %swap3A_1338] {strides = array<i32>} : memref<8x104x128xf32, #tpu.memory_space<vmem>>, vector<1x1x16xf32>,
        %swap3A_1340 = vector.shape_cast %swap3A_1339 : vector<1x1x16xf32> to vector<16xf32>
        %swap3A_1341 = vector.shape_cast %add3A_1268 : vector<16xf32> to vector<1x1x16xf32>
        tpu.vector_store %arg7[%swap3A_1336, %swap3A_1337, %swap3A_1338], %swap3A_1341 {strides = array<i32>} : memref<8x104x128xf32, #tpu.memory_space<vmem>>, vector<1x1x16xf32>,
        %swap3A_1342 = arith.constant 0 : i32
        %swap3A_1343 = arith.index_cast %swap3A_1342 : i32 to index
        %swap3A_1344 = arith.index_cast %scan3A_1240 : i32 to index
        %swap3A_1345 = arith.constant 32 : index
        %swap3A_1346 = tpu.vector_load %arg7[%swap3A_1343, %swap3A_1344, %swap3A_1345] {strides = array<i32>} : memref<8x104x128xf32, #tpu.memory_space<vmem>>, vector<1x1x16xf32>,
        %swap3A_1347 = vector.shape_cast %swap3A_1346 : vector<1x1x16xf32> to vector<16xf32>
        %swap3A_1348 = vector.shape_cast %add3A_1278 : vector<16xf32> to vector<1x1x16xf32>
        tpu.vector_store %arg7[%swap3A_1343, %swap3A_1344, %swap3A_1345], %swap3A_1348 {strides = array<i32>} : memref<8x104x128xf32, #tpu.memory_space<vmem>>, vector<1x1x16xf32>,
        %swap3A_1349 = arith.constant 0 : i32
        %swap3A_1350 = arith.index_cast %swap3A_1349 : i32 to index
        %swap3A_1351 = arith.index_cast %scan3A_1240 : i32 to index
        %swap3A_1352 = arith.constant 48 : index
        %swap3A_1353 = tpu.vector_load %arg7[%swap3A_1350, %swap3A_1351, %swap3A_1352] {strides = array<i32>} : memref<8x104x128xf32, #tpu.memory_space<vmem>>, vector<1x1x16xf32>,
        %swap3A_1354 = vector.shape_cast %swap3A_1353 : vector<1x1x16xf32> to vector<16xf32>
        %swap3A_1355 = vector.shape_cast %add3A_1288 : vector<16xf32> to vector<1x1x16xf32>
        tpu.vector_store %arg7[%swap3A_1350, %swap3A_1351, %swap3A_1352], %swap3A_1355 {strides = array<i32>} : memref<8x104x128xf32, #tpu.memory_space<vmem>>, vector<1x1x16xf32>,
        %swap3A_1356 = arith.constant 0 : i32
        %swap3A_1357 = arith.index_cast %swap3A_1356 : i32 to index
        %swap3A_1358 = arith.index_cast %scan3A_1240 : i32 to index
        %swap3A_1359 = arith.constant 64 : index
        %swap3A_1360 = tpu.vector_load %arg7[%swap3A_1357, %swap3A_1358, %swap3A_1359] {strides = array<i32>} : memref<8x104x128xf32, #tpu.memory_space<vmem>>, vector<1x1x16xf32>,
        %swap3A_1361 = vector.shape_cast %swap3A_1360 : vector<1x1x16xf32> to vector<16xf32>
        %swap3A_1362 = vector.shape_cast %add3A_1298 : vector<16xf32> to vector<1x1x16xf32>
        tpu.vector_store %arg7[%swap3A_1357, %swap3A_1358, %swap3A_1359], %swap3A_1362 {strides = array<i32>} : memref<8x104x128xf32, #tpu.memory_space<vmem>>, vector<1x1x16xf32>,
        %swap3A_1363 = arith.constant 0 : i32
        %swap3A_1364 = arith.index_cast %swap3A_1363 : i32 to index
        %swap3A_1365 = arith.index_cast %scan3A_1240 : i32 to index
        %swap3A_1366 = arith.constant 80 : index
        %swap3A_1367 = tpu.vector_load %arg7[%swap3A_1364, %swap3A_1365, %swap3A_1366] {strides = array<i32>} : memref<8x104x128xf32, #tpu.memory_space<vmem>>, vector<1x1x16xf32>,
        %swap3A_1368 = vector.shape_cast %swap3A_1367 : vector<1x1x16xf32> to vector<16xf32>
        %swap3A_1369 = vector.shape_cast %add3A_1308 : vector<16xf32> to vector<1x1x16xf32>
        tpu.vector_store %arg7[%swap3A_1364, %swap3A_1365, %swap3A_1366], %swap3A_1369 {strides = array<i32>} : memref<8x104x128xf32, #tpu.memory_space<vmem>>, vector<1x1x16xf32>,
        %swap3A_1370 = arith.constant 0 : i32
        %swap3A_1371 = arith.index_cast %swap3A_1370 : i32 to index
        %swap3A_1372 = arith.index_cast %scan3A_1240 : i32 to index
        %swap3A_1373 = arith.constant 96 : index
        %swap3A_1374 = tpu.vector_load %arg7[%swap3A_1371, %swap3A_1372, %swap3A_1373] {strides = array<i32>} : memref<8x104x128xf32, #tpu.memory_space<vmem>>, vector<1x1x16xf32>,
        %swap3A_1375 = vector.shape_cast %swap3A_1374 : vector<1x1x16xf32> to vector<16xf32>
        %swap3A_1376 = vector.shape_cast %add3A_1318 : vector<16xf32> to vector<1x1x16xf32>
        tpu.vector_store %arg7[%swap3A_1371, %swap3A_1372, %swap3A_1373], %swap3A_1376 {strides = array<i32>} : memref<8x104x128xf32, #tpu.memory_space<vmem>>, vector<1x1x16xf32>,
        %swap3A_1377 = arith.constant 0 : i32
        %swap3A_1378 = arith.index_cast %swap3A_1377 : i32 to index
        %swap3A_1379 = arith.index_cast %scan3A_1240 : i32 to index
        %swap3A_1380 = arith.constant 112 : index
        %swap3A_1381 = tpu.vector_load %arg7[%swap3A_1378, %swap3A_1379, %swap3A_1380] {strides = array<i32>} : memref<8x104x128xf32, #tpu.memory_space<vmem>>, vector<1x1x16xf32>,
        %swap3A_1382 = vector.shape_cast %swap3A_1381 : vector<1x1x16xf32> to vector<16xf32>
        %swap3A_1383 = vector.shape_cast %add3A_1328 : vector<16xf32> to vector<1x1x16xf32>
        tpu.vector_store %arg7[%swap3A_1378, %swap3A_1379, %swap3A_1380], %swap3A_1383 {strides = array<i32>} : memref<8x104x128xf32, #tpu.memory_space<vmem>>, vector<1x1x16xf32>,
        scf.yield %add3A_1258, %add3A_1268, %add3A_1278, %add3A_1288, %add3A_1298, %add3A_1308, %add3A_1318, %add3A_1328 : vector<16xf32>, vector<16xf32>, vector<16xf32>, vector<16xf32>, vector<16xf32>, vector<16xf32>, vector<16xf32>, vector<16xf32>
      }
      %scan3A_340 = arith.constant 104 : i32
      %jit3A_341 = arith.constant 2 : i32
      %div3A_342 = arith.divsi %add3A_243, %jit3A_341 : i32
      %sign3A_343 = arith.constant 0 : i32
      %sign3A_344 = arith.cmpi sgt, %add3A_243, %sign3A_343 : i32
      %sign3A_345 = arith.extui %sign3A_344 : i1 to i32
      %sign3A_346 = arith.constant 0 : i32
      %sign3A_347 = arith.cmpi slt, %add3A_243, %sign3A_346 : i32
      %sign3A_348 = arith.extui %sign3A_347 : i1 to i32
      %sign3A_349 = arith.subi %sign3A_345, %sign3A_348 : i32
      %sign3A_350 = arith.constant 0 : i32
      %sign3A_351 = arith.cmpi sgt, %jit3A_341, %sign3A_350 : i32
      %sign3A_352 = arith.extui %sign3A_351 : i1 to i32
      %sign3A_353 = arith.constant 0 : i32
      %sign3A_354 = arith.cmpi slt, %jit3A_341, %sign3A_353 : i32
      %sign3A_355 = arith.extui %sign3A_354 : i1 to i32
      %sign3A_356 = arith.subi %sign3A_352, %sign3A_355 : i32
      %ne3A_357 = arith.cmpi ne, %sign3A_349, %sign3A_356 : i32
      %rem3A_358 = arith.remsi %add3A_243, %jit3A_341 : i32
      %ne3A_359 = arith.constant 0 : i32
      %ne3A_360 = arith.cmpi ne, %rem3A_358, %ne3A_359 : i32
      %and3A_361 = arith.andi %ne3A_357, %ne3A_360 : i1
      %sub3A_362 = arith.constant 1 : i32
      %sub3A_363 = arith.subi %div3A_342, %sub3A_362 : i32
      %select_n3A_364 = arith.select %and3A_361, %sub3A_363, %div3A_342 : i32
      %add3A_365 = arith.addi %mul3A_2, %select_n3A_364 : i32
      %mul3A_366 = arith.constant 200 : i32
      %mul3A_367 = arith.muli %add3A_365, %mul3A_366 : i32
      %add3A_368 = arith.constant 0 : i32
      %add3A_369 = arith.addi %mul3A_367, %add3A_368 : i32
      %dma_start3A_370 = arith.constant 0 : i32
      %dma_start3A_371 = arith.constant 0 : i32
      %dma_start3A_372 = arith.constant 0 : i32
      %dma_start3A_373 = arith.constant 0 : i32
      %dma_start3A_374 = tpu.memref_slice %arg7[%dma_start3A_370, %dma_start3A_372, %dma_start3A_373] : memref<8x104x128xf32, #tpu.memory_space<vmem>> -> memref<1x104x128xf32, #tpu.memory_space<vmem>>
      %dma_start3A_375 = tpu.memref_squeeze %dma_start3A_374 : memref<1x104x128xf32, #tpu.memory_space<vmem>> -> memref<104x128xf32, #tpu.memory_space<vmem>>
      %dma_start3A_376 = arith.constant 0 : i32
      %dma_start3A_377 = tpu.memref_slice %arg5[%add3A_369, %dma_start3A_376] : memref<204800x128xf32, #tpu.memory_space<hbm>> -> memref<104x128xf32, #tpu.memory_space<hbm>>
      %dma_start3A_378 = tpu.memref_slice %arg10[%dma_start3A_371] : memref<8x!tpu.dma_semaphore, #tpu.memory_space<semaphore_mem>> -> memref<1x!tpu.dma_semaphore, #tpu.memory_space<semaphore_mem>>
      %dma_start3A_379 = tpu.memref_squeeze %dma_start3A_378 : memref<1x!tpu.dma_semaphore, #tpu.memory_space<semaphore_mem>> -> memref<!tpu.dma_semaphore, #tpu.memory_space<semaphore_mem>>
      %dma_start3A_380 = arith.constant 0 : i32
      %dma_start3A_381 = tpu.memref_slice %arg5[%add3A_369, %dma_start3A_380] : memref<204800x128xf32, #tpu.memory_space<hbm>> -> memref<104x128xf32, #tpu.memory_space<hbm>>
      %dma_start3A_382 = arith.constant 0 : i32
      %dma_start3A_383 = arith.constant 0 : i32
      %dma_start3A_384 = tpu.memref_slice %arg7[%dma_start3A_370, %dma_start3A_382, %dma_start3A_383] : memref<8x104x128xf32, #tpu.memory_space<vmem>> -> memref<1x104x128xf32, #tpu.memory_space<vmem>>
      %dma_start3A_385 = tpu.memref_squeeze %dma_start3A_384 : memref<1x104x128xf32, #tpu.memory_space<vmem>> -> memref<104x128xf32, #tpu.memory_space<vmem>>
      tpu.enqueue_dma source(%dma_start3A_385 : memref<104x128xf32, #tpu.memory_space<vmem>>) target(%dma_start3A_381 : memref<104x128xf32, #tpu.memory_space<hbm>>) target_semaphore(%dma_start3A_379 : memref<!tpu.dma_semaphore, #tpu.memory_space<semaphore_mem>>)
      %add3A_386 = arith.constant 1 : i32
      %add3A_387 = arith.addi %add3A_241, %add3A_386 : i32
      %lt3A_388 = arith.constant 60 : i32
      %lt3A_389 = arith.cmpi slt, %add3A_387, %lt3A_388 : i32
      %convert_element_type3A_390 = arith.extui %lt3A_389 : i1 to i32
      %cond3A_391 = arith.constant 0 : i32
      %cond3A_392 = arith.cmpi ne, %convert_element_type3A_390, %cond3A_391 : i32
      scf.if %cond3A_392 {
        %ge3A = arith.constant 4 : i32
        %ge3A_1240 = arith.cmpi sge, %add3A_387, %ge3A : i32
        %convert_element_type3A_1241 = arith.extui %ge3A_1240 : i1 to i32
        %cond3A_1242 = arith.constant 0 : i32
        %cond3A_1243 = arith.cmpi ne, %convert_element_type3A_1241, %cond3A_1242 : i32
        scf.if %cond3A_1243 {
          %sub3A_1286 = arith.constant 4 : i32
          %sub3A_1287 = arith.subi %add3A_387, %sub3A_1286 : i32
          %jit3A_1288 = arith.constant 2 : i32
          %div3A_1289 = arith.divsi %sub3A_1287, %jit3A_1288 : i32
          %sign3A_1290 = arith.constant 0 : i32
          %sign3A_1291 = arith.cmpi sgt, %sub3A_1287, %sign3A_1290 : i32
          %sign3A_1292 = arith.extui %sign3A_1291 : i1 to i32
          %sign3A_1293 = arith.constant 0 : i32
          %sign3A_1294 = arith.cmpi slt, %sub3A_1287, %sign3A_1293 : i32
          %sign3A_1295 = arith.extui %sign3A_1294 : i1 to i32
          %sign3A_1296 = arith.subi %sign3A_1292, %sign3A_1295 : i32
          %sign3A_1297 = arith.constant 0 : i32
          %sign3A_1298 = arith.cmpi sgt, %jit3A_1288, %sign3A_1297 : i32
          %sign3A_1299 = arith.extui %sign3A_1298 : i1 to i32
          %sign3A_1300 = arith.constant 0 : i32
          %sign3A_1301 = arith.cmpi slt, %jit3A_1288, %sign3A_1300 : i32
          %sign3A_1302 = arith.extui %sign3A_1301 : i1 to i32
          %sign3A_1303 = arith.subi %sign3A_1299, %sign3A_1302 : i32
          %ne3A_1304 = arith.cmpi ne, %sign3A_1296, %sign3A_1303 : i32
          %rem3A_1305 = arith.remsi %sub3A_1287, %jit3A_1288 : i32
          %ne3A_1306 = arith.constant 0 : i32
          %ne3A_1307 = arith.cmpi ne, %rem3A_1305, %ne3A_1306 : i32
          %and3A_1308 = arith.andi %ne3A_1304, %ne3A_1307 : i1
          %sub3A_1309 = arith.constant 1 : i32
          %sub3A_1310 = arith.subi %div3A_1289, %sub3A_1309 : i32
          %select_n3A_1311 = arith.select %and3A_1308, %sub3A_1310, %div3A_1289 : i32
          %add3A_1312 = arith.addi %mul3A_2, %select_n3A_1311 : i32
          %mul3A_1313 = arith.constant 200 : i32
          %mul3A_1314 = arith.muli %add3A_1312, %mul3A_1313 : i32
          %add3A_1315 = arith.constant 104 : i32
          %add3A_1316 = arith.addi %mul3A_1314, %add3A_1315 : i32
          %dma_wait3A_1317 = arith.constant 5 : i32
          %dma_wait3A_1318 = arith.constant 5 : i32
          %dma_wait3A_1319 = arith.constant 0 : i32
          %dma_wait3A_1320 = arith.constant 0 : i32
          %dma_wait3A_1321 = tpu.memref_slice %arg7[%dma_wait3A_1317, %dma_wait3A_1319, %dma_wait3A_1320] : memref<8x104x128xf32, #tpu.memory_space<vmem>> -> memref<1x96x128xf32, #tpu.memory_space<vmem>>
          %dma_wait3A_1322 = tpu.memref_squeeze %dma_wait3A_1321 : memref<1x96x128xf32, #tpu.memory_space<vmem>> -> memref<96x128xf32, #tpu.memory_space<vmem>>
          %dma_wait3A_1323 = arith.constant 0 : i32
          %dma_wait3A_1324 = tpu.memref_slice %arg5[%add3A_1316, %dma_wait3A_1323] : memref<204800x128xf32, #tpu.memory_space<hbm>> -> memref<96x128xf32, #tpu.memory_space<hbm>>
          %dma_wait3A_1325 = tpu.memref_slice %arg10[%dma_wait3A_1318] : memref<8x!tpu.dma_semaphore, #tpu.memory_space<semaphore_mem>> -> memref<1x!tpu.dma_semaphore, #tpu.memory_space<semaphore_mem>>
          %dma_wait3A_1326 = tpu.memref_squeeze %dma_wait3A_1325 : memref<1x!tpu.dma_semaphore, #tpu.memory_space<semaphore_mem>> -> memref<!tpu.dma_semaphore, #tpu.memory_space<semaphore_mem>>
          %dma_wait3A_1327 = arith.constant 0 : i32
          %dma_wait3A_1328 = tpu.memref_slice %arg5[%add3A_1316, %dma_wait3A_1327] : memref<204800x128xf32, #tpu.memory_space<hbm>> -> memref<96x128xf32, #tpu.memory_space<hbm>>
          %dma_wait3A_1329 = arith.constant 0 : i32
          %dma_wait3A_1330 = arith.constant 0 : i32
          %dma_wait3A_1331 = tpu.memref_slice %arg7[%dma_wait3A_1317, %dma_wait3A_1329, %dma_wait3A_1330] : memref<8x104x128xf32, #tpu.memory_space<vmem>> -> memref<1x96x128xf32, #tpu.memory_space<vmem>>
          %dma_wait3A_1332 = tpu.memref_squeeze %dma_wait3A_1331 : memref<1x96x128xf32, #tpu.memory_space<vmem>> -> memref<96x128xf32, #tpu.memory_space<vmem>>
          tpu.wait_dma2 semaphore(%dma_wait3A_1326 : memref<!tpu.dma_semaphore, #tpu.memory_space<semaphore_mem>>) src(%dma_wait3A_1332 : memref<96x128xf32, #tpu.memory_space<vmem>>) dst(%dma_wait3A_1328 : memref<96x128xf32, #tpu.memory_space<hbm>>)
        } else {
        }
        %add3A_1244 = arith.constant 4 : i32
        %add3A_1245 = arith.addi %add3A_387, %add3A_1244 : i32
        %jit3A_1246 = arith.constant 2 : i32
        %div3A_1247 = arith.divsi %add3A_1245, %jit3A_1246 : i32
        %sign3A_1248 = arith.constant 0 : i32
        %sign3A_1249 = arith.cmpi sgt, %add3A_1245, %sign3A_1248 : i32
        %sign3A_1250 = arith.extui %sign3A_1249 : i1 to i32
        %sign3A_1251 = arith.constant 0 : i32
        %sign3A_1252 = arith.cmpi slt, %add3A_1245, %sign3A_1251 : i32
        %sign3A_1253 = arith.extui %sign3A_1252 : i1 to i32
        %sign3A_1254 = arith.subi %sign3A_1250, %sign3A_1253 : i32
        %sign3A_1255 = arith.constant 0 : i32
        %sign3A_1256 = arith.cmpi sgt, %jit3A_1246, %sign3A_1255 : i32
        %sign3A_1257 = arith.extui %sign3A_1256 : i1 to i32
        %sign3A_1258 = arith.constant 0 : i32
        %sign3A_1259 = arith.cmpi slt, %jit3A_1246, %sign3A_1258 : i32
        %sign3A_1260 = arith.extui %sign3A_1259 : i1 to i32
        %sign3A_1261 = arith.subi %sign3A_1257, %sign3A_1260 : i32
        %ne3A_1262 = arith.cmpi ne, %sign3A_1254, %sign3A_1261 : i32
        %rem3A_1263 = arith.remsi %add3A_1245, %jit3A_1246 : i32
        %ne3A_1264 = arith.constant 0 : i32
        %ne3A_1265 = arith.cmpi ne, %rem3A_1263, %ne3A_1264 : i32
        %and3A_1266 = arith.andi %ne3A_1262, %ne3A_1265 : i1
        %sub3A_1267 = arith.constant 1 : i32
        %sub3A_1268 = arith.subi %div3A_1247, %sub3A_1267 : i32
        %select_n3A_1269 = arith.select %and3A_1266, %sub3A_1268, %div3A_1247 : i32
        %mul3A_1270 = arith.constant 200 : i32
        %mul3A_1271 = arith.muli %select_n3A_1269, %mul3A_1270 : i32
        %add3A_1272 = arith.constant 104 : i32
        %add3A_1273 = arith.addi %mul3A_1271, %add3A_1272 : i32
        %dma_start3A_1274 = arith.constant 5 : i32
        %dma_start3A_1275 = arith.constant 5 : i32
        %dma_start3A_1276 = arith.constant 0 : i32
        %dma_start3A_1277 = arith.constant 0 : i32
        %dma_start3A_1278 = tpu.memref_slice %arg7[%dma_start3A_1274, %dma_start3A_1276, %dma_start3A_1277] : memref<8x104x128xf32, #tpu.memory_space<vmem>> -> memref<1x96x128xf32, #tpu.memory_space<vmem>>
        %dma_start3A_1279 = tpu.memref_squeeze %dma_start3A_1278 : memref<1x96x128xf32, #tpu.memory_space<vmem>> -> memref<96x128xf32, #tpu.memory_space<vmem>>
        %dma_start3A_1280 = tpu.memref_slice %arg6[%add3A_1273] : memref<6400xi32, #tpu.memory_space<vmem>> -> memref<96xi32, #tpu.memory_space<vmem>>
        %dma_start3A_1281 = arith.constant 0 : i32
        %dma_start3A_1282 = arith.constant 0 : i32
        %dma_start3A_1283 = tpu.memref_slice %arg11[%dma_start3A_1281, %dma_start3A_1282] : memref<1000x128xf32, #tpu.memory_space<vmem_shared>> -> memref<1000x128xf32, #tpu.memory_space<vmem_shared>>
        %dma_start3A_1284 = tpu.memref_slice %arg9[%dma_start3A_1275] : memref<8x!tpu.dma_semaphore, #tpu.memory_space<semaphore_mem>> -> memref<1x!tpu.dma_semaphore, #tpu.memory_space<semaphore_mem>>
        %dma_start3A_1285 = tpu.memref_squeeze %dma_start3A_1284 : memref<1x!tpu.dma_semaphore, #tpu.memory_space<semaphore_mem>> -> memref<!tpu.dma_semaphore, #tpu.memory_space<semaphore_mem>>
        tpu.enqueue_indirect_dma source(%dma_start3A_1283 : memref<1000x128xf32, #tpu.memory_space<vmem_shared>>) target(%dma_start3A_1279 : memref<96x128xf32, #tpu.memory_space<vmem>>) offsets(%dma_start3A_1280 : memref<96xi32, #tpu.memory_space<vmem>>) semaphore(%dma_start3A_1285 : memref<!tpu.dma_semaphore, #tpu.memory_space<semaphore_mem>>)
      } else {
      }
      %jit3A_393 = arith.constant 2 : i32
      %div3A_394 = arith.divsi %add3A_387, %jit3A_393 : i32
      %sign3A_395 = arith.constant 0 : i32
      %sign3A_396 = arith.cmpi sgt, %add3A_387, %sign3A_395 : i32
      %sign3A_397 = arith.extui %sign3A_396 : i1 to i32
      %sign3A_398 = arith.constant 0 : i32
      %sign3A_399 = arith.cmpi slt, %add3A_387, %sign3A_398 : i32
      %sign3A_400 = arith.extui %sign3A_399 : i1 to i32
      %sign3A_401 = arith.subi %sign3A_397, %sign3A_400 : i32
      %sign3A_402 = arith.constant 0 : i32
      %sign3A_403 = arith.cmpi sgt, %jit3A_393, %sign3A_402 : i32
      %sign3A_404 = arith.extui %sign3A_403 : i1 to i32
      %sign3A_405 = arith.constant 0 : i32
      %sign3A_406 = arith.cmpi slt, %jit3A_393, %sign3A_405 : i32
      %sign3A_407 = arith.extui %sign3A_406 : i1 to i32
      %sign3A_408 = arith.subi %sign3A_404, %sign3A_407 : i32
      %ne3A_409 = arith.cmpi ne, %sign3A_401, %sign3A_408 : i32
      %rem3A_410 = arith.remsi %add3A_387, %jit3A_393 : i32
      %ne3A_411 = arith.constant 0 : i32
      %ne3A_412 = arith.cmpi ne, %rem3A_410, %ne3A_411 : i32
      %and3A_413 = arith.andi %ne3A_409, %ne3A_412 : i1
      %sub3A_414 = arith.constant 1 : i32
      %sub3A_415 = arith.subi %div3A_394, %sub3A_414 : i32
      %select_n3A_416 = arith.select %and3A_413, %sub3A_415, %div3A_394 : i32
      %mul3A_417 = arith.constant 200 : i32
      %mul3A_418 = arith.muli %select_n3A_416, %mul3A_417 : i32
      %add3A_419 = arith.constant 104 : i32
      %add3A_420 = arith.addi %mul3A_418, %add3A_419 : i32
      %dma_wait3A_421 = arith.constant 1 : i32
      %dma_wait3A_422 = arith.constant 1 : i32
      %dma_wait3A_423 = arith.constant 0 : i32
      %dma_wait3A_424 = arith.constant 0 : i32
      %dma_wait3A_425 = tpu.memref_slice %arg7[%dma_wait3A_421, %dma_wait3A_423, %dma_wait3A_424] : memref<8x104x128xf32, #tpu.memory_space<vmem>> -> memref<1x96x128xf32, #tpu.memory_space<vmem>>
      %dma_wait3A_426 = tpu.memref_squeeze %dma_wait3A_425 : memref<1x96x128xf32, #tpu.memory_space<vmem>> -> memref<96x128xf32, #tpu.memory_space<vmem>>
      %dma_wait3A_427 = tpu.memref_slice %arg6[%add3A_420] : memref<6400xi32, #tpu.memory_space<vmem>> -> memref<96xi32, #tpu.memory_space<vmem>>
      %dma_wait3A_428 = arith.constant 0 : i32
      %dma_wait3A_429 = arith.constant 0 : i32
      %dma_wait3A_430 = tpu.memref_slice %arg11[%dma_wait3A_428, %dma_wait3A_429] : memref<1000x128xf32, #tpu.memory_space<vmem_shared>> -> memref<1000x128xf32, #tpu.memory_space<vmem_shared>>
      %dma_wait3A_431 = tpu.memref_slice %arg9[%dma_wait3A_422] : memref<8x!tpu.dma_semaphore, #tpu.memory_space<semaphore_mem>> -> memref<1x!tpu.dma_semaphore, #tpu.memory_space<semaphore_mem>>
      %dma_wait3A_432 = tpu.memref_squeeze %dma_wait3A_431 : memref<1x!tpu.dma_semaphore, #tpu.memory_space<semaphore_mem>> -> memref<!tpu.dma_semaphore, #tpu.memory_space<semaphore_mem>>
      tpu.wait_indirect_dma semaphore(%dma_wait3A_432 : memref<!tpu.dma_semaphore, #tpu.memory_space<semaphore_mem>>) src(%dma_wait3A_430 : memref<1000x128xf32, #tpu.memory_space<vmem_shared>>) dst(%dma_wait3A_426 : memref<96x128xf32, #tpu.memory_space<vmem>>)
      %scan3A_433 = arith.constant 0 : i32
      %scan3A_434 = arith.constant 96 : i32
      %scan3A_435 = arith.addi %scan3A_433, %scan3A_434 : i32
      %scan3A_436 = arith.constant 1 : i32
      %scan3A_437:8 = scf.for %scan3A_1240 = %scan3A_433 to %scan3A_435 step %scan3A_436 iter_args(%scan3A_1241 = %scan3A_339#0, %scan3A_1242 = %scan3A_339#1, %scan3A_1243 = %scan3A_339#2, %scan3A_1244 = %scan3A_339#3, %scan3A_1245 = %scan3A_339#4, %scan3A_1246 = %scan3A_339#5, %scan3A_1247 = %scan3A_339#6, %scan3A_1248 = %scan3A_339#7) -> (vector<16xf32>, vector<16xf32>, vector<16xf32>, vector<16xf32>, vector<16xf32>, vector<16xf32>, vector<16xf32>, vector<16xf32>)  : i32 {
        %get3A_1249 = arith.constant 1 : i32
        %get3A_1250 = arith.index_cast %get3A_1249 : i32 to index
        %get3A_1251 = arith.index_cast %scan3A_1240 : i32 to index
        %get3A_1252 = arith.constant 0 : index
        %get3A_1253 = tpu.vector_load %arg7[%get3A_1250, %get3A_1251, %get3A_1252] {strides = array<i32>} : memref<8x104x128xf32, #tpu.memory_space<vmem>>, vector<1x1x16xf32>,
        %get3A_1254 = vector.shape_cast %get3A_1253 : vector<1x1x16xf32> to vector<16xf32>
        %mul3A_1255 = arith.constant 0.899999976 : f32
        %mul3A_1256 = vector.broadcast %mul3A_1255 : f32 to vector<16xf32>
        %mul3A_1257 = arith.mulf %mul3A_1256, %scan3A_1241 : vector<16xf32>
        %add3A_1258 = arith.addf %get3A_1254, %mul3A_1257 : vector<16xf32>
        %get3A_1259 = arith.constant 1 : i32
        %get3A_1260 = arith.index_cast %get3A_1259 : i32 to index
        %get3A_1261 = arith.index_cast %scan3A_1240 : i32 to index
        %get3A_1262 = arith.constant 16 : index
        %get3A_1263 = tpu.vector_load %arg7[%get3A_1260, %get3A_1261, %get3A_1262] {strides = array<i32>} : memref<8x104x128xf32, #tpu.memory_space<vmem>>, vector<1x1x16xf32>,
        %get3A_1264 = vector.shape_cast %get3A_1263 : vector<1x1x16xf32> to vector<16xf32>
        %mul3A_1265 = arith.constant 0.899999976 : f32
        %mul3A_1266 = vector.broadcast %mul3A_1265 : f32 to vector<16xf32>
        %mul3A_1267 = arith.mulf %mul3A_1266, %scan3A_1242 : vector<16xf32>
        %add3A_1268 = arith.addf %get3A_1264, %mul3A_1267 : vector<16xf32>
        %get3A_1269 = arith.constant 1 : i32
        %get3A_1270 = arith.index_cast %get3A_1269 : i32 to index
        %get3A_1271 = arith.index_cast %scan3A_1240 : i32 to index
        %get3A_1272 = arith.constant 32 : index
        %get3A_1273 = tpu.vector_load %arg7[%get3A_1270, %get3A_1271, %get3A_1272] {strides = array<i32>} : memref<8x104x128xf32, #tpu.memory_space<vmem>>, vector<1x1x16xf32>,
        %get3A_1274 = vector.shape_cast %get3A_1273 : vector<1x1x16xf32> to vector<16xf32>
        %mul3A_1275 = arith.constant 0.899999976 : f32
        %mul3A_1276 = vector.broadcast %mul3A_1275 : f32 to vector<16xf32>
        %mul3A_1277 = arith.mulf %mul3A_1276, %scan3A_1243 : vector<16xf32>
        %add3A_1278 = arith.addf %get3A_1274, %mul3A_1277 : vector<16xf32>
        %get3A_1279 = arith.constant 1 : i32
        %get3A_1280 = arith.index_cast %get3A_1279 : i32 to index
        %get3A_1281 = arith.index_cast %scan3A_1240 : i32 to index
        %get3A_1282 = arith.constant 48 : index
        %get3A_1283 = tpu.vector_load %arg7[%get3A_1280, %get3A_1281, %get3A_1282] {strides = array<i32>} : memref<8x104x128xf32, #tpu.memory_space<vmem>>, vector<1x1x16xf32>,
        %get3A_1284 = vector.shape_cast %get3A_1283 : vector<1x1x16xf32> to vector<16xf32>
        %mul3A_1285 = arith.constant 0.899999976 : f32
        %mul3A_1286 = vector.broadcast %mul3A_1285 : f32 to vector<16xf32>
        %mul3A_1287 = arith.mulf %mul3A_1286, %scan3A_1244 : vector<16xf32>
        %add3A_1288 = arith.addf %get3A_1284, %mul3A_1287 : vector<16xf32>
        %get3A_1289 = arith.constant 1 : i32
        %get3A_1290 = arith.index_cast %get3A_1289 : i32 to index
        %get3A_1291 = arith.index_cast %scan3A_1240 : i32 to index
        %get3A_1292 = arith.constant 64 : index
        %get3A_1293 = tpu.vector_load %arg7[%get3A_1290, %get3A_1291, %get3A_1292] {strides = array<i32>} : memref<8x104x128xf32, #tpu.memory_space<vmem>>, vector<1x1x16xf32>,
        %get3A_1294 = vector.shape_cast %get3A_1293 : vector<1x1x16xf32> to vector<16xf32>
        %mul3A_1295 = arith.constant 0.899999976 : f32
        %mul3A_1296 = vector.broadcast %mul3A_1295 : f32 to vector<16xf32>
        %mul3A_1297 = arith.mulf %mul3A_1296, %scan3A_1245 : vector<16xf32>
        %add3A_1298 = arith.addf %get3A_1294, %mul3A_1297 : vector<16xf32>
        %get3A_1299 = arith.constant 1 : i32
        %get3A_1300 = arith.index_cast %get3A_1299 : i32 to index
        %get3A_1301 = arith.index_cast %scan3A_1240 : i32 to index
        %get3A_1302 = arith.constant 80 : index
        %get3A_1303 = tpu.vector_load %arg7[%get3A_1300, %get3A_1301, %get3A_1302] {strides = array<i32>} : memref<8x104x128xf32, #tpu.memory_space<vmem>>, vector<1x1x16xf32>,
        %get3A_1304 = vector.shape_cast %get3A_1303 : vector<1x1x16xf32> to vector<16xf32>
        %mul3A_1305 = arith.constant 0.899999976 : f32
        %mul3A_1306 = vector.broadcast %mul3A_1305 : f32 to vector<16xf32>
        %mul3A_1307 = arith.mulf %mul3A_1306, %scan3A_1246 : vector<16xf32>
        %add3A_1308 = arith.addf %get3A_1304, %mul3A_1307 : vector<16xf32>
        %get3A_1309 = arith.constant 1 : i32
        %get3A_1310 = arith.index_cast %get3A_1309 : i32 to index
        %get3A_1311 = arith.index_cast %scan3A_1240 : i32 to index
        %get3A_1312 = arith.constant 96 : index
        %get3A_1313 = tpu.vector_load %arg7[%get3A_1310, %get3A_1311, %get3A_1312] {strides = array<i32>} : memref<8x104x128xf32, #tpu.memory_space<vmem>>, vector<1x1x16xf32>,
        %get3A_1314 = vector.shape_cast %get3A_1313 : vector<1x1x16xf32> to vector<16xf32>
        %mul3A_1315 = arith.constant 0.899999976 : f32
        %mul3A_1316 = vector.broadcast %mul3A_1315 : f32 to vector<16xf32>
        %mul3A_1317 = arith.mulf %mul3A_1316, %scan3A_1247 : vector<16xf32>
        %add3A_1318 = arith.addf %get3A_1314, %mul3A_1317 : vector<16xf32>
        %get3A_1319 = arith.constant 1 : i32
        %get3A_1320 = arith.index_cast %get3A_1319 : i32 to index
        %get3A_1321 = arith.index_cast %scan3A_1240 : i32 to index
        %get3A_1322 = arith.constant 112 : index
        %get3A_1323 = tpu.vector_load %arg7[%get3A_1320, %get3A_1321, %get3A_1322] {strides = array<i32>} : memref<8x104x128xf32, #tpu.memory_space<vmem>>, vector<1x1x16xf32>,
        %get3A_1324 = vector.shape_cast %get3A_1323 : vector<1x1x16xf32> to vector<16xf32>
        %mul3A_1325 = arith.constant 0.899999976 : f32
        %mul3A_1326 = vector.broadcast %mul3A_1325 : f32 to vector<16xf32>
        %mul3A_1327 = arith.mulf %mul3A_1326, %scan3A_1248 : vector<16xf32>
        %add3A_1328 = arith.addf %get3A_1324, %mul3A_1327 : vector<16xf32>
        %swap3A = arith.constant 1 : i32
        %swap3A_1329 = arith.index_cast %swap3A : i32 to index
        %swap3A_1330 = arith.index_cast %scan3A_1240 : i32 to index
        %swap3A_1331 = arith.constant 0 : index
        %swap3A_1332 = tpu.vector_load %arg7[%swap3A_1329, %swap3A_1330, %swap3A_1331] {strides = array<i32>} : memref<8x104x128xf32, #tpu.memory_space<vmem>>, vector<1x1x16xf32>,
        %swap3A_1333 = vector.shape_cast %swap3A_1332 : vector<1x1x16xf32> to vector<16xf32>
        %swap3A_1334 = vector.shape_cast %add3A_1258 : vector<16xf32> to vector<1x1x16xf32>
        tpu.vector_store %arg7[%swap3A_1329, %swap3A_1330, %swap3A_1331], %swap3A_1334 {strides = array<i32>} : memref<8x104x128xf32, #tpu.memory_space<vmem>>, vector<1x1x16xf32>,
        %swap3A_1335 = arith.constant 1 : i32
        %swap3A_1336 = arith.index_cast %swap3A_1335 : i32 to index
        %swap3A_1337 = arith.index_cast %scan3A_1240 : i32 to index
        %swap3A_1338 = arith.constant 16 : index
        %swap3A_1339 = tpu.vector_load %arg7[%swap3A_1336, %swap3A_1337, %swap3A_1338] {strides = array<i32>} : memref<8x104x128xf32, #tpu.memory_space<vmem>>, vector<1x1x16xf32>,
        %swap3A_1340 = vector.shape_cast %swap3A_1339 : vector<1x1x16xf32> to vector<16xf32>
        %swap3A_1341 = vector.shape_cast %add3A_1268 : vector<16xf32> to vector<1x1x16xf32>
        tpu.vector_store %arg7[%swap3A_1336, %swap3A_1337, %swap3A_1338], %swap3A_1341 {strides = array<i32>} : memref<8x104x128xf32, #tpu.memory_space<vmem>>, vector<1x1x16xf32>,
        %swap3A_1342 = arith.constant 1 : i32
        %swap3A_1343 = arith.index_cast %swap3A_1342 : i32 to index
        %swap3A_1344 = arith.index_cast %scan3A_1240 : i32 to index
        %swap3A_1345 = arith.constant 32 : index
        %swap3A_1346 = tpu.vector_load %arg7[%swap3A_1343, %swap3A_1344, %swap3A_1345] {strides = array<i32>} : memref<8x104x128xf32, #tpu.memory_space<vmem>>, vector<1x1x16xf32>,
        %swap3A_1347 = vector.shape_cast %swap3A_1346 : vector<1x1x16xf32> to vector<16xf32>
        %swap3A_1348 = vector.shape_cast %add3A_1278 : vector<16xf32> to vector<1x1x16xf32>
        tpu.vector_store %arg7[%swap3A_1343, %swap3A_1344, %swap3A_1345], %swap3A_1348 {strides = array<i32>} : memref<8x104x128xf32, #tpu.memory_space<vmem>>, vector<1x1x16xf32>,
        %swap3A_1349 = arith.constant 1 : i32
        %swap3A_1350 = arith.index_cast %swap3A_1349 : i32 to index
        %swap3A_1351 = arith.index_cast %scan3A_1240 : i32 to index
        %swap3A_1352 = arith.constant 48 : index
        %swap3A_1353 = tpu.vector_load %arg7[%swap3A_1350, %swap3A_1351, %swap3A_1352] {strides = array<i32>} : memref<8x104x128xf32, #tpu.memory_space<vmem>>, vector<1x1x16xf32>,
        %swap3A_1354 = vector.shape_cast %swap3A_1353 : vector<1x1x16xf32> to vector<16xf32>
        %swap3A_1355 = vector.shape_cast %add3A_1288 : vector<16xf32> to vector<1x1x16xf32>
        tpu.vector_store %arg7[%swap3A_1350, %swap3A_1351, %swap3A_1352], %swap3A_1355 {strides = array<i32>} : memref<8x104x128xf32, #tpu.memory_space<vmem>>, vector<1x1x16xf32>,
        %swap3A_1356 = arith.constant 1 : i32
        %swap3A_1357 = arith.index_cast %swap3A_1356 : i32 to index
        %swap3A_1358 = arith.index_cast %scan3A_1240 : i32 to index
        %swap3A_1359 = arith.constant 64 : index
        %swap3A_1360 = tpu.vector_load %arg7[%swap3A_1357, %swap3A_1358, %swap3A_1359] {strides = array<i32>} : memref<8x104x128xf32, #tpu.memory_space<vmem>>, vector<1x1x16xf32>,
        %swap3A_1361 = vector.shape_cast %swap3A_1360 : vector<1x1x16xf32> to vector<16xf32>
        %swap3A_1362 = vector.shape_cast %add3A_1298 : vector<16xf32> to vector<1x1x16xf32>
        tpu.vector_store %arg7[%swap3A_1357, %swap3A_1358, %swap3A_1359], %swap3A_1362 {strides = array<i32>} : memref<8x104x128xf32, #tpu.memory_space<vmem>>, vector<1x1x16xf32>,
        %swap3A_1363 = arith.constant 1 : i32
        %swap3A_1364 = arith.index_cast %swap3A_1363 : i32 to index
        %swap3A_1365 = arith.index_cast %scan3A_1240 : i32 to index
        %swap3A_1366 = arith.constant 80 : index
        %swap3A_1367 = tpu.vector_load %arg7[%swap3A_1364, %swap3A_1365, %swap3A_1366] {strides = array<i32>} : memref<8x104x128xf32, #tpu.memory_space<vmem>>, vector<1x1x16xf32>,
        %swap3A_1368 = vector.shape_cast %swap3A_1367 : vector<1x1x16xf32> to vector<16xf32>
        %swap3A_1369 = vector.shape_cast %add3A_1308 : vector<16xf32> to vector<1x1x16xf32>
        tpu.vector_store %arg7[%swap3A_1364, %swap3A_1365, %swap3A_1366], %swap3A_1369 {strides = array<i32>} : memref<8x104x128xf32, #tpu.memory_space<vmem>>, vector<1x1x16xf32>,
        %swap3A_1370 = arith.constant 1 : i32
        %swap3A_1371 = arith.index_cast %swap3A_1370 : i32 to index
        %swap3A_1372 = arith.index_cast %scan3A_1240 : i32 to index
        %swap3A_1373 = arith.constant 96 : index
        %swap3A_1374 = tpu.vector_load %arg7[%swap3A_1371, %swap3A_1372, %swap3A_1373] {strides = array<i32>} : memref<8x104x128xf32, #tpu.memory_space<vmem>>, vector<1x1x16xf32>,
        %swap3A_1375 = vector.shape_cast %swap3A_1374 : vector<1x1x16xf32> to vector<16xf32>
        %swap3A_1376 = vector.shape_cast %add3A_1318 : vector<16xf32> to vector<1x1x16xf32>
        tpu.vector_store %arg7[%swap3A_1371, %swap3A_1372, %swap3A_1373], %swap3A_1376 {strides = array<i32>} : memref<8x104x128xf32, #tpu.memory_space<vmem>>, vector<1x1x16xf32>,
        %swap3A_1377 = arith.constant 1 : i32
        %swap3A_1378 = arith.index_cast %swap3A_1377 : i32 to index
        %swap3A_1379 = arith.index_cast %scan3A_1240 : i32 to index
        %swap3A_1380 = arith.constant 112 : index
        %swap3A_1381 = tpu.vector_load %arg7[%swap3A_1378, %swap3A_1379, %swap3A_1380] {strides = array<i32>} : memref<8x104x128xf32, #tpu.memory_space<vmem>>, vector<1x1x16xf32>,
        %swap3A_1382 = vector.shape_cast %swap3A_1381 : vector<1x1x16xf32> to vector<16xf32>
        %swap3A_1383 = vector.shape_cast %add3A_1328 : vector<16xf32> to vector<1x1x16xf32>
        tpu.vector_store %arg7[%swap3A_1378, %swap3A_1379, %swap3A_1380], %swap3A_1383 {strides = array<i32>} : memref<8x104x128xf32, #tpu.memory_space<vmem>>, vector<1x1x16xf32>,
        scf.yield %add3A_1258, %add3A_1268, %add3A_1278, %add3A_1288, %add3A_1298, %add3A_1308, %add3A_1318, %add3A_1328 : vector<16xf32>, vector<16xf32>, vector<16xf32>, vector<16xf32>, vector<16xf32>, vector<16xf32>, vector<16xf32>, vector<16xf32>
      }
      %scan3A_438 = arith.constant 96 : i32
      %jit3A_439 = arith.constant 2 : i32
      %div3A_440 = arith.divsi %add3A_387, %jit3A_439 : i32
      %sign3A_441 = arith.constant 0 : i32
      %sign3A_442 = arith.cmpi sgt, %add3A_387, %sign3A_441 : i32
      %sign3A_443 = arith.extui %sign3A_442 : i1 to i32
      %sign3A_444 = arith.constant 0 : i32
      %sign3A_445 = arith.cmpi slt, %add3A_387, %sign3A_444 : i32
      %sign3A_446 = arith.extui %sign3A_445 : i1 to i32
      %sign3A_447 = arith.subi %sign3A_443, %sign3A_446 : i32
      %sign3A_448 = arith.constant 0 : i32
      %sign3A_449 = arith.cmpi sgt, %jit3A_439, %sign3A_448 : i32
      %sign3A_450 = arith.extui %sign3A_449 : i1 to i32
      %sign3A_451 = arith.constant 0 : i32
      %sign3A_452 = arith.cmpi slt, %jit3A_439, %sign3A_451 : i32
      %sign3A_453 = arith.extui %sign3A_452 : i1 to i32
      %sign3A_454 = arith.subi %sign3A_450, %sign3A_453 : i32
      %ne3A_455 = arith.cmpi ne, %sign3A_447, %sign3A_454 : i32
      %rem3A_456 = arith.remsi %add3A_387, %jit3A_439 : i32
      %ne3A_457 = arith.constant 0 : i32
      %ne3A_458 = arith.cmpi ne, %rem3A_456, %ne3A_457 : i32
      %and3A_459 = arith.andi %ne3A_455, %ne3A_458 : i1
      %sub3A_460 = arith.constant 1 : i32
      %sub3A_461 = arith.subi %div3A_440, %sub3A_460 : i32
      %select_n3A_462 = arith.select %and3A_459, %sub3A_461, %div3A_440 : i32
      %add3A_463 = arith.addi %mul3A_2, %select_n3A_462 : i32
      %mul3A_464 = arith.constant 200 : i32
      %mul3A_465 = arith.muli %add3A_463, %mul3A_464 : i32
      %add3A_466 = arith.constant 104 : i32
      %add3A_467 = arith.addi %mul3A_465, %add3A_466 : i32
      %dma_start3A_468 = arith.constant 1 : i32
      %dma_start3A_469 = arith.constant 1 : i32
      %dma_start3A_470 = arith.constant 0 : i32
      %dma_start3A_471 = arith.constant 0 : i32
      %dma_start3A_472 = tpu.memref_slice %arg7[%dma_start3A_468, %dma_start3A_470, %dma_start3A_471] : memref<8x104x128xf32, #tpu.memory_space<vmem>> -> memref<1x96x128xf32, #tpu.memory_space<vmem>>
      %dma_start3A_473 = tpu.memref_squeeze %dma_start3A_472 : memref<1x96x128xf32, #tpu.memory_space<vmem>> -> memref<96x128xf32, #tpu.memory_space<vmem>>
      %dma_start3A_474 = arith.constant 0 : i32
      %dma_start3A_475 = tpu.memref_slice %arg5[%add3A_467, %dma_start3A_474] : memref<204800x128xf32, #tpu.memory_space<hbm>> -> memref<96x128xf32, #tpu.memory_space<hbm>>
      %dma_start3A_476 = tpu.memref_slice %arg10[%dma_start3A_469] : memref<8x!tpu.dma_semaphore, #tpu.memory_space<semaphore_mem>> -> memref<1x!tpu.dma_semaphore, #tpu.memory_space<semaphore_mem>>
      %dma_start3A_477 = tpu.memref_squeeze %dma_start3A_476 : memref<1x!tpu.dma_semaphore, #tpu.memory_space<semaphore_mem>> -> memref<!tpu.dma_semaphore, #tpu.memory_space<semaphore_mem>>
      %dma_start3A_478 = arith.constant 0 : i32
      %dma_start3A_479 = tpu.memref_slice %arg5[%add3A_467, %dma_start3A_478] : memref<204800x128xf32, #tpu.memory_space<hbm>> -> memref<96x128xf32, #tpu.memory_space<hbm>>
      %dma_start3A_480 = arith.constant 0 : i32
      %dma_start3A_481 = arith.constant 0 : i32
      %dma_start3A_482 = tpu.memref_slice %arg7[%dma_start3A_468, %dma_start3A_480, %dma_start3A_481] : memref<8x104x128xf32, #tpu.memory_space<vmem>> -> memref<1x96x128xf32, #tpu.memory_space<vmem>>
      %dma_start3A_483 = tpu.memref_squeeze %dma_start3A_482 : memref<1x96x128xf32, #tpu.memory_space<vmem>> -> memref<96x128xf32, #tpu.memory_space<vmem>>
      tpu.enqueue_dma source(%dma_start3A_483 : memref<96x128xf32, #tpu.memory_space<vmem>>) target(%dma_start3A_479 : memref<96x128xf32, #tpu.memory_space<hbm>>) target_semaphore(%dma_start3A_477 : memref<!tpu.dma_semaphore, #tpu.memory_space<semaphore_mem>>)
      %add3A_484 = arith.constant 2 : i32
      %add3A_485 = arith.addi %add3A_241, %add3A_484 : i32
      %lt3A_486 = arith.constant 60 : i32
      %lt3A_487 = arith.cmpi slt, %add3A_485, %lt3A_486 : i32
      %convert_element_type3A_488 = arith.extui %lt3A_487 : i1 to i32
      %cond3A_489 = arith.constant 0 : i32
      %cond3A_490 = arith.cmpi ne, %convert_element_type3A_488, %cond3A_489 : i32
      scf.if %cond3A_490 {
        %ge3A = arith.constant 4 : i32
        %ge3A_1240 = arith.cmpi sge, %add3A_485, %ge3A : i32
        %convert_element_type3A_1241 = arith.extui %ge3A_1240 : i1 to i32
        %cond3A_1242 = arith.constant 0 : i32
        %cond3A_1243 = arith.cmpi ne, %convert_element_type3A_1241, %cond3A_1242 : i32
        scf.if %cond3A_1243 {
          %sub3A_1286 = arith.constant 4 : i32
          %sub3A_1287 = arith.subi %add3A_485, %sub3A_1286 : i32
          %jit3A_1288 = arith.constant 2 : i32
          %div3A_1289 = arith.divsi %sub3A_1287, %jit3A_1288 : i32
          %sign3A_1290 = arith.constant 0 : i32
          %sign3A_1291 = arith.cmpi sgt, %sub3A_1287, %sign3A_1290 : i32
          %sign3A_1292 = arith.extui %sign3A_1291 : i1 to i32
          %sign3A_1293 = arith.constant 0 : i32
          %sign3A_1294 = arith.cmpi slt, %sub3A_1287, %sign3A_1293 : i32
          %sign3A_1295 = arith.extui %sign3A_1294 : i1 to i32
          %sign3A_1296 = arith.subi %sign3A_1292, %sign3A_1295 : i32
          %sign3A_1297 = arith.constant 0 : i32
          %sign3A_1298 = arith.cmpi sgt, %jit3A_1288, %sign3A_1297 : i32
          %sign3A_1299 = arith.extui %sign3A_1298 : i1 to i32
          %sign3A_1300 = arith.constant 0 : i32
          %sign3A_1301 = arith.cmpi slt, %jit3A_1288, %sign3A_1300 : i32
          %sign3A_1302 = arith.extui %sign3A_1301 : i1 to i32
          %sign3A_1303 = arith.subi %sign3A_1299, %sign3A_1302 : i32
          %ne3A_1304 = arith.cmpi ne, %sign3A_1296, %sign3A_1303 : i32
          %rem3A_1305 = arith.remsi %sub3A_1287, %jit3A_1288 : i32
          %ne3A_1306 = arith.constant 0 : i32
          %ne3A_1307 = arith.cmpi ne, %rem3A_1305, %ne3A_1306 : i32
          %and3A_1308 = arith.andi %ne3A_1304, %ne3A_1307 : i1
          %sub3A_1309 = arith.constant 1 : i32
          %sub3A_1310 = arith.subi %div3A_1289, %sub3A_1309 : i32
          %select_n3A_1311 = arith.select %and3A_1308, %sub3A_1310, %div3A_1289 : i32
          %add3A_1312 = arith.addi %mul3A_2, %select_n3A_1311 : i32
          %mul3A_1313 = arith.constant 200 : i32
          %mul3A_1314 = arith.muli %add3A_1312, %mul3A_1313 : i32
          %add3A_1315 = arith.constant 0 : i32
          %add3A_1316 = arith.addi %mul3A_1314, %add3A_1315 : i32
          %dma_wait3A_1317 = arith.constant 6 : i32
          %dma_wait3A_1318 = arith.constant 6 : i32
          %dma_wait3A_1319 = arith.constant 0 : i32
          %dma_wait3A_1320 = arith.constant 0 : i32
          %dma_wait3A_1321 = tpu.memref_slice %arg7[%dma_wait3A_1317, %dma_wait3A_1319, %dma_wait3A_1320] : memref<8x104x128xf32, #tpu.memory_space<vmem>> -> memref<1x104x128xf32, #tpu.memory_space<vmem>>
          %dma_wait3A_1322 = tpu.memref_squeeze %dma_wait3A_1321 : memref<1x104x128xf32, #tpu.memory_space<vmem>> -> memref<104x128xf32, #tpu.memory_space<vmem>>
          %dma_wait3A_1323 = arith.constant 0 : i32
          %dma_wait3A_1324 = tpu.memref_slice %arg5[%add3A_1316, %dma_wait3A_1323] : memref<204800x128xf32, #tpu.memory_space<hbm>> -> memref<104x128xf32, #tpu.memory_space<hbm>>
          %dma_wait3A_1325 = tpu.memref_slice %arg10[%dma_wait3A_1318] : memref<8x!tpu.dma_semaphore, #tpu.memory_space<semaphore_mem>> -> memref<1x!tpu.dma_semaphore, #tpu.memory_space<semaphore_mem>>
          %dma_wait3A_1326 = tpu.memref_squeeze %dma_wait3A_1325 : memref<1x!tpu.dma_semaphore, #tpu.memory_space<semaphore_mem>> -> memref<!tpu.dma_semaphore, #tpu.memory_space<semaphore_mem>>
          %dma_wait3A_1327 = arith.constant 0 : i32
          %dma_wait3A_1328 = tpu.memref_slice %arg5[%add3A_1316, %dma_wait3A_1327] : memref<204800x128xf32, #tpu.memory_space<hbm>> -> memref<104x128xf32, #tpu.memory_space<hbm>>
          %dma_wait3A_1329 = arith.constant 0 : i32
          %dma_wait3A_1330 = arith.constant 0 : i32
          %dma_wait3A_1331 = tpu.memref_slice %arg7[%dma_wait3A_1317, %dma_wait3A_1329, %dma_wait3A_1330] : memref<8x104x128xf32, #tpu.memory_space<vmem>> -> memref<1x104x128xf32, #tpu.memory_space<vmem>>
          %dma_wait3A_1332 = tpu.memref_squeeze %dma_wait3A_1331 : memref<1x104x128xf32, #tpu.memory_space<vmem>> -> memref<104x128xf32, #tpu.memory_space<vmem>>
          tpu.wait_dma2 semaphore(%dma_wait3A_1326 : memref<!tpu.dma_semaphore, #tpu.memory_space<semaphore_mem>>) src(%dma_wait3A_1332 : memref<104x128xf32, #tpu.memory_space<vmem>>) dst(%dma_wait3A_1328 : memref<104x128xf32, #tpu.memory_space<hbm>>)
        } else {
        }
        %add3A_1244 = arith.constant 4 : i32
        %add3A_1245 = arith.addi %add3A_485, %add3A_1244 : i32
        %jit3A_1246 = arith.constant 2 : i32
        %div3A_1247 = arith.divsi %add3A_1245, %jit3A_1246 : i32
        %sign3A_1248 = arith.constant 0 : i32
        %sign3A_1249 = arith.cmpi sgt, %add3A_1245, %sign3A_1248 : i32
        %sign3A_1250 = arith.extui %sign3A_1249 : i1 to i32
        %sign3A_1251 = arith.constant 0 : i32
        %sign3A_1252 = arith.cmpi slt, %add3A_1245, %sign3A_1251 : i32
        %sign3A_1253 = arith.extui %sign3A_1252 : i1 to i32
        %sign3A_1254 = arith.subi %sign3A_1250, %sign3A_1253 : i32
        %sign3A_1255 = arith.constant 0 : i32
        %sign3A_1256 = arith.cmpi sgt, %jit3A_1246, %sign3A_1255 : i32
        %sign3A_1257 = arith.extui %sign3A_1256 : i1 to i32
        %sign3A_1258 = arith.constant 0 : i32
        %sign3A_1259 = arith.cmpi slt, %jit3A_1246, %sign3A_1258 : i32
        %sign3A_1260 = arith.extui %sign3A_1259 : i1 to i32
        %sign3A_1261 = arith.subi %sign3A_1257, %sign3A_1260 : i32
        %ne3A_1262 = arith.cmpi ne, %sign3A_1254, %sign3A_1261 : i32
        %rem3A_1263 = arith.remsi %add3A_1245, %jit3A_1246 : i32
        %ne3A_1264 = arith.constant 0 : i32
        %ne3A_1265 = arith.cmpi ne, %rem3A_1263, %ne3A_1264 : i32
        %and3A_1266 = arith.andi %ne3A_1262, %ne3A_1265 : i1
        %sub3A_1267 = arith.constant 1 : i32
        %sub3A_1268 = arith.subi %div3A_1247, %sub3A_1267 : i32
        %select_n3A_1269 = arith.select %and3A_1266, %sub3A_1268, %div3A_1247 : i32
        %mul3A_1270 = arith.constant 200 : i32
        %mul3A_1271 = arith.muli %select_n3A_1269, %mul3A_1270 : i32
        %add3A_1272 = arith.constant 0 : i32
        %add3A_1273 = arith.addi %mul3A_1271, %add3A_1272 : i32
        %dma_start3A_1274 = arith.constant 6 : i32
        %dma_start3A_1275 = arith.constant 6 : i32
        %dma_start3A_1276 = arith.constant 0 : i32
        %dma_start3A_1277 = arith.constant 0 : i32
        %dma_start3A_1278 = tpu.memref_slice %arg7[%dma_start3A_1274, %dma_start3A_1276, %dma_start3A_1277] : memref<8x104x128xf32, #tpu.memory_space<vmem>> -> memref<1x104x128xf32, #tpu.memory_space<vmem>>
        %dma_start3A_1279 = tpu.memref_squeeze %dma_start3A_1278 : memref<1x104x128xf32, #tpu.memory_space<vmem>> -> memref<104x128xf32, #tpu.memory_space<vmem>>
        %dma_start3A_1280 = tpu.memref_slice %arg6[%add3A_1273] : memref<6400xi32, #tpu.memory_space<vmem>> -> memref<104xi32, #tpu.memory_space<vmem>>
        %dma_start3A_1281 = arith.constant 0 : i32
        %dma_start3A_1282 = arith.constant 0 : i32
        %dma_start3A_1283 = tpu.memref_slice %arg11[%dma_start3A_1281, %dma_start3A_1282] : memref<1000x128xf32, #tpu.memory_space<vmem_shared>> -> memref<1000x128xf32, #tpu.memory_space<vmem_shared>>
        %dma_start3A_1284 = tpu.memref_slice %arg9[%dma_start3A_1275] : memref<8x!tpu.dma_semaphore, #tpu.memory_space<semaphore_mem>> -> memref<1x!tpu.dma_semaphore, #tpu.memory_space<semaphore_mem>>
        %dma_start3A_1285 = tpu.memref_squeeze %dma_start3A_1284 : memref<1x!tpu.dma_semaphore, #tpu.memory_space<semaphore_mem>> -> memref<!tpu.dma_semaphore, #tpu.memory_space<semaphore_mem>>
        tpu.enqueue_indirect_dma source(%dma_start3A_1283 : memref<1000x128xf32, #tpu.memory_space<vmem_shared>>) target(%dma_start3A_1279 : memref<104x128xf32, #tpu.memory_space<vmem>>) offsets(%dma_start3A_1280 : memref<104xi32, #tpu.memory_space<vmem>>) semaphore(%dma_start3A_1285 : memref<!tpu.dma_semaphore, #tpu.memory_space<semaphore_mem>>)
      } else {
      }
      %jit3A_491 = arith.constant 2 : i32
      %div3A_492 = arith.divsi %add3A_485, %jit3A_491 : i32
      %sign3A_493 = arith.constant 0 : i32
      %sign3A_494 = arith.cmpi sgt, %add3A_485, %sign3A_493 : i32
      %sign3A_495 = arith.extui %sign3A_494 : i1 to i32
      %sign3A_496 = arith.constant 0 : i32
      %sign3A_497 = arith.cmpi slt, %add3A_485, %sign3A_496 : i32
      %sign3A_498 = arith.extui %sign3A_497 : i1 to i32
      %sign3A_499 = arith.subi %sign3A_495, %sign3A_498 : i32
      %sign3A_500 = arith.constant 0 : i32
      %sign3A_501 = arith.cmpi sgt, %jit3A_491, %sign3A_500 : i32
      %sign3A_502 = arith.extui %sign3A_501 : i1 to i32
      %sign3A_503 = arith.constant 0 : i32
      %sign3A_504 = arith.cmpi slt, %jit3A_491, %sign3A_503 : i32
      %sign3A_505 = arith.extui %sign3A_504 : i1 to i32
      %sign3A_506 = arith.subi %sign3A_502, %sign3A_505 : i32
      %ne3A_507 = arith.cmpi ne, %sign3A_499, %sign3A_506 : i32
      %rem3A_508 = arith.remsi %add3A_485, %jit3A_491 : i32
      %ne3A_509 = arith.constant 0 : i32
      %ne3A_510 = arith.cmpi ne, %rem3A_508, %ne3A_509 : i32
      %and3A_511 = arith.andi %ne3A_507, %ne3A_510 : i1
      %sub3A_512 = arith.constant 1 : i32
      %sub3A_513 = arith.subi %div3A_492, %sub3A_512 : i32
      %select_n3A_514 = arith.select %and3A_511, %sub3A_513, %div3A_492 : i32
      %mul3A_515 = arith.constant 200 : i32
      %mul3A_516 = arith.muli %select_n3A_514, %mul3A_515 : i32
      %add3A_517 = arith.constant 0 : i32
      %add3A_518 = arith.addi %mul3A_516, %add3A_517 : i32
      %dma_wait3A_519 = arith.constant 2 : i32
      %dma_wait3A_520 = arith.constant 2 : i32
      %dma_wait3A_521 = arith.constant 0 : i32
      %dma_wait3A_522 = arith.constant 0 : i32
      %dma_wait3A_523 = tpu.memref_slice %arg7[%dma_wait3A_519, %dma_wait3A_521, %dma_wait3A_522] : memref<8x104x128xf32, #tpu.memory_space<vmem>> -> memref<1x104x128xf32, #tpu.memory_space<vmem>>
      %dma_wait3A_524 = tpu.memref_squeeze %dma_wait3A_523 : memref<1x104x128xf32, #tpu.memory_space<vmem>> -> memref<104x128xf32, #tpu.memory_space<vmem>>
      %dma_wait3A_525 = tpu.memref_slice %arg6[%add3A_518] : memref<6400xi32, #tpu.memory_space<vmem>> -> memref<104xi32, #tpu.memory_space<vmem>>
      %dma_wait3A_526 = arith.constant 0 : i32
      %dma_wait3A_527 = arith.constant 0 : i32
      %dma_wait3A_528 = tpu.memref_slice %arg11[%dma_wait3A_526, %dma_wait3A_527] : memref<1000x128xf32, #tpu.memory_space<vmem_shared>> -> memref<1000x128xf32, #tpu.memory_space<vmem_shared>>
      %dma_wait3A_529 = tpu.memref_slice %arg9[%dma_wait3A_520] : memref<8x!tpu.dma_semaphore, #tpu.memory_space<semaphore_mem>> -> memref<1x!tpu.dma_semaphore, #tpu.memory_space<semaphore_mem>>
      %dma_wait3A_530 = tpu.memref_squeeze %dma_wait3A_529 : memref<1x!tpu.dma_semaphore, #tpu.memory_space<semaphore_mem>> -> memref<!tpu.dma_semaphore, #tpu.memory_space<semaphore_mem>>
      tpu.wait_indirect_dma semaphore(%dma_wait3A_530 : memref<!tpu.dma_semaphore, #tpu.memory_space<semaphore_mem>>) src(%dma_wait3A_528 : memref<1000x128xf32, #tpu.memory_space<vmem_shared>>) dst(%dma_wait3A_524 : memref<104x128xf32, #tpu.memory_space<vmem>>)
      %jit3A_531 = arith.constant 2 : i32
      %div3A_532 = arith.divsi %add3A_485, %jit3A_531 : i32
      %sign3A_533 = arith.constant 0 : i32
      %sign3A_534 = arith.cmpi sgt, %add3A_485, %sign3A_533 : i32
      %sign3A_535 = arith.extui %sign3A_534 : i1 to i32
      %sign3A_536 = arith.constant 0 : i32
      %sign3A_537 = arith.cmpi slt, %add3A_485, %sign3A_536 : i32
      %sign3A_538 = arith.extui %sign3A_537 : i1 to i32
      %sign3A_539 = arith.subi %sign3A_535, %sign3A_538 : i32
      %sign3A_540 = arith.constant 0 : i32
      %sign3A_541 = arith.cmpi sgt, %jit3A_531, %sign3A_540 : i32
      %sign3A_542 = arith.extui %sign3A_541 : i1 to i32
      %sign3A_543 = arith.constant 0 : i32
      %sign3A_544 = arith.cmpi slt, %jit3A_531, %sign3A_543 : i32
      %sign3A_545 = arith.extui %sign3A_544 : i1 to i32
      %sign3A_546 = arith.subi %sign3A_542, %sign3A_545 : i32
      %ne3A_547 = arith.cmpi ne, %sign3A_539, %sign3A_546 : i32
      %rem3A_548 = arith.remsi %add3A_485, %jit3A_531 : i32
      %ne3A_549 = arith.constant 0 : i32
      %ne3A_550 = arith.cmpi ne, %rem3A_548, %ne3A_549 : i32
      %and3A_551 = arith.andi %ne3A_547, %ne3A_550 : i1
      %sub3A_552 = arith.constant 1 : i32
      %sub3A_553 = arith.subi %div3A_532, %sub3A_552 : i32
      %select_n3A_554 = arith.select %and3A_551, %sub3A_553, %div3A_532 : i32
      %get3A_555 = arith.index_cast %select_n3A_554 : i32 to index
      %get3A_556 = arith.constant 0 : index
      %get3A_557 = tpu.vector_load %arg8[%get3A_555, %get3A_556] {strides = array<i32>} : memref<32x128xf32, #tpu.memory_space<vmem>>, vector<1x16xf32>,
      %get3A_558 = vector.shape_cast %get3A_557 : vector<1x16xf32> to vector<16xf32>
      %get3A_559 = arith.index_cast %select_n3A_554 : i32 to index
      %get3A_560 = arith.constant 16 : index
      %get3A_561 = tpu.vector_load %arg8[%get3A_559, %get3A_560] {strides = array<i32>} : memref<32x128xf32, #tpu.memory_space<vmem>>, vector<1x16xf32>,
      %get3A_562 = vector.shape_cast %get3A_561 : vector<1x16xf32> to vector<16xf32>
      %get3A_563 = arith.index_cast %select_n3A_554 : i32 to index
      %get3A_564 = arith.constant 32 : index
      %get3A_565 = tpu.vector_load %arg8[%get3A_563, %get3A_564] {strides = array<i32>} : memref<32x128xf32, #tpu.memory_space<vmem>>, vector<1x16xf32>,
      %get3A_566 = vector.shape_cast %get3A_565 : vector<1x16xf32> to vector<16xf32>
      %get3A_567 = arith.index_cast %select_n3A_554 : i32 to index
      %get3A_568 = arith.constant 48 : index
      %get3A_569 = tpu.vector_load %arg8[%get3A_567, %get3A_568] {strides = array<i32>} : memref<32x128xf32, #tpu.memory_space<vmem>>, vector<1x16xf32>,
      %get3A_570 = vector.shape_cast %get3A_569 : vector<1x16xf32> to vector<16xf32>
      %get3A_571 = arith.index_cast %select_n3A_554 : i32 to index
      %get3A_572 = arith.constant 64 : index
      %get3A_573 = tpu.vector_load %arg8[%get3A_571, %get3A_572] {strides = array<i32>} : memref<32x128xf32, #tpu.memory_space<vmem>>, vector<1x16xf32>,
      %get3A_574 = vector.shape_cast %get3A_573 : vector<1x16xf32> to vector<16xf32>
      %get3A_575 = arith.index_cast %select_n3A_554 : i32 to index
      %get3A_576 = arith.constant 80 : index
      %get3A_577 = tpu.vector_load %arg8[%get3A_575, %get3A_576] {strides = array<i32>} : memref<32x128xf32, #tpu.memory_space<vmem>>, vector<1x16xf32>,
      %get3A_578 = vector.shape_cast %get3A_577 : vector<1x16xf32> to vector<16xf32>
      %get3A_579 = arith.index_cast %select_n3A_554 : i32 to index
      %get3A_580 = arith.constant 96 : index
      %get3A_581 = tpu.vector_load %arg8[%get3A_579, %get3A_580] {strides = array<i32>} : memref<32x128xf32, #tpu.memory_space<vmem>>, vector<1x16xf32>,
      %get3A_582 = vector.shape_cast %get3A_581 : vector<1x16xf32> to vector<16xf32>
      %get3A_583 = arith.index_cast %select_n3A_554 : i32 to index
      %get3A_584 = arith.constant 112 : index
      %get3A_585 = tpu.vector_load %arg8[%get3A_583, %get3A_584] {strides = array<i32>} : memref<32x128xf32, #tpu.memory_space<vmem>>, vector<1x16xf32>,
      %get3A_586 = vector.shape_cast %get3A_585 : vector<1x16xf32> to vector<16xf32>
      %scan3A_587 = arith.constant 0 : i32
      %scan3A_588 = arith.constant 104 : i32
      %scan3A_589 = arith.addi %scan3A_587, %scan3A_588 : i32
      %scan3A_590 = arith.constant 1 : i32
      %scan3A_591:8 = scf.for %scan3A_1240 = %scan3A_587 to %scan3A_589 step %scan3A_590 iter_args(%scan3A_1241 = %get3A_558, %scan3A_1242 = %get3A_562, %scan3A_1243 = %get3A_566, %scan3A_1244 = %get3A_570, %scan3A_1245 = %get3A_574, %scan3A_1246 = %get3A_578, %scan3A_1247 = %get3A_582, %scan3A_1248 = %get3A_586) -> (vector<16xf32>, vector<16xf32>, vector<16xf32>, vector<16xf32>, vector<16xf32>, vector<16xf32>, vector<16xf32>, vector<16xf32>)  : i32 {
        %get3A_1249 = arith.constant 2 : i32
        %get3A_1250 = arith.index_cast %get3A_1249 : i32 to index
        %get3A_1251 = arith.index_cast %scan3A_1240 : i32 to index
        %get3A_1252 = arith.constant 0 : index
        %get3A_1253 = tpu.vector_load %arg7[%get3A_1250, %get3A_1251, %get3A_1252] {strides = array<i32>} : memref<8x104x128xf32, #tpu.memory_space<vmem>>, vector<1x1x16xf32>,
        %get3A_1254 = vector.shape_cast %get3A_1253 : vector<1x1x16xf32> to vector<16xf32>
        %mul3A_1255 = arith.constant 0.899999976 : f32
        %mul3A_1256 = vector.broadcast %mul3A_1255 : f32 to vector<16xf32>
        %mul3A_1257 = arith.mulf %mul3A_1256, %scan3A_1241 : vector<16xf32>
        %add3A_1258 = arith.addf %get3A_1254, %mul3A_1257 : vector<16xf32>
        %get3A_1259 = arith.constant 2 : i32
        %get3A_1260 = arith.index_cast %get3A_1259 : i32 to index
        %get3A_1261 = arith.index_cast %scan3A_1240 : i32 to index
        %get3A_1262 = arith.constant 16 : index
        %get3A_1263 = tpu.vector_load %arg7[%get3A_1260, %get3A_1261, %get3A_1262] {strides = array<i32>} : memref<8x104x128xf32, #tpu.memory_space<vmem>>, vector<1x1x16xf32>,
        %get3A_1264 = vector.shape_cast %get3A_1263 : vector<1x1x16xf32> to vector<16xf32>
        %mul3A_1265 = arith.constant 0.899999976 : f32
        %mul3A_1266 = vector.broadcast %mul3A_1265 : f32 to vector<16xf32>
        %mul3A_1267 = arith.mulf %mul3A_1266, %scan3A_1242 : vector<16xf32>
        %add3A_1268 = arith.addf %get3A_1264, %mul3A_1267 : vector<16xf32>
        %get3A_1269 = arith.constant 2 : i32
        %get3A_1270 = arith.index_cast %get3A_1269 : i32 to index
        %get3A_1271 = arith.index_cast %scan3A_1240 : i32 to index
        %get3A_1272 = arith.constant 32 : index
        %get3A_1273 = tpu.vector_load %arg7[%get3A_1270, %get3A_1271, %get3A_1272] {strides = array<i32>} : memref<8x104x128xf32, #tpu.memory_space<vmem>>, vector<1x1x16xf32>,
        %get3A_1274 = vector.shape_cast %get3A_1273 : vector<1x1x16xf32> to vector<16xf32>
        %mul3A_1275 = arith.constant 0.899999976 : f32
        %mul3A_1276 = vector.broadcast %mul3A_1275 : f32 to vector<16xf32>
        %mul3A_1277 = arith.mulf %mul3A_1276, %scan3A_1243 : vector<16xf32>
        %add3A_1278 = arith.addf %get3A_1274, %mul3A_1277 : vector<16xf32>
        %get3A_1279 = arith.constant 2 : i32
        %get3A_1280 = arith.index_cast %get3A_1279 : i32 to index
        %get3A_1281 = arith.index_cast %scan3A_1240 : i32 to index
        %get3A_1282 = arith.constant 48 : index
        %get3A_1283 = tpu.vector_load %arg7[%get3A_1280, %get3A_1281, %get3A_1282] {strides = array<i32>} : memref<8x104x128xf32, #tpu.memory_space<vmem>>, vector<1x1x16xf32>,
        %get3A_1284 = vector.shape_cast %get3A_1283 : vector<1x1x16xf32> to vector<16xf32>
        %mul3A_1285 = arith.constant 0.899999976 : f32
        %mul3A_1286 = vector.broadcast %mul3A_1285 : f32 to vector<16xf32>
        %mul3A_1287 = arith.mulf %mul3A_1286, %scan3A_1244 : vector<16xf32>
        %add3A_1288 = arith.addf %get3A_1284, %mul3A_1287 : vector<16xf32>
        %get3A_1289 = arith.constant 2 : i32
        %get3A_1290 = arith.index_cast %get3A_1289 : i32 to index
        %get3A_1291 = arith.index_cast %scan3A_1240 : i32 to index
        %get3A_1292 = arith.constant 64 : index
        %get3A_1293 = tpu.vector_load %arg7[%get3A_1290, %get3A_1291, %get3A_1292] {strides = array<i32>} : memref<8x104x128xf32, #tpu.memory_space<vmem>>, vector<1x1x16xf32>,
        %get3A_1294 = vector.shape_cast %get3A_1293 : vector<1x1x16xf32> to vector<16xf32>
        %mul3A_1295 = arith.constant 0.899999976 : f32
        %mul3A_1296 = vector.broadcast %mul3A_1295 : f32 to vector<16xf32>
        %mul3A_1297 = arith.mulf %mul3A_1296, %scan3A_1245 : vector<16xf32>
        %add3A_1298 = arith.addf %get3A_1294, %mul3A_1297 : vector<16xf32>
        %get3A_1299 = arith.constant 2 : i32
        %get3A_1300 = arith.index_cast %get3A_1299 : i32 to index
        %get3A_1301 = arith.index_cast %scan3A_1240 : i32 to index
        %get3A_1302 = arith.constant 80 : index
        %get3A_1303 = tpu.vector_load %arg7[%get3A_1300, %get3A_1301, %get3A_1302] {strides = array<i32>} : memref<8x104x128xf32, #tpu.memory_space<vmem>>, vector<1x1x16xf32>,
        %get3A_1304 = vector.shape_cast %get3A_1303 : vector<1x1x16xf32> to vector<16xf32>
        %mul3A_1305 = arith.constant 0.899999976 : f32
        %mul3A_1306 = vector.broadcast %mul3A_1305 : f32 to vector<16xf32>
        %mul3A_1307 = arith.mulf %mul3A_1306, %scan3A_1246 : vector<16xf32>
        %add3A_1308 = arith.addf %get3A_1304, %mul3A_1307 : vector<16xf32>
        %get3A_1309 = arith.constant 2 : i32
        %get3A_1310 = arith.index_cast %get3A_1309 : i32 to index
        %get3A_1311 = arith.index_cast %scan3A_1240 : i32 to index
        %get3A_1312 = arith.constant 96 : index
        %get3A_1313 = tpu.vector_load %arg7[%get3A_1310, %get3A_1311, %get3A_1312] {strides = array<i32>} : memref<8x104x128xf32, #tpu.memory_space<vmem>>, vector<1x1x16xf32>,
        %get3A_1314 = vector.shape_cast %get3A_1313 : vector<1x1x16xf32> to vector<16xf32>
        %mul3A_1315 = arith.constant 0.899999976 : f32
        %mul3A_1316 = vector.broadcast %mul3A_1315 : f32 to vector<16xf32>
        %mul3A_1317 = arith.mulf %mul3A_1316, %scan3A_1247 : vector<16xf32>
        %add3A_1318 = arith.addf %get3A_1314, %mul3A_1317 : vector<16xf32>
        %get3A_1319 = arith.constant 2 : i32
        %get3A_1320 = arith.index_cast %get3A_1319 : i32 to index
        %get3A_1321 = arith.index_cast %scan3A_1240 : i32 to index
        %get3A_1322 = arith.constant 112 : index
        %get3A_1323 = tpu.vector_load %arg7[%get3A_1320, %get3A_1321, %get3A_1322] {strides = array<i32>} : memref<8x104x128xf32, #tpu.memory_space<vmem>>, vector<1x1x16xf32>,
        %get3A_1324 = vector.shape_cast %get3A_1323 : vector<1x1x16xf32> to vector<16xf32>
        %mul3A_1325 = arith.constant 0.899999976 : f32
        %mul3A_1326 = vector.broadcast %mul3A_1325 : f32 to vector<16xf32>
        %mul3A_1327 = arith.mulf %mul3A_1326, %scan3A_1248 : vector<16xf32>
        %add3A_1328 = arith.addf %get3A_1324, %mul3A_1327 : vector<16xf32>
        %swap3A = arith.constant 2 : i32
        %swap3A_1329 = arith.index_cast %swap3A : i32 to index
        %swap3A_1330 = arith.index_cast %scan3A_1240 : i32 to index
        %swap3A_1331 = arith.constant 0 : index
        %swap3A_1332 = tpu.vector_load %arg7[%swap3A_1329, %swap3A_1330, %swap3A_1331] {strides = array<i32>} : memref<8x104x128xf32, #tpu.memory_space<vmem>>, vector<1x1x16xf32>,
        %swap3A_1333 = vector.shape_cast %swap3A_1332 : vector<1x1x16xf32> to vector<16xf32>
        %swap3A_1334 = vector.shape_cast %add3A_1258 : vector<16xf32> to vector<1x1x16xf32>
        tpu.vector_store %arg7[%swap3A_1329, %swap3A_1330, %swap3A_1331], %swap3A_1334 {strides = array<i32>} : memref<8x104x128xf32, #tpu.memory_space<vmem>>, vector<1x1x16xf32>,
        %swap3A_1335 = arith.constant 2 : i32
        %swap3A_1336 = arith.index_cast %swap3A_1335 : i32 to index
        %swap3A_1337 = arith.index_cast %scan3A_1240 : i32 to index
        %swap3A_1338 = arith.constant 16 : index
        %swap3A_1339 = tpu.vector_load %arg7[%swap3A_1336, %swap3A_1337, %swap3A_1338] {strides = array<i32>} : memref<8x104x128xf32, #tpu.memory_space<vmem>>, vector<1x1x16xf32>,
        %swap3A_1340 = vector.shape_cast %swap3A_1339 : vector<1x1x16xf32> to vector<16xf32>
        %swap3A_1341 = vector.shape_cast %add3A_1268 : vector<16xf32> to vector<1x1x16xf32>
        tpu.vector_store %arg7[%swap3A_1336, %swap3A_1337, %swap3A_1338], %swap3A_1341 {strides = array<i32>} : memref<8x104x128xf32, #tpu.memory_space<vmem>>, vector<1x1x16xf32>,
        %swap3A_1342 = arith.constant 2 : i32
        %swap3A_1343 = arith.index_cast %swap3A_1342 : i32 to index
        %swap3A_1344 = arith.index_cast %scan3A_1240 : i32 to index
        %swap3A_1345 = arith.constant 32 : index
        %swap3A_1346 = tpu.vector_load %arg7[%swap3A_1343, %swap3A_1344, %swap3A_1345] {strides = array<i32>} : memref<8x104x128xf32, #tpu.memory_space<vmem>>, vector<1x1x16xf32>,
        %swap3A_1347 = vector.shape_cast %swap3A_1346 : vector<1x1x16xf32> to vector<16xf32>
        %swap3A_1348 = vector.shape_cast %add3A_1278 : vector<16xf32> to vector<1x1x16xf32>
        tpu.vector_store %arg7[%swap3A_1343, %swap3A_1344, %swap3A_1345], %swap3A_1348 {strides = array<i32>} : memref<8x104x128xf32, #tpu.memory_space<vmem>>, vector<1x1x16xf32>,
        %swap3A_1349 = arith.constant 2 : i32
        %swap3A_1350 = arith.index_cast %swap3A_1349 : i32 to index
        %swap3A_1351 = arith.index_cast %scan3A_1240 : i32 to index
        %swap3A_1352 = arith.constant 48 : index
        %swap3A_1353 = tpu.vector_load %arg7[%swap3A_1350, %swap3A_1351, %swap3A_1352] {strides = array<i32>} : memref<8x104x128xf32, #tpu.memory_space<vmem>>, vector<1x1x16xf32>,
        %swap3A_1354 = vector.shape_cast %swap3A_1353 : vector<1x1x16xf32> to vector<16xf32>
        %swap3A_1355 = vector.shape_cast %add3A_1288 : vector<16xf32> to vector<1x1x16xf32>
        tpu.vector_store %arg7[%swap3A_1350, %swap3A_1351, %swap3A_1352], %swap3A_1355 {strides = array<i32>} : memref<8x104x128xf32, #tpu.memory_space<vmem>>, vector<1x1x16xf32>,
        %swap3A_1356 = arith.constant 2 : i32
        %swap3A_1357 = arith.index_cast %swap3A_1356 : i32 to index
        %swap3A_1358 = arith.index_cast %scan3A_1240 : i32 to index
        %swap3A_1359 = arith.constant 64 : index
        %swap3A_1360 = tpu.vector_load %arg7[%swap3A_1357, %swap3A_1358, %swap3A_1359] {strides = array<i32>} : memref<8x104x128xf32, #tpu.memory_space<vmem>>, vector<1x1x16xf32>,
        %swap3A_1361 = vector.shape_cast %swap3A_1360 : vector<1x1x16xf32> to vector<16xf32>
        %swap3A_1362 = vector.shape_cast %add3A_1298 : vector<16xf32> to vector<1x1x16xf32>
        tpu.vector_store %arg7[%swap3A_1357, %swap3A_1358, %swap3A_1359], %swap3A_1362 {strides = array<i32>} : memref<8x104x128xf32, #tpu.memory_space<vmem>>, vector<1x1x16xf32>,
        %swap3A_1363 = arith.constant 2 : i32
        %swap3A_1364 = arith.index_cast %swap3A_1363 : i32 to index
        %swap3A_1365 = arith.index_cast %scan3A_1240 : i32 to index
        %swap3A_1366 = arith.constant 80 : index
        %swap3A_1367 = tpu.vector_load %arg7[%swap3A_1364, %swap3A_1365, %swap3A_1366] {strides = array<i32>} : memref<8x104x128xf32, #tpu.memory_space<vmem>>, vector<1x1x16xf32>,
        %swap3A_1368 = vector.shape_cast %swap3A_1367 : vector<1x1x16xf32> to vector<16xf32>
        %swap3A_1369 = vector.shape_cast %add3A_1308 : vector<16xf32> to vector<1x1x16xf32>
        tpu.vector_store %arg7[%swap3A_1364, %swap3A_1365, %swap3A_1366], %swap3A_1369 {strides = array<i32>} : memref<8x104x128xf32, #tpu.memory_space<vmem>>, vector<1x1x16xf32>,
        %swap3A_1370 = arith.constant 2 : i32
        %swap3A_1371 = arith.index_cast %swap3A_1370 : i32 to index
        %swap3A_1372 = arith.index_cast %scan3A_1240 : i32 to index
        %swap3A_1373 = arith.constant 96 : index
        %swap3A_1374 = tpu.vector_load %arg7[%swap3A_1371, %swap3A_1372, %swap3A_1373] {strides = array<i32>} : memref<8x104x128xf32, #tpu.memory_space<vmem>>, vector<1x1x16xf32>,
        %swap3A_1375 = vector.shape_cast %swap3A_1374 : vector<1x1x16xf32> to vector<16xf32>
        %swap3A_1376 = vector.shape_cast %add3A_1318 : vector<16xf32> to vector<1x1x16xf32>
        tpu.vector_store %arg7[%swap3A_1371, %swap3A_1372, %swap3A_1373], %swap3A_1376 {strides = array<i32>} : memref<8x104x128xf32, #tpu.memory_space<vmem>>, vector<1x1x16xf32>,
        %swap3A_1377 = arith.constant 2 : i32
        %swap3A_1378 = arith.index_cast %swap3A_1377 : i32 to index
        %swap3A_1379 = arith.index_cast %scan3A_1240 : i32 to index
        %swap3A_1380 = arith.constant 112 : index
        %swap3A_1381 = tpu.vector_load %arg7[%swap3A_1378, %swap3A_1379, %swap3A_1380] {strides = array<i32>} : memref<8x104x128xf32, #tpu.memory_space<vmem>>, vector<1x1x16xf32>,
        %swap3A_1382 = vector.shape_cast %swap3A_1381 : vector<1x1x16xf32> to vector<16xf32>
        %swap3A_1383 = vector.shape_cast %add3A_1328 : vector<16xf32> to vector<1x1x16xf32>
        tpu.vector_store %arg7[%swap3A_1378, %swap3A_1379, %swap3A_1380], %swap3A_1383 {strides = array<i32>} : memref<8x104x128xf32, #tpu.memory_space<vmem>>, vector<1x1x16xf32>,
        scf.yield %add3A_1258, %add3A_1268, %add3A_1278, %add3A_1288, %add3A_1298, %add3A_1308, %add3A_1318, %add3A_1328 : vector<16xf32>, vector<16xf32>, vector<16xf32>, vector<16xf32>, vector<16xf32>, vector<16xf32>, vector<16xf32>, vector<16xf32>
      }
      %scan3A_592 = arith.constant 104 : i32
      %jit3A_593 = arith.constant 2 : i32
      %div3A_594 = arith.divsi %add3A_485, %jit3A_593 : i32
      %sign3A_595 = arith.constant 0 : i32
      %sign3A_596 = arith.cmpi sgt, %add3A_485, %sign3A_595 : i32
      %sign3A_597 = arith.extui %sign3A_596 : i1 to i32
      %sign3A_598 = arith.constant 0 : i32
      %sign3A_599 = arith.cmpi slt, %add3A_485, %sign3A_598 : i32
      %sign3A_600 = arith.extui %sign3A_599 : i1 to i32
      %sign3A_601 = arith.subi %sign3A_597, %sign3A_600 : i32
      %sign3A_602 = arith.constant 0 : i32
      %sign3A_603 = arith.cmpi sgt, %jit3A_593, %sign3A_602 : i32
      %sign3A_604 = arith.extui %sign3A_603 : i1 to i32
      %sign3A_605 = arith.constant 0 : i32
      %sign3A_606 = arith.cmpi slt, %jit3A_593, %sign3A_605 : i32
      %sign3A_607 = arith.extui %sign3A_606 : i1 to i32
      %sign3A_608 = arith.subi %sign3A_604, %sign3A_607 : i32
      %ne3A_609 = arith.cmpi ne, %sign3A_601, %sign3A_608 : i32
      %rem3A_610 = arith.remsi %add3A_485, %jit3A_593 : i32
      %ne3A_611 = arith.constant 0 : i32
      %ne3A_612 = arith.cmpi ne, %rem3A_610, %ne3A_611 : i32
      %and3A_613 = arith.andi %ne3A_609, %ne3A_612 : i1
      %sub3A_614 = arith.constant 1 : i32
      %sub3A_615 = arith.subi %div3A_594, %sub3A_614 : i32
      %select_n3A_616 = arith.select %and3A_613, %sub3A_615, %div3A_594 : i32
      %add3A_617 = arith.addi %mul3A_2, %select_n3A_616 : i32
      %mul3A_618 = arith.constant 200 : i32
      %mul3A_619 = arith.muli %add3A_617, %mul3A_618 : i32
      %add3A_620 = arith.constant 0 : i32
      %add3A_621 = arith.addi %mul3A_619, %add3A_620 : i32
      %dma_start3A_622 = arith.constant 2 : i32
      %dma_start3A_623 = arith.constant 2 : i32
      %dma_start3A_624 = arith.constant 0 : i32
      %dma_start3A_625 = arith.constant 0 : i32
      %dma_start3A_626 = tpu.memref_slice %arg7[%dma_start3A_622, %dma_start3A_624, %dma_start3A_625] : memref<8x104x128xf32, #tpu.memory_space<vmem>> -> memref<1x104x128xf32, #tpu.memory_space<vmem>>
      %dma_start3A_627 = tpu.memref_squeeze %dma_start3A_626 : memref<1x104x128xf32, #tpu.memory_space<vmem>> -> memref<104x128xf32, #tpu.memory_space<vmem>>
      %dma_start3A_628 = arith.constant 0 : i32
      %dma_start3A_629 = tpu.memref_slice %arg5[%add3A_621, %dma_start3A_628] : memref<204800x128xf32, #tpu.memory_space<hbm>> -> memref<104x128xf32, #tpu.memory_space<hbm>>
      %dma_start3A_630 = tpu.memref_slice %arg10[%dma_start3A_623] : memref<8x!tpu.dma_semaphore, #tpu.memory_space<semaphore_mem>> -> memref<1x!tpu.dma_semaphore, #tpu.memory_space<semaphore_mem>>
      %dma_start3A_631 = tpu.memref_squeeze %dma_start3A_630 : memref<1x!tpu.dma_semaphore, #tpu.memory_space<semaphore_mem>> -> memref<!tpu.dma_semaphore, #tpu.memory_space<semaphore_mem>>
      %dma_start3A_632 = arith.constant 0 : i32
      %dma_start3A_633 = tpu.memref_slice %arg5[%add3A_621, %dma_start3A_632] : memref<204800x128xf32, #tpu.memory_space<hbm>> -> memref<104x128xf32, #tpu.memory_space<hbm>>
      %dma_start3A_634 = arith.constant 0 : i32
      %dma_start3A_635 = arith.constant 0 : i32
      %dma_start3A_636 = tpu.memref_slice %arg7[%dma_start3A_622, %dma_start3A_634, %dma_start3A_635] : memref<8x104x128xf32, #tpu.memory_space<vmem>> -> memref<1x104x128xf32, #tpu.memory_space<vmem>>
      %dma_start3A_637 = tpu.memref_squeeze %dma_start3A_636 : memref<1x104x128xf32, #tpu.memory_space<vmem>> -> memref<104x128xf32, #tpu.memory_space<vmem>>
      tpu.enqueue_dma source(%dma_start3A_637 : memref<104x128xf32, #tpu.memory_space<vmem>>) target(%dma_start3A_633 : memref<104x128xf32, #tpu.memory_space<hbm>>) target_semaphore(%dma_start3A_631 : memref<!tpu.dma_semaphore, #tpu.memory_space<semaphore_mem>>)
      %add3A_638 = arith.constant 3 : i32
      %add3A_639 = arith.addi %add3A_241, %add3A_638 : i32
      %lt3A_640 = arith.constant 60 : i32
      %lt3A_641 = arith.cmpi slt, %add3A_639, %lt3A_640 : i32
      %convert_element_type3A_642 = arith.extui %lt3A_641 : i1 to i32
      %cond3A_643 = arith.constant 0 : i32
      %cond3A_644 = arith.cmpi ne, %convert_element_type3A_642, %cond3A_643 : i32
      scf.if %cond3A_644 {
        %ge3A = arith.constant 4 : i32
        %ge3A_1240 = arith.cmpi sge, %add3A_639, %ge3A : i32
        %convert_element_type3A_1241 = arith.extui %ge3A_1240 : i1 to i32
        %cond3A_1242 = arith.constant 0 : i32
        %cond3A_1243 = arith.cmpi ne, %convert_element_type3A_1241, %cond3A_1242 : i32
        scf.if %cond3A_1243 {
          %sub3A_1286 = arith.constant 4 : i32
          %sub3A_1287 = arith.subi %add3A_639, %sub3A_1286 : i32
          %jit3A_1288 = arith.constant 2 : i32
          %div3A_1289 = arith.divsi %sub3A_1287, %jit3A_1288 : i32
          %sign3A_1290 = arith.constant 0 : i32
          %sign3A_1291 = arith.cmpi sgt, %sub3A_1287, %sign3A_1290 : i32
          %sign3A_1292 = arith.extui %sign3A_1291 : i1 to i32
          %sign3A_1293 = arith.constant 0 : i32
          %sign3A_1294 = arith.cmpi slt, %sub3A_1287, %sign3A_1293 : i32
          %sign3A_1295 = arith.extui %sign3A_1294 : i1 to i32
          %sign3A_1296 = arith.subi %sign3A_1292, %sign3A_1295 : i32
          %sign3A_1297 = arith.constant 0 : i32
          %sign3A_1298 = arith.cmpi sgt, %jit3A_1288, %sign3A_1297 : i32
          %sign3A_1299 = arith.extui %sign3A_1298 : i1 to i32
          %sign3A_1300 = arith.constant 0 : i32
          %sign3A_1301 = arith.cmpi slt, %jit3A_1288, %sign3A_1300 : i32
          %sign3A_1302 = arith.extui %sign3A_1301 : i1 to i32
          %sign3A_1303 = arith.subi %sign3A_1299, %sign3A_1302 : i32
          %ne3A_1304 = arith.cmpi ne, %sign3A_1296, %sign3A_1303 : i32
          %rem3A_1305 = arith.remsi %sub3A_1287, %jit3A_1288 : i32
          %ne3A_1306 = arith.constant 0 : i32
          %ne3A_1307 = arith.cmpi ne, %rem3A_1305, %ne3A_1306 : i32
          %and3A_1308 = arith.andi %ne3A_1304, %ne3A_1307 : i1
          %sub3A_1309 = arith.constant 1 : i32
          %sub3A_1310 = arith.subi %div3A_1289, %sub3A_1309 : i32
          %select_n3A_1311 = arith.select %and3A_1308, %sub3A_1310, %div3A_1289 : i32
          %add3A_1312 = arith.addi %mul3A_2, %select_n3A_1311 : i32
          %mul3A_1313 = arith.constant 200 : i32
          %mul3A_1314 = arith.muli %add3A_1312, %mul3A_1313 : i32
          %add3A_1315 = arith.constant 104 : i32
          %add3A_1316 = arith.addi %mul3A_1314, %add3A_1315 : i32
          %dma_wait3A_1317 = arith.constant 7 : i32
          %dma_wait3A_1318 = arith.constant 7 : i32
          %dma_wait3A_1319 = arith.constant 0 : i32
          %dma_wait3A_1320 = arith.constant 0 : i32
          %dma_wait3A_1321 = tpu.memref_slice %arg7[%dma_wait3A_1317, %dma_wait3A_1319, %dma_wait3A_1320] : memref<8x104x128xf32, #tpu.memory_space<vmem>> -> memref<1x96x128xf32, #tpu.memory_space<vmem>>
          %dma_wait3A_1322 = tpu.memref_squeeze %dma_wait3A_1321 : memref<1x96x128xf32, #tpu.memory_space<vmem>> -> memref<96x128xf32, #tpu.memory_space<vmem>>
          %dma_wait3A_1323 = arith.constant 0 : i32
          %dma_wait3A_1324 = tpu.memref_slice %arg5[%add3A_1316, %dma_wait3A_1323] : memref<204800x128xf32, #tpu.memory_space<hbm>> -> memref<96x128xf32, #tpu.memory_space<hbm>>
          %dma_wait3A_1325 = tpu.memref_slice %arg10[%dma_wait3A_1318] : memref<8x!tpu.dma_semaphore, #tpu.memory_space<semaphore_mem>> -> memref<1x!tpu.dma_semaphore, #tpu.memory_space<semaphore_mem>>
          %dma_wait3A_1326 = tpu.memref_squeeze %dma_wait3A_1325 : memref<1x!tpu.dma_semaphore, #tpu.memory_space<semaphore_mem>> -> memref<!tpu.dma_semaphore, #tpu.memory_space<semaphore_mem>>
          %dma_wait3A_1327 = arith.constant 0 : i32
          %dma_wait3A_1328 = tpu.memref_slice %arg5[%add3A_1316, %dma_wait3A_1327] : memref<204800x128xf32, #tpu.memory_space<hbm>> -> memref<96x128xf32, #tpu.memory_space<hbm>>
          %dma_wait3A_1329 = arith.constant 0 : i32
          %dma_wait3A_1330 = arith.constant 0 : i32
          %dma_wait3A_1331 = tpu.memref_slice %arg7[%dma_wait3A_1317, %dma_wait3A_1329, %dma_wait3A_1330] : memref<8x104x128xf32, #tpu.memory_space<vmem>> -> memref<1x96x128xf32, #tpu.memory_space<vmem>>
          %dma_wait3A_1332 = tpu.memref_squeeze %dma_wait3A_1331 : memref<1x96x128xf32, #tpu.memory_space<vmem>> -> memref<96x128xf32, #tpu.memory_space<vmem>>
          tpu.wait_dma2 semaphore(%dma_wait3A_1326 : memref<!tpu.dma_semaphore, #tpu.memory_space<semaphore_mem>>) src(%dma_wait3A_1332 : memref<96x128xf32, #tpu.memory_space<vmem>>) dst(%dma_wait3A_1328 : memref<96x128xf32, #tpu.memory_space<hbm>>)
        } else {
        }
        %add3A_1244 = arith.constant 4 : i32
        %add3A_1245 = arith.addi %add3A_639, %add3A_1244 : i32
        %jit3A_1246 = arith.constant 2 : i32
        %div3A_1247 = arith.divsi %add3A_1245, %jit3A_1246 : i32
        %sign3A_1248 = arith.constant 0 : i32
        %sign3A_1249 = arith.cmpi sgt, %add3A_1245, %sign3A_1248 : i32
        %sign3A_1250 = arith.extui %sign3A_1249 : i1 to i32
        %sign3A_1251 = arith.constant 0 : i32
        %sign3A_1252 = arith.cmpi slt, %add3A_1245, %sign3A_1251 : i32
        %sign3A_1253 = arith.extui %sign3A_1252 : i1 to i32
        %sign3A_1254 = arith.subi %sign3A_1250, %sign3A_1253 : i32
        %sign3A_1255 = arith.constant 0 : i32
        %sign3A_1256 = arith.cmpi sgt, %jit3A_1246, %sign3A_1255 : i32
        %sign3A_1257 = arith.extui %sign3A_1256 : i1 to i32
        %sign3A_1258 = arith.constant 0 : i32
        %sign3A_1259 = arith.cmpi slt, %jit3A_1246, %sign3A_1258 : i32
        %sign3A_1260 = arith.extui %sign3A_1259 : i1 to i32
        %sign3A_1261 = arith.subi %sign3A_1257, %sign3A_1260 : i32
        %ne3A_1262 = arith.cmpi ne, %sign3A_1254, %sign3A_1261 : i32
        %rem3A_1263 = arith.remsi %add3A_1245, %jit3A_1246 : i32
        %ne3A_1264 = arith.constant 0 : i32
        %ne3A_1265 = arith.cmpi ne, %rem3A_1263, %ne3A_1264 : i32
        %and3A_1266 = arith.andi %ne3A_1262, %ne3A_1265 : i1
        %sub3A_1267 = arith.constant 1 : i32
        %sub3A_1268 = arith.subi %div3A_1247, %sub3A_1267 : i32
        %select_n3A_1269 = arith.select %and3A_1266, %sub3A_1268, %div3A_1247 : i32
        %mul3A_1270 = arith.constant 200 : i32
        %mul3A_1271 = arith.muli %select_n3A_1269, %mul3A_1270 : i32
        %add3A_1272 = arith.constant 104 : i32
        %add3A_1273 = arith.addi %mul3A_1271, %add3A_1272 : i32
        %dma_start3A_1274 = arith.constant 7 : i32
        %dma_start3A_1275 = arith.constant 7 : i32
        %dma_start3A_1276 = arith.constant 0 : i32
        %dma_start3A_1277 = arith.constant 0 : i32
        %dma_start3A_1278 = tpu.memref_slice %arg7[%dma_start3A_1274, %dma_start3A_1276, %dma_start3A_1277] : memref<8x104x128xf32, #tpu.memory_space<vmem>> -> memref<1x96x128xf32, #tpu.memory_space<vmem>>
        %dma_start3A_1279 = tpu.memref_squeeze %dma_start3A_1278 : memref<1x96x128xf32, #tpu.memory_space<vmem>> -> memref<96x128xf32, #tpu.memory_space<vmem>>
        %dma_start3A_1280 = tpu.memref_slice %arg6[%add3A_1273] : memref<6400xi32, #tpu.memory_space<vmem>> -> memref<96xi32, #tpu.memory_space<vmem>>
        %dma_start3A_1281 = arith.constant 0 : i32
        %dma_start3A_1282 = arith.constant 0 : i32
        %dma_start3A_1283 = tpu.memref_slice %arg11[%dma_start3A_1281, %dma_start3A_1282] : memref<1000x128xf32, #tpu.memory_space<vmem_shared>> -> memref<1000x128xf32, #tpu.memory_space<vmem_shared>>
        %dma_start3A_1284 = tpu.memref_slice %arg9[%dma_start3A_1275] : memref<8x!tpu.dma_semaphore, #tpu.memory_space<semaphore_mem>> -> memref<1x!tpu.dma_semaphore, #tpu.memory_space<semaphore_mem>>
        %dma_start3A_1285 = tpu.memref_squeeze %dma_start3A_1284 : memref<1x!tpu.dma_semaphore, #tpu.memory_space<semaphore_mem>> -> memref<!tpu.dma_semaphore, #tpu.memory_space<semaphore_mem>>
        tpu.enqueue_indirect_dma source(%dma_start3A_1283 : memref<1000x128xf32, #tpu.memory_space<vmem_shared>>) target(%dma_start3A_1279 : memref<96x128xf32, #tpu.memory_space<vmem>>) offsets(%dma_start3A_1280 : memref<96xi32, #tpu.memory_space<vmem>>) semaphore(%dma_start3A_1285 : memref<!tpu.dma_semaphore, #tpu.memory_space<semaphore_mem>>)
      } else {
      }
      %jit3A_645 = arith.constant 2 : i32
      %div3A_646 = arith.divsi %add3A_639, %jit3A_645 : i32
      %sign3A_647 = arith.constant 0 : i32
      %sign3A_648 = arith.cmpi sgt, %add3A_639, %sign3A_647 : i32
      %sign3A_649 = arith.extui %sign3A_648 : i1 to i32
      %sign3A_650 = arith.constant 0 : i32
      %sign3A_651 = arith.cmpi slt, %add3A_639, %sign3A_650 : i32
      %sign3A_652 = arith.extui %sign3A_651 : i1 to i32
      %sign3A_653 = arith.subi %sign3A_649, %sign3A_652 : i32
      %sign3A_654 = arith.constant 0 : i32
      %sign3A_655 = arith.cmpi sgt, %jit3A_645, %sign3A_654 : i32
      %sign3A_656 = arith.extui %sign3A_655 : i1 to i32
      %sign3A_657 = arith.constant 0 : i32
      %sign3A_658 = arith.cmpi slt, %jit3A_645, %sign3A_657 : i32
      %sign3A_659 = arith.extui %sign3A_658 : i1 to i32
      %sign3A_660 = arith.subi %sign3A_656, %sign3A_659 : i32
      %ne3A_661 = arith.cmpi ne, %sign3A_653, %sign3A_660 : i32
      %rem3A_662 = arith.remsi %add3A_639, %jit3A_645 : i32
      %ne3A_663 = arith.constant 0 : i32
      %ne3A_664 = arith.cmpi ne, %rem3A_662, %ne3A_663 : i32
      %and3A_665 = arith.andi %ne3A_661, %ne3A_664 : i1
      %sub3A_666 = arith.constant 1 : i32
      %sub3A_667 = arith.subi %div3A_646, %sub3A_666 : i32
      %select_n3A_668 = arith.select %and3A_665, %sub3A_667, %div3A_646 : i32
      %mul3A_669 = arith.constant 200 : i32
      %mul3A_670 = arith.muli %select_n3A_668, %mul3A_669 : i32
      %add3A_671 = arith.constant 104 : i32
      %add3A_672 = arith.addi %mul3A_670, %add3A_671 : i32
      %dma_wait3A_673 = arith.constant 3 : i32
      %dma_wait3A_674 = arith.constant 3 : i32
      %dma_wait3A_675 = arith.constant 0 : i32
      %dma_wait3A_676 = arith.constant 0 : i32
      %dma_wait3A_677 = tpu.memref_slice %arg7[%dma_wait3A_673, %dma_wait3A_675, %dma_wait3A_676] : memref<8x104x128xf32, #tpu.memory_space<vmem>> -> memref<1x96x128xf32, #tpu.memory_space<vmem>>
      %dma_wait3A_678 = tpu.memref_squeeze %dma_wait3A_677 : memref<1x96x128xf32, #tpu.memory_space<vmem>> -> memref<96x128xf32, #tpu.memory_space<vmem>>
      %dma_wait3A_679 = tpu.memref_slice %arg6[%add3A_672] : memref<6400xi32, #tpu.memory_space<vmem>> -> memref<96xi32, #tpu.memory_space<vmem>>
      %dma_wait3A_680 = arith.constant 0 : i32
      %dma_wait3A_681 = arith.constant 0 : i32
      %dma_wait3A_682 = tpu.memref_slice %arg11[%dma_wait3A_680, %dma_wait3A_681] : memref<1000x128xf32, #tpu.memory_space<vmem_shared>> -> memref<1000x128xf32, #tpu.memory_space<vmem_shared>>
      %dma_wait3A_683 = tpu.memref_slice %arg9[%dma_wait3A_674] : memref<8x!tpu.dma_semaphore, #tpu.memory_space<semaphore_mem>> -> memref<1x!tpu.dma_semaphore, #tpu.memory_space<semaphore_mem>>
      %dma_wait3A_684 = tpu.memref_squeeze %dma_wait3A_683 : memref<1x!tpu.dma_semaphore, #tpu.memory_space<semaphore_mem>> -> memref<!tpu.dma_semaphore, #tpu.memory_space<semaphore_mem>>
      tpu.wait_indirect_dma semaphore(%dma_wait3A_684 : memref<!tpu.dma_semaphore, #tpu.memory_space<semaphore_mem>>) src(%dma_wait3A_682 : memref<1000x128xf32, #tpu.memory_space<vmem_shared>>) dst(%dma_wait3A_678 : memref<96x128xf32, #tpu.memory_space<vmem>>)
      %scan3A_685 = arith.constant 0 : i32
      %scan3A_686 = arith.constant 96 : i32
      %scan3A_687 = arith.addi %scan3A_685, %scan3A_686 : i32
      %scan3A_688 = arith.constant 1 : i32
      %scan3A_689:8 = scf.for %scan3A_1240 = %scan3A_685 to %scan3A_687 step %scan3A_688 iter_args(%scan3A_1241 = %scan3A_591#0, %scan3A_1242 = %scan3A_591#1, %scan3A_1243 = %scan3A_591#2, %scan3A_1244 = %scan3A_591#3, %scan3A_1245 = %scan3A_591#4, %scan3A_1246 = %scan3A_591#5, %scan3A_1247 = %scan3A_591#6, %scan3A_1248 = %scan3A_591#7) -> (vector<16xf32>, vector<16xf32>, vector<16xf32>, vector<16xf32>, vector<16xf32>, vector<16xf32>, vector<16xf32>, vector<16xf32>)  : i32 {
        %get3A_1249 = arith.constant 3 : i32
        %get3A_1250 = arith.index_cast %get3A_1249 : i32 to index
        %get3A_1251 = arith.index_cast %scan3A_1240 : i32 to index
        %get3A_1252 = arith.constant 0 : index
        %get3A_1253 = tpu.vector_load %arg7[%get3A_1250, %get3A_1251, %get3A_1252] {strides = array<i32>} : memref<8x104x128xf32, #tpu.memory_space<vmem>>, vector<1x1x16xf32>,
        %get3A_1254 = vector.shape_cast %get3A_1253 : vector<1x1x16xf32> to vector<16xf32>
        %mul3A_1255 = arith.constant 0.899999976 : f32
        %mul3A_1256 = vector.broadcast %mul3A_1255 : f32 to vector<16xf32>
        %mul3A_1257 = arith.mulf %mul3A_1256, %scan3A_1241 : vector<16xf32>
        %add3A_1258 = arith.addf %get3A_1254, %mul3A_1257 : vector<16xf32>
        %get3A_1259 = arith.constant 3 : i32
        %get3A_1260 = arith.index_cast %get3A_1259 : i32 to index
        %get3A_1261 = arith.index_cast %scan3A_1240 : i32 to index
        %get3A_1262 = arith.constant 16 : index
        %get3A_1263 = tpu.vector_load %arg7[%get3A_1260, %get3A_1261, %get3A_1262] {strides = array<i32>} : memref<8x104x128xf32, #tpu.memory_space<vmem>>, vector<1x1x16xf32>,
        %get3A_1264 = vector.shape_cast %get3A_1263 : vector<1x1x16xf32> to vector<16xf32>
        %mul3A_1265 = arith.constant 0.899999976 : f32
        %mul3A_1266 = vector.broadcast %mul3A_1265 : f32 to vector<16xf32>
        %mul3A_1267 = arith.mulf %mul3A_1266, %scan3A_1242 : vector<16xf32>
        %add3A_1268 = arith.addf %get3A_1264, %mul3A_1267 : vector<16xf32>
        %get3A_1269 = arith.constant 3 : i32
        %get3A_1270 = arith.index_cast %get3A_1269 : i32 to index
        %get3A_1271 = arith.index_cast %scan3A_1240 : i32 to index
        %get3A_1272 = arith.constant 32 : index
        %get3A_1273 = tpu.vector_load %arg7[%get3A_1270, %get3A_1271, %get3A_1272] {strides = array<i32>} : memref<8x104x128xf32, #tpu.memory_space<vmem>>, vector<1x1x16xf32>,
        %get3A_1274 = vector.shape_cast %get3A_1273 : vector<1x1x16xf32> to vector<16xf32>
        %mul3A_1275 = arith.constant 0.899999976 : f32
        %mul3A_1276 = vector.broadcast %mul3A_1275 : f32 to vector<16xf32>
        %mul3A_1277 = arith.mulf %mul3A_1276, %scan3A_1243 : vector<16xf32>
        %add3A_1278 = arith.addf %get3A_1274, %mul3A_1277 : vector<16xf32>
        %get3A_1279 = arith.constant 3 : i32
        %get3A_1280 = arith.index_cast %get3A_1279 : i32 to index
        %get3A_1281 = arith.index_cast %scan3A_1240 : i32 to index
        %get3A_1282 = arith.constant 48 : index
        %get3A_1283 = tpu.vector_load %arg7[%get3A_1280, %get3A_1281, %get3A_1282] {strides = array<i32>} : memref<8x104x128xf32, #tpu.memory_space<vmem>>, vector<1x1x16xf32>,
        %get3A_1284 = vector.shape_cast %get3A_1283 : vector<1x1x16xf32> to vector<16xf32>
        %mul3A_1285 = arith.constant 0.899999976 : f32
        %mul3A_1286 = vector.broadcast %mul3A_1285 : f32 to vector<16xf32>
        %mul3A_1287 = arith.mulf %mul3A_1286, %scan3A_1244 : vector<16xf32>
        %add3A_1288 = arith.addf %get3A_1284, %mul3A_1287 : vector<16xf32>
        %get3A_1289 = arith.constant 3 : i32
        %get3A_1290 = arith.index_cast %get3A_1289 : i32 to index
        %get3A_1291 = arith.index_cast %scan3A_1240 : i32 to index
        %get3A_1292 = arith.constant 64 : index
        %get3A_1293 = tpu.vector_load %arg7[%get3A_1290, %get3A_1291, %get3A_1292] {strides = array<i32>} : memref<8x104x128xf32, #tpu.memory_space<vmem>>, vector<1x1x16xf32>,
        %get3A_1294 = vector.shape_cast %get3A_1293 : vector<1x1x16xf32> to vector<16xf32>
        %mul3A_1295 = arith.constant 0.899999976 : f32
        %mul3A_1296 = vector.broadcast %mul3A_1295 : f32 to vector<16xf32>
        %mul3A_1297 = arith.mulf %mul3A_1296, %scan3A_1245 : vector<16xf32>
        %add3A_1298 = arith.addf %get3A_1294, %mul3A_1297 : vector<16xf32>
        %get3A_1299 = arith.constant 3 : i32
        %get3A_1300 = arith.index_cast %get3A_1299 : i32 to index
        %get3A_1301 = arith.index_cast %scan3A_1240 : i32 to index
        %get3A_1302 = arith.constant 80 : index
        %get3A_1303 = tpu.vector_load %arg7[%get3A_1300, %get3A_1301, %get3A_1302] {strides = array<i32>} : memref<8x104x128xf32, #tpu.memory_space<vmem>>, vector<1x1x16xf32>,
        %get3A_1304 = vector.shape_cast %get3A_1303 : vector<1x1x16xf32> to vector<16xf32>
        %mul3A_1305 = arith.constant 0.899999976 : f32
        %mul3A_1306 = vector.broadcast %mul3A_1305 : f32 to vector<16xf32>
        %mul3A_1307 = arith.mulf %mul3A_1306, %scan3A_1246 : vector<16xf32>
        %add3A_1308 = arith.addf %get3A_1304, %mul3A_1307 : vector<16xf32>
        %get3A_1309 = arith.constant 3 : i32
        %get3A_1310 = arith.index_cast %get3A_1309 : i32 to index
        %get3A_1311 = arith.index_cast %scan3A_1240 : i32 to index
        %get3A_1312 = arith.constant 96 : index
        %get3A_1313 = tpu.vector_load %arg7[%get3A_1310, %get3A_1311, %get3A_1312] {strides = array<i32>} : memref<8x104x128xf32, #tpu.memory_space<vmem>>, vector<1x1x16xf32>,
        %get3A_1314 = vector.shape_cast %get3A_1313 : vector<1x1x16xf32> to vector<16xf32>
        %mul3A_1315 = arith.constant 0.899999976 : f32
        %mul3A_1316 = vector.broadcast %mul3A_1315 : f32 to vector<16xf32>
        %mul3A_1317 = arith.mulf %mul3A_1316, %scan3A_1247 : vector<16xf32>
        %add3A_1318 = arith.addf %get3A_1314, %mul3A_1317 : vector<16xf32>
        %get3A_1319 = arith.constant 3 : i32
        %get3A_1320 = arith.index_cast %get3A_1319 : i32 to index
        %get3A_1321 = arith.index_cast %scan3A_1240 : i32 to index
        %get3A_1322 = arith.constant 112 : index
        %get3A_1323 = tpu.vector_load %arg7[%get3A_1320, %get3A_1321, %get3A_1322] {strides = array<i32>} : memref<8x104x128xf32, #tpu.memory_space<vmem>>, vector<1x1x16xf32>,
        %get3A_1324 = vector.shape_cast %get3A_1323 : vector<1x1x16xf32> to vector<16xf32>
        %mul3A_1325 = arith.constant 0.899999976 : f32
        %mul3A_1326 = vector.broadcast %mul3A_1325 : f32 to vector<16xf32>
        %mul3A_1327 = arith.mulf %mul3A_1326, %scan3A_1248 : vector<16xf32>
        %add3A_1328 = arith.addf %get3A_1324, %mul3A_1327 : vector<16xf32>
        %swap3A = arith.constant 3 : i32
        %swap3A_1329 = arith.index_cast %swap3A : i32 to index
        %swap3A_1330 = arith.index_cast %scan3A_1240 : i32 to index
        %swap3A_1331 = arith.constant 0 : index
        %swap3A_1332 = tpu.vector_load %arg7[%swap3A_1329, %swap3A_1330, %swap3A_1331] {strides = array<i32>} : memref<8x104x128xf32, #tpu.memory_space<vmem>>, vector<1x1x16xf32>,
        %swap3A_1333 = vector.shape_cast %swap3A_1332 : vector<1x1x16xf32> to vector<16xf32>
        %swap3A_1334 = vector.shape_cast %add3A_1258 : vector<16xf32> to vector<1x1x16xf32>
        tpu.vector_store %arg7[%swap3A_1329, %swap3A_1330, %swap3A_1331], %swap3A_1334 {strides = array<i32>} : memref<8x104x128xf32, #tpu.memory_space<vmem>>, vector<1x1x16xf32>,
        %swap3A_1335 = arith.constant 3 : i32
        %swap3A_1336 = arith.index_cast %swap3A_1335 : i32 to index
        %swap3A_1337 = arith.index_cast %scan3A_1240 : i32 to index
        %swap3A_1338 = arith.constant 16 : index
        %swap3A_1339 = tpu.vector_load %arg7[%swap3A_1336, %swap3A_1337, %swap3A_1338] {strides = array<i32>} : memref<8x104x128xf32, #tpu.memory_space<vmem>>, vector<1x1x16xf32>,
        %swap3A_1340 = vector.shape_cast %swap3A_1339 : vector<1x1x16xf32> to vector<16xf32>
        %swap3A_1341 = vector.shape_cast %add3A_1268 : vector<16xf32> to vector<1x1x16xf32>
        tpu.vector_store %arg7[%swap3A_1336, %swap3A_1337, %swap3A_1338], %swap3A_1341 {strides = array<i32>} : memref<8x104x128xf32, #tpu.memory_space<vmem>>, vector<1x1x16xf32>,
        %swap3A_1342 = arith.constant 3 : i32
        %swap3A_1343 = arith.index_cast %swap3A_1342 : i32 to index
        %swap3A_1344 = arith.index_cast %scan3A_1240 : i32 to index
        %swap3A_1345 = arith.constant 32 : index
        %swap3A_1346 = tpu.vector_load %arg7[%swap3A_1343, %swap3A_1344, %swap3A_1345] {strides = array<i32>} : memref<8x104x128xf32, #tpu.memory_space<vmem>>, vector<1x1x16xf32>,
        %swap3A_1347 = vector.shape_cast %swap3A_1346 : vector<1x1x16xf32> to vector<16xf32>
        %swap3A_1348 = vector.shape_cast %add3A_1278 : vector<16xf32> to vector<1x1x16xf32>
        tpu.vector_store %arg7[%swap3A_1343, %swap3A_1344, %swap3A_1345], %swap3A_1348 {strides = array<i32>} : memref<8x104x128xf32, #tpu.memory_space<vmem>>, vector<1x1x16xf32>,
        %swap3A_1349 = arith.constant 3 : i32
        %swap3A_1350 = arith.index_cast %swap3A_1349 : i32 to index
        %swap3A_1351 = arith.index_cast %scan3A_1240 : i32 to index
        %swap3A_1352 = arith.constant 48 : index
        %swap3A_1353 = tpu.vector_load %arg7[%swap3A_1350, %swap3A_1351, %swap3A_1352] {strides = array<i32>} : memref<8x104x128xf32, #tpu.memory_space<vmem>>, vector<1x1x16xf32>,
        %swap3A_1354 = vector.shape_cast %swap3A_1353 : vector<1x1x16xf32> to vector<16xf32>
        %swap3A_1355 = vector.shape_cast %add3A_1288 : vector<16xf32> to vector<1x1x16xf32>
        tpu.vector_store %arg7[%swap3A_1350, %swap3A_1351, %swap3A_1352], %swap3A_1355 {strides = array<i32>} : memref<8x104x128xf32, #tpu.memory_space<vmem>>, vector<1x1x16xf32>,
        %swap3A_1356 = arith.constant 3 : i32
        %swap3A_1357 = arith.index_cast %swap3A_1356 : i32 to index
        %swap3A_1358 = arith.index_cast %scan3A_1240 : i32 to index
        %swap3A_1359 = arith.constant 64 : index
        %swap3A_1360 = tpu.vector_load %arg7[%swap3A_1357, %swap3A_1358, %swap3A_1359] {strides = array<i32>} : memref<8x104x128xf32, #tpu.memory_space<vmem>>, vector<1x1x16xf32>,
        %swap3A_1361 = vector.shape_cast %swap3A_1360 : vector<1x1x16xf32> to vector<16xf32>
        %swap3A_1362 = vector.shape_cast %add3A_1298 : vector<16xf32> to vector<1x1x16xf32>
        tpu.vector_store %arg7[%swap3A_1357, %swap3A_1358, %swap3A_1359], %swap3A_1362 {strides = array<i32>} : memref<8x104x128xf32, #tpu.memory_space<vmem>>, vector<1x1x16xf32>,
        %swap3A_1363 = arith.constant 3 : i32
        %swap3A_1364 = arith.index_cast %swap3A_1363 : i32 to index
        %swap3A_1365 = arith.index_cast %scan3A_1240 : i32 to index
        %swap3A_1366 = arith.constant 80 : index
        %swap3A_1367 = tpu.vector_load %arg7[%swap3A_1364, %swap3A_1365, %swap3A_1366] {strides = array<i32>} : memref<8x104x128xf32, #tpu.memory_space<vmem>>, vector<1x1x16xf32>,
        %swap3A_1368 = vector.shape_cast %swap3A_1367 : vector<1x1x16xf32> to vector<16xf32>
        %swap3A_1369 = vector.shape_cast %add3A_1308 : vector<16xf32> to vector<1x1x16xf32>
        tpu.vector_store %arg7[%swap3A_1364, %swap3A_1365, %swap3A_1366], %swap3A_1369 {strides = array<i32>} : memref<8x104x128xf32, #tpu.memory_space<vmem>>, vector<1x1x16xf32>,
        %swap3A_1370 = arith.constant 3 : i32
        %swap3A_1371 = arith.index_cast %swap3A_1370 : i32 to index
        %swap3A_1372 = arith.index_cast %scan3A_1240 : i32 to index
        %swap3A_1373 = arith.constant 96 : index
        %swap3A_1374 = tpu.vector_load %arg7[%swap3A_1371, %swap3A_1372, %swap3A_1373] {strides = array<i32>} : memref<8x104x128xf32, #tpu.memory_space<vmem>>, vector<1x1x16xf32>,
        %swap3A_1375 = vector.shape_cast %swap3A_1374 : vector<1x1x16xf32> to vector<16xf32>
        %swap3A_1376 = vector.shape_cast %add3A_1318 : vector<16xf32> to vector<1x1x16xf32>
        tpu.vector_store %arg7[%swap3A_1371, %swap3A_1372, %swap3A_1373], %swap3A_1376 {strides = array<i32>} : memref<8x104x128xf32, #tpu.memory_space<vmem>>, vector<1x1x16xf32>,
        %swap3A_1377 = arith.constant 3 : i32
        %swap3A_1378 = arith.index_cast %swap3A_1377 : i32 to index
        %swap3A_1379 = arith.index_cast %scan3A_1240 : i32 to index
        %swap3A_1380 = arith.constant 112 : index
        %swap3A_1381 = tpu.vector_load %arg7[%swap3A_1378, %swap3A_1379, %swap3A_1380] {strides = array<i32>} : memref<8x104x128xf32, #tpu.memory_space<vmem>>, vector<1x1x16xf32>,
        %swap3A_1382 = vector.shape_cast %swap3A_1381 : vector<1x1x16xf32> to vector<16xf32>
        %swap3A_1383 = vector.shape_cast %add3A_1328 : vector<16xf32> to vector<1x1x16xf32>
        tpu.vector_store %arg7[%swap3A_1378, %swap3A_1379, %swap3A_1380], %swap3A_1383 {strides = array<i32>} : memref<8x104x128xf32, #tpu.memory_space<vmem>>, vector<1x1x16xf32>,
        scf.yield %add3A_1258, %add3A_1268, %add3A_1278, %add3A_1288, %add3A_1298, %add3A_1308, %add3A_1318, %add3A_1328 : vector<16xf32>, vector<16xf32>, vector<16xf32>, vector<16xf32>, vector<16xf32>, vector<16xf32>, vector<16xf32>, vector<16xf32>
      }
      %scan3A_690 = arith.constant 96 : i32
      %jit3A_691 = arith.constant 2 : i32
      %div3A_692 = arith.divsi %add3A_639, %jit3A_691 : i32
      %sign3A_693 = arith.constant 0 : i32
      %sign3A_694 = arith.cmpi sgt, %add3A_639, %sign3A_693 : i32
      %sign3A_695 = arith.extui %sign3A_694 : i1 to i32
      %sign3A_696 = arith.constant 0 : i32
      %sign3A_697 = arith.cmpi slt, %add3A_639, %sign3A_696 : i32
      %sign3A_698 = arith.extui %sign3A_697 : i1 to i32
      %sign3A_699 = arith.subi %sign3A_695, %sign3A_698 : i32
      %sign3A_700 = arith.constant 0 : i32
      %sign3A_701 = arith.cmpi sgt, %jit3A_691, %sign3A_700 : i32
      %sign3A_702 = arith.extui %sign3A_701 : i1 to i32
      %sign3A_703 = arith.constant 0 : i32
      %sign3A_704 = arith.cmpi slt, %jit3A_691, %sign3A_703 : i32
      %sign3A_705 = arith.extui %sign3A_704 : i1 to i32
      %sign3A_706 = arith.subi %sign3A_702, %sign3A_705 : i32
      %ne3A_707 = arith.cmpi ne, %sign3A_699, %sign3A_706 : i32
      %rem3A_708 = arith.remsi %add3A_639, %jit3A_691 : i32
      %ne3A_709 = arith.constant 0 : i32
      %ne3A_710 = arith.cmpi ne, %rem3A_708, %ne3A_709 : i32
      %and3A_711 = arith.andi %ne3A_707, %ne3A_710 : i1
      %sub3A_712 = arith.constant 1 : i32
      %sub3A_713 = arith.subi %div3A_692, %sub3A_712 : i32
      %select_n3A_714 = arith.select %and3A_711, %sub3A_713, %div3A_692 : i32
      %add3A_715 = arith.addi %mul3A_2, %select_n3A_714 : i32
      %mul3A_716 = arith.constant 200 : i32
      %mul3A_717 = arith.muli %add3A_715, %mul3A_716 : i32
      %add3A_718 = arith.constant 104 : i32
      %add3A_719 = arith.addi %mul3A_717, %add3A_718 : i32
      %dma_start3A_720 = arith.constant 3 : i32
      %dma_start3A_721 = arith.constant 3 : i32
      %dma_start3A_722 = arith.constant 0 : i32
      %dma_start3A_723 = arith.constant 0 : i32
      %dma_start3A_724 = tpu.memref_slice %arg7[%dma_start3A_720, %dma_start3A_722, %dma_start3A_723] : memref<8x104x128xf32, #tpu.memory_space<vmem>> -> memref<1x96x128xf32, #tpu.memory_space<vmem>>
      %dma_start3A_725 = tpu.memref_squeeze %dma_start3A_724 : memref<1x96x128xf32, #tpu.memory_space<vmem>> -> memref<96x128xf32, #tpu.memory_space<vmem>>
      %dma_start3A_726 = arith.constant 0 : i32
      %dma_start3A_727 = tpu.memref_slice %arg5[%add3A_719, %dma_start3A_726] : memref<204800x128xf32, #tpu.memory_space<hbm>> -> memref<96x128xf32, #tpu.memory_space<hbm>>
      %dma_start3A_728 = tpu.memref_slice %arg10[%dma_start3A_721] : memref<8x!tpu.dma_semaphore, #tpu.memory_space<semaphore_mem>> -> memref<1x!tpu.dma_semaphore, #tpu.memory_space<semaphore_mem>>
      %dma_start3A_729 = tpu.memref_squeeze %dma_start3A_728 : memref<1x!tpu.dma_semaphore, #tpu.memory_space<semaphore_mem>> -> memref<!tpu.dma_semaphore, #tpu.memory_space<semaphore_mem>>
      %dma_start3A_730 = arith.constant 0 : i32
      %dma_start3A_731 = tpu.memref_slice %arg5[%add3A_719, %dma_start3A_730] : memref<204800x128xf32, #tpu.memory_space<hbm>> -> memref<96x128xf32, #tpu.memory_space<hbm>>
      %dma_start3A_732 = arith.constant 0 : i32
      %dma_start3A_733 = arith.constant 0 : i32
      %dma_start3A_734 = tpu.memref_slice %arg7[%dma_start3A_720, %dma_start3A_732, %dma_start3A_733] : memref<8x104x128xf32, #tpu.memory_space<vmem>> -> memref<1x96x128xf32, #tpu.memory_space<vmem>>
      %dma_start3A_735 = tpu.memref_squeeze %dma_start3A_734 : memref<1x96x128xf32, #tpu.memory_space<vmem>> -> memref<96x128xf32, #tpu.memory_space<vmem>>
      tpu.enqueue_dma source(%dma_start3A_735 : memref<96x128xf32, #tpu.memory_space<vmem>>) target(%dma_start3A_731 : memref<96x128xf32, #tpu.memory_space<hbm>>) target_semaphore(%dma_start3A_729 : memref<!tpu.dma_semaphore, #tpu.memory_space<semaphore_mem>>)
      %add3A_736 = arith.constant 4 : i32
      %add3A_737 = arith.addi %add3A_241, %add3A_736 : i32
      %lt3A_738 = arith.constant 60 : i32
      %lt3A_739 = arith.cmpi slt, %add3A_737, %lt3A_738 : i32
      %convert_element_type3A_740 = arith.extui %lt3A_739 : i1 to i32
      %cond3A_741 = arith.constant 0 : i32
      %cond3A_742 = arith.cmpi ne, %convert_element_type3A_740, %cond3A_741 : i32
      scf.if %cond3A_742 {
        %ge3A = arith.constant 4 : i32
        %ge3A_1240 = arith.cmpi sge, %add3A_737, %ge3A : i32
        %convert_element_type3A_1241 = arith.extui %ge3A_1240 : i1 to i32
        %cond3A_1242 = arith.constant 0 : i32
        %cond3A_1243 = arith.cmpi ne, %convert_element_type3A_1241, %cond3A_1242 : i32
        scf.if %cond3A_1243 {
          %sub3A_1286 = arith.constant 4 : i32
          %sub3A_1287 = arith.subi %add3A_737, %sub3A_1286 : i32
          %jit3A_1288 = arith.constant 2 : i32
          %div3A_1289 = arith.divsi %sub3A_1287, %jit3A_1288 : i32
          %sign3A_1290 = arith.constant 0 : i32
          %sign3A_1291 = arith.cmpi sgt, %sub3A_1287, %sign3A_1290 : i32
          %sign3A_1292 = arith.extui %sign3A_1291 : i1 to i32
          %sign3A_1293 = arith.constant 0 : i32
          %sign3A_1294 = arith.cmpi slt, %sub3A_1287, %sign3A_1293 : i32
          %sign3A_1295 = arith.extui %sign3A_1294 : i1 to i32
          %sign3A_1296 = arith.subi %sign3A_1292, %sign3A_1295 : i32
          %sign3A_1297 = arith.constant 0 : i32
          %sign3A_1298 = arith.cmpi sgt, %jit3A_1288, %sign3A_1297 : i32
          %sign3A_1299 = arith.extui %sign3A_1298 : i1 to i32
          %sign3A_1300 = arith.constant 0 : i32
          %sign3A_1301 = arith.cmpi slt, %jit3A_1288, %sign3A_1300 : i32
          %sign3A_1302 = arith.extui %sign3A_1301 : i1 to i32
          %sign3A_1303 = arith.subi %sign3A_1299, %sign3A_1302 : i32
          %ne3A_1304 = arith.cmpi ne, %sign3A_1296, %sign3A_1303 : i32
          %rem3A_1305 = arith.remsi %sub3A_1287, %jit3A_1288 : i32
          %ne3A_1306 = arith.constant 0 : i32
          %ne3A_1307 = arith.cmpi ne, %rem3A_1305, %ne3A_1306 : i32
          %and3A_1308 = arith.andi %ne3A_1304, %ne3A_1307 : i1
          %sub3A_1309 = arith.constant 1 : i32
          %sub3A_1310 = arith.subi %div3A_1289, %sub3A_1309 : i32
          %select_n3A_1311 = arith.select %and3A_1308, %sub3A_1310, %div3A_1289 : i32
          %add3A_1312 = arith.addi %mul3A_2, %select_n3A_1311 : i32
          %mul3A_1313 = arith.constant 200 : i32
          %mul3A_1314 = arith.muli %add3A_1312, %mul3A_1313 : i32
          %add3A_1315 = arith.constant 0 : i32
          %add3A_1316 = arith.addi %mul3A_1314, %add3A_1315 : i32
          %dma_wait3A_1317 = arith.constant 0 : i32
          %dma_wait3A_1318 = arith.constant 0 : i32
          %dma_wait3A_1319 = arith.constant 0 : i32
          %dma_wait3A_1320 = arith.constant 0 : i32
          %dma_wait3A_1321 = tpu.memref_slice %arg7[%dma_wait3A_1317, %dma_wait3A_1319, %dma_wait3A_1320] : memref<8x104x128xf32, #tpu.memory_space<vmem>> -> memref<1x104x128xf32, #tpu.memory_space<vmem>>
          %dma_wait3A_1322 = tpu.memref_squeeze %dma_wait3A_1321 : memref<1x104x128xf32, #tpu.memory_space<vmem>> -> memref<104x128xf32, #tpu.memory_space<vmem>>
          %dma_wait3A_1323 = arith.constant 0 : i32
          %dma_wait3A_1324 = tpu.memref_slice %arg5[%add3A_1316, %dma_wait3A_1323] : memref<204800x128xf32, #tpu.memory_space<hbm>> -> memref<104x128xf32, #tpu.memory_space<hbm>>
          %dma_wait3A_1325 = tpu.memref_slice %arg10[%dma_wait3A_1318] : memref<8x!tpu.dma_semaphore, #tpu.memory_space<semaphore_mem>> -> memref<1x!tpu.dma_semaphore, #tpu.memory_space<semaphore_mem>>
          %dma_wait3A_1326 = tpu.memref_squeeze %dma_wait3A_1325 : memref<1x!tpu.dma_semaphore, #tpu.memory_space<semaphore_mem>> -> memref<!tpu.dma_semaphore, #tpu.memory_space<semaphore_mem>>
          %dma_wait3A_1327 = arith.constant 0 : i32
          %dma_wait3A_1328 = tpu.memref_slice %arg5[%add3A_1316, %dma_wait3A_1327] : memref<204800x128xf32, #tpu.memory_space<hbm>> -> memref<104x128xf32, #tpu.memory_space<hbm>>
          %dma_wait3A_1329 = arith.constant 0 : i32
          %dma_wait3A_1330 = arith.constant 0 : i32
          %dma_wait3A_1331 = tpu.memref_slice %arg7[%dma_wait3A_1317, %dma_wait3A_1329, %dma_wait3A_1330] : memref<8x104x128xf32, #tpu.memory_space<vmem>> -> memref<1x104x128xf32, #tpu.memory_space<vmem>>
          %dma_wait3A_1332 = tpu.memref_squeeze %dma_wait3A_1331 : memref<1x104x128xf32, #tpu.memory_space<vmem>> -> memref<104x128xf32, #tpu.memory_space<vmem>>
          tpu.wait_dma2 semaphore(%dma_wait3A_1326 : memref<!tpu.dma_semaphore, #tpu.memory_space<semaphore_mem>>) src(%dma_wait3A_1332 : memref<104x128xf32, #tpu.memory_space<vmem>>) dst(%dma_wait3A_1328 : memref<104x128xf32, #tpu.memory_space<hbm>>)
        } else {
        }
        %add3A_1244 = arith.constant 4 : i32
        %add3A_1245 = arith.addi %add3A_737, %add3A_1244 : i32
        %jit3A_1246 = arith.constant 2 : i32
        %div3A_1247 = arith.divsi %add3A_1245, %jit3A_1246 : i32
        %sign3A_1248 = arith.constant 0 : i32
        %sign3A_1249 = arith.cmpi sgt, %add3A_1245, %sign3A_1248 : i32
        %sign3A_1250 = arith.extui %sign3A_1249 : i1 to i32
        %sign3A_1251 = arith.constant 0 : i32
        %sign3A_1252 = arith.cmpi slt, %add3A_1245, %sign3A_1251 : i32
        %sign3A_1253 = arith.extui %sign3A_1252 : i1 to i32
        %sign3A_1254 = arith.subi %sign3A_1250, %sign3A_1253 : i32
        %sign3A_1255 = arith.constant 0 : i32
        %sign3A_1256 = arith.cmpi sgt, %jit3A_1246, %sign3A_1255 : i32
        %sign3A_1257 = arith.extui %sign3A_1256 : i1 to i32
        %sign3A_1258 = arith.constant 0 : i32
        %sign3A_1259 = arith.cmpi slt, %jit3A_1246, %sign3A_1258 : i32
        %sign3A_1260 = arith.extui %sign3A_1259 : i1 to i32
        %sign3A_1261 = arith.subi %sign3A_1257, %sign3A_1260 : i32
        %ne3A_1262 = arith.cmpi ne, %sign3A_1254, %sign3A_1261 : i32
        %rem3A_1263 = arith.remsi %add3A_1245, %jit3A_1246 : i32
        %ne3A_1264 = arith.constant 0 : i32
        %ne3A_1265 = arith.cmpi ne, %rem3A_1263, %ne3A_1264 : i32
        %and3A_1266 = arith.andi %ne3A_1262, %ne3A_1265 : i1
        %sub3A_1267 = arith.constant 1 : i32
        %sub3A_1268 = arith.subi %div3A_1247, %sub3A_1267 : i32
        %select_n3A_1269 = arith.select %and3A_1266, %sub3A_1268, %div3A_1247 : i32
        %mul3A_1270 = arith.constant 200 : i32
        %mul3A_1271 = arith.muli %select_n3A_1269, %mul3A_1270 : i32
        %add3A_1272 = arith.constant 0 : i32
        %add3A_1273 = arith.addi %mul3A_1271, %add3A_1272 : i32
        %dma_start3A_1274 = arith.constant 0 : i32
        %dma_start3A_1275 = arith.constant 0 : i32
        %dma_start3A_1276 = arith.constant 0 : i32
        %dma_start3A_1277 = arith.constant 0 : i32
        %dma_start3A_1278 = tpu.memref_slice %arg7[%dma_start3A_1274, %dma_start3A_1276, %dma_start3A_1277] : memref<8x104x128xf32, #tpu.memory_space<vmem>> -> memref<1x104x128xf32, #tpu.memory_space<vmem>>
        %dma_start3A_1279 = tpu.memref_squeeze %dma_start3A_1278 : memref<1x104x128xf32, #tpu.memory_space<vmem>> -> memref<104x128xf32, #tpu.memory_space<vmem>>
        %dma_start3A_1280 = tpu.memref_slice %arg6[%add3A_1273] : memref<6400xi32, #tpu.memory_space<vmem>> -> memref<104xi32, #tpu.memory_space<vmem>>
        %dma_start3A_1281 = arith.constant 0 : i32
        %dma_start3A_1282 = arith.constant 0 : i32
        %dma_start3A_1283 = tpu.memref_slice %arg11[%dma_start3A_1281, %dma_start3A_1282] : memref<1000x128xf32, #tpu.memory_space<vmem_shared>> -> memref<1000x128xf32, #tpu.memory_space<vmem_shared>>
        %dma_start3A_1284 = tpu.memref_slice %arg9[%dma_start3A_1275] : memref<8x!tpu.dma_semaphore, #tpu.memory_space<semaphore_mem>> -> memref<1x!tpu.dma_semaphore, #tpu.memory_space<semaphore_mem>>
        %dma_start3A_1285 = tpu.memref_squeeze %dma_start3A_1284 : memref<1x!tpu.dma_semaphore, #tpu.memory_space<semaphore_mem>> -> memref<!tpu.dma_semaphore, #tpu.memory_space<semaphore_mem>>
        tpu.enqueue_indirect_dma source(%dma_start3A_1283 : memref<1000x128xf32, #tpu.memory_space<vmem_shared>>) target(%dma_start3A_1279 : memref<104x128xf32, #tpu.memory_space<vmem>>) offsets(%dma_start3A_1280 : memref<104xi32, #tpu.memory_space<vmem>>) semaphore(%dma_start3A_1285 : memref<!tpu.dma_semaphore, #tpu.memory_space<semaphore_mem>>)
      } else {
      }
      %jit3A_743 = arith.constant 2 : i32
      %div3A_744 = arith.divsi %add3A_737, %jit3A_743 : i32
      %sign3A_745 = arith.constant 0 : i32
      %sign3A_746 = arith.cmpi sgt, %add3A_737, %sign3A_745 : i32
      %sign3A_747 = arith.extui %sign3A_746 : i1 to i32
      %sign3A_748 = arith.constant 0 : i32
      %sign3A_749 = arith.cmpi slt, %add3A_737, %sign3A_748 : i32
      %sign3A_750 = arith.extui %sign3A_749 : i1 to i32
      %sign3A_751 = arith.subi %sign3A_747, %sign3A_750 : i32
      %sign3A_752 = arith.constant 0 : i32
      %sign3A_753 = arith.cmpi sgt, %jit3A_743, %sign3A_752 : i32
      %sign3A_754 = arith.extui %sign3A_753 : i1 to i32
      %sign3A_755 = arith.constant 0 : i32
      %sign3A_756 = arith.cmpi slt, %jit3A_743, %sign3A_755 : i32
      %sign3A_757 = arith.extui %sign3A_756 : i1 to i32
      %sign3A_758 = arith.subi %sign3A_754, %sign3A_757 : i32
      %ne3A_759 = arith.cmpi ne, %sign3A_751, %sign3A_758 : i32
      %rem3A_760 = arith.remsi %add3A_737, %jit3A_743 : i32
      %ne3A_761 = arith.constant 0 : i32
      %ne3A_762 = arith.cmpi ne, %rem3A_760, %ne3A_761 : i32
      %and3A_763 = arith.andi %ne3A_759, %ne3A_762 : i1
      %sub3A_764 = arith.constant 1 : i32
      %sub3A_765 = arith.subi %div3A_744, %sub3A_764 : i32
      %select_n3A_766 = arith.select %and3A_763, %sub3A_765, %div3A_744 : i32
      %mul3A_767 = arith.constant 200 : i32
      %mul3A_768 = arith.muli %select_n3A_766, %mul3A_767 : i32
      %add3A_769 = arith.constant 0 : i32
      %add3A_770 = arith.addi %mul3A_768, %add3A_769 : i32
      %dma_wait3A_771 = arith.constant 4 : i32
      %dma_wait3A_772 = arith.constant 4 : i32
      %dma_wait3A_773 = arith.constant 0 : i32
      %dma_wait3A_774 = arith.constant 0 : i32
      %dma_wait3A_775 = tpu.memref_slice %arg7[%dma_wait3A_771, %dma_wait3A_773, %dma_wait3A_774] : memref<8x104x128xf32, #tpu.memory_space<vmem>> -> memref<1x104x128xf32, #tpu.memory_space<vmem>>
      %dma_wait3A_776 = tpu.memref_squeeze %dma_wait3A_775 : memref<1x104x128xf32, #tpu.memory_space<vmem>> -> memref<104x128xf32, #tpu.memory_space<vmem>>
      %dma_wait3A_777 = tpu.memref_slice %arg6[%add3A_770] : memref<6400xi32, #tpu.memory_space<vmem>> -> memref<104xi32, #tpu.memory_space<vmem>>
      %dma_wait3A_778 = arith.constant 0 : i32
      %dma_wait3A_779 = arith.constant 0 : i32
      %dma_wait3A_780 = tpu.memref_slice %arg11[%dma_wait3A_778, %dma_wait3A_779] : memref<1000x128xf32, #tpu.memory_space<vmem_shared>> -> memref<1000x128xf32, #tpu.memory_space<vmem_shared>>
      %dma_wait3A_781 = tpu.memref_slice %arg9[%dma_wait3A_772] : memref<8x!tpu.dma_semaphore, #tpu.memory_space<semaphore_mem>> -> memref<1x!tpu.dma_semaphore, #tpu.memory_space<semaphore_mem>>
      %dma_wait3A_782 = tpu.memref_squeeze %dma_wait3A_781 : memref<1x!tpu.dma_semaphore, #tpu.memory_space<semaphore_mem>> -> memref<!tpu.dma_semaphore, #tpu.memory_space<semaphore_mem>>
      tpu.wait_indirect_dma semaphore(%dma_wait3A_782 : memref<!tpu.dma_semaphore, #tpu.memory_space<semaphore_mem>>) src(%dma_wait3A_780 : memref<1000x128xf32, #tpu.memory_space<vmem_shared>>) dst(%dma_wait3A_776 : memref<104x128xf32, #tpu.memory_space<vmem>>)
      %jit3A_783 = arith.constant 2 : i32
      %div3A_784 = arith.divsi %add3A_737, %jit3A_783 : i32
      %sign3A_785 = arith.constant 0 : i32
      %sign3A_786 = arith.cmpi sgt, %add3A_737, %sign3A_785 : i32
      %sign3A_787 = arith.extui %sign3A_786 : i1 to i32
      %sign3A_788 = arith.constant 0 : i32
      %sign3A_789 = arith.cmpi slt, %add3A_737, %sign3A_788 : i32
      %sign3A_790 = arith.extui %sign3A_789 : i1 to i32
      %sign3A_791 = arith.subi %sign3A_787, %sign3A_790 : i32
      %sign3A_792 = arith.constant 0 : i32
      %sign3A_793 = arith.cmpi sgt, %jit3A_783, %sign3A_792 : i32
      %sign3A_794 = arith.extui %sign3A_793 : i1 to i32
      %sign3A_795 = arith.constant 0 : i32
      %sign3A_796 = arith.cmpi slt, %jit3A_783, %sign3A_795 : i32
      %sign3A_797 = arith.extui %sign3A_796 : i1 to i32
      %sign3A_798 = arith.subi %sign3A_794, %sign3A_797 : i32
      %ne3A_799 = arith.cmpi ne, %sign3A_791, %sign3A_798 : i32
      %rem3A_800 = arith.remsi %add3A_737, %jit3A_783 : i32
      %ne3A_801 = arith.constant 0 : i32
      %ne3A_802 = arith.cmpi ne, %rem3A_800, %ne3A_801 : i32
      %and3A_803 = arith.andi %ne3A_799, %ne3A_802 : i1
      %sub3A_804 = arith.constant 1 : i32
      %sub3A_805 = arith.subi %div3A_784, %sub3A_804 : i32
      %select_n3A_806 = arith.select %and3A_803, %sub3A_805, %div3A_784 : i32
      %get3A_807 = arith.index_cast %select_n3A_806 : i32 to index
      %get3A_808 = arith.constant 0 : index
      %get3A_809 = tpu.vector_load %arg8[%get3A_807, %get3A_808] {strides = array<i32>} : memref<32x128xf32, #tpu.memory_space<vmem>>, vector<1x16xf32>,
      %get3A_810 = vector.shape_cast %get3A_809 : vector<1x16xf32> to vector<16xf32>
      %get3A_811 = arith.index_cast %select_n3A_806 : i32 to index
      %get3A_812 = arith.constant 16 : index
      %get3A_813 = tpu.vector_load %arg8[%get3A_811, %get3A_812] {strides = array<i32>} : memref<32x128xf32, #tpu.memory_space<vmem>>, vector<1x16xf32>,
      %get3A_814 = vector.shape_cast %get3A_813 : vector<1x16xf32> to vector<16xf32>
      %get3A_815 = arith.index_cast %select_n3A_806 : i32 to index
      %get3A_816 = arith.constant 32 : index
      %get3A_817 = tpu.vector_load %arg8[%get3A_815, %get3A_816] {strides = array<i32>} : memref<32x128xf32, #tpu.memory_space<vmem>>, vector<1x16xf32>,
      %get3A_818 = vector.shape_cast %get3A_817 : vector<1x16xf32> to vector<16xf32>
      %get3A_819 = arith.index_cast %select_n3A_806 : i32 to index
      %get3A_820 = arith.constant 48 : index
      %get3A_821 = tpu.vector_load %arg8[%get3A_819, %get3A_820] {strides = array<i32>} : memref<32x128xf32, #tpu.memory_space<vmem>>, vector<1x16xf32>,
      %get3A_822 = vector.shape_cast %get3A_821 : vector<1x16xf32> to vector<16xf32>
      %get3A_823 = arith.index_cast %select_n3A_806 : i32 to index
      %get3A_824 = arith.constant 64 : index
      %get3A_825 = tpu.vector_load %arg8[%get3A_823, %get3A_824] {strides = array<i32>} : memref<32x128xf32, #tpu.memory_space<vmem>>, vector<1x16xf32>,
      %get3A_826 = vector.shape_cast %get3A_825 : vector<1x16xf32> to vector<16xf32>
      %get3A_827 = arith.index_cast %select_n3A_806 : i32 to index
      %get3A_828 = arith.constant 80 : index
      %get3A_829 = tpu.vector_load %arg8[%get3A_827, %get3A_828] {strides = array<i32>} : memref<32x128xf32, #tpu.memory_space<vmem>>, vector<1x16xf32>,
      %get3A_830 = vector.shape_cast %get3A_829 : vector<1x16xf32> to vector<16xf32>
      %get3A_831 = arith.index_cast %select_n3A_806 : i32 to index
      %get3A_832 = arith.constant 96 : index
      %get3A_833 = tpu.vector_load %arg8[%get3A_831, %get3A_832] {strides = array<i32>} : memref<32x128xf32, #tpu.memory_space<vmem>>, vector<1x16xf32>,
      %get3A_834 = vector.shape_cast %get3A_833 : vector<1x16xf32> to vector<16xf32>
      %get3A_835 = arith.index_cast %select_n3A_806 : i32 to index
      %get3A_836 = arith.constant 112 : index
      %get3A_837 = tpu.vector_load %arg8[%get3A_835, %get3A_836] {strides = array<i32>} : memref<32x128xf32, #tpu.memory_space<vmem>>, vector<1x16xf32>,
      %get3A_838 = vector.shape_cast %get3A_837 : vector<1x16xf32> to vector<16xf32>
      %scan3A_839 = arith.constant 0 : i32
      %scan3A_840 = arith.constant 104 : i32
      %scan3A_841 = arith.addi %scan3A_839, %scan3A_840 : i32
      %scan3A_842 = arith.constant 1 : i32
      %scan3A_843:8 = scf.for %scan3A_1240 = %scan3A_839 to %scan3A_841 step %scan3A_842 iter_args(%scan3A_1241 = %get3A_810, %scan3A_1242 = %get3A_814, %scan3A_1243 = %get3A_818, %scan3A_1244 = %get3A_822, %scan3A_1245 = %get3A_826, %scan3A_1246 = %get3A_830, %scan3A_1247 = %get3A_834, %scan3A_1248 = %get3A_838) -> (vector<16xf32>, vector<16xf32>, vector<16xf32>, vector<16xf32>, vector<16xf32>, vector<16xf32>, vector<16xf32>, vector<16xf32>)  : i32 {
        %get3A_1249 = arith.constant 4 : i32
        %get3A_1250 = arith.index_cast %get3A_1249 : i32 to index
        %get3A_1251 = arith.index_cast %scan3A_1240 : i32 to index
        %get3A_1252 = arith.constant 0 : index
        %get3A_1253 = tpu.vector_load %arg7[%get3A_1250, %get3A_1251, %get3A_1252] {strides = array<i32>} : memref<8x104x128xf32, #tpu.memory_space<vmem>>, vector<1x1x16xf32>,
        %get3A_1254 = vector.shape_cast %get3A_1253 : vector<1x1x16xf32> to vector<16xf32>
        %mul3A_1255 = arith.constant 0.899999976 : f32
        %mul3A_1256 = vector.broadcast %mul3A_1255 : f32 to vector<16xf32>
        %mul3A_1257 = arith.mulf %mul3A_1256, %scan3A_1241 : vector<16xf32>
        %add3A_1258 = arith.addf %get3A_1254, %mul3A_1257 : vector<16xf32>
        %get3A_1259 = arith.constant 4 : i32
        %get3A_1260 = arith.index_cast %get3A_1259 : i32 to index
        %get3A_1261 = arith.index_cast %scan3A_1240 : i32 to index
        %get3A_1262 = arith.constant 16 : index
        %get3A_1263 = tpu.vector_load %arg7[%get3A_1260, %get3A_1261, %get3A_1262] {strides = array<i32>} : memref<8x104x128xf32, #tpu.memory_space<vmem>>, vector<1x1x16xf32>,
        %get3A_1264 = vector.shape_cast %get3A_1263 : vector<1x1x16xf32> to vector<16xf32>
        %mul3A_1265 = arith.constant 0.899999976 : f32
        %mul3A_1266 = vector.broadcast %mul3A_1265 : f32 to vector<16xf32>
        %mul3A_1267 = arith.mulf %mul3A_1266, %scan3A_1242 : vector<16xf32>
        %add3A_1268 = arith.addf %get3A_1264, %mul3A_1267 : vector<16xf32>
        %get3A_1269 = arith.constant 4 : i32
        %get3A_1270 = arith.index_cast %get3A_1269 : i32 to index
        %get3A_1271 = arith.index_cast %scan3A_1240 : i32 to index
        %get3A_1272 = arith.constant 32 : index
        %get3A_1273 = tpu.vector_load %arg7[%get3A_1270, %get3A_1271, %get3A_1272] {strides = array<i32>} : memref<8x104x128xf32, #tpu.memory_space<vmem>>, vector<1x1x16xf32>,
        %get3A_1274 = vector.shape_cast %get3A_1273 : vector<1x1x16xf32> to vector<16xf32>
        %mul3A_1275 = arith.constant 0.899999976 : f32
        %mul3A_1276 = vector.broadcast %mul3A_1275 : f32 to vector<16xf32>
        %mul3A_1277 = arith.mulf %mul3A_1276, %scan3A_1243 : vector<16xf32>
        %add3A_1278 = arith.addf %get3A_1274, %mul3A_1277 : vector<16xf32>
        %get3A_1279 = arith.constant 4 : i32
        %get3A_1280 = arith.index_cast %get3A_1279 : i32 to index
        %get3A_1281 = arith.index_cast %scan3A_1240 : i32 to index
        %get3A_1282 = arith.constant 48 : index
        %get3A_1283 = tpu.vector_load %arg7[%get3A_1280, %get3A_1281, %get3A_1282] {strides = array<i32>} : memref<8x104x128xf32, #tpu.memory_space<vmem>>, vector<1x1x16xf32>,
        %get3A_1284 = vector.shape_cast %get3A_1283 : vector<1x1x16xf32> to vector<16xf32>
        %mul3A_1285 = arith.constant 0.899999976 : f32
        %mul3A_1286 = vector.broadcast %mul3A_1285 : f32 to vector<16xf32>
        %mul3A_1287 = arith.mulf %mul3A_1286, %scan3A_1244 : vector<16xf32>
        %add3A_1288 = arith.addf %get3A_1284, %mul3A_1287 : vector<16xf32>
        %get3A_1289 = arith.constant 4 : i32
        %get3A_1290 = arith.index_cast %get3A_1289 : i32 to index
        %get3A_1291 = arith.index_cast %scan3A_1240 : i32 to index
        %get3A_1292 = arith.constant 64 : index
        %get3A_1293 = tpu.vector_load %arg7[%get3A_1290, %get3A_1291, %get3A_1292] {strides = array<i32>} : memref<8x104x128xf32, #tpu.memory_space<vmem>>, vector<1x1x16xf32>,
        %get3A_1294 = vector.shape_cast %get3A_1293 : vector<1x1x16xf32> to vector<16xf32>
        %mul3A_1295 = arith.constant 0.899999976 : f32
        %mul3A_1296 = vector.broadcast %mul3A_1295 : f32 to vector<16xf32>
        %mul3A_1297 = arith.mulf %mul3A_1296, %scan3A_1245 : vector<16xf32>
        %add3A_1298 = arith.addf %get3A_1294, %mul3A_1297 : vector<16xf32>
        %get3A_1299 = arith.constant 4 : i32
        %get3A_1300 = arith.index_cast %get3A_1299 : i32 to index
        %get3A_1301 = arith.index_cast %scan3A_1240 : i32 to index
        %get3A_1302 = arith.constant 80 : index
        %get3A_1303 = tpu.vector_load %arg7[%get3A_1300, %get3A_1301, %get3A_1302] {strides = array<i32>} : memref<8x104x128xf32, #tpu.memory_space<vmem>>, vector<1x1x16xf32>,
        %get3A_1304 = vector.shape_cast %get3A_1303 : vector<1x1x16xf32> to vector<16xf32>
        %mul3A_1305 = arith.constant 0.899999976 : f32
        %mul3A_1306 = vector.broadcast %mul3A_1305 : f32 to vector<16xf32>
        %mul3A_1307 = arith.mulf %mul3A_1306, %scan3A_1246 : vector<16xf32>
        %add3A_1308 = arith.addf %get3A_1304, %mul3A_1307 : vector<16xf32>
        %get3A_1309 = arith.constant 4 : i32
        %get3A_1310 = arith.index_cast %get3A_1309 : i32 to index
        %get3A_1311 = arith.index_cast %scan3A_1240 : i32 to index
        %get3A_1312 = arith.constant 96 : index
        %get3A_1313 = tpu.vector_load %arg7[%get3A_1310, %get3A_1311, %get3A_1312] {strides = array<i32>} : memref<8x104x128xf32, #tpu.memory_space<vmem>>, vector<1x1x16xf32>,
        %get3A_1314 = vector.shape_cast %get3A_1313 : vector<1x1x16xf32> to vector<16xf32>
        %mul3A_1315 = arith.constant 0.899999976 : f32
        %mul3A_1316 = vector.broadcast %mul3A_1315 : f32 to vector<16xf32>
        %mul3A_1317 = arith.mulf %mul3A_1316, %scan3A_1247 : vector<16xf32>
        %add3A_1318 = arith.addf %get3A_1314, %mul3A_1317 : vector<16xf32>
        %get3A_1319 = arith.constant 4 : i32
        %get3A_1320 = arith.index_cast %get3A_1319 : i32 to index
        %get3A_1321 = arith.index_cast %scan3A_1240 : i32 to index
        %get3A_1322 = arith.constant 112 : index
        %get3A_1323 = tpu.vector_load %arg7[%get3A_1320, %get3A_1321, %get3A_1322] {strides = array<i32>} : memref<8x104x128xf32, #tpu.memory_space<vmem>>, vector<1x1x16xf32>,
        %get3A_1324 = vector.shape_cast %get3A_1323 : vector<1x1x16xf32> to vector<16xf32>
        %mul3A_1325 = arith.constant 0.899999976 : f32
        %mul3A_1326 = vector.broadcast %mul3A_1325 : f32 to vector<16xf32>
        %mul3A_1327 = arith.mulf %mul3A_1326, %scan3A_1248 : vector<16xf32>
        %add3A_1328 = arith.addf %get3A_1324, %mul3A_1327 : vector<16xf32>
        %swap3A = arith.constant 4 : i32
        %swap3A_1329 = arith.index_cast %swap3A : i32 to index
        %swap3A_1330 = arith.index_cast %scan3A_1240 : i32 to index
        %swap3A_1331 = arith.constant 0 : index
        %swap3A_1332 = tpu.vector_load %arg7[%swap3A_1329, %swap3A_1330, %swap3A_1331] {strides = array<i32>} : memref<8x104x128xf32, #tpu.memory_space<vmem>>, vector<1x1x16xf32>,
        %swap3A_1333 = vector.shape_cast %swap3A_1332 : vector<1x1x16xf32> to vector<16xf32>
        %swap3A_1334 = vector.shape_cast %add3A_1258 : vector<16xf32> to vector<1x1x16xf32>
        tpu.vector_store %arg7[%swap3A_1329, %swap3A_1330, %swap3A_1331], %swap3A_1334 {strides = array<i32>} : memref<8x104x128xf32, #tpu.memory_space<vmem>>, vector<1x1x16xf32>,
        %swap3A_1335 = arith.constant 4 : i32
        %swap3A_1336 = arith.index_cast %swap3A_1335 : i32 to index
        %swap3A_1337 = arith.index_cast %scan3A_1240 : i32 to index
        %swap3A_1338 = arith.constant 16 : index
        %swap3A_1339 = tpu.vector_load %arg7[%swap3A_1336, %swap3A_1337, %swap3A_1338] {strides = array<i32>} : memref<8x104x128xf32, #tpu.memory_space<vmem>>, vector<1x1x16xf32>,
        %swap3A_1340 = vector.shape_cast %swap3A_1339 : vector<1x1x16xf32> to vector<16xf32>
        %swap3A_1341 = vector.shape_cast %add3A_1268 : vector<16xf32> to vector<1x1x16xf32>
        tpu.vector_store %arg7[%swap3A_1336, %swap3A_1337, %swap3A_1338], %swap3A_1341 {strides = array<i32>} : memref<8x104x128xf32, #tpu.memory_space<vmem>>, vector<1x1x16xf32>,
        %swap3A_1342 = arith.constant 4 : i32
        %swap3A_1343 = arith.index_cast %swap3A_1342 : i32 to index
        %swap3A_1344 = arith.index_cast %scan3A_1240 : i32 to index
        %swap3A_1345 = arith.constant 32 : index
        %swap3A_1346 = tpu.vector_load %arg7[%swap3A_1343, %swap3A_1344, %swap3A_1345] {strides = array<i32>} : memref<8x104x128xf32, #tpu.memory_space<vmem>>, vector<1x1x16xf32>,
        %swap3A_1347 = vector.shape_cast %swap3A_1346 : vector<1x1x16xf32> to vector<16xf32>
        %swap3A_1348 = vector.shape_cast %add3A_1278 : vector<16xf32> to vector<1x1x16xf32>
        tpu.vector_store %arg7[%swap3A_1343, %swap3A_1344, %swap3A_1345], %swap3A_1348 {strides = array<i32>} : memref<8x104x128xf32, #tpu.memory_space<vmem>>, vector<1x1x16xf32>,
        %swap3A_1349 = arith.constant 4 : i32
        %swap3A_1350 = arith.index_cast %swap3A_1349 : i32 to index
        %swap3A_1351 = arith.index_cast %scan3A_1240 : i32 to index
        %swap3A_1352 = arith.constant 48 : index
        %swap3A_1353 = tpu.vector_load %arg7[%swap3A_1350, %swap3A_1351, %swap3A_1352] {strides = array<i32>} : memref<8x104x128xf32, #tpu.memory_space<vmem>>, vector<1x1x16xf32>,
        %swap3A_1354 = vector.shape_cast %swap3A_1353 : vector<1x1x16xf32> to vector<16xf32>
        %swap3A_1355 = vector.shape_cast %add3A_1288 : vector<16xf32> to vector<1x1x16xf32>
        tpu.vector_store %arg7[%swap3A_1350, %swap3A_1351, %swap3A_1352], %swap3A_1355 {strides = array<i32>} : memref<8x104x128xf32, #tpu.memory_space<vmem>>, vector<1x1x16xf32>,
        %swap3A_1356 = arith.constant 4 : i32
        %swap3A_1357 = arith.index_cast %swap3A_1356 : i32 to index
        %swap3A_1358 = arith.index_cast %scan3A_1240 : i32 to index
        %swap3A_1359 = arith.constant 64 : index
        %swap3A_1360 = tpu.vector_load %arg7[%swap3A_1357, %swap3A_1358, %swap3A_1359] {strides = array<i32>} : memref<8x104x128xf32, #tpu.memory_space<vmem>>, vector<1x1x16xf32>,
        %swap3A_1361 = vector.shape_cast %swap3A_1360 : vector<1x1x16xf32> to vector<16xf32>
        %swap3A_1362 = vector.shape_cast %add3A_1298 : vector<16xf32> to vector<1x1x16xf32>
        tpu.vector_store %arg7[%swap3A_1357, %swap3A_1358, %swap3A_1359], %swap3A_1362 {strides = array<i32>} : memref<8x104x128xf32, #tpu.memory_space<vmem>>, vector<1x1x16xf32>,
        %swap3A_1363 = arith.constant 4 : i32
        %swap3A_1364 = arith.index_cast %swap3A_1363 : i32 to index
        %swap3A_1365 = arith.index_cast %scan3A_1240 : i32 to index
        %swap3A_1366 = arith.constant 80 : index
        %swap3A_1367 = tpu.vector_load %arg7[%swap3A_1364, %swap3A_1365, %swap3A_1366] {strides = array<i32>} : memref<8x104x128xf32, #tpu.memory_space<vmem>>, vector<1x1x16xf32>,
        %swap3A_1368 = vector.shape_cast %swap3A_1367 : vector<1x1x16xf32> to vector<16xf32>
        %swap3A_1369 = vector.shape_cast %add3A_1308 : vector<16xf32> to vector<1x1x16xf32>
        tpu.vector_store %arg7[%swap3A_1364, %swap3A_1365, %swap3A_1366], %swap3A_1369 {strides = array<i32>} : memref<8x104x128xf32, #tpu.memory_space<vmem>>, vector<1x1x16xf32>,
        %swap3A_1370 = arith.constant 4 : i32
        %swap3A_1371 = arith.index_cast %swap3A_1370 : i32 to index
        %swap3A_1372 = arith.index_cast %scan3A_1240 : i32 to index
        %swap3A_1373 = arith.constant 96 : index
        %swap3A_1374 = tpu.vector_load %arg7[%swap3A_1371, %swap3A_1372, %swap3A_1373] {strides = array<i32>} : memref<8x104x128xf32, #tpu.memory_space<vmem>>, vector<1x1x16xf32>,
        %swap3A_1375 = vector.shape_cast %swap3A_1374 : vector<1x1x16xf32> to vector<16xf32>
        %swap3A_1376 = vector.shape_cast %add3A_1318 : vector<16xf32> to vector<1x1x16xf32>
        tpu.vector_store %arg7[%swap3A_1371, %swap3A_1372, %swap3A_1373], %swap3A_1376 {strides = array<i32>} : memref<8x104x128xf32, #tpu.memory_space<vmem>>, vector<1x1x16xf32>,
        %swap3A_1377 = arith.constant 4 : i32
        %swap3A_1378 = arith.index_cast %swap3A_1377 : i32 to index
        %swap3A_1379 = arith.index_cast %scan3A_1240 : i32 to index
        %swap3A_1380 = arith.constant 112 : index
        %swap3A_1381 = tpu.vector_load %arg7[%swap3A_1378, %swap3A_1379, %swap3A_1380] {strides = array<i32>} : memref<8x104x128xf32, #tpu.memory_space<vmem>>, vector<1x1x16xf32>,
        %swap3A_1382 = vector.shape_cast %swap3A_1381 : vector<1x1x16xf32> to vector<16xf32>
        %swap3A_1383 = vector.shape_cast %add3A_1328 : vector<16xf32> to vector<1x1x16xf32>
        tpu.vector_store %arg7[%swap3A_1378, %swap3A_1379, %swap3A_1380], %swap3A_1383 {strides = array<i32>} : memref<8x104x128xf32, #tpu.memory_space<vmem>>, vector<1x1x16xf32>,
        scf.yield %add3A_1258, %add3A_1268, %add3A_1278, %add3A_1288, %add3A_1298, %add3A_1308, %add3A_1318, %add3A_1328 : vector<16xf32>, vector<16xf32>, vector<16xf32>, vector<16xf32>, vector<16xf32>, vector<16xf32>, vector<16xf32>, vector<16xf32>
      }
      %scan3A_844 = arith.constant 104 : i32
      %jit3A_845 = arith.constant 2 : i32
      %div3A_846 = arith.divsi %add3A_737, %jit3A_845 : i32
      %sign3A_847 = arith.constant 0 : i32
      %sign3A_848 = arith.cmpi sgt, %add3A_737, %sign3A_847 : i32
      %sign3A_849 = arith.extui %sign3A_848 : i1 to i32
      %sign3A_850 = arith.constant 0 : i32
      %sign3A_851 = arith.cmpi slt, %add3A_737, %sign3A_850 : i32
      %sign3A_852 = arith.extui %sign3A_851 : i1 to i32
      %sign3A_853 = arith.subi %sign3A_849, %sign3A_852 : i32
      %sign3A_854 = arith.constant 0 : i32
      %sign3A_855 = arith.cmpi sgt, %jit3A_845, %sign3A_854 : i32
      %sign3A_856 = arith.extui %sign3A_855 : i1 to i32
      %sign3A_857 = arith.constant 0 : i32
      %sign3A_858 = arith.cmpi slt, %jit3A_845, %sign3A_857 : i32
      %sign3A_859 = arith.extui %sign3A_858 : i1 to i32
      %sign3A_860 = arith.subi %sign3A_856, %sign3A_859 : i32
      %ne3A_861 = arith.cmpi ne, %sign3A_853, %sign3A_860 : i32
      %rem3A_862 = arith.remsi %add3A_737, %jit3A_845 : i32
      %ne3A_863 = arith.constant 0 : i32
      %ne3A_864 = arith.cmpi ne, %rem3A_862, %ne3A_863 : i32
      %and3A_865 = arith.andi %ne3A_861, %ne3A_864 : i1
      %sub3A_866 = arith.constant 1 : i32
      %sub3A_867 = arith.subi %div3A_846, %sub3A_866 : i32
      %select_n3A_868 = arith.select %and3A_865, %sub3A_867, %div3A_846 : i32
      %add3A_869 = arith.addi %mul3A_2, %select_n3A_868 : i32
      %mul3A_870 = arith.constant 200 : i32
      %mul3A_871 = arith.muli %add3A_869, %mul3A_870 : i32
      %add3A_872 = arith.constant 0 : i32
      %add3A_873 = arith.addi %mul3A_871, %add3A_872 : i32
      %dma_start3A_874 = arith.constant 4 : i32
      %dma_start3A_875 = arith.constant 4 : i32
      %dma_start3A_876 = arith.constant 0 : i32
      %dma_start3A_877 = arith.constant 0 : i32
      %dma_start3A_878 = tpu.memref_slice %arg7[%dma_start3A_874, %dma_start3A_876, %dma_start3A_877] : memref<8x104x128xf32, #tpu.memory_space<vmem>> -> memref<1x104x128xf32, #tpu.memory_space<vmem>>
      %dma_start3A_879 = tpu.memref_squeeze %dma_start3A_878 : memref<1x104x128xf32, #tpu.memory_space<vmem>> -> memref<104x128xf32, #tpu.memory_space<vmem>>
      %dma_start3A_880 = arith.constant 0 : i32
      %dma_start3A_881 = tpu.memref_slice %arg5[%add3A_873, %dma_start3A_880] : memref<204800x128xf32, #tpu.memory_space<hbm>> -> memref<104x128xf32, #tpu.memory_space<hbm>>
      %dma_start3A_882 = tpu.memref_slice %arg10[%dma_start3A_875] : memref<8x!tpu.dma_semaphore, #tpu.memory_space<semaphore_mem>> -> memref<1x!tpu.dma_semaphore, #tpu.memory_space<semaphore_mem>>
      %dma_start3A_883 = tpu.memref_squeeze %dma_start3A_882 : memref<1x!tpu.dma_semaphore, #tpu.memory_space<semaphore_mem>> -> memref<!tpu.dma_semaphore, #tpu.memory_space<semaphore_mem>>
      %dma_start3A_884 = arith.constant 0 : i32
      %dma_start3A_885 = tpu.memref_slice %arg5[%add3A_873, %dma_start3A_884] : memref<204800x128xf32, #tpu.memory_space<hbm>> -> memref<104x128xf32, #tpu.memory_space<hbm>>
      %dma_start3A_886 = arith.constant 0 : i32
      %dma_start3A_887 = arith.constant 0 : i32
      %dma_start3A_888 = tpu.memref_slice %arg7[%dma_start3A_874, %dma_start3A_886, %dma_start3A_887] : memref<8x104x128xf32, #tpu.memory_space<vmem>> -> memref<1x104x128xf32, #tpu.memory_space<vmem>>
      %dma_start3A_889 = tpu.memref_squeeze %dma_start3A_888 : memref<1x104x128xf32, #tpu.memory_space<vmem>> -> memref<104x128xf32, #tpu.memory_space<vmem>>
      tpu.enqueue_dma source(%dma_start3A_889 : memref<104x128xf32, #tpu.memory_space<vmem>>) target(%dma_start3A_885 : memref<104x128xf32, #tpu.memory_space<hbm>>) target_semaphore(%dma_start3A_883 : memref<!tpu.dma_semaphore, #tpu.memory_space<semaphore_mem>>)
      %add3A_890 = arith.constant 5 : i32
      %add3A_891 = arith.addi %add3A_241, %add3A_890 : i32
      %lt3A_892 = arith.constant 60 : i32
      %lt3A_893 = arith.cmpi slt, %add3A_891, %lt3A_892 : i32
      %convert_element_type3A_894 = arith.extui %lt3A_893 : i1 to i32
      %cond3A_895 = arith.constant 0 : i32
      %cond3A_896 = arith.cmpi ne, %convert_element_type3A_894, %cond3A_895 : i32
      scf.if %cond3A_896 {
        %ge3A = arith.constant 4 : i32
        %ge3A_1240 = arith.cmpi sge, %add3A_891, %ge3A : i32
        %convert_element_type3A_1241 = arith.extui %ge3A_1240 : i1 to i32
        %cond3A_1242 = arith.constant 0 : i32
        %cond3A_1243 = arith.cmpi ne, %convert_element_type3A_1241, %cond3A_1242 : i32
        scf.if %cond3A_1243 {
          %sub3A_1286 = arith.constant 4 : i32
          %sub3A_1287 = arith.subi %add3A_891, %sub3A_1286 : i32
          %jit3A_1288 = arith.constant 2 : i32
          %div3A_1289 = arith.divsi %sub3A_1287, %jit3A_1288 : i32
          %sign3A_1290 = arith.constant 0 : i32
          %sign3A_1291 = arith.cmpi sgt, %sub3A_1287, %sign3A_1290 : i32
          %sign3A_1292 = arith.extui %sign3A_1291 : i1 to i32
          %sign3A_1293 = arith.constant 0 : i32
          %sign3A_1294 = arith.cmpi slt, %sub3A_1287, %sign3A_1293 : i32
          %sign3A_1295 = arith.extui %sign3A_1294 : i1 to i32
          %sign3A_1296 = arith.subi %sign3A_1292, %sign3A_1295 : i32
          %sign3A_1297 = arith.constant 0 : i32
          %sign3A_1298 = arith.cmpi sgt, %jit3A_1288, %sign3A_1297 : i32
          %sign3A_1299 = arith.extui %sign3A_1298 : i1 to i32
          %sign3A_1300 = arith.constant 0 : i32
          %sign3A_1301 = arith.cmpi slt, %jit3A_1288, %sign3A_1300 : i32
          %sign3A_1302 = arith.extui %sign3A_1301 : i1 to i32
          %sign3A_1303 = arith.subi %sign3A_1299, %sign3A_1302 : i32
          %ne3A_1304 = arith.cmpi ne, %sign3A_1296, %sign3A_1303 : i32
          %rem3A_1305 = arith.remsi %sub3A_1287, %jit3A_1288 : i32
          %ne3A_1306 = arith.constant 0 : i32
          %ne3A_1307 = arith.cmpi ne, %rem3A_1305, %ne3A_1306 : i32
          %and3A_1308 = arith.andi %ne3A_1304, %ne3A_1307 : i1
          %sub3A_1309 = arith.constant 1 : i32
          %sub3A_1310 = arith.subi %div3A_1289, %sub3A_1309 : i32
          %select_n3A_1311 = arith.select %and3A_1308, %sub3A_1310, %div3A_1289 : i32
          %add3A_1312 = arith.addi %mul3A_2, %select_n3A_1311 : i32
          %mul3A_1313 = arith.constant 200 : i32
          %mul3A_1314 = arith.muli %add3A_1312, %mul3A_1313 : i32
          %add3A_1315 = arith.constant 104 : i32
          %add3A_1316 = arith.addi %mul3A_1314, %add3A_1315 : i32
          %dma_wait3A_1317 = arith.constant 1 : i32
          %dma_wait3A_1318 = arith.constant 1 : i32
          %dma_wait3A_1319 = arith.constant 0 : i32
          %dma_wait3A_1320 = arith.constant 0 : i32
          %dma_wait3A_1321 = tpu.memref_slice %arg7[%dma_wait3A_1317, %dma_wait3A_1319, %dma_wait3A_1320] : memref<8x104x128xf32, #tpu.memory_space<vmem>> -> memref<1x96x128xf32, #tpu.memory_space<vmem>>
          %dma_wait3A_1322 = tpu.memref_squeeze %dma_wait3A_1321 : memref<1x96x128xf32, #tpu.memory_space<vmem>> -> memref<96x128xf32, #tpu.memory_space<vmem>>
          %dma_wait3A_1323 = arith.constant 0 : i32
          %dma_wait3A_1324 = tpu.memref_slice %arg5[%add3A_1316, %dma_wait3A_1323] : memref<204800x128xf32, #tpu.memory_space<hbm>> -> memref<96x128xf32, #tpu.memory_space<hbm>>
          %dma_wait3A_1325 = tpu.memref_slice %arg10[%dma_wait3A_1318] : memref<8x!tpu.dma_semaphore, #tpu.memory_space<semaphore_mem>> -> memref<1x!tpu.dma_semaphore, #tpu.memory_space<semaphore_mem>>
          %dma_wait3A_1326 = tpu.memref_squeeze %dma_wait3A_1325 : memref<1x!tpu.dma_semaphore, #tpu.memory_space<semaphore_mem>> -> memref<!tpu.dma_semaphore, #tpu.memory_space<semaphore_mem>>
          %dma_wait3A_1327 = arith.constant 0 : i32
          %dma_wait3A_1328 = tpu.memref_slice %arg5[%add3A_1316, %dma_wait3A_1327] : memref<204800x128xf32, #tpu.memory_space<hbm>> -> memref<96x128xf32, #tpu.memory_space<hbm>>
          %dma_wait3A_1329 = arith.constant 0 : i32
          %dma_wait3A_1330 = arith.constant 0 : i32
          %dma_wait3A_1331 = tpu.memref_slice %arg7[%dma_wait3A_1317, %dma_wait3A_1329, %dma_wait3A_1330] : memref<8x104x128xf32, #tpu.memory_space<vmem>> -> memref<1x96x128xf32, #tpu.memory_space<vmem>>
          %dma_wait3A_1332 = tpu.memref_squeeze %dma_wait3A_1331 : memref<1x96x128xf32, #tpu.memory_space<vmem>> -> memref<96x128xf32, #tpu.memory_space<vmem>>
          tpu.wait_dma2 semaphore(%dma_wait3A_1326 : memref<!tpu.dma_semaphore, #tpu.memory_space<semaphore_mem>>) src(%dma_wait3A_1332 : memref<96x128xf32, #tpu.memory_space<vmem>>) dst(%dma_wait3A_1328 : memref<96x128xf32, #tpu.memory_space<hbm>>)
        } else {
        }
        %add3A_1244 = arith.constant 4 : i32
        %add3A_1245 = arith.addi %add3A_891, %add3A_1244 : i32
        %jit3A_1246 = arith.constant 2 : i32
        %div3A_1247 = arith.divsi %add3A_1245, %jit3A_1246 : i32
        %sign3A_1248 = arith.constant 0 : i32
        %sign3A_1249 = arith.cmpi sgt, %add3A_1245, %sign3A_1248 : i32
        %sign3A_1250 = arith.extui %sign3A_1249 : i1 to i32
        %sign3A_1251 = arith.constant 0 : i32
        %sign3A_1252 = arith.cmpi slt, %add3A_1245, %sign3A_1251 : i32
        %sign3A_1253 = arith.extui %sign3A_1252 : i1 to i32
        %sign3A_1254 = arith.subi %sign3A_1250, %sign3A_1253 : i32
        %sign3A_1255 = arith.constant 0 : i32
        %sign3A_1256 = arith.cmpi sgt, %jit3A_1246, %sign3A_1255 : i32
        %sign3A_1257 = arith.extui %sign3A_1256 : i1 to i32
        %sign3A_1258 = arith.constant 0 : i32
        %sign3A_1259 = arith.cmpi slt, %jit3A_1246, %sign3A_1258 : i32
        %sign3A_1260 = arith.extui %sign3A_1259 : i1 to i32
        %sign3A_1261 = arith.subi %sign3A_1257, %sign3A_1260 : i32
        %ne3A_1262 = arith.cmpi ne, %sign3A_1254, %sign3A_1261 : i32
        %rem3A_1263 = arith.remsi %add3A_1245, %jit3A_1246 : i32
        %ne3A_1264 = arith.constant 0 : i32
        %ne3A_1265 = arith.cmpi ne, %rem3A_1263, %ne3A_1264 : i32
        %and3A_1266 = arith.andi %ne3A_1262, %ne3A_1265 : i1
        %sub3A_1267 = arith.constant 1 : i32
        %sub3A_1268 = arith.subi %div3A_1247, %sub3A_1267 : i32
        %select_n3A_1269 = arith.select %and3A_1266, %sub3A_1268, %div3A_1247 : i32
        %mul3A_1270 = arith.constant 200 : i32
        %mul3A_1271 = arith.muli %select_n3A_1269, %mul3A_1270 : i32
        %add3A_1272 = arith.constant 104 : i32
        %add3A_1273 = arith.addi %mul3A_1271, %add3A_1272 : i32
        %dma_start3A_1274 = arith.constant 1 : i32
        %dma_start3A_1275 = arith.constant 1 : i32
        %dma_start3A_1276 = arith.constant 0 : i32
        %dma_start3A_1277 = arith.constant 0 : i32
        %dma_start3A_1278 = tpu.memref_slice %arg7[%dma_start3A_1274, %dma_start3A_1276, %dma_start3A_1277] : memref<8x104x128xf32, #tpu.memory_space<vmem>> -> memref<1x96x128xf32, #tpu.memory_space<vmem>>
        %dma_start3A_1279 = tpu.memref_squeeze %dma_start3A_1278 : memref<1x96x128xf32, #tpu.memory_space<vmem>> -> memref<96x128xf32, #tpu.memory_space<vmem>>
        %dma_start3A_1280 = tpu.memref_slice %arg6[%add3A_1273] : memref<6400xi32, #tpu.memory_space<vmem>> -> memref<96xi32, #tpu.memory_space<vmem>>
        %dma_start3A_1281 = arith.constant 0 : i32
        %dma_start3A_1282 = arith.constant 0 : i32
        %dma_start3A_1283 = tpu.memref_slice %arg11[%dma_start3A_1281, %dma_start3A_1282] : memref<1000x128xf32, #tpu.memory_space<vmem_shared>> -> memref<1000x128xf32, #tpu.memory_space<vmem_shared>>
        %dma_start3A_1284 = tpu.memref_slice %arg9[%dma_start3A_1275] : memref<8x!tpu.dma_semaphore, #tpu.memory_space<semaphore_mem>> -> memref<1x!tpu.dma_semaphore, #tpu.memory_space<semaphore_mem>>
        %dma_start3A_1285 = tpu.memref_squeeze %dma_start3A_1284 : memref<1x!tpu.dma_semaphore, #tpu.memory_space<semaphore_mem>> -> memref<!tpu.dma_semaphore, #tpu.memory_space<semaphore_mem>>
        tpu.enqueue_indirect_dma source(%dma_start3A_1283 : memref<1000x128xf32, #tpu.memory_space<vmem_shared>>) target(%dma_start3A_1279 : memref<96x128xf32, #tpu.memory_space<vmem>>) offsets(%dma_start3A_1280 : memref<96xi32, #tpu.memory_space<vmem>>) semaphore(%dma_start3A_1285 : memref<!tpu.dma_semaphore, #tpu.memory_space<semaphore_mem>>)
      } else {
      }
      %jit3A_897 = arith.constant 2 : i32
      %div3A_898 = arith.divsi %add3A_891, %jit3A_897 : i32
      %sign3A_899 = arith.constant 0 : i32
      %sign3A_900 = arith.cmpi sgt, %add3A_891, %sign3A_899 : i32
      %sign3A_901 = arith.extui %sign3A_900 : i1 to i32
      %sign3A_902 = arith.constant 0 : i32
      %sign3A_903 = arith.cmpi slt, %add3A_891, %sign3A_902 : i32
      %sign3A_904 = arith.extui %sign3A_903 : i1 to i32
      %sign3A_905 = arith.subi %sign3A_901, %sign3A_904 : i32
      %sign3A_906 = arith.constant 0 : i32
      %sign3A_907 = arith.cmpi sgt, %jit3A_897, %sign3A_906 : i32
      %sign3A_908 = arith.extui %sign3A_907 : i1 to i32
      %sign3A_909 = arith.constant 0 : i32
      %sign3A_910 = arith.cmpi slt, %jit3A_897, %sign3A_909 : i32
      %sign3A_911 = arith.extui %sign3A_910 : i1 to i32
      %sign3A_912 = arith.subi %sign3A_908, %sign3A_911 : i32
      %ne3A_913 = arith.cmpi ne, %sign3A_905, %sign3A_912 : i32
      %rem3A_914 = arith.remsi %add3A_891, %jit3A_897 : i32
      %ne3A_915 = arith.constant 0 : i32
      %ne3A_916 = arith.cmpi ne, %rem3A_914, %ne3A_915 : i32
      %and3A_917 = arith.andi %ne3A_913, %ne3A_916 : i1
      %sub3A_918 = arith.constant 1 : i32
      %sub3A_919 = arith.subi %div3A_898, %sub3A_918 : i32
      %select_n3A_920 = arith.select %and3A_917, %sub3A_919, %div3A_898 : i32
      %mul3A_921 = arith.constant 200 : i32
      %mul3A_922 = arith.muli %select_n3A_920, %mul3A_921 : i32
      %add3A_923 = arith.constant 104 : i32
      %add3A_924 = arith.addi %mul3A_922, %add3A_923 : i32
      %dma_wait3A_925 = arith.constant 5 : i32
      %dma_wait3A_926 = arith.constant 5 : i32
      %dma_wait3A_927 = arith.constant 0 : i32
      %dma_wait3A_928 = arith.constant 0 : i32
      %dma_wait3A_929 = tpu.memref_slice %arg7[%dma_wait3A_925, %dma_wait3A_927, %dma_wait3A_928] : memref<8x104x128xf32, #tpu.memory_space<vmem>> -> memref<1x96x128xf32, #tpu.memory_space<vmem>>
      %dma_wait3A_930 = tpu.memref_squeeze %dma_wait3A_929 : memref<1x96x128xf32, #tpu.memory_space<vmem>> -> memref<96x128xf32, #tpu.memory_space<vmem>>
      %dma_wait3A_931 = tpu.memref_slice %arg6[%add3A_924] : memref<6400xi32, #tpu.memory_space<vmem>> -> memref<96xi32, #tpu.memory_space<vmem>>
      %dma_wait3A_932 = arith.constant 0 : i32
      %dma_wait3A_933 = arith.constant 0 : i32
      %dma_wait3A_934 = tpu.memref_slice %arg11[%dma_wait3A_932, %dma_wait3A_933] : memref<1000x128xf32, #tpu.memory_space<vmem_shared>> -> memref<1000x128xf32, #tpu.memory_space<vmem_shared>>
      %dma_wait3A_935 = tpu.memref_slice %arg9[%dma_wait3A_926] : memref<8x!tpu.dma_semaphore, #tpu.memory_space<semaphore_mem>> -> memref<1x!tpu.dma_semaphore, #tpu.memory_space<semaphore_mem>>
      %dma_wait3A_936 = tpu.memref_squeeze %dma_wait3A_935 : memref<1x!tpu.dma_semaphore, #tpu.memory_space<semaphore_mem>> -> memref<!tpu.dma_semaphore, #tpu.memory_space<semaphore_mem>>
      tpu.wait_indirect_dma semaphore(%dma_wait3A_936 : memref<!tpu.dma_semaphore, #tpu.memory_space<semaphore_mem>>) src(%dma_wait3A_934 : memref<1000x128xf32, #tpu.memory_space<vmem_shared>>) dst(%dma_wait3A_930 : memref<96x128xf32, #tpu.memory_space<vmem>>)
      %scan3A_937 = arith.constant 0 : i32
      %scan3A_938 = arith.constant 96 : i32
      %scan3A_939 = arith.addi %scan3A_937, %scan3A_938 : i32
      %scan3A_940 = arith.constant 1 : i32
      %scan3A_941:8 = scf.for %scan3A_1240 = %scan3A_937 to %scan3A_939 step %scan3A_940 iter_args(%scan3A_1241 = %scan3A_843#0, %scan3A_1242 = %scan3A_843#1, %scan3A_1243 = %scan3A_843#2, %scan3A_1244 = %scan3A_843#3, %scan3A_1245 = %scan3A_843#4, %scan3A_1246 = %scan3A_843#5, %scan3A_1247 = %scan3A_843#6, %scan3A_1248 = %scan3A_843#7) -> (vector<16xf32>, vector<16xf32>, vector<16xf32>, vector<16xf32>, vector<16xf32>, vector<16xf32>, vector<16xf32>, vector<16xf32>)  : i32 {
        %get3A_1249 = arith.constant 5 : i32
        %get3A_1250 = arith.index_cast %get3A_1249 : i32 to index
        %get3A_1251 = arith.index_cast %scan3A_1240 : i32 to index
        %get3A_1252 = arith.constant 0 : index
        %get3A_1253 = tpu.vector_load %arg7[%get3A_1250, %get3A_1251, %get3A_1252] {strides = array<i32>} : memref<8x104x128xf32, #tpu.memory_space<vmem>>, vector<1x1x16xf32>,
        %get3A_1254 = vector.shape_cast %get3A_1253 : vector<1x1x16xf32> to vector<16xf32>
        %mul3A_1255 = arith.constant 0.899999976 : f32
        %mul3A_1256 = vector.broadcast %mul3A_1255 : f32 to vector<16xf32>
        %mul3A_1257 = arith.mulf %mul3A_1256, %scan3A_1241 : vector<16xf32>
        %add3A_1258 = arith.addf %get3A_1254, %mul3A_1257 : vector<16xf32>
        %get3A_1259 = arith.constant 5 : i32
        %get3A_1260 = arith.index_cast %get3A_1259 : i32 to index
        %get3A_1261 = arith.index_cast %scan3A_1240 : i32 to index
        %get3A_1262 = arith.constant 16 : index
        %get3A_1263 = tpu.vector_load %arg7[%get3A_1260, %get3A_1261, %get3A_1262] {strides = array<i32>} : memref<8x104x128xf32, #tpu.memory_space<vmem>>, vector<1x1x16xf32>,
        %get3A_1264 = vector.shape_cast %get3A_1263 : vector<1x1x16xf32> to vector<16xf32>
        %mul3A_1265 = arith.constant 0.899999976 : f32
        %mul3A_1266 = vector.broadcast %mul3A_1265 : f32 to vector<16xf32>
        %mul3A_1267 = arith.mulf %mul3A_1266, %scan3A_1242 : vector<16xf32>
        %add3A_1268 = arith.addf %get3A_1264, %mul3A_1267 : vector<16xf32>
        %get3A_1269 = arith.constant 5 : i32
        %get3A_1270 = arith.index_cast %get3A_1269 : i32 to index
        %get3A_1271 = arith.index_cast %scan3A_1240 : i32 to index
        %get3A_1272 = arith.constant 32 : index
        %get3A_1273 = tpu.vector_load %arg7[%get3A_1270, %get3A_1271, %get3A_1272] {strides = array<i32>} : memref<8x104x128xf32, #tpu.memory_space<vmem>>, vector<1x1x16xf32>,
        %get3A_1274 = vector.shape_cast %get3A_1273 : vector<1x1x16xf32> to vector<16xf32>
        %mul3A_1275 = arith.constant 0.899999976 : f32
        %mul3A_1276 = vector.broadcast %mul3A_1275 : f32 to vector<16xf32>
        %mul3A_1277 = arith.mulf %mul3A_1276, %scan3A_1243 : vector<16xf32>
        %add3A_1278 = arith.addf %get3A_1274, %mul3A_1277 : vector<16xf32>
        %get3A_1279 = arith.constant 5 : i32
        %get3A_1280 = arith.index_cast %get3A_1279 : i32 to index
        %get3A_1281 = arith.index_cast %scan3A_1240 : i32 to index
        %get3A_1282 = arith.constant 48 : index
        %get3A_1283 = tpu.vector_load %arg7[%get3A_1280, %get3A_1281, %get3A_1282] {strides = array<i32>} : memref<8x104x128xf32, #tpu.memory_space<vmem>>, vector<1x1x16xf32>,
        %get3A_1284 = vector.shape_cast %get3A_1283 : vector<1x1x16xf32> to vector<16xf32>
        %mul3A_1285 = arith.constant 0.899999976 : f32
        %mul3A_1286 = vector.broadcast %mul3A_1285 : f32 to vector<16xf32>
        %mul3A_1287 = arith.mulf %mul3A_1286, %scan3A_1244 : vector<16xf32>
        %add3A_1288 = arith.addf %get3A_1284, %mul3A_1287 : vector<16xf32>
        %get3A_1289 = arith.constant 5 : i32
        %get3A_1290 = arith.index_cast %get3A_1289 : i32 to index
        %get3A_1291 = arith.index_cast %scan3A_1240 : i32 to index
        %get3A_1292 = arith.constant 64 : index
        %get3A_1293 = tpu.vector_load %arg7[%get3A_1290, %get3A_1291, %get3A_1292] {strides = array<i32>} : memref<8x104x128xf32, #tpu.memory_space<vmem>>, vector<1x1x16xf32>,
        %get3A_1294 = vector.shape_cast %get3A_1293 : vector<1x1x16xf32> to vector<16xf32>
        %mul3A_1295 = arith.constant 0.899999976 : f32
        %mul3A_1296 = vector.broadcast %mul3A_1295 : f32 to vector<16xf32>
        %mul3A_1297 = arith.mulf %mul3A_1296, %scan3A_1245 : vector<16xf32>
        %add3A_1298 = arith.addf %get3A_1294, %mul3A_1297 : vector<16xf32>
        %get3A_1299 = arith.constant 5 : i32
        %get3A_1300 = arith.index_cast %get3A_1299 : i32 to index
        %get3A_1301 = arith.index_cast %scan3A_1240 : i32 to index
        %get3A_1302 = arith.constant 80 : index
        %get3A_1303 = tpu.vector_load %arg7[%get3A_1300, %get3A_1301, %get3A_1302] {strides = array<i32>} : memref<8x104x128xf32, #tpu.memory_space<vmem>>, vector<1x1x16xf32>,
        %get3A_1304 = vector.shape_cast %get3A_1303 : vector<1x1x16xf32> to vector<16xf32>
        %mul3A_1305 = arith.constant 0.899999976 : f32
        %mul3A_1306 = vector.broadcast %mul3A_1305 : f32 to vector<16xf32>
        %mul3A_1307 = arith.mulf %mul3A_1306, %scan3A_1246 : vector<16xf32>
        %add3A_1308 = arith.addf %get3A_1304, %mul3A_1307 : vector<16xf32>
        %get3A_1309 = arith.constant 5 : i32
        %get3A_1310 = arith.index_cast %get3A_1309 : i32 to index
        %get3A_1311 = arith.index_cast %scan3A_1240 : i32 to index
        %get3A_1312 = arith.constant 96 : index
        %get3A_1313 = tpu.vector_load %arg7[%get3A_1310, %get3A_1311, %get3A_1312] {strides = array<i32>} : memref<8x104x128xf32, #tpu.memory_space<vmem>>, vector<1x1x16xf32>,
        %get3A_1314 = vector.shape_cast %get3A_1313 : vector<1x1x16xf32> to vector<16xf32>
        %mul3A_1315 = arith.constant 0.899999976 : f32
        %mul3A_1316 = vector.broadcast %mul3A_1315 : f32 to vector<16xf32>
        %mul3A_1317 = arith.mulf %mul3A_1316, %scan3A_1247 : vector<16xf32>
        %add3A_1318 = arith.addf %get3A_1314, %mul3A_1317 : vector<16xf32>
        %get3A_1319 = arith.constant 5 : i32
        %get3A_1320 = arith.index_cast %get3A_1319 : i32 to index
        %get3A_1321 = arith.index_cast %scan3A_1240 : i32 to index
        %get3A_1322 = arith.constant 112 : index
        %get3A_1323 = tpu.vector_load %arg7[%get3A_1320, %get3A_1321, %get3A_1322] {strides = array<i32>} : memref<8x104x128xf32, #tpu.memory_space<vmem>>, vector<1x1x16xf32>,
        %get3A_1324 = vector.shape_cast %get3A_1323 : vector<1x1x16xf32> to vector<16xf32>
        %mul3A_1325 = arith.constant 0.899999976 : f32
        %mul3A_1326 = vector.broadcast %mul3A_1325 : f32 to vector<16xf32>
        %mul3A_1327 = arith.mulf %mul3A_1326, %scan3A_1248 : vector<16xf32>
        %add3A_1328 = arith.addf %get3A_1324, %mul3A_1327 : vector<16xf32>
        %swap3A = arith.constant 5 : i32
        %swap3A_1329 = arith.index_cast %swap3A : i32 to index
        %swap3A_1330 = arith.index_cast %scan3A_1240 : i32 to index
        %swap3A_1331 = arith.constant 0 : index
        %swap3A_1332 = tpu.vector_load %arg7[%swap3A_1329, %swap3A_1330, %swap3A_1331] {strides = array<i32>} : memref<8x104x128xf32, #tpu.memory_space<vmem>>, vector<1x1x16xf32>,
        %swap3A_1333 = vector.shape_cast %swap3A_1332 : vector<1x1x16xf32> to vector<16xf32>
        %swap3A_1334 = vector.shape_cast %add3A_1258 : vector<16xf32> to vector<1x1x16xf32>
        tpu.vector_store %arg7[%swap3A_1329, %swap3A_1330, %swap3A_1331], %swap3A_1334 {strides = array<i32>} : memref<8x104x128xf32, #tpu.memory_space<vmem>>, vector<1x1x16xf32>,
        %swap3A_1335 = arith.constant 5 : i32
        %swap3A_1336 = arith.index_cast %swap3A_1335 : i32 to index
        %swap3A_1337 = arith.index_cast %scan3A_1240 : i32 to index
        %swap3A_1338 = arith.constant 16 : index
        %swap3A_1339 = tpu.vector_load %arg7[%swap3A_1336, %swap3A_1337, %swap3A_1338] {strides = array<i32>} : memref<8x104x128xf32, #tpu.memory_space<vmem>>, vector<1x1x16xf32>,
        %swap3A_1340 = vector.shape_cast %swap3A_1339 : vector<1x1x16xf32> to vector<16xf32>
        %swap3A_1341 = vector.shape_cast %add3A_1268 : vector<16xf32> to vector<1x1x16xf32>
        tpu.vector_store %arg7[%swap3A_1336, %swap3A_1337, %swap3A_1338], %swap3A_1341 {strides = array<i32>} : memref<8x104x128xf32, #tpu.memory_space<vmem>>, vector<1x1x16xf32>,
        %swap3A_1342 = arith.constant 5 : i32
        %swap3A_1343 = arith.index_cast %swap3A_1342 : i32 to index
        %swap3A_1344 = arith.index_cast %scan3A_1240 : i32 to index
        %swap3A_1345 = arith.constant 32 : index
        %swap3A_1346 = tpu.vector_load %arg7[%swap3A_1343, %swap3A_1344, %swap3A_1345] {strides = array<i32>} : memref<8x104x128xf32, #tpu.memory_space<vmem>>, vector<1x1x16xf32>,
        %swap3A_1347 = vector.shape_cast %swap3A_1346 : vector<1x1x16xf32> to vector<16xf32>
        %swap3A_1348 = vector.shape_cast %add3A_1278 : vector<16xf32> to vector<1x1x16xf32>
        tpu.vector_store %arg7[%swap3A_1343, %swap3A_1344, %swap3A_1345], %swap3A_1348 {strides = array<i32>} : memref<8x104x128xf32, #tpu.memory_space<vmem>>, vector<1x1x16xf32>,
        %swap3A_1349 = arith.constant 5 : i32
        %swap3A_1350 = arith.index_cast %swap3A_1349 : i32 to index
        %swap3A_1351 = arith.index_cast %scan3A_1240 : i32 to index
        %swap3A_1352 = arith.constant 48 : index
        %swap3A_1353 = tpu.vector_load %arg7[%swap3A_1350, %swap3A_1351, %swap3A_1352] {strides = array<i32>} : memref<8x104x128xf32, #tpu.memory_space<vmem>>, vector<1x1x16xf32>,
        %swap3A_1354 = vector.shape_cast %swap3A_1353 : vector<1x1x16xf32> to vector<16xf32>
        %swap3A_1355 = vector.shape_cast %add3A_1288 : vector<16xf32> to vector<1x1x16xf32>
        tpu.vector_store %arg7[%swap3A_1350, %swap3A_1351, %swap3A_1352], %swap3A_1355 {strides = array<i32>} : memref<8x104x128xf32, #tpu.memory_space<vmem>>, vector<1x1x16xf32>,
        %swap3A_1356 = arith.constant 5 : i32
        %swap3A_1357 = arith.index_cast %swap3A_1356 : i32 to index
        %swap3A_1358 = arith.index_cast %scan3A_1240 : i32 to index
        %swap3A_1359 = arith.constant 64 : index
        %swap3A_1360 = tpu.vector_load %arg7[%swap3A_1357, %swap3A_1358, %swap3A_1359] {strides = array<i32>} : memref<8x104x128xf32, #tpu.memory_space<vmem>>, vector<1x1x16xf32>,
        %swap3A_1361 = vector.shape_cast %swap3A_1360 : vector<1x1x16xf32> to vector<16xf32>
        %swap3A_1362 = vector.shape_cast %add3A_1298 : vector<16xf32> to vector<1x1x16xf32>
        tpu.vector_store %arg7[%swap3A_1357, %swap3A_1358, %swap3A_1359], %swap3A_1362 {strides = array<i32>} : memref<8x104x128xf32, #tpu.memory_space<vmem>>, vector<1x1x16xf32>,
        %swap3A_1363 = arith.constant 5 : i32
        %swap3A_1364 = arith.index_cast %swap3A_1363 : i32 to index
        %swap3A_1365 = arith.index_cast %scan3A_1240 : i32 to index
        %swap3A_1366 = arith.constant 80 : index
        %swap3A_1367 = tpu.vector_load %arg7[%swap3A_1364, %swap3A_1365, %swap3A_1366] {strides = array<i32>} : memref<8x104x128xf32, #tpu.memory_space<vmem>>, vector<1x1x16xf32>,
        %swap3A_1368 = vector.shape_cast %swap3A_1367 : vector<1x1x16xf32> to vector<16xf32>
        %swap3A_1369 = vector.shape_cast %add3A_1308 : vector<16xf32> to vector<1x1x16xf32>
        tpu.vector_store %arg7[%swap3A_1364, %swap3A_1365, %swap3A_1366], %swap3A_1369 {strides = array<i32>} : memref<8x104x128xf32, #tpu.memory_space<vmem>>, vector<1x1x16xf32>,
        %swap3A_1370 = arith.constant 5 : i32
        %swap3A_1371 = arith.index_cast %swap3A_1370 : i32 to index
        %swap3A_1372 = arith.index_cast %scan3A_1240 : i32 to index
        %swap3A_1373 = arith.constant 96 : index
        %swap3A_1374 = tpu.vector_load %arg7[%swap3A_1371, %swap3A_1372, %swap3A_1373] {strides = array<i32>} : memref<8x104x128xf32, #tpu.memory_space<vmem>>, vector<1x1x16xf32>,
        %swap3A_1375 = vector.shape_cast %swap3A_1374 : vector<1x1x16xf32> to vector<16xf32>
        %swap3A_1376 = vector.shape_cast %add3A_1318 : vector<16xf32> to vector<1x1x16xf32>
        tpu.vector_store %arg7[%swap3A_1371, %swap3A_1372, %swap3A_1373], %swap3A_1376 {strides = array<i32>} : memref<8x104x128xf32, #tpu.memory_space<vmem>>, vector<1x1x16xf32>,
        %swap3A_1377 = arith.constant 5 : i32
        %swap3A_1378 = arith.index_cast %swap3A_1377 : i32 to index
        %swap3A_1379 = arith.index_cast %scan3A_1240 : i32 to index
        %swap3A_1380 = arith.constant 112 : index
        %swap3A_1381 = tpu.vector_load %arg7[%swap3A_1378, %swap3A_1379, %swap3A_1380] {strides = array<i32>} : memref<8x104x128xf32, #tpu.memory_space<vmem>>, vector<1x1x16xf32>,
        %swap3A_1382 = vector.shape_cast %swap3A_1381 : vector<1x1x16xf32> to vector<16xf32>
        %swap3A_1383 = vector.shape_cast %add3A_1328 : vector<16xf32> to vector<1x1x16xf32>
        tpu.vector_store %arg7[%swap3A_1378, %swap3A_1379, %swap3A_1380], %swap3A_1383 {strides = array<i32>} : memref<8x104x128xf32, #tpu.memory_space<vmem>>, vector<1x1x16xf32>,
        scf.yield %add3A_1258, %add3A_1268, %add3A_1278, %add3A_1288, %add3A_1298, %add3A_1308, %add3A_1318, %add3A_1328 : vector<16xf32>, vector<16xf32>, vector<16xf32>, vector<16xf32>, vector<16xf32>, vector<16xf32>, vector<16xf32>, vector<16xf32>
      }
      %scan3A_942 = arith.constant 96 : i32
      %jit3A_943 = arith.constant 2 : i32
      %div3A_944 = arith.divsi %add3A_891, %jit3A_943 : i32
      %sign3A_945 = arith.constant 0 : i32
      %sign3A_946 = arith.cmpi sgt, %add3A_891, %sign3A_945 : i32
      %sign3A_947 = arith.extui %sign3A_946 : i1 to i32
      %sign3A_948 = arith.constant 0 : i32
      %sign3A_949 = arith.cmpi slt, %add3A_891, %sign3A_948 : i32
      %sign3A_950 = arith.extui %sign3A_949 : i1 to i32
      %sign3A_951 = arith.subi %sign3A_947, %sign3A_950 : i32
      %sign3A_952 = arith.constant 0 : i32
      %sign3A_953 = arith.cmpi sgt, %jit3A_943, %sign3A_952 : i32
      %sign3A_954 = arith.extui %sign3A_953 : i1 to i32
      %sign3A_955 = arith.constant 0 : i32
      %sign3A_956 = arith.cmpi slt, %jit3A_943, %sign3A_955 : i32
      %sign3A_957 = arith.extui %sign3A_956 : i1 to i32
      %sign3A_958 = arith.subi %sign3A_954, %sign3A_957 : i32
      %ne3A_959 = arith.cmpi ne, %sign3A_951, %sign3A_958 : i32
      %rem3A_960 = arith.remsi %add3A_891, %jit3A_943 : i32
      %ne3A_961 = arith.constant 0 : i32
      %ne3A_962 = arith.cmpi ne, %rem3A_960, %ne3A_961 : i32
      %and3A_963 = arith.andi %ne3A_959, %ne3A_962 : i1
      %sub3A_964 = arith.constant 1 : i32
      %sub3A_965 = arith.subi %div3A_944, %sub3A_964 : i32
      %select_n3A_966 = arith.select %and3A_963, %sub3A_965, %div3A_944 : i32
      %add3A_967 = arith.addi %mul3A_2, %select_n3A_966 : i32
      %mul3A_968 = arith.constant 200 : i32
      %mul3A_969 = arith.muli %add3A_967, %mul3A_968 : i32
      %add3A_970 = arith.constant 104 : i32
      %add3A_971 = arith.addi %mul3A_969, %add3A_970 : i32
      %dma_start3A_972 = arith.constant 5 : i32
      %dma_start3A_973 = arith.constant 5 : i32
      %dma_start3A_974 = arith.constant 0 : i32
      %dma_start3A_975 = arith.constant 0 : i32
      %dma_start3A_976 = tpu.memref_slice %arg7[%dma_start3A_972, %dma_start3A_974, %dma_start3A_975] : memref<8x104x128xf32, #tpu.memory_space<vmem>> -> memref<1x96x128xf32, #tpu.memory_space<vmem>>
      %dma_start3A_977 = tpu.memref_squeeze %dma_start3A_976 : memref<1x96x128xf32, #tpu.memory_space<vmem>> -> memref<96x128xf32, #tpu.memory_space<vmem>>
      %dma_start3A_978 = arith.constant 0 : i32
      %dma_start3A_979 = tpu.memref_slice %arg5[%add3A_971, %dma_start3A_978] : memref<204800x128xf32, #tpu.memory_space<hbm>> -> memref<96x128xf32, #tpu.memory_space<hbm>>
      %dma_start3A_980 = tpu.memref_slice %arg10[%dma_start3A_973] : memref<8x!tpu.dma_semaphore, #tpu.memory_space<semaphore_mem>> -> memref<1x!tpu.dma_semaphore, #tpu.memory_space<semaphore_mem>>
      %dma_start3A_981 = tpu.memref_squeeze %dma_start3A_980 : memref<1x!tpu.dma_semaphore, #tpu.memory_space<semaphore_mem>> -> memref<!tpu.dma_semaphore, #tpu.memory_space<semaphore_mem>>
      %dma_start3A_982 = arith.constant 0 : i32
      %dma_start3A_983 = tpu.memref_slice %arg5[%add3A_971, %dma_start3A_982] : memref<204800x128xf32, #tpu.memory_space<hbm>> -> memref<96x128xf32, #tpu.memory_space<hbm>>
      %dma_start3A_984 = arith.constant 0 : i32
      %dma_start3A_985 = arith.constant 0 : i32
      %dma_start3A_986 = tpu.memref_slice %arg7[%dma_start3A_972, %dma_start3A_984, %dma_start3A_985] : memref<8x104x128xf32, #tpu.memory_space<vmem>> -> memref<1x96x128xf32, #tpu.memory_space<vmem>>
      %dma_start3A_987 = tpu.memref_squeeze %dma_start3A_986 : memref<1x96x128xf32, #tpu.memory_space<vmem>> -> memref<96x128xf32, #tpu.memory_space<vmem>>
      tpu.enqueue_dma source(%dma_start3A_987 : memref<96x128xf32, #tpu.memory_space<vmem>>) target(%dma_start3A_983 : memref<96x128xf32, #tpu.memory_space<hbm>>) target_semaphore(%dma_start3A_981 : memref<!tpu.dma_semaphore, #tpu.memory_space<semaphore_mem>>)
      %add3A_988 = arith.constant 6 : i32
      %add3A_989 = arith.addi %add3A_241, %add3A_988 : i32
      %lt3A_990 = arith.constant 60 : i32
      %lt3A_991 = arith.cmpi slt, %add3A_989, %lt3A_990 : i32
      %convert_element_type3A_992 = arith.extui %lt3A_991 : i1 to i32
      %cond3A_993 = arith.constant 0 : i32
      %cond3A_994 = arith.cmpi ne, %convert_element_type3A_992, %cond3A_993 : i32
      scf.if %cond3A_994 {
        %ge3A = arith.constant 4 : i32
        %ge3A_1240 = arith.cmpi sge, %add3A_989, %ge3A : i32
        %convert_element_type3A_1241 = arith.extui %ge3A_1240 : i1 to i32
        %cond3A_1242 = arith.constant 0 : i32
        %cond3A_1243 = arith.cmpi ne, %convert_element_type3A_1241, %cond3A_1242 : i32
        scf.if %cond3A_1243 {
          %sub3A_1286 = arith.constant 4 : i32
          %sub3A_1287 = arith.subi %add3A_989, %sub3A_1286 : i32
          %jit3A_1288 = arith.constant 2 : i32
          %div3A_1289 = arith.divsi %sub3A_1287, %jit3A_1288 : i32
          %sign3A_1290 = arith.constant 0 : i32
          %sign3A_1291 = arith.cmpi sgt, %sub3A_1287, %sign3A_1290 : i32
          %sign3A_1292 = arith.extui %sign3A_1291 : i1 to i32
          %sign3A_1293 = arith.constant 0 : i32
          %sign3A_1294 = arith.cmpi slt, %sub3A_1287, %sign3A_1293 : i32
          %sign3A_1295 = arith.extui %sign3A_1294 : i1 to i32
          %sign3A_1296 = arith.subi %sign3A_1292, %sign3A_1295 : i32
          %sign3A_1297 = arith.constant 0 : i32
          %sign3A_1298 = arith.cmpi sgt, %jit3A_1288, %sign3A_1297 : i32
          %sign3A_1299 = arith.extui %sign3A_1298 : i1 to i32
          %sign3A_1300 = arith.constant 0 : i32
          %sign3A_1301 = arith.cmpi slt, %jit3A_1288, %sign3A_1300 : i32
          %sign3A_1302 = arith.extui %sign3A_1301 : i1 to i32
          %sign3A_1303 = arith.subi %sign3A_1299, %sign3A_1302 : i32
          %ne3A_1304 = arith.cmpi ne, %sign3A_1296, %sign3A_1303 : i32
          %rem3A_1305 = arith.remsi %sub3A_1287, %jit3A_1288 : i32
          %ne3A_1306 = arith.constant 0 : i32
          %ne3A_1307 = arith.cmpi ne, %rem3A_1305, %ne3A_1306 : i32
          %and3A_1308 = arith.andi %ne3A_1304, %ne3A_1307 : i1
          %sub3A_1309 = arith.constant 1 : i32
          %sub3A_1310 = arith.subi %div3A_1289, %sub3A_1309 : i32
          %select_n3A_1311 = arith.select %and3A_1308, %sub3A_1310, %div3A_1289 : i32
          %add3A_1312 = arith.addi %mul3A_2, %select_n3A_1311 : i32
          %mul3A_1313 = arith.constant 200 : i32
          %mul3A_1314 = arith.muli %add3A_1312, %mul3A_1313 : i32
          %add3A_1315 = arith.constant 0 : i32
          %add3A_1316 = arith.addi %mul3A_1314, %add3A_1315 : i32
          %dma_wait3A_1317 = arith.constant 2 : i32
          %dma_wait3A_1318 = arith.constant 2 : i32
          %dma_wait3A_1319 = arith.constant 0 : i32
          %dma_wait3A_1320 = arith.constant 0 : i32
          %dma_wait3A_1321 = tpu.memref_slice %arg7[%dma_wait3A_1317, %dma_wait3A_1319, %dma_wait3A_1320] : memref<8x104x128xf32, #tpu.memory_space<vmem>> -> memref<1x104x128xf32, #tpu.memory_space<vmem>>
          %dma_wait3A_1322 = tpu.memref_squeeze %dma_wait3A_1321 : memref<1x104x128xf32, #tpu.memory_space<vmem>> -> memref<104x128xf32, #tpu.memory_space<vmem>>
          %dma_wait3A_1323 = arith.constant 0 : i32
          %dma_wait3A_1324 = tpu.memref_slice %arg5[%add3A_1316, %dma_wait3A_1323] : memref<204800x128xf32, #tpu.memory_space<hbm>> -> memref<104x128xf32, #tpu.memory_space<hbm>>
          %dma_wait3A_1325 = tpu.memref_slice %arg10[%dma_wait3A_1318] : memref<8x!tpu.dma_semaphore, #tpu.memory_space<semaphore_mem>> -> memref<1x!tpu.dma_semaphore, #tpu.memory_space<semaphore_mem>>
          %dma_wait3A_1326 = tpu.memref_squeeze %dma_wait3A_1325 : memref<1x!tpu.dma_semaphore, #tpu.memory_space<semaphore_mem>> -> memref<!tpu.dma_semaphore, #tpu.memory_space<semaphore_mem>>
          %dma_wait3A_1327 = arith.constant 0 : i32
          %dma_wait3A_1328 = tpu.memref_slice %arg5[%add3A_1316, %dma_wait3A_1327] : memref<204800x128xf32, #tpu.memory_space<hbm>> -> memref<104x128xf32, #tpu.memory_space<hbm>>
          %dma_wait3A_1329 = arith.constant 0 : i32
          %dma_wait3A_1330 = arith.constant 0 : i32
          %dma_wait3A_1331 = tpu.memref_slice %arg7[%dma_wait3A_1317, %dma_wait3A_1329, %dma_wait3A_1330] : memref<8x104x128xf32, #tpu.memory_space<vmem>> -> memref<1x104x128xf32, #tpu.memory_space<vmem>>
          %dma_wait3A_1332 = tpu.memref_squeeze %dma_wait3A_1331 : memref<1x104x128xf32, #tpu.memory_space<vmem>> -> memref<104x128xf32, #tpu.memory_space<vmem>>
          tpu.wait_dma2 semaphore(%dma_wait3A_1326 : memref<!tpu.dma_semaphore, #tpu.memory_space<semaphore_mem>>) src(%dma_wait3A_1332 : memref<104x128xf32, #tpu.memory_space<vmem>>) dst(%dma_wait3A_1328 : memref<104x128xf32, #tpu.memory_space<hbm>>)
        } else {
        }
        %add3A_1244 = arith.constant 4 : i32
        %add3A_1245 = arith.addi %add3A_989, %add3A_1244 : i32
        %jit3A_1246 = arith.constant 2 : i32
        %div3A_1247 = arith.divsi %add3A_1245, %jit3A_1246 : i32
        %sign3A_1248 = arith.constant 0 : i32
        %sign3A_1249 = arith.cmpi sgt, %add3A_1245, %sign3A_1248 : i32
        %sign3A_1250 = arith.extui %sign3A_1249 : i1 to i32
        %sign3A_1251 = arith.constant 0 : i32
        %sign3A_1252 = arith.cmpi slt, %add3A_1245, %sign3A_1251 : i32
        %sign3A_1253 = arith.extui %sign3A_1252 : i1 to i32
        %sign3A_1254 = arith.subi %sign3A_1250, %sign3A_1253 : i32
        %sign3A_1255 = arith.constant 0 : i32
        %sign3A_1256 = arith.cmpi sgt, %jit3A_1246, %sign3A_1255 : i32
        %sign3A_1257 = arith.extui %sign3A_1256 : i1 to i32
        %sign3A_1258 = arith.constant 0 : i32
        %sign3A_1259 = arith.cmpi slt, %jit3A_1246, %sign3A_1258 : i32
        %sign3A_1260 = arith.extui %sign3A_1259 : i1 to i32
        %sign3A_1261 = arith.subi %sign3A_1257, %sign3A_1260 : i32
        %ne3A_1262 = arith.cmpi ne, %sign3A_1254, %sign3A_1261 : i32
        %rem3A_1263 = arith.remsi %add3A_1245, %jit3A_1246 : i32
        %ne3A_1264 = arith.constant 0 : i32
        %ne3A_1265 = arith.cmpi ne, %rem3A_1263, %ne3A_1264 : i32
        %and3A_1266 = arith.andi %ne3A_1262, %ne3A_1265 : i1
        %sub3A_1267 = arith.constant 1 : i32
        %sub3A_1268 = arith.subi %div3A_1247, %sub3A_1267 : i32
        %select_n3A_1269 = arith.select %and3A_1266, %sub3A_1268, %div3A_1247 : i32
        %mul3A_1270 = arith.constant 200 : i32
        %mul3A_1271 = arith.muli %select_n3A_1269, %mul3A_1270 : i32
        %add3A_1272 = arith.constant 0 : i32
        %add3A_1273 = arith.addi %mul3A_1271, %add3A_1272 : i32
        %dma_start3A_1274 = arith.constant 2 : i32
        %dma_start3A_1275 = arith.constant 2 : i32
        %dma_start3A_1276 = arith.constant 0 : i32
        %dma_start3A_1277 = arith.constant 0 : i32
        %dma_start3A_1278 = tpu.memref_slice %arg7[%dma_start3A_1274, %dma_start3A_1276, %dma_start3A_1277] : memref<8x104x128xf32, #tpu.memory_space<vmem>> -> memref<1x104x128xf32, #tpu.memory_space<vmem>>
        %dma_start3A_1279 = tpu.memref_squeeze %dma_start3A_1278 : memref<1x104x128xf32, #tpu.memory_space<vmem>> -> memref<104x128xf32, #tpu.memory_space<vmem>>
        %dma_start3A_1280 = tpu.memref_slice %arg6[%add3A_1273] : memref<6400xi32, #tpu.memory_space<vmem>> -> memref<104xi32, #tpu.memory_space<vmem>>
        %dma_start3A_1281 = arith.constant 0 : i32
        %dma_start3A_1282 = arith.constant 0 : i32
        %dma_start3A_1283 = tpu.memref_slice %arg11[%dma_start3A_1281, %dma_start3A_1282] : memref<1000x128xf32, #tpu.memory_space<vmem_shared>> -> memref<1000x128xf32, #tpu.memory_space<vmem_shared>>
        %dma_start3A_1284 = tpu.memref_slice %arg9[%dma_start3A_1275] : memref<8x!tpu.dma_semaphore, #tpu.memory_space<semaphore_mem>> -> memref<1x!tpu.dma_semaphore, #tpu.memory_space<semaphore_mem>>
        %dma_start3A_1285 = tpu.memref_squeeze %dma_start3A_1284 : memref<1x!tpu.dma_semaphore, #tpu.memory_space<semaphore_mem>> -> memref<!tpu.dma_semaphore, #tpu.memory_space<semaphore_mem>>
        tpu.enqueue_indirect_dma source(%dma_start3A_1283 : memref<1000x128xf32, #tpu.memory_space<vmem_shared>>) target(%dma_start3A_1279 : memref<104x128xf32, #tpu.memory_space<vmem>>) offsets(%dma_start3A_1280 : memref<104xi32, #tpu.memory_space<vmem>>) semaphore(%dma_start3A_1285 : memref<!tpu.dma_semaphore, #tpu.memory_space<semaphore_mem>>)
      } else {
      }
      %jit3A_995 = arith.constant 2 : i32
      %div3A_996 = arith.divsi %add3A_989, %jit3A_995 : i32
      %sign3A_997 = arith.constant 0 : i32
      %sign3A_998 = arith.cmpi sgt, %add3A_989, %sign3A_997 : i32
      %sign3A_999 = arith.extui %sign3A_998 : i1 to i32
      %sign3A_1000 = arith.constant 0 : i32
      %sign3A_1001 = arith.cmpi slt, %add3A_989, %sign3A_1000 : i32
      %sign3A_1002 = arith.extui %sign3A_1001 : i1 to i32
      %sign3A_1003 = arith.subi %sign3A_999, %sign3A_1002 : i32
      %sign3A_1004 = arith.constant 0 : i32
      %sign3A_1005 = arith.cmpi sgt, %jit3A_995, %sign3A_1004 : i32
      %sign3A_1006 = arith.extui %sign3A_1005 : i1 to i32
      %sign3A_1007 = arith.constant 0 : i32
      %sign3A_1008 = arith.cmpi slt, %jit3A_995, %sign3A_1007 : i32
      %sign3A_1009 = arith.extui %sign3A_1008 : i1 to i32
      %sign3A_1010 = arith.subi %sign3A_1006, %sign3A_1009 : i32
      %ne3A_1011 = arith.cmpi ne, %sign3A_1003, %sign3A_1010 : i32
      %rem3A_1012 = arith.remsi %add3A_989, %jit3A_995 : i32
      %ne3A_1013 = arith.constant 0 : i32
      %ne3A_1014 = arith.cmpi ne, %rem3A_1012, %ne3A_1013 : i32
      %and3A_1015 = arith.andi %ne3A_1011, %ne3A_1014 : i1
      %sub3A_1016 = arith.constant 1 : i32
      %sub3A_1017 = arith.subi %div3A_996, %sub3A_1016 : i32
      %select_n3A_1018 = arith.select %and3A_1015, %sub3A_1017, %div3A_996 : i32
      %mul3A_1019 = arith.constant 200 : i32
      %mul3A_1020 = arith.muli %select_n3A_1018, %mul3A_1019 : i32
      %add3A_1021 = arith.constant 0 : i32
      %add3A_1022 = arith.addi %mul3A_1020, %add3A_1021 : i32
      %dma_wait3A_1023 = arith.constant 6 : i32
      %dma_wait3A_1024 = arith.constant 6 : i32
      %dma_wait3A_1025 = arith.constant 0 : i32
      %dma_wait3A_1026 = arith.constant 0 : i32
      %dma_wait3A_1027 = tpu.memref_slice %arg7[%dma_wait3A_1023, %dma_wait3A_1025, %dma_wait3A_1026] : memref<8x104x128xf32, #tpu.memory_space<vmem>> -> memref<1x104x128xf32, #tpu.memory_space<vmem>>
      %dma_wait3A_1028 = tpu.memref_squeeze %dma_wait3A_1027 : memref<1x104x128xf32, #tpu.memory_space<vmem>> -> memref<104x128xf32, #tpu.memory_space<vmem>>
      %dma_wait3A_1029 = tpu.memref_slice %arg6[%add3A_1022] : memref<6400xi32, #tpu.memory_space<vmem>> -> memref<104xi32, #tpu.memory_space<vmem>>
      %dma_wait3A_1030 = arith.constant 0 : i32
      %dma_wait3A_1031 = arith.constant 0 : i32
      %dma_wait3A_1032 = tpu.memref_slice %arg11[%dma_wait3A_1030, %dma_wait3A_1031] : memref<1000x128xf32, #tpu.memory_space<vmem_shared>> -> memref<1000x128xf32, #tpu.memory_space<vmem_shared>>
      %dma_wait3A_1033 = tpu.memref_slice %arg9[%dma_wait3A_1024] : memref<8x!tpu.dma_semaphore, #tpu.memory_space<semaphore_mem>> -> memref<1x!tpu.dma_semaphore, #tpu.memory_space<semaphore_mem>>
      %dma_wait3A_1034 = tpu.memref_squeeze %dma_wait3A_1033 : memref<1x!tpu.dma_semaphore, #tpu.memory_space<semaphore_mem>> -> memref<!tpu.dma_semaphore, #tpu.memory_space<semaphore_mem>>
      tpu.wait_indirect_dma semaphore(%dma_wait3A_1034 : memref<!tpu.dma_semaphore, #tpu.memory_space<semaphore_mem>>) src(%dma_wait3A_1032 : memref<1000x128xf32, #tpu.memory_space<vmem_shared>>) dst(%dma_wait3A_1028 : memref<104x128xf32, #tpu.memory_space<vmem>>)
      %jit3A_1035 = arith.constant 2 : i32
      %div3A_1036 = arith.divsi %add3A_989, %jit3A_1035 : i32
      %sign3A_1037 = arith.constant 0 : i32
      %sign3A_1038 = arith.cmpi sgt, %add3A_989, %sign3A_1037 : i32
      %sign3A_1039 = arith.extui %sign3A_1038 : i1 to i32
      %sign3A_1040 = arith.constant 0 : i32
      %sign3A_1041 = arith.cmpi slt, %add3A_989, %sign3A_1040 : i32
      %sign3A_1042 = arith.extui %sign3A_1041 : i1 to i32
      %sign3A_1043 = arith.subi %sign3A_1039, %sign3A_1042 : i32
      %sign3A_1044 = arith.constant 0 : i32
      %sign3A_1045 = arith.cmpi sgt, %jit3A_1035, %sign3A_1044 : i32
      %sign3A_1046 = arith.extui %sign3A_1045 : i1 to i32
      %sign3A_1047 = arith.constant 0 : i32
      %sign3A_1048 = arith.cmpi slt, %jit3A_1035, %sign3A_1047 : i32
      %sign3A_1049 = arith.extui %sign3A_1048 : i1 to i32
      %sign3A_1050 = arith.subi %sign3A_1046, %sign3A_1049 : i32
      %ne3A_1051 = arith.cmpi ne, %sign3A_1043, %sign3A_1050 : i32
      %rem3A_1052 = arith.remsi %add3A_989, %jit3A_1035 : i32
      %ne3A_1053 = arith.constant 0 : i32
      %ne3A_1054 = arith.cmpi ne, %rem3A_1052, %ne3A_1053 : i32
      %and3A_1055 = arith.andi %ne3A_1051, %ne3A_1054 : i1
      %sub3A_1056 = arith.constant 1 : i32
      %sub3A_1057 = arith.subi %div3A_1036, %sub3A_1056 : i32
      %select_n3A_1058 = arith.select %and3A_1055, %sub3A_1057, %div3A_1036 : i32
      %get3A_1059 = arith.index_cast %select_n3A_1058 : i32 to index
      %get3A_1060 = arith.constant 0 : index
      %get3A_1061 = tpu.vector_load %arg8[%get3A_1059, %get3A_1060] {strides = array<i32>} : memref<32x128xf32, #tpu.memory_space<vmem>>, vector<1x16xf32>,
      %get3A_1062 = vector.shape_cast %get3A_1061 : vector<1x16xf32> to vector<16xf32>
      %get3A_1063 = arith.index_cast %select_n3A_1058 : i32 to index
      %get3A_1064 = arith.constant 16 : index
      %get3A_1065 = tpu.vector_load %arg8[%get3A_1063, %get3A_1064] {strides = array<i32>} : memref<32x128xf32, #tpu.memory_space<vmem>>, vector<1x16xf32>,
      %get3A_1066 = vector.shape_cast %get3A_1065 : vector<1x16xf32> to vector<16xf32>
      %get3A_1067 = arith.index_cast %select_n3A_1058 : i32 to index
      %get3A_1068 = arith.constant 32 : index
      %get3A_1069 = tpu.vector_load %arg8[%get3A_1067, %get3A_1068] {strides = array<i32>} : memref<32x128xf32, #tpu.memory_space<vmem>>, vector<1x16xf32>,
      %get3A_1070 = vector.shape_cast %get3A_1069 : vector<1x16xf32> to vector<16xf32>
      %get3A_1071 = arith.index_cast %select_n3A_1058 : i32 to index
      %get3A_1072 = arith.constant 48 : index
      %get3A_1073 = tpu.vector_load %arg8[%get3A_1071, %get3A_1072] {strides = array<i32>} : memref<32x128xf32, #tpu.memory_space<vmem>>, vector<1x16xf32>,
      %get3A_1074 = vector.shape_cast %get3A_1073 : vector<1x16xf32> to vector<16xf32>
      %get3A_1075 = arith.index_cast %select_n3A_1058 : i32 to index
      %get3A_1076 = arith.constant 64 : index
      %get3A_1077 = tpu.vector_load %arg8[%get3A_1075, %get3A_1076] {strides = array<i32>} : memref<32x128xf32, #tpu.memory_space<vmem>>, vector<1x16xf32>,
      %get3A_1078 = vector.shape_cast %get3A_1077 : vector<1x16xf32> to vector<16xf32>
      %get3A_1079 = arith.index_cast %select_n3A_1058 : i32 to index
      %get3A_1080 = arith.constant 80 : index
      %get3A_1081 = tpu.vector_load %arg8[%get3A_1079, %get3A_1080] {strides = array<i32>} : memref<32x128xf32, #tpu.memory_space<vmem>>, vector<1x16xf32>,
      %get3A_1082 = vector.shape_cast %get3A_1081 : vector<1x16xf32> to vector<16xf32>
      %get3A_1083 = arith.index_cast %select_n3A_1058 : i32 to index
      %get3A_1084 = arith.constant 96 : index
      %get3A_1085 = tpu.vector_load %arg8[%get3A_1083, %get3A_1084] {strides = array<i32>} : memref<32x128xf32, #tpu.memory_space<vmem>>, vector<1x16xf32>,
      %get3A_1086 = vector.shape_cast %get3A_1085 : vector<1x16xf32> to vector<16xf32>
      %get3A_1087 = arith.index_cast %select_n3A_1058 : i32 to index
      %get3A_1088 = arith.constant 112 : index
      %get3A_1089 = tpu.vector_load %arg8[%get3A_1087, %get3A_1088] {strides = array<i32>} : memref<32x128xf32, #tpu.memory_space<vmem>>, vector<1x16xf32>,
      %get3A_1090 = vector.shape_cast %get3A_1089 : vector<1x16xf32> to vector<16xf32>
      %scan3A_1091 = arith.constant 0 : i32
      %scan3A_1092 = arith.constant 104 : i32
      %scan3A_1093 = arith.addi %scan3A_1091, %scan3A_1092 : i32
      %scan3A_1094 = arith.constant 1 : i32
      %scan3A_1095:8 = scf.for %scan3A_1240 = %scan3A_1091 to %scan3A_1093 step %scan3A_1094 iter_args(%scan3A_1241 = %get3A_1062, %scan3A_1242 = %get3A_1066, %scan3A_1243 = %get3A_1070, %scan3A_1244 = %get3A_1074, %scan3A_1245 = %get3A_1078, %scan3A_1246 = %get3A_1082, %scan3A_1247 = %get3A_1086, %scan3A_1248 = %get3A_1090) -> (vector<16xf32>, vector<16xf32>, vector<16xf32>, vector<16xf32>, vector<16xf32>, vector<16xf32>, vector<16xf32>, vector<16xf32>)  : i32 {
        %get3A_1249 = arith.constant 6 : i32
        %get3A_1250 = arith.index_cast %get3A_1249 : i32 to index
        %get3A_1251 = arith.index_cast %scan3A_1240 : i32 to index
        %get3A_1252 = arith.constant 0 : index
        %get3A_1253 = tpu.vector_load %arg7[%get3A_1250, %get3A_1251, %get3A_1252] {strides = array<i32>} : memref<8x104x128xf32, #tpu.memory_space<vmem>>, vector<1x1x16xf32>,
        %get3A_1254 = vector.shape_cast %get3A_1253 : vector<1x1x16xf32> to vector<16xf32>
        %mul3A_1255 = arith.constant 0.899999976 : f32
        %mul3A_1256 = vector.broadcast %mul3A_1255 : f32 to vector<16xf32>
        %mul3A_1257 = arith.mulf %mul3A_1256, %scan3A_1241 : vector<16xf32>
        %add3A_1258 = arith.addf %get3A_1254, %mul3A_1257 : vector<16xf32>
        %get3A_1259 = arith.constant 6 : i32
        %get3A_1260 = arith.index_cast %get3A_1259 : i32 to index
        %get3A_1261 = arith.index_cast %scan3A_1240 : i32 to index
        %get3A_1262 = arith.constant 16 : index
        %get3A_1263 = tpu.vector_load %arg7[%get3A_1260, %get3A_1261, %get3A_1262] {strides = array<i32>} : memref<8x104x128xf32, #tpu.memory_space<vmem>>, vector<1x1x16xf32>,
        %get3A_1264 = vector.shape_cast %get3A_1263 : vector<1x1x16xf32> to vector<16xf32>
        %mul3A_1265 = arith.constant 0.899999976 : f32
        %mul3A_1266 = vector.broadcast %mul3A_1265 : f32 to vector<16xf32>
        %mul3A_1267 = arith.mulf %mul3A_1266, %scan3A_1242 : vector<16xf32>
        %add3A_1268 = arith.addf %get3A_1264, %mul3A_1267 : vector<16xf32>
        %get3A_1269 = arith.constant 6 : i32
        %get3A_1270 = arith.index_cast %get3A_1269 : i32 to index
        %get3A_1271 = arith.index_cast %scan3A_1240 : i32 to index
        %get3A_1272 = arith.constant 32 : index
        %get3A_1273 = tpu.vector_load %arg7[%get3A_1270, %get3A_1271, %get3A_1272] {strides = array<i32>} : memref<8x104x128xf32, #tpu.memory_space<vmem>>, vector<1x1x16xf32>,
        %get3A_1274 = vector.shape_cast %get3A_1273 : vector<1x1x16xf32> to vector<16xf32>
        %mul3A_1275 = arith.constant 0.899999976 : f32
        %mul3A_1276 = vector.broadcast %mul3A_1275 : f32 to vector<16xf32>
        %mul3A_1277 = arith.mulf %mul3A_1276, %scan3A_1243 : vector<16xf32>
        %add3A_1278 = arith.addf %get3A_1274, %mul3A_1277 : vector<16xf32>
        %get3A_1279 = arith.constant 6 : i32
        %get3A_1280 = arith.index_cast %get3A_1279 : i32 to index
        %get3A_1281 = arith.index_cast %scan3A_1240 : i32 to index
        %get3A_1282 = arith.constant 48 : index
        %get3A_1283 = tpu.vector_load %arg7[%get3A_1280, %get3A_1281, %get3A_1282] {strides = array<i32>} : memref<8x104x128xf32, #tpu.memory_space<vmem>>, vector<1x1x16xf32>,
        %get3A_1284 = vector.shape_cast %get3A_1283 : vector<1x1x16xf32> to vector<16xf32>
        %mul3A_1285 = arith.constant 0.899999976 : f32
        %mul3A_1286 = vector.broadcast %mul3A_1285 : f32 to vector<16xf32>
        %mul3A_1287 = arith.mulf %mul3A_1286, %scan3A_1244 : vector<16xf32>
        %add3A_1288 = arith.addf %get3A_1284, %mul3A_1287 : vector<16xf32>
        %get3A_1289 = arith.constant 6 : i32
        %get3A_1290 = arith.index_cast %get3A_1289 : i32 to index
        %get3A_1291 = arith.index_cast %scan3A_1240 : i32 to index
        %get3A_1292 = arith.constant 64 : index
        %get3A_1293 = tpu.vector_load %arg7[%get3A_1290, %get3A_1291, %get3A_1292] {strides = array<i32>} : memref<8x104x128xf32, #tpu.memory_space<vmem>>, vector<1x1x16xf32>,
        %get3A_1294 = vector.shape_cast %get3A_1293 : vector<1x1x16xf32> to vector<16xf32>
        %mul3A_1295 = arith.constant 0.899999976 : f32
        %mul3A_1296 = vector.broadcast %mul3A_1295 : f32 to vector<16xf32>
        %mul3A_1297 = arith.mulf %mul3A_1296, %scan3A_1245 : vector<16xf32>
        %add3A_1298 = arith.addf %get3A_1294, %mul3A_1297 : vector<16xf32>
        %get3A_1299 = arith.constant 6 : i32
        %get3A_1300 = arith.index_cast %get3A_1299 : i32 to index
        %get3A_1301 = arith.index_cast %scan3A_1240 : i32 to index
        %get3A_1302 = arith.constant 80 : index
        %get3A_1303 = tpu.vector_load %arg7[%get3A_1300, %get3A_1301, %get3A_1302] {strides = array<i32>} : memref<8x104x128xf32, #tpu.memory_space<vmem>>, vector<1x1x16xf32>,
        %get3A_1304 = vector.shape_cast %get3A_1303 : vector<1x1x16xf32> to vector<16xf32>
        %mul3A_1305 = arith.constant 0.899999976 : f32
        %mul3A_1306 = vector.broadcast %mul3A_1305 : f32 to vector<16xf32>
        %mul3A_1307 = arith.mulf %mul3A_1306, %scan3A_1246 : vector<16xf32>
        %add3A_1308 = arith.addf %get3A_1304, %mul3A_1307 : vector<16xf32>
        %get3A_1309 = arith.constant 6 : i32
        %get3A_1310 = arith.index_cast %get3A_1309 : i32 to index
        %get3A_1311 = arith.index_cast %scan3A_1240 : i32 to index
        %get3A_1312 = arith.constant 96 : index
        %get3A_1313 = tpu.vector_load %arg7[%get3A_1310, %get3A_1311, %get3A_1312] {strides = array<i32>} : memref<8x104x128xf32, #tpu.memory_space<vmem>>, vector<1x1x16xf32>,
        %get3A_1314 = vector.shape_cast %get3A_1313 : vector<1x1x16xf32> to vector<16xf32>
        %mul3A_1315 = arith.constant 0.899999976 : f32
        %mul3A_1316 = vector.broadcast %mul3A_1315 : f32 to vector<16xf32>
        %mul3A_1317 = arith.mulf %mul3A_1316, %scan3A_1247 : vector<16xf32>
        %add3A_1318 = arith.addf %get3A_1314, %mul3A_1317 : vector<16xf32>
        %get3A_1319 = arith.constant 6 : i32
        %get3A_1320 = arith.index_cast %get3A_1319 : i32 to index
        %get3A_1321 = arith.index_cast %scan3A_1240 : i32 to index
        %get3A_1322 = arith.constant 112 : index
        %get3A_1323 = tpu.vector_load %arg7[%get3A_1320, %get3A_1321, %get3A_1322] {strides = array<i32>} : memref<8x104x128xf32, #tpu.memory_space<vmem>>, vector<1x1x16xf32>,
        %get3A_1324 = vector.shape_cast %get3A_1323 : vector<1x1x16xf32> to vector<16xf32>
        %mul3A_1325 = arith.constant 0.899999976 : f32
        %mul3A_1326 = vector.broadcast %mul3A_1325 : f32 to vector<16xf32>
        %mul3A_1327 = arith.mulf %mul3A_1326, %scan3A_1248 : vector<16xf32>
        %add3A_1328 = arith.addf %get3A_1324, %mul3A_1327 : vector<16xf32>
        %swap3A = arith.constant 6 : i32
        %swap3A_1329 = arith.index_cast %swap3A : i32 to index
        %swap3A_1330 = arith.index_cast %scan3A_1240 : i32 to index
        %swap3A_1331 = arith.constant 0 : index
        %swap3A_1332 = tpu.vector_load %arg7[%swap3A_1329, %swap3A_1330, %swap3A_1331] {strides = array<i32>} : memref<8x104x128xf32, #tpu.memory_space<vmem>>, vector<1x1x16xf32>,
        %swap3A_1333 = vector.shape_cast %swap3A_1332 : vector<1x1x16xf32> to vector<16xf32>
        %swap3A_1334 = vector.shape_cast %add3A_1258 : vector<16xf32> to vector<1x1x16xf32>
        tpu.vector_store %arg7[%swap3A_1329, %swap3A_1330, %swap3A_1331], %swap3A_1334 {strides = array<i32>} : memref<8x104x128xf32, #tpu.memory_space<vmem>>, vector<1x1x16xf32>,
        %swap3A_1335 = arith.constant 6 : i32
        %swap3A_1336 = arith.index_cast %swap3A_1335 : i32 to index
        %swap3A_1337 = arith.index_cast %scan3A_1240 : i32 to index
        %swap3A_1338 = arith.constant 16 : index
        %swap3A_1339 = tpu.vector_load %arg7[%swap3A_1336, %swap3A_1337, %swap3A_1338] {strides = array<i32>} : memref<8x104x128xf32, #tpu.memory_space<vmem>>, vector<1x1x16xf32>,
        %swap3A_1340 = vector.shape_cast %swap3A_1339 : vector<1x1x16xf32> to vector<16xf32>
        %swap3A_1341 = vector.shape_cast %add3A_1268 : vector<16xf32> to vector<1x1x16xf32>
        tpu.vector_store %arg7[%swap3A_1336, %swap3A_1337, %swap3A_1338], %swap3A_1341 {strides = array<i32>} : memref<8x104x128xf32, #tpu.memory_space<vmem>>, vector<1x1x16xf32>,
        %swap3A_1342 = arith.constant 6 : i32
        %swap3A_1343 = arith.index_cast %swap3A_1342 : i32 to index
        %swap3A_1344 = arith.index_cast %scan3A_1240 : i32 to index
        %swap3A_1345 = arith.constant 32 : index
        %swap3A_1346 = tpu.vector_load %arg7[%swap3A_1343, %swap3A_1344, %swap3A_1345] {strides = array<i32>} : memref<8x104x128xf32, #tpu.memory_space<vmem>>, vector<1x1x16xf32>,
        %swap3A_1347 = vector.shape_cast %swap3A_1346 : vector<1x1x16xf32> to vector<16xf32>
        %swap3A_1348 = vector.shape_cast %add3A_1278 : vector<16xf32> to vector<1x1x16xf32>
        tpu.vector_store %arg7[%swap3A_1343, %swap3A_1344, %swap3A_1345], %swap3A_1348 {strides = array<i32>} : memref<8x104x128xf32, #tpu.memory_space<vmem>>, vector<1x1x16xf32>,
        %swap3A_1349 = arith.constant 6 : i32
        %swap3A_1350 = arith.index_cast %swap3A_1349 : i32 to index
        %swap3A_1351 = arith.index_cast %scan3A_1240 : i32 to index
        %swap3A_1352 = arith.constant 48 : index
        %swap3A_1353 = tpu.vector_load %arg7[%swap3A_1350, %swap3A_1351, %swap3A_1352] {strides = array<i32>} : memref<8x104x128xf32, #tpu.memory_space<vmem>>, vector<1x1x16xf32>,
        %swap3A_1354 = vector.shape_cast %swap3A_1353 : vector<1x1x16xf32> to vector<16xf32>
        %swap3A_1355 = vector.shape_cast %add3A_1288 : vector<16xf32> to vector<1x1x16xf32>
        tpu.vector_store %arg7[%swap3A_1350, %swap3A_1351, %swap3A_1352], %swap3A_1355 {strides = array<i32>} : memref<8x104x128xf32, #tpu.memory_space<vmem>>, vector<1x1x16xf32>,
        %swap3A_1356 = arith.constant 6 : i32
        %swap3A_1357 = arith.index_cast %swap3A_1356 : i32 to index
        %swap3A_1358 = arith.index_cast %scan3A_1240 : i32 to index
        %swap3A_1359 = arith.constant 64 : index
        %swap3A_1360 = tpu.vector_load %arg7[%swap3A_1357, %swap3A_1358, %swap3A_1359] {strides = array<i32>} : memref<8x104x128xf32, #tpu.memory_space<vmem>>, vector<1x1x16xf32>,
        %swap3A_1361 = vector.shape_cast %swap3A_1360 : vector<1x1x16xf32> to vector<16xf32>
        %swap3A_1362 = vector.shape_cast %add3A_1298 : vector<16xf32> to vector<1x1x16xf32>
        tpu.vector_store %arg7[%swap3A_1357, %swap3A_1358, %swap3A_1359], %swap3A_1362 {strides = array<i32>} : memref<8x104x128xf32, #tpu.memory_space<vmem>>, vector<1x1x16xf32>,
        %swap3A_1363 = arith.constant 6 : i32
        %swap3A_1364 = arith.index_cast %swap3A_1363 : i32 to index
        %swap3A_1365 = arith.index_cast %scan3A_1240 : i32 to index
        %swap3A_1366 = arith.constant 80 : index
        %swap3A_1367 = tpu.vector_load %arg7[%swap3A_1364, %swap3A_1365, %swap3A_1366] {strides = array<i32>} : memref<8x104x128xf32, #tpu.memory_space<vmem>>, vector<1x1x16xf32>,
        %swap3A_1368 = vector.shape_cast %swap3A_1367 : vector<1x1x16xf32> to vector<16xf32>
        %swap3A_1369 = vector.shape_cast %add3A_1308 : vector<16xf32> to vector<1x1x16xf32>
        tpu.vector_store %arg7[%swap3A_1364, %swap3A_1365, %swap3A_1366], %swap3A_1369 {strides = array<i32>} : memref<8x104x128xf32, #tpu.memory_space<vmem>>, vector<1x1x16xf32>,
        %swap3A_1370 = arith.constant 6 : i32
        %swap3A_1371 = arith.index_cast %swap3A_1370 : i32 to index
        %swap3A_1372 = arith.index_cast %scan3A_1240 : i32 to index
        %swap3A_1373 = arith.constant 96 : index
        %swap3A_1374 = tpu.vector_load %arg7[%swap3A_1371, %swap3A_1372, %swap3A_1373] {strides = array<i32>} : memref<8x104x128xf32, #tpu.memory_space<vmem>>, vector<1x1x16xf32>,
        %swap3A_1375 = vector.shape_cast %swap3A_1374 : vector<1x1x16xf32> to vector<16xf32>
        %swap3A_1376 = vector.shape_cast %add3A_1318 : vector<16xf32> to vector<1x1x16xf32>
        tpu.vector_store %arg7[%swap3A_1371, %swap3A_1372, %swap3A_1373], %swap3A_1376 {strides = array<i32>} : memref<8x104x128xf32, #tpu.memory_space<vmem>>, vector<1x1x16xf32>,
        %swap3A_1377 = arith.constant 6 : i32
        %swap3A_1378 = arith.index_cast %swap3A_1377 : i32 to index
        %swap3A_1379 = arith.index_cast %scan3A_1240 : i32 to index
        %swap3A_1380 = arith.constant 112 : index
        %swap3A_1381 = tpu.vector_load %arg7[%swap3A_1378, %swap3A_1379, %swap3A_1380] {strides = array<i32>} : memref<8x104x128xf32, #tpu.memory_space<vmem>>, vector<1x1x16xf32>,
        %swap3A_1382 = vector.shape_cast %swap3A_1381 : vector<1x1x16xf32> to vector<16xf32>
        %swap3A_1383 = vector.shape_cast %add3A_1328 : vector<16xf32> to vector<1x1x16xf32>
        tpu.vector_store %arg7[%swap3A_1378, %swap3A_1379, %swap3A_1380], %swap3A_1383 {strides = array<i32>} : memref<8x104x128xf32, #tpu.memory_space<vmem>>, vector<1x1x16xf32>,
        scf.yield %add3A_1258, %add3A_1268, %add3A_1278, %add3A_1288, %add3A_1298, %add3A_1308, %add3A_1318, %add3A_1328 : vector<16xf32>, vector<16xf32>, vector<16xf32>, vector<16xf32>, vector<16xf32>, vector<16xf32>, vector<16xf32>, vector<16xf32>
      }
      %scan3A_1096 = arith.constant 104 : i32
      %jit3A_1097 = arith.constant 2 : i32
      %div3A_1098 = arith.divsi %add3A_989, %jit3A_1097 : i32
      %sign3A_1099 = arith.constant 0 : i32
      %sign3A_1100 = arith.cmpi sgt, %add3A_989, %sign3A_1099 : i32
      %sign3A_1101 = arith.extui %sign3A_1100 : i1 to i32
      %sign3A_1102 = arith.constant 0 : i32
      %sign3A_1103 = arith.cmpi slt, %add3A_989, %sign3A_1102 : i32
      %sign3A_1104 = arith.extui %sign3A_1103 : i1 to i32
      %sign3A_1105 = arith.subi %sign3A_1101, %sign3A_1104 : i32
      %sign3A_1106 = arith.constant 0 : i32
      %sign3A_1107 = arith.cmpi sgt, %jit3A_1097, %sign3A_1106 : i32
      %sign3A_1108 = arith.extui %sign3A_1107 : i1 to i32
      %sign3A_1109 = arith.constant 0 : i32
      %sign3A_1110 = arith.cmpi slt, %jit3A_1097, %sign3A_1109 : i32
      %sign3A_1111 = arith.extui %sign3A_1110 : i1 to i32
      %sign3A_1112 = arith.subi %sign3A_1108, %sign3A_1111 : i32
      %ne3A_1113 = arith.cmpi ne, %sign3A_1105, %sign3A_1112 : i32
      %rem3A_1114 = arith.remsi %add3A_989, %jit3A_1097 : i32
      %ne3A_1115 = arith.constant 0 : i32
      %ne3A_1116 = arith.cmpi ne, %rem3A_1114, %ne3A_1115 : i32
      %and3A_1117 = arith.andi %ne3A_1113, %ne3A_1116 : i1
      %sub3A_1118 = arith.constant 1 : i32
      %sub3A_1119 = arith.subi %div3A_1098, %sub3A_1118 : i32
      %select_n3A_1120 = arith.select %and3A_1117, %sub3A_1119, %div3A_1098 : i32
      %add3A_1121 = arith.addi %mul3A_2, %select_n3A_1120 : i32
      %mul3A_1122 = arith.constant 200 : i32
      %mul3A_1123 = arith.muli %add3A_1121, %mul3A_1122 : i32
      %add3A_1124 = arith.constant 0 : i32
      %add3A_1125 = arith.addi %mul3A_1123, %add3A_1124 : i32
      %dma_start3A_1126 = arith.constant 6 : i32
      %dma_start3A_1127 = arith.constant 6 : i32
      %dma_start3A_1128 = arith.constant 0 : i32
      %dma_start3A_1129 = arith.constant 0 : i32
      %dma_start3A_1130 = tpu.memref_slice %arg7[%dma_start3A_1126, %dma_start3A_1128, %dma_start3A_1129] : memref<8x104x128xf32, #tpu.memory_space<vmem>> -> memref<1x104x128xf32, #tpu.memory_space<vmem>>
      %dma_start3A_1131 = tpu.memref_squeeze %dma_start3A_1130 : memref<1x104x128xf32, #tpu.memory_space<vmem>> -> memref<104x128xf32, #tpu.memory_space<vmem>>
      %dma_start3A_1132 = arith.constant 0 : i32
      %dma_start3A_1133 = tpu.memref_slice %arg5[%add3A_1125, %dma_start3A_1132] : memref<204800x128xf32, #tpu.memory_space<hbm>> -> memref<104x128xf32, #tpu.memory_space<hbm>>
      %dma_start3A_1134 = tpu.memref_slice %arg10[%dma_start3A_1127] : memref<8x!tpu.dma_semaphore, #tpu.memory_space<semaphore_mem>> -> memref<1x!tpu.dma_semaphore, #tpu.memory_space<semaphore_mem>>
      %dma_start3A_1135 = tpu.memref_squeeze %dma_start3A_1134 : memref<1x!tpu.dma_semaphore, #tpu.memory_space<semaphore_mem>> -> memref<!tpu.dma_semaphore, #tpu.memory_space<semaphore_mem>>
      %dma_start3A_1136 = arith.constant 0 : i32
      %dma_start3A_1137 = tpu.memref_slice %arg5[%add3A_1125, %dma_start3A_1136] : memref<204800x128xf32, #tpu.memory_space<hbm>> -> memref<104x128xf32, #tpu.memory_space<hbm>>
      %dma_start3A_1138 = arith.constant 0 : i32
      %dma_start3A_1139 = arith.constant 0 : i32
      %dma_start3A_1140 = tpu.memref_slice %arg7[%dma_start3A_1126, %dma_start3A_1138, %dma_start3A_1139] : memref<8x104x128xf32, #tpu.memory_space<vmem>> -> memref<1x104x128xf32, #tpu.memory_space<vmem>>
      %dma_start3A_1141 = tpu.memref_squeeze %dma_start3A_1140 : memref<1x104x128xf32, #tpu.memory_space<vmem>> -> memref<104x128xf32, #tpu.memory_space<vmem>>
      tpu.enqueue_dma source(%dma_start3A_1141 : memref<104x128xf32, #tpu.memory_space<vmem>>) target(%dma_start3A_1137 : memref<104x128xf32, #tpu.memory_space<hbm>>) target_semaphore(%dma_start3A_1135 : memref<!tpu.dma_semaphore, #tpu.memory_space<semaphore_mem>>)
      %add3A_1142 = arith.constant 7 : i32
      %add3A_1143 = arith.addi %add3A_241, %add3A_1142 : i32
      %lt3A_1144 = arith.constant 60 : i32
      %lt3A_1145 = arith.cmpi slt, %add3A_1143, %lt3A_1144 : i32
      %convert_element_type3A_1146 = arith.extui %lt3A_1145 : i1 to i32
      %cond3A_1147 = arith.constant 0 : i32
      %cond3A_1148 = arith.cmpi ne, %convert_element_type3A_1146, %cond3A_1147 : i32
      scf.if %cond3A_1148 {
        %ge3A = arith.constant 4 : i32
        %ge3A_1240 = arith.cmpi sge, %add3A_1143, %ge3A : i32
        %convert_element_type3A_1241 = arith.extui %ge3A_1240 : i1 to i32
        %cond3A_1242 = arith.constant 0 : i32
        %cond3A_1243 = arith.cmpi ne, %convert_element_type3A_1241, %cond3A_1242 : i32
        scf.if %cond3A_1243 {
          %sub3A_1286 = arith.constant 4 : i32
          %sub3A_1287 = arith.subi %add3A_1143, %sub3A_1286 : i32
          %jit3A_1288 = arith.constant 2 : i32
          %div3A_1289 = arith.divsi %sub3A_1287, %jit3A_1288 : i32
          %sign3A_1290 = arith.constant 0 : i32
          %sign3A_1291 = arith.cmpi sgt, %sub3A_1287, %sign3A_1290 : i32
          %sign3A_1292 = arith.extui %sign3A_1291 : i1 to i32
          %sign3A_1293 = arith.constant 0 : i32
          %sign3A_1294 = arith.cmpi slt, %sub3A_1287, %sign3A_1293 : i32
          %sign3A_1295 = arith.extui %sign3A_1294 : i1 to i32
          %sign3A_1296 = arith.subi %sign3A_1292, %sign3A_1295 : i32
          %sign3A_1297 = arith.constant 0 : i32
          %sign3A_1298 = arith.cmpi sgt, %jit3A_1288, %sign3A_1297 : i32
          %sign3A_1299 = arith.extui %sign3A_1298 : i1 to i32
          %sign3A_1300 = arith.constant 0 : i32
          %sign3A_1301 = arith.cmpi slt, %jit3A_1288, %sign3A_1300 : i32
          %sign3A_1302 = arith.extui %sign3A_1301 : i1 to i32
          %sign3A_1303 = arith.subi %sign3A_1299, %sign3A_1302 : i32
          %ne3A_1304 = arith.cmpi ne, %sign3A_1296, %sign3A_1303 : i32
          %rem3A_1305 = arith.remsi %sub3A_1287, %jit3A_1288 : i32
          %ne3A_1306 = arith.constant 0 : i32
          %ne3A_1307 = arith.cmpi ne, %rem3A_1305, %ne3A_1306 : i32
          %and3A_1308 = arith.andi %ne3A_1304, %ne3A_1307 : i1
          %sub3A_1309 = arith.constant 1 : i32
          %sub3A_1310 = arith.subi %div3A_1289, %sub3A_1309 : i32
          %select_n3A_1311 = arith.select %and3A_1308, %sub3A_1310, %div3A_1289 : i32
          %add3A_1312 = arith.addi %mul3A_2, %select_n3A_1311 : i32
          %mul3A_1313 = arith.constant 200 : i32
          %mul3A_1314 = arith.muli %add3A_1312, %mul3A_1313 : i32
          %add3A_1315 = arith.constant 104 : i32
          %add3A_1316 = arith.addi %mul3A_1314, %add3A_1315 : i32
          %dma_wait3A_1317 = arith.constant 3 : i32
          %dma_wait3A_1318 = arith.constant 3 : i32
          %dma_wait3A_1319 = arith.constant 0 : i32
          %dma_wait3A_1320 = arith.constant 0 : i32
          %dma_wait3A_1321 = tpu.memref_slice %arg7[%dma_wait3A_1317, %dma_wait3A_1319, %dma_wait3A_1320] : memref<8x104x128xf32, #tpu.memory_space<vmem>> -> memref<1x96x128xf32, #tpu.memory_space<vmem>>
          %dma_wait3A_1322 = tpu.memref_squeeze %dma_wait3A_1321 : memref<1x96x128xf32, #tpu.memory_space<vmem>> -> memref<96x128xf32, #tpu.memory_space<vmem>>
          %dma_wait3A_1323 = arith.constant 0 : i32
          %dma_wait3A_1324 = tpu.memref_slice %arg5[%add3A_1316, %dma_wait3A_1323] : memref<204800x128xf32, #tpu.memory_space<hbm>> -> memref<96x128xf32, #tpu.memory_space<hbm>>
          %dma_wait3A_1325 = tpu.memref_slice %arg10[%dma_wait3A_1318] : memref<8x!tpu.dma_semaphore, #tpu.memory_space<semaphore_mem>> -> memref<1x!tpu.dma_semaphore, #tpu.memory_space<semaphore_mem>>
          %dma_wait3A_1326 = tpu.memref_squeeze %dma_wait3A_1325 : memref<1x!tpu.dma_semaphore, #tpu.memory_space<semaphore_mem>> -> memref<!tpu.dma_semaphore, #tpu.memory_space<semaphore_mem>>
          %dma_wait3A_1327 = arith.constant 0 : i32
          %dma_wait3A_1328 = tpu.memref_slice %arg5[%add3A_1316, %dma_wait3A_1327] : memref<204800x128xf32, #tpu.memory_space<hbm>> -> memref<96x128xf32, #tpu.memory_space<hbm>>
          %dma_wait3A_1329 = arith.constant 0 : i32
          %dma_wait3A_1330 = arith.constant 0 : i32
          %dma_wait3A_1331 = tpu.memref_slice %arg7[%dma_wait3A_1317, %dma_wait3A_1329, %dma_wait3A_1330] : memref<8x104x128xf32, #tpu.memory_space<vmem>> -> memref<1x96x128xf32, #tpu.memory_space<vmem>>
          %dma_wait3A_1332 = tpu.memref_squeeze %dma_wait3A_1331 : memref<1x96x128xf32, #tpu.memory_space<vmem>> -> memref<96x128xf32, #tpu.memory_space<vmem>>
          tpu.wait_dma2 semaphore(%dma_wait3A_1326 : memref<!tpu.dma_semaphore, #tpu.memory_space<semaphore_mem>>) src(%dma_wait3A_1332 : memref<96x128xf32, #tpu.memory_space<vmem>>) dst(%dma_wait3A_1328 : memref<96x128xf32, #tpu.memory_space<hbm>>)
        } else {
        }
        %add3A_1244 = arith.constant 4 : i32
        %add3A_1245 = arith.addi %add3A_1143, %add3A_1244 : i32
        %jit3A_1246 = arith.constant 2 : i32
        %div3A_1247 = arith.divsi %add3A_1245, %jit3A_1246 : i32
        %sign3A_1248 = arith.constant 0 : i32
        %sign3A_1249 = arith.cmpi sgt, %add3A_1245, %sign3A_1248 : i32
        %sign3A_1250 = arith.extui %sign3A_1249 : i1 to i32
        %sign3A_1251 = arith.constant 0 : i32
        %sign3A_1252 = arith.cmpi slt, %add3A_1245, %sign3A_1251 : i32
        %sign3A_1253 = arith.extui %sign3A_1252 : i1 to i32
        %sign3A_1254 = arith.subi %sign3A_1250, %sign3A_1253 : i32
        %sign3A_1255 = arith.constant 0 : i32
        %sign3A_1256 = arith.cmpi sgt, %jit3A_1246, %sign3A_1255 : i32
        %sign3A_1257 = arith.extui %sign3A_1256 : i1 to i32
        %sign3A_1258 = arith.constant 0 : i32
        %sign3A_1259 = arith.cmpi slt, %jit3A_1246, %sign3A_1258 : i32
        %sign3A_1260 = arith.extui %sign3A_1259 : i1 to i32
        %sign3A_1261 = arith.subi %sign3A_1257, %sign3A_1260 : i32
        %ne3A_1262 = arith.cmpi ne, %sign3A_1254, %sign3A_1261 : i32
        %rem3A_1263 = arith.remsi %add3A_1245, %jit3A_1246 : i32
        %ne3A_1264 = arith.constant 0 : i32
        %ne3A_1265 = arith.cmpi ne, %rem3A_1263, %ne3A_1264 : i32
        %and3A_1266 = arith.andi %ne3A_1262, %ne3A_1265 : i1
        %sub3A_1267 = arith.constant 1 : i32
        %sub3A_1268 = arith.subi %div3A_1247, %sub3A_1267 : i32
        %select_n3A_1269 = arith.select %and3A_1266, %sub3A_1268, %div3A_1247 : i32
        %mul3A_1270 = arith.constant 200 : i32
        %mul3A_1271 = arith.muli %select_n3A_1269, %mul3A_1270 : i32
        %add3A_1272 = arith.constant 104 : i32
        %add3A_1273 = arith.addi %mul3A_1271, %add3A_1272 : i32
        %dma_start3A_1274 = arith.constant 3 : i32
        %dma_start3A_1275 = arith.constant 3 : i32
        %dma_start3A_1276 = arith.constant 0 : i32
        %dma_start3A_1277 = arith.constant 0 : i32
        %dma_start3A_1278 = tpu.memref_slice %arg7[%dma_start3A_1274, %dma_start3A_1276, %dma_start3A_1277] : memref<8x104x128xf32, #tpu.memory_space<vmem>> -> memref<1x96x128xf32, #tpu.memory_space<vmem>>
        %dma_start3A_1279 = tpu.memref_squeeze %dma_start3A_1278 : memref<1x96x128xf32, #tpu.memory_space<vmem>> -> memref<96x128xf32, #tpu.memory_space<vmem>>
        %dma_start3A_1280 = tpu.memref_slice %arg6[%add3A_1273] : memref<6400xi32, #tpu.memory_space<vmem>> -> memref<96xi32, #tpu.memory_space<vmem>>
        %dma_start3A_1281 = arith.constant 0 : i32
        %dma_start3A_1282 = arith.constant 0 : i32
        %dma_start3A_1283 = tpu.memref_slice %arg11[%dma_start3A_1281, %dma_start3A_1282] : memref<1000x128xf32, #tpu.memory_space<vmem_shared>> -> memref<1000x128xf32, #tpu.memory_space<vmem_shared>>
        %dma_start3A_1284 = tpu.memref_slice %arg9[%dma_start3A_1275] : memref<8x!tpu.dma_semaphore, #tpu.memory_space<semaphore_mem>> -> memref<1x!tpu.dma_semaphore, #tpu.memory_space<semaphore_mem>>
        %dma_start3A_1285 = tpu.memref_squeeze %dma_start3A_1284 : memref<1x!tpu.dma_semaphore, #tpu.memory_space<semaphore_mem>> -> memref<!tpu.dma_semaphore, #tpu.memory_space<semaphore_mem>>
        tpu.enqueue_indirect_dma source(%dma_start3A_1283 : memref<1000x128xf32, #tpu.memory_space<vmem_shared>>) target(%dma_start3A_1279 : memref<96x128xf32, #tpu.memory_space<vmem>>) offsets(%dma_start3A_1280 : memref<96xi32, #tpu.memory_space<vmem>>) semaphore(%dma_start3A_1285 : memref<!tpu.dma_semaphore, #tpu.memory_space<semaphore_mem>>)
      } else {
      }
      %jit3A_1149 = arith.constant 2 : i32
      %div3A_1150 = arith.divsi %add3A_1143, %jit3A_1149 : i32
      %sign3A_1151 = arith.constant 0 : i32
      %sign3A_1152 = arith.cmpi sgt, %add3A_1143, %sign3A_1151 : i32
      %sign3A_1153 = arith.extui %sign3A_1152 : i1 to i32
      %sign3A_1154 = arith.constant 0 : i32
      %sign3A_1155 = arith.cmpi slt, %add3A_1143, %sign3A_1154 : i32
      %sign3A_1156 = arith.extui %sign3A_1155 : i1 to i32
      %sign3A_1157 = arith.subi %sign3A_1153, %sign3A_1156 : i32
      %sign3A_1158 = arith.constant 0 : i32
      %sign3A_1159 = arith.cmpi sgt, %jit3A_1149, %sign3A_1158 : i32
      %sign3A_1160 = arith.extui %sign3A_1159 : i1 to i32
      %sign3A_1161 = arith.constant 0 : i32
      %sign3A_1162 = arith.cmpi slt, %jit3A_1149, %sign3A_1161 : i32
      %sign3A_1163 = arith.extui %sign3A_1162 : i1 to i32
      %sign3A_1164 = arith.subi %sign3A_1160, %sign3A_1163 : i32
      %ne3A_1165 = arith.cmpi ne, %sign3A_1157, %sign3A_1164 : i32
      %rem3A_1166 = arith.remsi %add3A_1143, %jit3A_1149 : i32
      %ne3A_1167 = arith.constant 0 : i32
      %ne3A_1168 = arith.cmpi ne, %rem3A_1166, %ne3A_1167 : i32
      %and3A_1169 = arith.andi %ne3A_1165, %ne3A_1168 : i1
      %sub3A_1170 = arith.constant 1 : i32
      %sub3A_1171 = arith.subi %div3A_1150, %sub3A_1170 : i32
      %select_n3A_1172 = arith.select %and3A_1169, %sub3A_1171, %div3A_1150 : i32
      %mul3A_1173 = arith.constant 200 : i32
      %mul3A_1174 = arith.muli %select_n3A_1172, %mul3A_1173 : i32
      %add3A_1175 = arith.constant 104 : i32
      %add3A_1176 = arith.addi %mul3A_1174, %add3A_1175 : i32
      %dma_wait3A_1177 = arith.constant 7 : i32
      %dma_wait3A_1178 = arith.constant 7 : i32
      %dma_wait3A_1179 = arith.constant 0 : i32
      %dma_wait3A_1180 = arith.constant 0 : i32
      %dma_wait3A_1181 = tpu.memref_slice %arg7[%dma_wait3A_1177, %dma_wait3A_1179, %dma_wait3A_1180] : memref<8x104x128xf32, #tpu.memory_space<vmem>> -> memref<1x96x128xf32, #tpu.memory_space<vmem>>
      %dma_wait3A_1182 = tpu.memref_squeeze %dma_wait3A_1181 : memref<1x96x128xf32, #tpu.memory_space<vmem>> -> memref<96x128xf32, #tpu.memory_space<vmem>>
      %dma_wait3A_1183 = tpu.memref_slice %arg6[%add3A_1176] : memref<6400xi32, #tpu.memory_space<vmem>> -> memref<96xi32, #tpu.memory_space<vmem>>
      %dma_wait3A_1184 = arith.constant 0 : i32
      %dma_wait3A_1185 = arith.constant 0 : i32
      %dma_wait3A_1186 = tpu.memref_slice %arg11[%dma_wait3A_1184, %dma_wait3A_1185] : memref<1000x128xf32, #tpu.memory_space<vmem_shared>> -> memref<1000x128xf32, #tpu.memory_space<vmem_shared>>
      %dma_wait3A_1187 = tpu.memref_slice %arg9[%dma_wait3A_1178] : memref<8x!tpu.dma_semaphore, #tpu.memory_space<semaphore_mem>> -> memref<1x!tpu.dma_semaphore, #tpu.memory_space<semaphore_mem>>
      %dma_wait3A_1188 = tpu.memref_squeeze %dma_wait3A_1187 : memref<1x!tpu.dma_semaphore, #tpu.memory_space<semaphore_mem>> -> memref<!tpu.dma_semaphore, #tpu.memory_space<semaphore_mem>>
      tpu.wait_indirect_dma semaphore(%dma_wait3A_1188 : memref<!tpu.dma_semaphore, #tpu.memory_space<semaphore_mem>>) src(%dma_wait3A_1186 : memref<1000x128xf32, #tpu.memory_space<vmem_shared>>) dst(%dma_wait3A_1182 : memref<96x128xf32, #tpu.memory_space<vmem>>)
      %scan3A_1189 = arith.constant 0 : i32
      %scan3A_1190 = arith.constant 96 : i32
      %scan3A_1191 = arith.addi %scan3A_1189, %scan3A_1190 : i32
      %scan3A_1192 = arith.constant 1 : i32
      %scan3A_1193:8 = scf.for %scan3A_1240 = %scan3A_1189 to %scan3A_1191 step %scan3A_1192 iter_args(%scan3A_1241 = %scan3A_1095#0, %scan3A_1242 = %scan3A_1095#1, %scan3A_1243 = %scan3A_1095#2, %scan3A_1244 = %scan3A_1095#3, %scan3A_1245 = %scan3A_1095#4, %scan3A_1246 = %scan3A_1095#5, %scan3A_1247 = %scan3A_1095#6, %scan3A_1248 = %scan3A_1095#7) -> (vector<16xf32>, vector<16xf32>, vector<16xf32>, vector<16xf32>, vector<16xf32>, vector<16xf32>, vector<16xf32>, vector<16xf32>)  : i32 {
        %get3A_1249 = arith.constant 7 : i32
        %get3A_1250 = arith.index_cast %get3A_1249 : i32 to index
        %get3A_1251 = arith.index_cast %scan3A_1240 : i32 to index
        %get3A_1252 = arith.constant 0 : index
        %get3A_1253 = tpu.vector_load %arg7[%get3A_1250, %get3A_1251, %get3A_1252] {strides = array<i32>} : memref<8x104x128xf32, #tpu.memory_space<vmem>>, vector<1x1x16xf32>,
        %get3A_1254 = vector.shape_cast %get3A_1253 : vector<1x1x16xf32> to vector<16xf32>
        %mul3A_1255 = arith.constant 0.899999976 : f32
        %mul3A_1256 = vector.broadcast %mul3A_1255 : f32 to vector<16xf32>
        %mul3A_1257 = arith.mulf %mul3A_1256, %scan3A_1241 : vector<16xf32>
        %add3A_1258 = arith.addf %get3A_1254, %mul3A_1257 : vector<16xf32>
        %get3A_1259 = arith.constant 7 : i32
        %get3A_1260 = arith.index_cast %get3A_1259 : i32 to index
        %get3A_1261 = arith.index_cast %scan3A_1240 : i32 to index
        %get3A_1262 = arith.constant 16 : index
        %get3A_1263 = tpu.vector_load %arg7[%get3A_1260, %get3A_1261, %get3A_1262] {strides = array<i32>} : memref<8x104x128xf32, #tpu.memory_space<vmem>>, vector<1x1x16xf32>,
        %get3A_1264 = vector.shape_cast %get3A_1263 : vector<1x1x16xf32> to vector<16xf32>
        %mul3A_1265 = arith.constant 0.899999976 : f32
        %mul3A_1266 = vector.broadcast %mul3A_1265 : f32 to vector<16xf32>
        %mul3A_1267 = arith.mulf %mul3A_1266, %scan3A_1242 : vector<16xf32>
        %add3A_1268 = arith.addf %get3A_1264, %mul3A_1267 : vector<16xf32>
        %get3A_1269 = arith.constant 7 : i32
        %get3A_1270 = arith.index_cast %get3A_1269 : i32 to index
        %get3A_1271 = arith.index_cast %scan3A_1240 : i32 to index
        %get3A_1272 = arith.constant 32 : index
        %get3A_1273 = tpu.vector_load %arg7[%get3A_1270, %get3A_1271, %get3A_1272] {strides = array<i32>} : memref<8x104x128xf32, #tpu.memory_space<vmem>>, vector<1x1x16xf32>,
        %get3A_1274 = vector.shape_cast %get3A_1273 : vector<1x1x16xf32> to vector<16xf32>
        %mul3A_1275 = arith.constant 0.899999976 : f32
        %mul3A_1276 = vector.broadcast %mul3A_1275 : f32 to vector<16xf32>
        %mul3A_1277 = arith.mulf %mul3A_1276, %scan3A_1243 : vector<16xf32>
        %add3A_1278 = arith.addf %get3A_1274, %mul3A_1277 : vector<16xf32>
        %get3A_1279 = arith.constant 7 : i32
        %get3A_1280 = arith.index_cast %get3A_1279 : i32 to index
        %get3A_1281 = arith.index_cast %scan3A_1240 : i32 to index
        %get3A_1282 = arith.constant 48 : index
        %get3A_1283 = tpu.vector_load %arg7[%get3A_1280, %get3A_1281, %get3A_1282] {strides = array<i32>} : memref<8x104x128xf32, #tpu.memory_space<vmem>>, vector<1x1x16xf32>,
        %get3A_1284 = vector.shape_cast %get3A_1283 : vector<1x1x16xf32> to vector<16xf32>
        %mul3A_1285 = arith.constant 0.899999976 : f32
        %mul3A_1286 = vector.broadcast %mul3A_1285 : f32 to vector<16xf32>
        %mul3A_1287 = arith.mulf %mul3A_1286, %scan3A_1244 : vector<16xf32>
        %add3A_1288 = arith.addf %get3A_1284, %mul3A_1287 : vector<16xf32>
        %get3A_1289 = arith.constant 7 : i32
        %get3A_1290 = arith.index_cast %get3A_1289 : i32 to index
        %get3A_1291 = arith.index_cast %scan3A_1240 : i32 to index
        %get3A_1292 = arith.constant 64 : index
        %get3A_1293 = tpu.vector_load %arg7[%get3A_1290, %get3A_1291, %get3A_1292] {strides = array<i32>} : memref<8x104x128xf32, #tpu.memory_space<vmem>>, vector<1x1x16xf32>,
        %get3A_1294 = vector.shape_cast %get3A_1293 : vector<1x1x16xf32> to vector<16xf32>
        %mul3A_1295 = arith.constant 0.899999976 : f32
        %mul3A_1296 = vector.broadcast %mul3A_1295 : f32 to vector<16xf32>
        %mul3A_1297 = arith.mulf %mul3A_1296, %scan3A_1245 : vector<16xf32>
        %add3A_1298 = arith.addf %get3A_1294, %mul3A_1297 : vector<16xf32>
        %get3A_1299 = arith.constant 7 : i32
        %get3A_1300 = arith.index_cast %get3A_1299 : i32 to index
        %get3A_1301 = arith.index_cast %scan3A_1240 : i32 to index
        %get3A_1302 = arith.constant 80 : index
        %get3A_1303 = tpu.vector_load %arg7[%get3A_1300, %get3A_1301, %get3A_1302] {strides = array<i32>} : memref<8x104x128xf32, #tpu.memory_space<vmem>>, vector<1x1x16xf32>,
        %get3A_1304 = vector.shape_cast %get3A_1303 : vector<1x1x16xf32> to vector<16xf32>
        %mul3A_1305 = arith.constant 0.899999976 : f32
        %mul3A_1306 = vector.broadcast %mul3A_1305 : f32 to vector<16xf32>
        %mul3A_1307 = arith.mulf %mul3A_1306, %scan3A_1246 : vector<16xf32>
        %add3A_1308 = arith.addf %get3A_1304, %mul3A_1307 : vector<16xf32>
        %get3A_1309 = arith.constant 7 : i32
        %get3A_1310 = arith.index_cast %get3A_1309 : i32 to index
        %get3A_1311 = arith.index_cast %scan3A_1240 : i32 to index
        %get3A_1312 = arith.constant 96 : index
        %get3A_1313 = tpu.vector_load %arg7[%get3A_1310, %get3A_1311, %get3A_1312] {strides = array<i32>} : memref<8x104x128xf32, #tpu.memory_space<vmem>>, vector<1x1x16xf32>,
        %get3A_1314 = vector.shape_cast %get3A_1313 : vector<1x1x16xf32> to vector<16xf32>
        %mul3A_1315 = arith.constant 0.899999976 : f32
        %mul3A_1316 = vector.broadcast %mul3A_1315 : f32 to vector<16xf32>
        %mul3A_1317 = arith.mulf %mul3A_1316, %scan3A_1247 : vector<16xf32>
        %add3A_1318 = arith.addf %get3A_1314, %mul3A_1317 : vector<16xf32>
        %get3A_1319 = arith.constant 7 : i32
        %get3A_1320 = arith.index_cast %get3A_1319 : i32 to index
        %get3A_1321 = arith.index_cast %scan3A_1240 : i32 to index
        %get3A_1322 = arith.constant 112 : index
        %get3A_1323 = tpu.vector_load %arg7[%get3A_1320, %get3A_1321, %get3A_1322] {strides = array<i32>} : memref<8x104x128xf32, #tpu.memory_space<vmem>>, vector<1x1x16xf32>,
        %get3A_1324 = vector.shape_cast %get3A_1323 : vector<1x1x16xf32> to vector<16xf32>
        %mul3A_1325 = arith.constant 0.899999976 : f32
        %mul3A_1326 = vector.broadcast %mul3A_1325 : f32 to vector<16xf32>
        %mul3A_1327 = arith.mulf %mul3A_1326, %scan3A_1248 : vector<16xf32>
        %add3A_1328 = arith.addf %get3A_1324, %mul3A_1327 : vector<16xf32>
        %swap3A = arith.constant 7 : i32
        %swap3A_1329 = arith.index_cast %swap3A : i32 to index
        %swap3A_1330 = arith.index_cast %scan3A_1240 : i32 to index
        %swap3A_1331 = arith.constant 0 : index
        %swap3A_1332 = tpu.vector_load %arg7[%swap3A_1329, %swap3A_1330, %swap3A_1331] {strides = array<i32>} : memref<8x104x128xf32, #tpu.memory_space<vmem>>, vector<1x1x16xf32>,
        %swap3A_1333 = vector.shape_cast %swap3A_1332 : vector<1x1x16xf32> to vector<16xf32>
        %swap3A_1334 = vector.shape_cast %add3A_1258 : vector<16xf32> to vector<1x1x16xf32>
        tpu.vector_store %arg7[%swap3A_1329, %swap3A_1330, %swap3A_1331], %swap3A_1334 {strides = array<i32>} : memref<8x104x128xf32, #tpu.memory_space<vmem>>, vector<1x1x16xf32>,
        %swap3A_1335 = arith.constant 7 : i32
        %swap3A_1336 = arith.index_cast %swap3A_1335 : i32 to index
        %swap3A_1337 = arith.index_cast %scan3A_1240 : i32 to index
        %swap3A_1338 = arith.constant 16 : index
        %swap3A_1339 = tpu.vector_load %arg7[%swap3A_1336, %swap3A_1337, %swap3A_1338] {strides = array<i32>} : memref<8x104x128xf32, #tpu.memory_space<vmem>>, vector<1x1x16xf32>,
        %swap3A_1340 = vector.shape_cast %swap3A_1339 : vector<1x1x16xf32> to vector<16xf32>
        %swap3A_1341 = vector.shape_cast %add3A_1268 : vector<16xf32> to vector<1x1x16xf32>
        tpu.vector_store %arg7[%swap3A_1336, %swap3A_1337, %swap3A_1338], %swap3A_1341 {strides = array<i32>} : memref<8x104x128xf32, #tpu.memory_space<vmem>>, vector<1x1x16xf32>,
        %swap3A_1342 = arith.constant 7 : i32
        %swap3A_1343 = arith.index_cast %swap3A_1342 : i32 to index
        %swap3A_1344 = arith.index_cast %scan3A_1240 : i32 to index
        %swap3A_1345 = arith.constant 32 : index
        %swap3A_1346 = tpu.vector_load %arg7[%swap3A_1343, %swap3A_1344, %swap3A_1345] {strides = array<i32>} : memref<8x104x128xf32, #tpu.memory_space<vmem>>, vector<1x1x16xf32>,
        %swap3A_1347 = vector.shape_cast %swap3A_1346 : vector<1x1x16xf32> to vector<16xf32>
        %swap3A_1348 = vector.shape_cast %add3A_1278 : vector<16xf32> to vector<1x1x16xf32>
        tpu.vector_store %arg7[%swap3A_1343, %swap3A_1344, %swap3A_1345], %swap3A_1348 {strides = array<i32>} : memref<8x104x128xf32, #tpu.memory_space<vmem>>, vector<1x1x16xf32>,
        %swap3A_1349 = arith.constant 7 : i32
        %swap3A_1350 = arith.index_cast %swap3A_1349 : i32 to index
        %swap3A_1351 = arith.index_cast %scan3A_1240 : i32 to index
        %swap3A_1352 = arith.constant 48 : index
        %swap3A_1353 = tpu.vector_load %arg7[%swap3A_1350, %swap3A_1351, %swap3A_1352] {strides = array<i32>} : memref<8x104x128xf32, #tpu.memory_space<vmem>>, vector<1x1x16xf32>,
        %swap3A_1354 = vector.shape_cast %swap3A_1353 : vector<1x1x16xf32> to vector<16xf32>
        %swap3A_1355 = vector.shape_cast %add3A_1288 : vector<16xf32> to vector<1x1x16xf32>
        tpu.vector_store %arg7[%swap3A_1350, %swap3A_1351, %swap3A_1352], %swap3A_1355 {strides = array<i32>} : memref<8x104x128xf32, #tpu.memory_space<vmem>>, vector<1x1x16xf32>,
        %swap3A_1356 = arith.constant 7 : i32
        %swap3A_1357 = arith.index_cast %swap3A_1356 : i32 to index
        %swap3A_1358 = arith.index_cast %scan3A_1240 : i32 to index
        %swap3A_1359 = arith.constant 64 : index
        %swap3A_1360 = tpu.vector_load %arg7[%swap3A_1357, %swap3A_1358, %swap3A_1359] {strides = array<i32>} : memref<8x104x128xf32, #tpu.memory_space<vmem>>, vector<1x1x16xf32>,
        %swap3A_1361 = vector.shape_cast %swap3A_1360 : vector<1x1x16xf32> to vector<16xf32>
        %swap3A_1362 = vector.shape_cast %add3A_1298 : vector<16xf32> to vector<1x1x16xf32>
        tpu.vector_store %arg7[%swap3A_1357, %swap3A_1358, %swap3A_1359], %swap3A_1362 {strides = array<i32>} : memref<8x104x128xf32, #tpu.memory_space<vmem>>, vector<1x1x16xf32>,
        %swap3A_1363 = arith.constant 7 : i32
        %swap3A_1364 = arith.index_cast %swap3A_1363 : i32 to index
        %swap3A_1365 = arith.index_cast %scan3A_1240 : i32 to index
        %swap3A_1366 = arith.constant 80 : index
        %swap3A_1367 = tpu.vector_load %arg7[%swap3A_1364, %swap3A_1365, %swap3A_1366] {strides = array<i32>} : memref<8x104x128xf32, #tpu.memory_space<vmem>>, vector<1x1x16xf32>,
        %swap3A_1368 = vector.shape_cast %swap3A_1367 : vector<1x1x16xf32> to vector<16xf32>
        %swap3A_1369 = vector.shape_cast %add3A_1308 : vector<16xf32> to vector<1x1x16xf32>
        tpu.vector_store %arg7[%swap3A_1364, %swap3A_1365, %swap3A_1366], %swap3A_1369 {strides = array<i32>} : memref<8x104x128xf32, #tpu.memory_space<vmem>>, vector<1x1x16xf32>,
        %swap3A_1370 = arith.constant 7 : i32
        %swap3A_1371 = arith.index_cast %swap3A_1370 : i32 to index
        %swap3A_1372 = arith.index_cast %scan3A_1240 : i32 to index
        %swap3A_1373 = arith.constant 96 : index
        %swap3A_1374 = tpu.vector_load %arg7[%swap3A_1371, %swap3A_1372, %swap3A_1373] {strides = array<i32>} : memref<8x104x128xf32, #tpu.memory_space<vmem>>, vector<1x1x16xf32>,
        %swap3A_1375 = vector.shape_cast %swap3A_1374 : vector<1x1x16xf32> to vector<16xf32>
        %swap3A_1376 = vector.shape_cast %add3A_1318 : vector<16xf32> to vector<1x1x16xf32>
        tpu.vector_store %arg7[%swap3A_1371, %swap3A_1372, %swap3A_1373], %swap3A_1376 {strides = array<i32>} : memref<8x104x128xf32, #tpu.memory_space<vmem>>, vector<1x1x16xf32>,
        %swap3A_1377 = arith.constant 7 : i32
        %swap3A_1378 = arith.index_cast %swap3A_1377 : i32 to index
        %swap3A_1379 = arith.index_cast %scan3A_1240 : i32 to index
        %swap3A_1380 = arith.constant 112 : index
        %swap3A_1381 = tpu.vector_load %arg7[%swap3A_1378, %swap3A_1379, %swap3A_1380] {strides = array<i32>} : memref<8x104x128xf32, #tpu.memory_space<vmem>>, vector<1x1x16xf32>,
        %swap3A_1382 = vector.shape_cast %swap3A_1381 : vector<1x1x16xf32> to vector<16xf32>
        %swap3A_1383 = vector.shape_cast %add3A_1328 : vector<16xf32> to vector<1x1x16xf32>
        tpu.vector_store %arg7[%swap3A_1378, %swap3A_1379, %swap3A_1380], %swap3A_1383 {strides = array<i32>} : memref<8x104x128xf32, #tpu.memory_space<vmem>>, vector<1x1x16xf32>,
        scf.yield %add3A_1258, %add3A_1268, %add3A_1278, %add3A_1288, %add3A_1298, %add3A_1308, %add3A_1318, %add3A_1328 : vector<16xf32>, vector<16xf32>, vector<16xf32>, vector<16xf32>, vector<16xf32>, vector<16xf32>, vector<16xf32>, vector<16xf32>
      }
      %scan3A_1194 = arith.constant 96 : i32
      %jit3A_1195 = arith.constant 2 : i32
      %div3A_1196 = arith.divsi %add3A_1143, %jit3A_1195 : i32
      %sign3A_1197 = arith.constant 0 : i32
      %sign3A_1198 = arith.cmpi sgt, %add3A_1143, %sign3A_1197 : i32
      %sign3A_1199 = arith.extui %sign3A_1198 : i1 to i32
      %sign3A_1200 = arith.constant 0 : i32
      %sign3A_1201 = arith.cmpi slt, %add3A_1143, %sign3A_1200 : i32
      %sign3A_1202 = arith.extui %sign3A_1201 : i1 to i32
      %sign3A_1203 = arith.subi %sign3A_1199, %sign3A_1202 : i32
      %sign3A_1204 = arith.constant 0 : i32
      %sign3A_1205 = arith.cmpi sgt, %jit3A_1195, %sign3A_1204 : i32
      %sign3A_1206 = arith.extui %sign3A_1205 : i1 to i32
      %sign3A_1207 = arith.constant 0 : i32
      %sign3A_1208 = arith.cmpi slt, %jit3A_1195, %sign3A_1207 : i32
      %sign3A_1209 = arith.extui %sign3A_1208 : i1 to i32
      %sign3A_1210 = arith.subi %sign3A_1206, %sign3A_1209 : i32
      %ne3A_1211 = arith.cmpi ne, %sign3A_1203, %sign3A_1210 : i32
      %rem3A_1212 = arith.remsi %add3A_1143, %jit3A_1195 : i32
      %ne3A_1213 = arith.constant 0 : i32
      %ne3A_1214 = arith.cmpi ne, %rem3A_1212, %ne3A_1213 : i32
      %and3A_1215 = arith.andi %ne3A_1211, %ne3A_1214 : i1
      %sub3A_1216 = arith.constant 1 : i32
      %sub3A_1217 = arith.subi %div3A_1196, %sub3A_1216 : i32
      %select_n3A_1218 = arith.select %and3A_1215, %sub3A_1217, %div3A_1196 : i32
      %add3A_1219 = arith.addi %mul3A_2, %select_n3A_1218 : i32
      %mul3A_1220 = arith.constant 200 : i32
      %mul3A_1221 = arith.muli %add3A_1219, %mul3A_1220 : i32
      %add3A_1222 = arith.constant 104 : i32
      %add3A_1223 = arith.addi %mul3A_1221, %add3A_1222 : i32
      %dma_start3A_1224 = arith.constant 7 : i32
      %dma_start3A_1225 = arith.constant 7 : i32
      %dma_start3A_1226 = arith.constant 0 : i32
      %dma_start3A_1227 = arith.constant 0 : i32
      %dma_start3A_1228 = tpu.memref_slice %arg7[%dma_start3A_1224, %dma_start3A_1226, %dma_start3A_1227] : memref<8x104x128xf32, #tpu.memory_space<vmem>> -> memref<1x96x128xf32, #tpu.memory_space<vmem>>
      %dma_start3A_1229 = tpu.memref_squeeze %dma_start3A_1228 : memref<1x96x128xf32, #tpu.memory_space<vmem>> -> memref<96x128xf32, #tpu.memory_space<vmem>>
      %dma_start3A_1230 = arith.constant 0 : i32
      %dma_start3A_1231 = tpu.memref_slice %arg5[%add3A_1223, %dma_start3A_1230] : memref<204800x128xf32, #tpu.memory_space<hbm>> -> memref<96x128xf32, #tpu.memory_space<hbm>>
      %dma_start3A_1232 = tpu.memref_slice %arg10[%dma_start3A_1225] : memref<8x!tpu.dma_semaphore, #tpu.memory_space<semaphore_mem>> -> memref<1x!tpu.dma_semaphore, #tpu.memory_space<semaphore_mem>>
      %dma_start3A_1233 = tpu.memref_squeeze %dma_start3A_1232 : memref<1x!tpu.dma_semaphore, #tpu.memory_space<semaphore_mem>> -> memref<!tpu.dma_semaphore, #tpu.memory_space<semaphore_mem>>
      %dma_start3A_1234 = arith.constant 0 : i32
      %dma_start3A_1235 = tpu.memref_slice %arg5[%add3A_1223, %dma_start3A_1234] : memref<204800x128xf32, #tpu.memory_space<hbm>> -> memref<96x128xf32, #tpu.memory_space<hbm>>
      %dma_start3A_1236 = arith.constant 0 : i32
      %dma_start3A_1237 = arith.constant 0 : i32
      %dma_start3A_1238 = tpu.memref_slice %arg7[%dma_start3A_1224, %dma_start3A_1236, %dma_start3A_1237] : memref<8x104x128xf32, #tpu.memory_space<vmem>> -> memref<1x96x128xf32, #tpu.memory_space<vmem>>
      %dma_start3A_1239 = tpu.memref_squeeze %dma_start3A_1238 : memref<1x96x128xf32, #tpu.memory_space<vmem>> -> memref<96x128xf32, #tpu.memory_space<vmem>>
      tpu.enqueue_dma source(%dma_start3A_1239 : memref<96x128xf32, #tpu.memory_space<vmem>>) target(%dma_start3A_1235 : memref<96x128xf32, #tpu.memory_space<hbm>>) target_semaphore(%dma_start3A_1233 : memref<!tpu.dma_semaphore, #tpu.memory_space<semaphore_mem>>)
    }
    %scan3A_61 = arith.constant 8 : i32
    %add3A_62 = arith.constant 28 : i32
    %add3A_63 = arith.addi %mul3A_2, %add3A_62 : i32
    %mul3A_64 = arith.constant 200 : i32
    %mul3A_65 = arith.muli %add3A_63, %mul3A_64 : i32
    %add3A_66 = arith.constant 0 : i32
    %add3A_67 = arith.addi %mul3A_65, %add3A_66 : i32
    %dma_wait3A = arith.constant 0 : i32
    %dma_wait3A_68 = arith.constant 0 : i32
    %dma_wait3A_69 = arith.constant 0 : i32
    %dma_wait3A_70 = arith.constant 0 : i32
    %dma_wait3A_71 = tpu.memref_slice %arg7[%dma_wait3A, %dma_wait3A_69, %dma_wait3A_70] : memref<8x104x128xf32, #tpu.memory_space<vmem>> -> memref<1x104x128xf32, #tpu.memory_space<vmem>>
    %dma_wait3A_72 = tpu.memref_squeeze %dma_wait3A_71 : memref<1x104x128xf32, #tpu.memory_space<vmem>> -> memref<104x128xf32, #tpu.memory_space<vmem>>
    %dma_wait3A_73 = arith.constant 0 : i32
    %dma_wait3A_74 = tpu.memref_slice %arg5[%add3A_67, %dma_wait3A_73] : memref<204800x128xf32, #tpu.memory_space<hbm>> -> memref<104x128xf32, #tpu.memory_space<hbm>>
    %dma_wait3A_75 = tpu.memref_slice %arg10[%dma_wait3A_68] : memref<8x!tpu.dma_semaphore, #tpu.memory_space<semaphore_mem>> -> memref<1x!tpu.dma_semaphore, #tpu.memory_space<semaphore_mem>>
    %dma_wait3A_76 = tpu.memref_squeeze %dma_wait3A_75 : memref<1x!tpu.dma_semaphore, #tpu.memory_space<semaphore_mem>> -> memref<!tpu.dma_semaphore, #tpu.memory_space<semaphore_mem>>
    %dma_wait3A_77 = arith.constant 0 : i32
    %dma_wait3A_78 = tpu.memref_slice %arg5[%add3A_67, %dma_wait3A_77] : memref<204800x128xf32, #tpu.memory_space<hbm>> -> memref<104x128xf32, #tpu.memory_space<hbm>>
    %dma_wait3A_79 = arith.constant 0 : i32
    %dma_wait3A_80 = arith.constant 0 : i32
    %dma_wait3A_81 = tpu.memref_slice %arg7[%dma_wait3A, %dma_wait3A_79, %dma_wait3A_80] : memref<8x104x128xf32, #tpu.memory_space<vmem>> -> memref<1x104x128xf32, #tpu.memory_space<vmem>>
    %dma_wait3A_82 = tpu.memref_squeeze %dma_wait3A_81 : memref<1x104x128xf32, #tpu.memory_space<vmem>> -> memref<104x128xf32, #tpu.memory_space<vmem>>
    tpu.wait_dma2 semaphore(%dma_wait3A_76 : memref<!tpu.dma_semaphore, #tpu.memory_space<semaphore_mem>>) src(%dma_wait3A_82 : memref<104x128xf32, #tpu.memory_space<vmem>>) dst(%dma_wait3A_78 : memref<104x128xf32, #tpu.memory_space<hbm>>)
    %add3A_83 = arith.constant 28 : i32
    %add3A_84 = arith.addi %mul3A_2, %add3A_83 : i32
    %mul3A_85 = arith.constant 200 : i32
    %mul3A_86 = arith.muli %add3A_84, %mul3A_85 : i32
    %add3A_87 = arith.constant 104 : i32
    %add3A_88 = arith.addi %mul3A_86, %add3A_87 : i32
    %dma_wait3A_89 = arith.constant 1 : i32
    %dma_wait3A_90 = arith.constant 1 : i32
    %dma_wait3A_91 = arith.constant 0 : i32
    %dma_wait3A_92 = arith.constant 0 : i32
    %dma_wait3A_93 = tpu.memref_slice %arg7[%dma_wait3A_89, %dma_wait3A_91, %dma_wait3A_92] : memref<8x104x128xf32, #tpu.memory_space<vmem>> -> memref<1x96x128xf32, #tpu.memory_space<vmem>>
    %dma_wait3A_94 = tpu.memref_squeeze %dma_wait3A_93 : memref<1x96x128xf32, #tpu.memory_space<vmem>> -> memref<96x128xf32, #tpu.memory_space<vmem>>
    %dma_wait3A_95 = arith.constant 0 : i32
    %dma_wait3A_96 = tpu.memref_slice %arg5[%add3A_88, %dma_wait3A_95] : memref<204800x128xf32, #tpu.memory_space<hbm>> -> memref<96x128xf32, #tpu.memory_space<hbm>>
    %dma_wait3A_97 = tpu.memref_slice %arg10[%dma_wait3A_90] : memref<8x!tpu.dma_semaphore, #tpu.memory_space<semaphore_mem>> -> memref<1x!tpu.dma_semaphore, #tpu.memory_space<semaphore_mem>>
    %dma_wait3A_98 = tpu.memref_squeeze %dma_wait3A_97 : memref<1x!tpu.dma_semaphore, #tpu.memory_space<semaphore_mem>> -> memref<!tpu.dma_semaphore, #tpu.memory_space<semaphore_mem>>
    %dma_wait3A_99 = arith.constant 0 : i32
    %dma_wait3A_100 = tpu.memref_slice %arg5[%add3A_88, %dma_wait3A_99] : memref<204800x128xf32, #tpu.memory_space<hbm>> -> memref<96x128xf32, #tpu.memory_space<hbm>>
    %dma_wait3A_101 = arith.constant 0 : i32
    %dma_wait3A_102 = arith.constant 0 : i32
    %dma_wait3A_103 = tpu.memref_slice %arg7[%dma_wait3A_89, %dma_wait3A_101, %dma_wait3A_102] : memref<8x104x128xf32, #tpu.memory_space<vmem>> -> memref<1x96x128xf32, #tpu.memory_space<vmem>>
    %dma_wait3A_104 = tpu.memref_squeeze %dma_wait3A_103 : memref<1x96x128xf32, #tpu.memory_space<vmem>> -> memref<96x128xf32, #tpu.memory_space<vmem>>
    tpu.wait_dma2 semaphore(%dma_wait3A_98 : memref<!tpu.dma_semaphore, #tpu.memory_space<semaphore_mem>>) src(%dma_wait3A_104 : memref<96x128xf32, #tpu.memory_space<vmem>>) dst(%dma_wait3A_100 : memref<96x128xf32, #tpu.memory_space<hbm>>)
    %add3A_105 = arith.constant 29 : i32
    %add3A_106 = arith.addi %mul3A_2, %add3A_105 : i32
    %mul3A_107 = arith.constant 200 : i32
    %mul3A_108 = arith.muli %add3A_106, %mul3A_107 : i32
    %add3A_109 = arith.constant 0 : i32
    %add3A_110 = arith.addi %mul3A_108, %add3A_109 : i32
    %dma_wait3A_111 = arith.constant 2 : i32
    %dma_wait3A_112 = arith.constant 2 : i32
    %dma_wait3A_113 = arith.constant 0 : i32
    %dma_wait3A_114 = arith.constant 0 : i32
    %dma_wait3A_115 = tpu.memref_slice %arg7[%dma_wait3A_111, %dma_wait3A_113, %dma_wait3A_114] : memref<8x104x128xf32, #tpu.memory_space<vmem>> -> memref<1x104x128xf32, #tpu.memory_space<vmem>>
    %dma_wait3A_116 = tpu.memref_squeeze %dma_wait3A_115 : memref<1x104x128xf32, #tpu.memory_space<vmem>> -> memref<104x128xf32, #tpu.memory_space<vmem>>
    %dma_wait3A_117 = arith.constant 0 : i32
    %dma_wait3A_118 = tpu.memref_slice %arg5[%add3A_110, %dma_wait3A_117] : memref<204800x128xf32, #tpu.memory_space<hbm>> -> memref<104x128xf32, #tpu.memory_space<hbm>>
    %dma_wait3A_119 = tpu.memref_slice %arg10[%dma_wait3A_112] : memref<8x!tpu.dma_semaphore, #tpu.memory_space<semaphore_mem>> -> memref<1x!tpu.dma_semaphore, #tpu.memory_space<semaphore_mem>>
    %dma_wait3A_120 = tpu.memref_squeeze %dma_wait3A_119 : memref<1x!tpu.dma_semaphore, #tpu.memory_space<semaphore_mem>> -> memref<!tpu.dma_semaphore, #tpu.memory_space<semaphore_mem>>
    %dma_wait3A_121 = arith.constant 0 : i32
    %dma_wait3A_122 = tpu.memref_slice %arg5[%add3A_110, %dma_wait3A_121] : memref<204800x128xf32, #tpu.memory_space<hbm>> -> memref<104x128xf32, #tpu.memory_space<hbm>>
    %dma_wait3A_123 = arith.constant 0 : i32
    %dma_wait3A_124 = arith.constant 0 : i32
    %dma_wait3A_125 = tpu.memref_slice %arg7[%dma_wait3A_111, %dma_wait3A_123, %dma_wait3A_124] : memref<8x104x128xf32, #tpu.memory_space<vmem>> -> memref<1x104x128xf32, #tpu.memory_space<vmem>>
    %dma_wait3A_126 = tpu.memref_squeeze %dma_wait3A_125 : memref<1x104x128xf32, #tpu.memory_space<vmem>> -> memref<104x128xf32, #tpu.memory_space<vmem>>
    tpu.wait_dma2 semaphore(%dma_wait3A_120 : memref<!tpu.dma_semaphore, #tpu.memory_space<semaphore_mem>>) src(%dma_wait3A_126 : memref<104x128xf32, #tpu.memory_space<vmem>>) dst(%dma_wait3A_122 : memref<104x128xf32, #tpu.memory_space<hbm>>)
    %add3A_127 = arith.constant 29 : i32
    %add3A_128 = arith.addi %mul3A_2, %add3A_127 : i32
    %mul3A_129 = arith.constant 200 : i32
    %mul3A_130 = arith.muli %add3A_128, %mul3A_129 : i32
    %add3A_131 = arith.constant 104 : i32
    %add3A_132 = arith.addi %mul3A_130, %add3A_131 : i32
    %dma_wait3A_133 = arith.constant 3 : i32
    %dma_wait3A_134 = arith.constant 3 : i32
    %dma_wait3A_135 = arith.constant 0 : i32
    %dma_wait3A_136 = arith.constant 0 : i32
    %dma_wait3A_137 = tpu.memref_slice %arg7[%dma_wait3A_133, %dma_wait3A_135, %dma_wait3A_136] : memref<8x104x128xf32, #tpu.memory_space<vmem>> -> memref<1x96x128xf32, #tpu.memory_space<vmem>>
    %dma_wait3A_138 = tpu.memref_squeeze %dma_wait3A_137 : memref<1x96x128xf32, #tpu.memory_space<vmem>> -> memref<96x128xf32, #tpu.memory_space<vmem>>
    %dma_wait3A_139 = arith.constant 0 : i32
    %dma_wait3A_140 = tpu.memref_slice %arg5[%add3A_132, %dma_wait3A_139] : memref<204800x128xf32, #tpu.memory_space<hbm>> -> memref<96x128xf32, #tpu.memory_space<hbm>>
    %dma_wait3A_141 = tpu.memref_slice %arg10[%dma_wait3A_134] : memref<8x!tpu.dma_semaphore, #tpu.memory_space<semaphore_mem>> -> memref<1x!tpu.dma_semaphore, #tpu.memory_space<semaphore_mem>>
    %dma_wait3A_142 = tpu.memref_squeeze %dma_wait3A_141 : memref<1x!tpu.dma_semaphore, #tpu.memory_space<semaphore_mem>> -> memref<!tpu.dma_semaphore, #tpu.memory_space<semaphore_mem>>
    %dma_wait3A_143 = arith.constant 0 : i32
    %dma_wait3A_144 = tpu.memref_slice %arg5[%add3A_132, %dma_wait3A_143] : memref<204800x128xf32, #tpu.memory_space<hbm>> -> memref<96x128xf32, #tpu.memory_space<hbm>>
    %dma_wait3A_145 = arith.constant 0 : i32
    %dma_wait3A_146 = arith.constant 0 : i32
    %dma_wait3A_147 = tpu.memref_slice %arg7[%dma_wait3A_133, %dma_wait3A_145, %dma_wait3A_146] : memref<8x104x128xf32, #tpu.memory_space<vmem>> -> memref<1x96x128xf32, #tpu.memory_space<vmem>>
    %dma_wait3A_148 = tpu.memref_squeeze %dma_wait3A_147 : memref<1x96x128xf32, #tpu.memory_space<vmem>> -> memref<96x128xf32, #tpu.memory_space<vmem>>
    tpu.wait_dma2 semaphore(%dma_wait3A_142 : memref<!tpu.dma_semaphore, #tpu.memory_space<semaphore_mem>>) src(%dma_wait3A_148 : memref<96x128xf32, #tpu.memory_space<vmem>>) dst(%dma_wait3A_144 : memref<96x128xf32, #tpu.memory_space<hbm>>)
    %add3A_149 = arith.constant 30 : i32
    %add3A_150 = arith.addi %mul3A_2, %add3A_149 : i32
    %mul3A_151 = arith.constant 200 : i32
    %mul3A_152 = arith.muli %add3A_150, %mul3A_151 : i32
    %add3A_153 = arith.constant 0 : i32
    %add3A_154 = arith.addi %mul3A_152, %add3A_153 : i32
    %dma_wait3A_155 = arith.constant 4 : i32
    %dma_wait3A_156 = arith.constant 4 : i32
    %dma_wait3A_157 = arith.constant 0 : i32
    %dma_wait3A_158 = arith.constant 0 : i32
    %dma_wait3A_159 = tpu.memref_slice %arg7[%dma_wait3A_155, %dma_wait3A_157, %dma_wait3A_158] : memref<8x104x128xf32, #tpu.memory_space<vmem>> -> memref<1x104x128xf32, #tpu.memory_space<vmem>>
    %dma_wait3A_160 = tpu.memref_squeeze %dma_wait3A_159 : memref<1x104x128xf32, #tpu.memory_space<vmem>> -> memref<104x128xf32, #tpu.memory_space<vmem>>
    %dma_wait3A_161 = arith.constant 0 : i32
    %dma_wait3A_162 = tpu.memref_slice %arg5[%add3A_154, %dma_wait3A_161] : memref<204800x128xf32, #tpu.memory_space<hbm>> -> memref<104x128xf32, #tpu.memory_space<hbm>>
    %dma_wait3A_163 = tpu.memref_slice %arg10[%dma_wait3A_156] : memref<8x!tpu.dma_semaphore, #tpu.memory_space<semaphore_mem>> -> memref<1x!tpu.dma_semaphore, #tpu.memory_space<semaphore_mem>>
    %dma_wait3A_164 = tpu.memref_squeeze %dma_wait3A_163 : memref<1x!tpu.dma_semaphore, #tpu.memory_space<semaphore_mem>> -> memref<!tpu.dma_semaphore, #tpu.memory_space<semaphore_mem>>
    %dma_wait3A_165 = arith.constant 0 : i32
    %dma_wait3A_166 = tpu.memref_slice %arg5[%add3A_154, %dma_wait3A_165] : memref<204800x128xf32, #tpu.memory_space<hbm>> -> memref<104x128xf32, #tpu.memory_space<hbm>>
    %dma_wait3A_167 = arith.constant 0 : i32
    %dma_wait3A_168 = arith.constant 0 : i32
    %dma_wait3A_169 = tpu.memref_slice %arg7[%dma_wait3A_155, %dma_wait3A_167, %dma_wait3A_168] : memref<8x104x128xf32, #tpu.memory_space<vmem>> -> memref<1x104x128xf32, #tpu.memory_space<vmem>>
    %dma_wait3A_170 = tpu.memref_squeeze %dma_wait3A_169 : memref<1x104x128xf32, #tpu.memory_space<vmem>> -> memref<104x128xf32, #tpu.memory_space<vmem>>
    tpu.wait_dma2 semaphore(%dma_wait3A_164 : memref<!tpu.dma_semaphore, #tpu.memory_space<semaphore_mem>>) src(%dma_wait3A_170 : memref<104x128xf32, #tpu.memory_space<vmem>>) dst(%dma_wait3A_166 : memref<104x128xf32, #tpu.memory_space<hbm>>)
    %add3A_171 = arith.constant 30 : i32
    %add3A_172 = arith.addi %mul3A_2, %add3A_171 : i32
    %mul3A_173 = arith.constant 200 : i32
    %mul3A_174 = arith.muli %add3A_172, %mul3A_173 : i32
    %add3A_175 = arith.constant 104 : i32
    %add3A_176 = arith.addi %mul3A_174, %add3A_175 : i32
    %dma_wait3A_177 = arith.constant 5 : i32
    %dma_wait3A_178 = arith.constant 5 : i32
    %dma_wait3A_179 = arith.constant 0 : i32
    %dma_wait3A_180 = arith.constant 0 : i32
    %dma_wait3A_181 = tpu.memref_slice %arg7[%dma_wait3A_177, %dma_wait3A_179, %dma_wait3A_180] : memref<8x104x128xf32, #tpu.memory_space<vmem>> -> memref<1x96x128xf32, #tpu.memory_space<vmem>>
    %dma_wait3A_182 = tpu.memref_squeeze %dma_wait3A_181 : memref<1x96x128xf32, #tpu.memory_space<vmem>> -> memref<96x128xf32, #tpu.memory_space<vmem>>
    %dma_wait3A_183 = arith.constant 0 : i32
    %dma_wait3A_184 = tpu.memref_slice %arg5[%add3A_176, %dma_wait3A_183] : memref<204800x128xf32, #tpu.memory_space<hbm>> -> memref<96x128xf32, #tpu.memory_space<hbm>>
    %dma_wait3A_185 = tpu.memref_slice %arg10[%dma_wait3A_178] : memref<8x!tpu.dma_semaphore, #tpu.memory_space<semaphore_mem>> -> memref<1x!tpu.dma_semaphore, #tpu.memory_space<semaphore_mem>>
    %dma_wait3A_186 = tpu.memref_squeeze %dma_wait3A_185 : memref<1x!tpu.dma_semaphore, #tpu.memory_space<semaphore_mem>> -> memref<!tpu.dma_semaphore, #tpu.memory_space<semaphore_mem>>
    %dma_wait3A_187 = arith.constant 0 : i32
    %dma_wait3A_188 = tpu.memref_slice %arg5[%add3A_176, %dma_wait3A_187] : memref<204800x128xf32, #tpu.memory_space<hbm>> -> memref<96x128xf32, #tpu.memory_space<hbm>>
    %dma_wait3A_189 = arith.constant 0 : i32
    %dma_wait3A_190 = arith.constant 0 : i32
    %dma_wait3A_191 = tpu.memref_slice %arg7[%dma_wait3A_177, %dma_wait3A_189, %dma_wait3A_190] : memref<8x104x128xf32, #tpu.memory_space<vmem>> -> memref<1x96x128xf32, #tpu.memory_space<vmem>>
    %dma_wait3A_192 = tpu.memref_squeeze %dma_wait3A_191 : memref<1x96x128xf32, #tpu.memory_space<vmem>> -> memref<96x128xf32, #tpu.memory_space<vmem>>
    tpu.wait_dma2 semaphore(%dma_wait3A_186 : memref<!tpu.dma_semaphore, #tpu.memory_space<semaphore_mem>>) src(%dma_wait3A_192 : memref<96x128xf32, #tpu.memory_space<vmem>>) dst(%dma_wait3A_188 : memref<96x128xf32, #tpu.memory_space<hbm>>)
    %add3A_193 = arith.constant 31 : i32
    %add3A_194 = arith.addi %mul3A_2, %add3A_193 : i32
    %mul3A_195 = arith.constant 200 : i32
    %mul3A_196 = arith.muli %add3A_194, %mul3A_195 : i32
    %add3A_197 = arith.constant 0 : i32
    %add3A_198 = arith.addi %mul3A_196, %add3A_197 : i32
    %dma_wait3A_199 = arith.constant 6 : i32
    %dma_wait3A_200 = arith.constant 6 : i32
    %dma_wait3A_201 = arith.constant 0 : i32
    %dma_wait3A_202 = arith.constant 0 : i32
    %dma_wait3A_203 = tpu.memref_slice %arg7[%dma_wait3A_199, %dma_wait3A_201, %dma_wait3A_202] : memref<8x104x128xf32, #tpu.memory_space<vmem>> -> memref<1x104x128xf32, #tpu.memory_space<vmem>>
    %dma_wait3A_204 = tpu.memref_squeeze %dma_wait3A_203 : memref<1x104x128xf32, #tpu.memory_space<vmem>> -> memref<104x128xf32, #tpu.memory_space<vmem>>
    %dma_wait3A_205 = arith.constant 0 : i32
    %dma_wait3A_206 = tpu.memref_slice %arg5[%add3A_198, %dma_wait3A_205] : memref<204800x128xf32, #tpu.memory_space<hbm>> -> memref<104x128xf32, #tpu.memory_space<hbm>>
    %dma_wait3A_207 = tpu.memref_slice %arg10[%dma_wait3A_200] : memref<8x!tpu.dma_semaphore, #tpu.memory_space<semaphore_mem>> -> memref<1x!tpu.dma_semaphore, #tpu.memory_space<semaphore_mem>>
    %dma_wait3A_208 = tpu.memref_squeeze %dma_wait3A_207 : memref<1x!tpu.dma_semaphore, #tpu.memory_space<semaphore_mem>> -> memref<!tpu.dma_semaphore, #tpu.memory_space<semaphore_mem>>
    %dma_wait3A_209 = arith.constant 0 : i32
    %dma_wait3A_210 = tpu.memref_slice %arg5[%add3A_198, %dma_wait3A_209] : memref<204800x128xf32, #tpu.memory_space<hbm>> -> memref<104x128xf32, #tpu.memory_space<hbm>>
    %dma_wait3A_211 = arith.constant 0 : i32
    %dma_wait3A_212 = arith.constant 0 : i32
    %dma_wait3A_213 = tpu.memref_slice %arg7[%dma_wait3A_199, %dma_wait3A_211, %dma_wait3A_212] : memref<8x104x128xf32, #tpu.memory_space<vmem>> -> memref<1x104x128xf32, #tpu.memory_space<vmem>>
    %dma_wait3A_214 = tpu.memref_squeeze %dma_wait3A_213 : memref<1x104x128xf32, #tpu.memory_space<vmem>> -> memref<104x128xf32, #tpu.memory_space<vmem>>
    tpu.wait_dma2 semaphore(%dma_wait3A_208 : memref<!tpu.dma_semaphore, #tpu.memory_space<semaphore_mem>>) src(%dma_wait3A_214 : memref<104x128xf32, #tpu.memory_space<vmem>>) dst(%dma_wait3A_210 : memref<104x128xf32, #tpu.memory_space<hbm>>)
    %add3A_215 = arith.constant 31 : i32
    %add3A_216 = arith.addi %mul3A_2, %add3A_215 : i32
    %mul3A_217 = arith.constant 200 : i32
    %mul3A_218 = arith.muli %add3A_216, %mul3A_217 : i32
    %add3A_219 = arith.constant 104 : i32
    %add3A_220 = arith.addi %mul3A_218, %add3A_219 : i32
    %dma_wait3A_221 = arith.constant 7 : i32
    %dma_wait3A_222 = arith.constant 7 : i32
    %dma_wait3A_223 = arith.constant 0 : i32
    %dma_wait3A_224 = arith.constant 0 : i32
    %dma_wait3A_225 = tpu.memref_slice %arg7[%dma_wait3A_221, %dma_wait3A_223, %dma_wait3A_224] : memref<8x104x128xf32, #tpu.memory_space<vmem>> -> memref<1x96x128xf32, #tpu.memory_space<vmem>>
    %dma_wait3A_226 = tpu.memref_squeeze %dma_wait3A_225 : memref<1x96x128xf32, #tpu.memory_space<vmem>> -> memref<96x128xf32, #tpu.memory_space<vmem>>
    %dma_wait3A_227 = arith.constant 0 : i32
    %dma_wait3A_228 = tpu.memref_slice %arg5[%add3A_220, %dma_wait3A_227] : memref<204800x128xf32, #tpu.memory_space<hbm>> -> memref<96x128xf32, #tpu.memory_space<hbm>>
    %dma_wait3A_229 = tpu.memref_slice %arg10[%dma_wait3A_222] : memref<8x!tpu.dma_semaphore, #tpu.memory_space<semaphore_mem>> -> memref<1x!tpu.dma_semaphore, #tpu.memory_space<semaphore_mem>>
    %dma_wait3A_230 = tpu.memref_squeeze %dma_wait3A_229 : memref<1x!tpu.dma_semaphore, #tpu.memory_space<semaphore_mem>> -> memref<!tpu.dma_semaphore, #tpu.memory_space<semaphore_mem>>
    %dma_wait3A_231 = arith.constant 0 : i32
    %dma_wait3A_232 = tpu.memref_slice %arg5[%add3A_220, %dma_wait3A_231] : memref<204800x128xf32, #tpu.memory_space<hbm>> -> memref<96x128xf32, #tpu.memory_space<hbm>>
    %dma_wait3A_233 = arith.constant 0 : i32
    %dma_wait3A_234 = arith.constant 0 : i32
    %dma_wait3A_235 = tpu.memref_slice %arg7[%dma_wait3A_221, %dma_wait3A_233, %dma_wait3A_234] : memref<8x104x128xf32, #tpu.memory_space<vmem>> -> memref<1x96x128xf32, #tpu.memory_space<vmem>>
    %dma_wait3A_236 = tpu.memref_squeeze %dma_wait3A_235 : memref<1x96x128xf32, #tpu.memory_space<vmem>> -> memref<96x128xf32, #tpu.memory_space<vmem>>
    tpu.wait_dma2 semaphore(%dma_wait3A_230 : memref<!tpu.dma_semaphore, #tpu.memory_space<semaphore_mem>>) src(%dma_wait3A_236 : memref<96x128xf32, #tpu.memory_space<vmem>>) dst(%dma_wait3A_232 : memref<96x128xf32, #tpu.memory_space<hbm>>)
    return
  }
}

</mosaic_0001>

<sc_bundles>
// kernel: kernel.3.cloned.1.call-start
scs
__scs_entry_jumppad:
0x0: {  	(pc) =	sbr.rel $0x88, $3  }
0x1: {  	(tag) =	ssettag $0x0;
	lr =	simm.s32 $0x1  }
0x2: {  	[smem:$0x3F9E] =	sst lr;
	_ =	strace $0xD0000000  }
0x3: {  	_ = 	snop  }
0x4: {  	_ = 	snop  }
0x5: {  	_ = 	snop  }
0x6: {  	_ = 	snop  }
0x7: {  	_ = 	snop  }
__scs_overlays_trampoline_lowered:
0x8: {  	[smem:$0x3FAD] =	sst s0  }
0x9: {  	[smem:$0x3FAE] =	sst s1  }
0xa: {  	[smem:$0x3FAF] =	sst s2  }
0xb: {  	[smem:$0x3FB0] =	sst s3  }
0xc: {  	[smem:$0x3FB1] =	sst s4  }
0xd: {  	[smem:$0x3FB2] =	sst s5  }
0xe: {  	[smem:$0x3FB3] =	sst s6  }
0xf: {  	[smem:$0x3FB4] =	sst s7  }
0x10: {  	[smem:$0x3FB5] =	sst s8  }
0x11: {  	[smem:$0x3FB6] =	sst s9;
	s0 =	simm.s32 @!p0 $0x0  }
0x12: {  	s1 =	sld [smem:$0x3F9C];
	s0 =	simm.s32 @p0 $0x1  }
0x13: {  	[smem:$0x3FB7] =	sst s0;
	s0 =	simm.s32 @!p1 $0x0  }
0x14: {  	s2 =	sld [smem:$0x3F9B];
	s0 =	simm.s32 @p1 $0x1  }
0x15: {  	[smem:$0x3FB8] =	sst s0;
	s0 =	simm.s32 @!p2 $0x0  }
0x16: {  	s3 =	sld [smem:$0x3FDB];
	s0 =	simm.s32 @p2 $0x1  }
0x17: {  	s4 =	simm.s32 $0x1BF5;
	[smem:$0x3FBA] =	sst s0  }
0x18: {  	s0 =	sld [smem:$0x3F9D];
	_ =	swait.ge [sflag:s4], $0x0  }
0x19: {  	s7 =	sld [smem:$0x3F9E]  }
0x1a: {  	s8 =	sadd.s32 $0xFFFFE003, lr  }
0x1b: {  	s9 =	sadd.s32 $0xFFFFFEF7, lr;
	s5 =	simm.s32 $0xFFFFFFFF;
	p2 =	slt.u32 s8, $0xFFFFF086  }
0x1c: {  	p1 =	slt.u32 s9, $0xF7A;
	s5 =	simm.s32 @!p2 $0x0  }
0x1d: {  	s5 =	simm.s32 @p1 $0x1;
	p0 =	seq.s32 s7, s2  }
0x1e: {  	s7 =	smul.u32 @!p0 $0xF7A, s2;
	p2 =	seq.s32 @!p0 s5, $0x0  }
0x1f: {  	s9 =	smul.u32 $0xF7A, s1;
	s8 =	simm.s32 @!p0 $0x1BF5;
	p2 =	por !p2, p0  }
0x20: {  	[sflag:s8] =	ssyncset.s32 @!p0 $0xFFFFF086;
	s6 =	sadd.s32 @!p0 s3, s7;
	s7 =	simm.s32 @!p0 $0x108  }
0x21: {  	s3 =	sadd.s32 s3, s9;
	s6 =	sadd.s32 @!p0 $0x88, s6;
	s7 =	simm.s32 @p2 $0x1082  }
0x22: {  	[simem:s7], [sflag:s8] =	dma.local @!p0 [hbm:s6], $0xF7A  }
0x23: {  	s9 =	sor.u32 $0xD0000000, s2;
	s6 =	simm.s32 $0x108;
	_ =	swait.ge @!p0 [sflag:s8], $0x0  }
0x24: {  	s3 =	sadd.s32 $0x88, s3;
	s6 =	simm.s32 @!p1 $0x1082;
	[sflag:s4] =	ssyncset.s32 $0xFFFFF086  }
0x25: {  	[simem:s6], [sflag:s4] =	dma.local [hbm:s3], $0xF7A  }
0x26: {  	[smem:$0x3F9E] =	sst s1;
	(tag) =	ssettag s2;
	_ =	strace s9  }
0x27: {  	s1 =	sld [smem:$0x3FAE]  }
0x28: {  	s2 =	sld [smem:$0x3FAF]  }
0x29: {  	s4 =	sld [smem:$0x3FB1]  }
0x2a: {  	p0 =	seq.s32 s5, $0x0;
	s5 =	sld [smem:$0x3FB2]  }
0x2b: {  	s6 =	sld [smem:$0x3FB3]  }
0x2c: {  	s7 =	sld [smem:$0x3FB4]  }
0x2d: {  	s3 =	simm.s32 $0x108;
	s8 =	sld [smem:$0x3FB5]  }
0x2e: {  	s3 =	simm.s32 @!p0 $0x1082;
	s9 =	sld [smem:$0x3FB6]  }
0x2f: {  	lr =	sadd.s32 s0, s3;
	s0 =	sld [smem:$0x3FAD]  }
0x30: {  	s3 =	sld [smem:$0x3FB0]  }
0x31: {  	[smem:$0x3FB9] =	sst s10  }
0x32: {  	s10 =	sld [smem:$0x3FB7];
	_ =	sdelay $0x3  }
0x33: {  	p0 =	seq.s32 s10, $0x1;
	s10 =	sld [smem:$0x3FB9];
	_ =	sdelay $0x3  }
0x34: {  	[smem:$0x3FB9] =	sst s10  }
0x35: {  	s10 =	sld [smem:$0x3FB8];
	_ =	sdelay $0x3  }
0x36: {  	p1 =	seq.s32 s10, $0x1;
	s10 =	sld [smem:$0x3FB9];
	_ =	sdelay $0x3  }
0x37: {  	[smem:$0x3FB9] =	sst s10  }
0x38: {  	s10 =	sld [smem:$0x3FBA]  }
0x39: {  	_ = 	snop;
	(pc) =	sbr.ind lr, $3  }
0x3a: {  	_ = 	snop  }
0x3b: {  	_ = 	snop  }
0x3c: {  	p2 =	seq.s32 s10, $0x1;
	s10 =	sld [smem:$0x3FB9]  }
0x3d: {  	_ =	shalt  }
0x3e: {  	_ =	shalt  }
0x3f: {  	_ =	shalt  }
0x40: {  	_ =	shalt  }
0x41: {  	_ =	shalt  }
0x42: {  	_ =	shalt  }
0x43: {  	_ =	shalt  }
0x44: {  	_ =	shalt  }
0x45: {  	_ =	shalt  }
0x46: {  	_ =	shalt  }
0x47: {  	_ =	shalt  }
0x48: {  	_ =	shalt  }
0x49: {  	_ =	shalt  }
0x4a: {  	_ =	shalt  }
0x4b: {  	_ =	shalt  }
0x4c: {  	_ =	shalt  }
0x4d: {  	_ =	shalt  }
0x4e: {  	_ =	shalt  }
0x4f: {  	_ =	shalt  }
0x50: {  	_ =	shalt  }
0x51: {  	_ =	shalt  }
0x52: {  	_ =	shalt  }
0x53: {  	_ =	shalt  }
0x54: {  	_ =	shalt  }
0x55: {  	_ =	shalt  }
0x56: {  	_ =	shalt  }
0x57: {  	_ =	shalt  }
0x58: {  	_ =	shalt  }
0x59: {  	_ =	shalt  }
0x5a: {  	_ =	shalt  }
0x5b: {  	_ =	shalt  }
0x5c: {  	_ =	shalt  }
0x5d: {  	_ =	shalt  }
0x5e: {  	_ =	shalt  }
0x5f: {  	_ =	shalt  }
0x60: {  	_ =	shalt  }
0x61: {  	_ =	shalt  }
0x62: {  	_ =	shalt  }
0x63: {  	_ =	shalt  }
0x64: {  	_ =	shalt  }
0x65: {  	_ =	shalt  }
0x66: {  	_ =	shalt  }
0x67: {  	_ =	shalt  }
0x68: {  	_ =	shalt  }
0x69: {  	_ =	shalt  }
0x6a: {  	_ =	shalt  }
0x6b: {  	_ =	shalt  }
0x6c: {  	_ =	shalt  }
0x6d: {  	_ =	shalt  }
0x6e: {  	_ =	shalt  }
0x6f: {  	_ =	shalt  }
0x70: {  	_ =	shalt  }
0x71: {  	_ =	shalt  }
0x72: {  	_ =	shalt  }
0x73: {  	_ =	shalt  }
0x74: {  	_ =	shalt  }
0x75: {  	_ =	shalt  }
0x76: {  	_ =	shalt  }
0x77: {  	_ =	shalt  }
0x78: {  	_ =	shalt  }
0x79: {  	_ =	shalt  }
0x7a: {  	_ =	shalt  }
0x7b: {  	_ =	shalt  }
0x7c: {  	_ =	shalt  }
0x7d: {  	_ =	shalt  }
0x7e: {  	_ =	shalt  }
0x7f: {  	_ =	shalt  }
0x80: {  	_ =	shalt  }
0x81: {  	_ =	shalt  }
0x82: {  	_ =	shalt  }
0x83: {  	_ =	shalt  }
0x84: {  	_ =	shalt  }
0x85: {  	_ =	shalt  }
0x86: {  	_ =	shalt  }
0x87: {  	_ =	shalt  }
.Lfunc_end0:
.L_simem_size_0:
called_computation_lowered:
.L_overlay_start_0:
0x88: {  	s2 =	sld [smem:$0x3FD9]  }
0x89: {  	s3 =	sld [smem:$0x3FFE];
	_ =	sdelay $0x1  }
0x8a: {  	s1 =	srdreg.scid  }
0x8b: {  	s0 =	sand.u32 $0x1, s1  }
0x8c: {  	s17 =	sshll.u32 s0, $0xA;
	s2 =	sadd.s32 s3, s2  }
0x8d: {  	s2 =	sadd.s32 s2, s17  }
0x8e: {  	[smem:$0x3FC5] =	sst s2  }
0x8f: {  	_ = 	snop  }
0x90: {  	s2 =	sld [smem:$0x3FC8]  }
0x91: {  	s18 =	sld [smem:$0x3FC7]  }
0x92: {  	s4 =	sld [smem:$0x3FD0];
	(tm) =	ssettm $0x1  }
0x93: {  	s5 =	sld [smem:$0x3FFB];
	_ =	sdelay $0x3  }
0x94: {  	_ =	strace s5  }
0x95: {  	s5 =	sld [smem:$0x3FFC];
	_ =	sdelay $0x3  }
0x96: {  	_ =	strace s5  }
0x97: {  	s5 =	sld [smem:$0x3FFD];
	_ =	sdelay $0x3  }
0x98: {  	_ =	strace s5  }
0x99: {  	_ =	strace $0x8FFFFFFF  }
0x9a: {  	s19 =	sld [smem:$0x3FDB];
	_ =	sdelay $0x1  }
0x9b: {  	s6 =	simm.s32 $_scs_section_size  }
0x9c: {  	s7 =	simm.s32 $_size__tile_overlayer_lowered;
	s8 =	simm.s32 $_tile_overlayer_lowered  }
0x9d: {  	s22 =	simm.s32 $0x1BFF;
	s21 =	sshll.u32 s8, $0x1;
	s5 =	sadd.s32 s6, s19  }
0x9e: {  	s9 =	simm.s32 $0x0;
	s20 =	sshll.u32 s7, $0x1;
	s7 =	sadd.s32 s21, s5  }
0x9f: {  	[timem:s9], [sflag:s22] =	dma.local [hbm:s7], s20  }
0xa0: {  	_ =	swait.ge [sflag:s22], s20  }
0xa1: {  	s6 =	ssub.s32 $0x0, s20;
	[sflag:s22] =	ssyncset.done $0x0  }
0xa2: {  	[sflag:s22] =	ssyncadd.s32 s6;
	_ =	sdelay $0x1  }
0xa3: {  	s23 =	simm.s32 $0x1B8B  }
0xa4: {  	_ =	swait.ge [sflag:s23], $0x1  }
0xa5: {  	[sflag:s23] =	ssyncset.done $0x0  }
0xa6: {  	s25 =	simm.s32 $0x1B8E;
	s24 =	sld [smem:$0x3FFE];
	[sflag:s23] =	ssyncadd.s32 $0xFFFFFFFF  }
0xa7: {  	s26 =	simm.s32 $execute0_lowered;
	[smem:$0x3FD2] =	sst s25  }
0xa8: {  	s7 =	sshll.u32 s26, $0x1;
	_ =	strace $0x80000046;
	[dreg:$0x1] =	wrdreg $0xFFFFFFFF  }
0xa9: {  	s28 =	simm.s32 $_size_execute0_lowered;
	s5 =	sadd.s32 s5, s7;
	[dreg:$0x0] =	wrdreg $0x0  }
0xaa: {  	s7 =	sshll.u32 s28, $0x1;
	[dreg:$0x2] =	wrdreg s5  }
0xab: {  	[dreg:$0x3] =	wrdreg s7  }
0xac: {  	[dreg:$0x4] =	wrdreg $0xC0  }
0xad: {  	_ =	task [dreg:s9], $0x5FFFF  }
0xae: {  	[dreg:$0x1] =	wrdreg $0xFFFFFFFF  }
0xaf: {  	[dreg:$0x0] =	wrdreg $0x60  }
0xb0: {  	[dreg:$0x2] =	wrdreg s24  }
0xb1: {  	[dreg:$0x3] =	wrdreg s2  }
0xb2: {  	[dreg:$0x4] =	wrdreg s18  }
0xb3: {  	[dreg:$0x5] =	wrdreg s4  }
0xb4: {  	[dreg:$0x6] =	wrdreg $0x1C9000  }
0xb5: {  	[dreg:$0x7] =	wrdreg $0x9  }
0xb6: {  	_ =	task.clear_ibuf [dreg:s9], $0x8FFFF;
	_ =	strace $0x90000046  }
0xb7: {  	s29 =	simm.s32 $0x9;
	_ =	strace $0x80000048  }
0xb8: {  	_ =	swait.ge [sflag:s29], $0x1  }
0xb9: {  	[sflag:s29] =	ssyncadd.s32 $0xFFFFFFFF  }
0xba: {  	_ =	strace $0x90000048  }
0xbb: {  	_ =	sfence  }
0xbc: {  	s30 =	sld [smem:$0x0];
	_ =	sdelay $0x2  }
0xbd: {  	s31 =	sshll.u32 s1, $0xD;
	s1 =	sshrl.u32 s1, $0x2  }
0xbe: {  	s3 =	sand.u32 $0x4000, s31;
	s1 =	sadd.s32 s1, s30  }
0xbf: {  	s0 =	sor.u32 s3, s0;
	s1 =	sshll.u32 s1, $0x11  }
0xc0: {  	s0 =	sor.u32 s1, s0  }
0xc1: {  	s0 =	sadd.s32 $0x8F2B, s0  }
0xc2: {  	[sflag:s0] =	ssyncadd.remote.s32 $0x1  }
0xc3: {  	_ =	sfence.sel $0xFFFF  }
0xc4: {  	[dreg:$0x0] =	wrdreg $0xFFFFFFFF;
	(pc) =	sbr.abs _section_cstart, $3  }
0xc5: {  	[dreg:$0x1] =	wrdreg $0xFFFFFFFF  }
0xc6: {  	_ =	task.clear_ibuf [dreg:s9], $0x2FFFF;
	_ =	strace $0x9FFFFFFF  }
0xc7: {  	(tm) =	ssettm $0x7FFFFFFF  }
tec
execute0_lowered:
.L_overlay_start_1:
0x0: {  	(tag) =	ssettag $0x1  }
0x1: {  	s0 =	rddreg [dreg:$0x0]  }
0x2: {  	s1 =	rddreg [dreg:$0x1];
	s3 =	srdreg.scid  }
0x3: {  	s6 =	stileid.u32;
	s2 =	rddreg [dreg:$0x3]  }
0x4: {  	s12 =	simm.s32 $0x68;
	s13 =	simm.s32 $0x1900;
	s14 =	simm.s32 $0x60  }
0x5: {  	s15 =	simm.s32 $0x4D00;
	s17 =	simm.s32 $0x8100;
	s19 =	simm.s32 $0xB500  }
0x6: {  	s20 =	simm.s32 $0xE900;
	s21 =	simm.s32 $0x1;
	s22 =	simm.s32 $0x11D00  }
0x7: {  	s23 =	simm.s32 $0x2;
	s28 =	simm.s32 $0x4;
	s29 =	simm.s32 $0x5  }
0x8: {  	s30 =	simm.s32 $0x6;
	s5 =	sand.u32 $0x1, s3;
	s4 =	sshll.u32 s6, $0x1  }
0x9: {  	s31 =	simm.s32 $0x7;
	s3 =	rddreg [dreg:$0x4];
	s7 =	sor.u32 s5, s4  }
0xa: {  	s4 =	simm.s32 $0x0;
	s5 =	ssub.s32 $0x2, s5;
	s8 =	smul.u32 $0x320, s7  }
0xb: {  	p0 =	sne.s32 s6, $0x0;
	[smem:$0x7FF] =	sst s4;
	s24 =	sshrl.u32 s5, $0x1  }
0xc: {  	_ =	strace $0x80000047;
	s0 =	sadd.s32 s8, s0;
	s8 =	ssub.s32 s5, s24  }
0xd: {  	s5 =	sshll.u32 s7, $0x5;
	s7 =	sshll.u32 s7, $0x9;
	s0 =	sadd.s32 $0x400, s0  }
0xe: {  	s24 =	simm.s32 $0x15100;
	s25 =	sadd.s32 s1, s7;
	[dreg:$0x6] =	wrdreg s0  }
0xf: {  	s26 =	smax.u32 s8, $0x1;
	s1 =	simm.s32 $0x8;
	[dreg:$0x7] =	wrdreg s25  }
0x10: {  	[dreg:$0x8] =	wrdreg s26;
	s0 =	sshrl.u32 @!p0 s3, $0x3;
	s25 =	simm.s32 $0x3  }
0x11: {  	s26 =	simm.s32 $0x18500;
	[dreg:$0x9] =	wrdreg s0;
	s0 =	simm.s32 $0x0  }
.LBB2_1:
0x12: {  	s7 =	rddreg [dreg:$0x2]  }
0x13: {  	s6 =	simm.s32 @!p0 $0x1C11;
	s8 =	rddreg [dreg:$0x9]  }
0x14: {  	[spmem:s8], [sflag:s6] =	dma.local @!p0 [hbm:s7], $0x3E80  }
0x15: {  	s6 =	simm.s32 @!p0 $0x11  }
0x16: {  	_ =	swait.ge @!p0 [sflag:s6], $0x3E80  }
0x17: {  	[sflag:s6] =	ssyncset.done @!p0 $0x0  }
0x18: {  	[sflag:s6] =	ssyncadd.s32 @!p0 $0xFFFFC180  }
0x19: {  	[bflag:$0x0] =	sbarrier.arrive $0xFFFF  }
0x1a: {  	s9 =	simm.s32 $0x11;
	s8 =	rddreg [dreg:$0x6]  }
0x1b: {  	[tilespmem:s4], [sflag:$0x11] =	stream.linear.gather [hbm4b:s8+s4], $0x1900, $0x38;
	[tilespmem:$0x1E840] =	vst v63  }
0x1c: {  	_ =	swait.ge [sflag:s9], $0x1900  }
0x1d: {  	[sflag:s9] =	ssyncset.done $0x0  }
0x1e: {  	s11 =	simm.s32 $0x1B900;
	s10 =	rddreg [dreg:$0x7];
	[sflag:s9] =	ssyncadd.s32 $0xFFFFE700  }
0x1f: {  	[tilespmem:s11], [sflag:$0x11] =	stream.linear.gather [hbm4b:s10+s4], $0x1000, $0x38;
	[tilespmem:$0x1E840] =	vst v63  }
0x20: {  	_ =	swait.ge [sflag:s9], $0x1000  }
0x21: {  	[sflag:s9] =	ssyncset.done $0x0  }
0x22: {  	[sflag:s9] =	ssyncadd.s32 $0xFFFFF000  }
0x23: {  	[tilespmem:s13], [sflag:$0x1] =	stream.indirect.gather [spmem:s3], $0x80, s4, s12, $0xb8;
	[tilespmem:$0x1E840] =	vst v63  }
0x24: {  	_ = 	snop  }
0x25: {  	[tilespmem:s15], [sflag:$0x2] =	stream.indirect.gather [spmem:s3], $0x80, s12, s14, $0xb8;
	[tilespmem:$0x1E840] =	vst v63  }
0x26: {  	s16 =	simm.s32 $0xC8  }
0x27: {  	[tilespmem:s17], [sflag:$0x3] =	stream.indirect.gather [spmem:s3], $0x80, s16, s12, $0xb8;
	[tilespmem:$0x1E840] =	vst v63  }
0x28: {  	s18 =	simm.s32 $0x130;
	s11 =	simm.s32 $0x0  }
0x29: {  	[tilespmem:s19], [sflag:$0x4] =	stream.indirect.gather [spmem:s3], $0x80, s18, s14, $0xb8;
	[tilespmem:$0x1E840] =	vst v63  }
.LBB2_2:
0x2a: {  	p1 =	seq.s32 s11, $0x0  }
0x2b: {  	s7 =	smul.u32 $0xC80, s11;
	s6 =	simm.s32 @!p1 $0xD  }
0x2c: {  	_ =	swait.ge @!p1 [sflag:s6], $0x3400  }
0x2d: {  	s18 =	sshra.s32 s7, $0x2;
	[sflag:s6] =	ssyncset.done @!p1 $0x0  }
0x2e: {  	s10 =	sadd.s32 $0x190, s18;
	[sflag:s6] =	ssyncadd.s32 @!p1 $0xFFFFCC00  }
0x2f: {  	[tilespmem:s20], [sflag:$0x5] =	stream.indirect.gather [spmem:s3], $0x80, s10, s12, $0xb8;
	[tilespmem:$0x1E840] =	vst v63  }
0x30: {  	_ =	swait.ge [sflag:s21], $0x3400  }
0x31: {  	s16 =	sshll.u32 s11, $0x9;
	[sflag:s21] =	ssyncset.done $0x0  }
0x32: {  	s6 =	sand.u32 $0x3FFFFE00, s16;
	[sflag:s21] =	ssyncadd.s32 $0xFFFFCC00  }
0x33: {  	v0 =	vld [tilespmem:s6+$0x1B900]  }
0x34: {  	v2 =	vld [tilespmem:s6+$0x1B910]  }
0x35: {  	v8 =	vld [tilespmem:s6+$0x1B920]  }
0x36: {  	v11 =	vld [tilespmem:s6+$0x1B930]  }
0x37: {  	v5 =	vld [tilespmem:s6+$0x1B940]  }
0x38: {  	v3 =	vld [tilespmem:s6+$0x1B950]  }
0x39: {  	v1 =	vld [tilespmem:s6+$0x1B960]  }
0x3a: {  	s8 =	simm.s32 $0x0;
	v4 =	vld [tilespmem:s6+$0x1B970]  }
0x3b: {  	v7 =	vld [tilespmem:s8+$0x1900]  }
0x3c: {  	v13 =	vld [tilespmem:s8+$0x1910]  }
0x3d: {  	v10 =	vld [tilespmem:s8+$0x1920]  }
0x3e: {  	v9 =	vld [tilespmem:s8+$0x1930];
	v0 =	vmul.f32 $8.999999760e-01, v0  }
0x3f: {  	v6 =	vld [tilespmem:s8+$0x1940];
	v2 =	vmul.f32 $8.999999760e-01, v2  }
0x40: {  	v12 =	vmul.f32 $8.999999760e-01, v8;
	v0 =	vadd.f32 v7, v0;
	v7 =	vld [tilespmem:s8+$0x1950]  }
0x41: {  	s16 =	sshll.u32 s11, $0x3;
	s6 =	simm.s32 $0x200;
	v11 =	vmul.f32 $8.999999760e-01, v11;
	v8 =	vld [tilespmem:s8+$0x1960];
	v2 =	vadd.f32 v13, v2  }
.LBB2_3:
0x42: {  	s7 =	sshra.s32 s6, $0x2;
	p2 =	sne.s32 s6, $0xCE00;
	v12 =	vadd.f32 v10, v12;
	v5 =	vmul.f32 $8.999999760e-01, v5;
	v13 =	vld [tilespmem:s8+$0x1970];
	[tilespmem:s8+$0x1900] =	vst v0  }
0x43: {  	v3 =	vmul.f32 $8.999999760e-01, v3;
	v14 =	vld [tilespmem:s7+$0x1900];
	v11 =	vadd.f32 v9, v11;
	[tilespmem:s8+$0x1910] =	vst v2  }
0x44: {  	v1 =	vmul.f32 $8.999999760e-01, v1;
	v15 =	vld [tilespmem:s7+$0x1910];
	v5 =	vadd.f32 v6, v5;
	[tilespmem:s8+$0x1920] =	vst v12  }
.Ltmp0:
0x45: {  	v4 =	vmul.f32 $8.999999760e-01, v4;
	v10 =	vld [tilespmem:s7+$0x1920];
	v3 =	vadd.f32 v7, v3;
	[tilespmem:s8+$0x1930] =	vst v11;
	(pc) =	sbr.rel @p2 .LBB2_3-.Ltmp0, $4  }
0x46: {  	v0 =	vmul.f32 $8.999999760e-01, v0;
	v9 =	vld [tilespmem:s7+$0x1930];
	v1 =	vadd.f32 v8, v1;
	[tilespmem:s8+$0x1940] =	vst v5  }
0x47: {  	v2 =	vmul.f32 $8.999999760e-01, v2;
	v6 =	vld [tilespmem:s7+$0x1940];
	v4 =	vadd.f32 v13, v4;
	[tilespmem:s8+$0x1950] =	vst v3  }
0x48: {  	v12 =	vmul.f32 $8.999999760e-01, v12;
	v0 =	vadd.f32 v14, v0;
	v7 =	vld [tilespmem:s7+$0x1950];
	[tilespmem:s8+$0x1960] =	vst v1  }
0x49: {  	s6 =	sadd.s32 $0x200, s6;
	v11 =	vmul.f32 $8.999999760e-01, v11;
	v2 =	vadd.f32 v15, v2;
	v8 =	vld [tilespmem:s7+$0x1960];
	[tilespmem:s8+$0x1970] =	vst v4;
	s8 =	smov.u32 s7  }
0x4a: {  	v13 =	vld [tilespmem:s8+$0x1970];
	v12 =	vadd.f32 v10, v12;
	v5 =	vmul.f32 $8.999999760e-01, v5;
	[tilespmem:s8+$0x1900] =	vst v0  }
0x4b: {  	v11 =	vadd.f32 v9, v11;
	v9 =	vmul.f32 $8.999999760e-01, v3;
	[tilespmem:s8+$0x1910] =	vst v2  }
0x4c: {  	v3 =	vadd.f32 v6, v5;
	v5 =	vmul.f32 $8.999999760e-01, v1;
	[tilespmem:s8+$0x1920] =	vst v12  }
0x4d: {  	s6 =	sshll.u32 s11, $0x2;
	v6 =	vmul.f32 $8.999999760e-01, v4;
	v1 =	vadd.f32 v7, v9;
	[tilespmem:s8+$0x1930] =	vst v11  }
0x4e: {  	s7 =	sor.u32 s5, s6;
	v4 =	vadd.f32 v8, v5;
	[tilespmem:s8+$0x1940] =	vst v3  }
0x4f: {  	s9 =	smul.u32 $0xC80, s7;
	v5 =	vadd.f32 v13, v6;
	[tilespmem:s8+$0x1950] =	vst v1  }
0x50: {  	[tilespmem:s8+$0x1960] =	vst v4  }
0x51: {  	s9 =	sadd.s32 s2, s9;
	[tilespmem:s8+$0x1970] =	vst v5;
	s8 =	simm.s32 @!p1 $0xE  }
0x52: {  	[hbm4b:s9+s4] =	stream.linear.scatter [tilespmem:s13], [sflag:$0x9], $0x3400, $0x38;
	[tilespmem:$0x1E840] =	vst v63  }
0x53: {  	_ =	swait.ge @!p1 [sflag:s8], $0x3000  }
0x54: {  	[sflag:s8] =	ssyncset.done @!p1 $0x0  }
0x55: {  	s10 =	sadd.s32 $0x1F8, s18;
	[sflag:s8] =	ssyncadd.s32 @!p1 $0xFFFFD000  }
0x56: {  	[tilespmem:s22], [sflag:$0x6] =	stream.indirect.gather [spmem:s3], $0x80, s10, s14, $0xb8;
	[tilespmem:$0x1E840] =	vst v63  }
0x57: {  	_ =	swait.ge [sflag:s23], $0x3000  }
0x58: {  	[sflag:s23] =	ssyncset.done $0x0  }
0x59: {  	s8 =	simm.s32 $0x0;
	[sflag:s23] =	ssyncadd.s32 $0xFFFFD000  }
0x5a: {  	v6 =	vld [tilespmem:s8+$0x4D00]  }
0x5b: {  	v13 =	vld [tilespmem:s8+$0x4D10]  }
0x5c: {  	v10 =	vld [tilespmem:s8+$0x4D20]  }
0x5d: {  	v0 =	vmul.f32 $8.999999760e-01, v0;
	v9 =	vld [tilespmem:s8+$0x4D30]  }
0x5e: {  	v14 =	vmul.f32 $8.999999760e-01, v2;
	v7 =	vld [tilespmem:s8+$0x4D40]  }
0x5f: {  	v12 =	vmul.f32 $8.999999760e-01, v12;
	v8 =	vld [tilespmem:s8+$0x4D50];
	v2 =	vadd.f32 v6, v0  }
0x60: {  	v11 =	vmul.f32 $8.999999760e-01, v11;
	s9 =	simm.s32 $0x200;
	v6 =	vadd.f32 v13, v14;
	v0 =	vld [tilespmem:s8+$0x4D60]  }
.LBB2_5:
0x61: {  	s10 =	sshra.s32 s9, $0x2;
	p2 =	sne.s32 s9, $0xBE00;
	v12 =	vadd.f32 v10, v12;
	v3 =	vmul.f32 $8.999999760e-01, v3;
	v13 =	vld [tilespmem:s8+$0x4D70];
	[tilespmem:s8+$0x4D00] =	vst v2  }
0x62: {  	v1 =	vmul.f32 $8.999999760e-01, v1;
	v14 =	vld [tilespmem:s10+$0x4D00];
	v11 =	vadd.f32 v9, v11;
	[tilespmem:s8+$0x4D10] =	vst v6  }
0x63: {  	v4 =	vmul.f32 $8.999999760e-01, v4;
	v15 =	vld [tilespmem:s10+$0x4D10];
	v3 =	vadd.f32 v7, v3;
	[tilespmem:s8+$0x4D20] =	vst v12  }
.Ltmp1:
0x64: {  	v5 =	vmul.f32 $8.999999760e-01, v5;
	v10 =	vld [tilespmem:s10+$0x4D20];
	v1 =	vadd.f32 v8, v1;
	[tilespmem:s8+$0x4D30] =	vst v11;
	(pc) =	sbr.rel @p2 .LBB2_5-.Ltmp1, $4  }
0x65: {  	v2 =	vmul.f32 $8.999999760e-01, v2;
	v9 =	vld [tilespmem:s10+$0x4D30];
	v4 =	vadd.f32 v0, v4;
	[tilespmem:s8+$0x4D40] =	vst v3  }
0x66: {  	v0 =	vmul.f32 $8.999999760e-01, v6;
	v7 =	vld [tilespmem:s10+$0x4D40];
	v5 =	vadd.f32 v13, v5;
	[tilespmem:s8+$0x4D50] =	vst v1  }
0x67: {  	v12 =	vmul.f32 $8.999999760e-01, v12;
	v2 =	vadd.f32 v14, v2;
	v8 =	vld [tilespmem:s10+$0x4D50];
	[tilespmem:s8+$0x4D60] =	vst v4  }
0x68: {  	s9 =	sadd.s32 $0x200, s9;
	v11 =	vmul.f32 $8.999999760e-01, v11;
	v6 =	vadd.f32 v15, v0;
	v0 =	vld [tilespmem:s10+$0x4D60];
	[tilespmem:s8+$0x4D70] =	vst v5;
	s8 =	smov.u32 s10  }
0x69: {  	v13 =	vld [tilespmem:s8+$0x4D70];
	v10 =	vadd.f32 v10, v12;
	v3 =	vmul.f32 $8.999999760e-01, v3;
	[tilespmem:s8+$0x4D00] =	vst v2  }
0x6a: {  	v1 =	vmul.f32 $8.999999760e-01, v1;
	v2 =	vadd.f32 v9, v11;
	[tilespmem:s8+$0x4D10] =	vst v6  }
0x6b: {  	v4 =	vmul.f32 $8.999999760e-01, v4;
	v3 =	vadd.f32 v7, v3;
	[tilespmem:s8+$0x4D20] =	vst v10  }
0x6c: {  	v5 =	vmul.f32 $8.999999760e-01, v5;
	s7 =	smul.u32 $0x6400, s7;
	v1 =	vadd.f32 v8, v1;
	[tilespmem:s8+$0x4D30] =	vst v2  }
0x6d: {  	v0 =	vadd.f32 v0, v4;
	[tilespmem:s8+$0x4D40] =	vst v3  }
0x6e: {  	s7 =	sshrl.u32 s7, $0x3;
	v2 =	vadd.f32 v13, v5;
	[tilespmem:s8+$0x4D50] =	vst v1  }
0x6f: {  	s7 =	sadd.s32 s2, s7;
	[tilespmem:s8+$0x4D60] =	vst v0  }
0x70: {  	s7 =	sadd.s32 $0x680, s7;
	[tilespmem:s8+$0x4D70] =	vst v2  }
0x71: {  	[hbm4b:s7+s4] =	stream.linear.scatter [tilespmem:s15], [sflag:$0xA], $0x3000, $0x38;
	[tilespmem:$0x1E840] =	vst v63  }
0x72: {  	s7 =	simm.s32 @!p1 $0xF  }
0x73: {  	_ =	swait.ge @!p1 [sflag:s7], $0x3400  }
0x74: {  	[sflag:s7] =	ssyncset.done @!p1 $0x0  }
0x75: {  	s9 =	sadd.s32 $0x258, s18;
	[sflag:s7] =	ssyncadd.s32 @!p1 $0xFFFFCC00  }
0x76: {  	[tilespmem:s24], [sflag:$0x7] =	stream.indirect.gather [spmem:s3], $0x80, s9, s12, $0xb8;
	[tilespmem:$0x1E840] =	vst v63  }
0x77: {  	s7 =	sor.u32 $0x2, s16;
	_ =	swait.ge [sflag:s25], $0x3400  }
0x78: {  	s10 =	sshll.u32 s7, $0x6;
	[sflag:s25] =	ssyncset.done $0x0  }
0x79: {  	s8 =	sand.u32 $0x3FFFFFC0, s10;
	[sflag:s25] =	ssyncadd.s32 $0xFFFFCC00  }
0x7a: {  	v0 =	vld [tilespmem:s8+$0x1B900]  }
0x7b: {  	v3 =	vld [tilespmem:s8+$0x1B910]  }
0x7c: {  	v6 =	vld [tilespmem:s8+$0x1B920]  }
0x7d: {  	v11 =	vld [tilespmem:s8+$0x1B930]  }
0x7e: {  	v5 =	vld [tilespmem:s8+$0x1B940]  }
0x7f: {  	v4 =	vld [tilespmem:s8+$0x1B950]  }
0x80: {  	v1 =	vld [tilespmem:s8+$0x1B960]  }
0x81: {  	v2 =	vld [tilespmem:s8+$0x1B970];
	s8 =	simm.s32 $0x0  }
0x82: {  	v8 =	vld [tilespmem:s8+$0x8100]  }
0x83: {  	v13 =	vld [tilespmem:s8+$0x8110]  }
0x84: {  	v10 =	vld [tilespmem:s8+$0x8120]  }
0x85: {  	v9 =	vld [tilespmem:s8+$0x8130];
	v0 =	vmul.f32 $8.999999760e-01, v0  }
0x86: {  	v7 =	vld [tilespmem:s8+$0x8140];
	v3 =	vmul.f32 $8.999999760e-01, v3  }
0x87: {  	v12 =	vmul.f32 $8.999999760e-01, v6;
	v0 =	vadd.f32 v8, v0;
	v8 =	vld [tilespmem:s8+$0x8150]  }
0x88: {  	s9 =	simm.s32 $0x200;
	v11 =	vmul.f32 $8.999999760e-01, v11;
	v6 =	vld [tilespmem:s8+$0x8160];
	v3 =	vadd.f32 v13, v3  }
.LBB2_7:
0x89: {  	s10 =	sshra.s32 s9, $0x2;
	p2 =	sne.s32 s9, $0xCE00;
	v12 =	vadd.f32 v10, v12;
	v5 =	vmul.f32 $8.999999760e-01, v5;
	v13 =	vld [tilespmem:s8+$0x8170];
	[tilespmem:s8+$0x8100] =	vst v0  }
0x8a: {  	v4 =	vmul.f32 $8.999999760e-01, v4;
	v14 =	vld [tilespmem:s10+$0x8100];
	v11 =	vadd.f32 v9, v11;
	[tilespmem:s8+$0x8110] =	vst v3  }
0x8b: {  	v1 =	vmul.f32 $8.999999760e-01, v1;
	v15 =	vld [tilespmem:s10+$0x8110];
	v5 =	vadd.f32 v7, v5;
	[tilespmem:s8+$0x8120] =	vst v12  }
.Ltmp2:
0x8c: {  	v2 =	vmul.f32 $8.999999760e-01, v2;
	v10 =	vld [tilespmem:s10+$0x8120];
	v4 =	vadd.f32 v8, v4;
	[tilespmem:s8+$0x8130] =	vst v11;
	(pc) =	sbr.rel @p2 .LBB2_7-.Ltmp2, $4  }
0x8d: {  	v0 =	vmul.f32 $8.999999760e-01, v0;
	v9 =	vld [tilespmem:s10+$0x8130];
	v1 =	vadd.f32 v6, v1;
	[tilespmem:s8+$0x8140] =	vst v5  }
0x8e: {  	v3 =	vmul.f32 $8.999999760e-01, v3;
	v7 =	vld [tilespmem:s10+$0x8140];
	v2 =	vadd.f32 v13, v2;
	[tilespmem:s8+$0x8150] =	vst v4  }
0x8f: {  	v12 =	vmul.f32 $8.999999760e-01, v12;
	v0 =	vadd.f32 v14, v0;
	v8 =	vld [tilespmem:s10+$0x8150];
	[tilespmem:s8+$0x8160] =	vst v1  }
0x90: {  	s9 =	sadd.s32 $0x200, s9;
	v11 =	vmul.f32 $8.999999760e-01, v11;
	v3 =	vadd.f32 v15, v3;
	v6 =	vld [tilespmem:s10+$0x8160];
	[tilespmem:s8+$0x8170] =	vst v2;
	s8 =	smov.u32 s10  }
0x91: {  	v13 =	vld [tilespmem:s8+$0x8170];
	v12 =	vadd.f32 v10, v12;
	v5 =	vmul.f32 $8.999999760e-01, v5;
	[tilespmem:s8+$0x8100] =	vst v0  }
0x92: {  	v11 =	vadd.f32 v9, v11;
	v9 =	vmul.f32 $8.999999760e-01, v4;
	[tilespmem:s8+$0x8110] =	vst v3  }
0x93: {  	v4 =	vadd.f32 v7, v5;
	v5 =	vmul.f32 $8.999999760e-01, v1;
	[tilespmem:s8+$0x8120] =	vst v12  }
0x94: {  	v2 =	vmul.f32 $8.999999760e-01, v2;
	s7 =	sshrl.u32 s7, $0x1;
	v1 =	vadd.f32 v8, v9;
	[tilespmem:s8+$0x8130] =	vst v11  }
0x95: {  	s7 =	sadd.s32 s5, s7;
	v5 =	vadd.f32 v6, v5;
	[tilespmem:s8+$0x8140] =	vst v4  }
0x96: {  	s7 =	smul.u32 $0xC80, s7;
	v2 =	vadd.f32 v13, v2;
	[tilespmem:s8+$0x8150] =	vst v1  }
0x97: {  	[tilespmem:s8+$0x8160] =	vst v5  }
0x98: {  	s7 =	sadd.s32 s2, s7;
	[tilespmem:s8+$0x8170] =	vst v2  }
0x99: {  	[hbm4b:s7+s4] =	stream.linear.scatter [tilespmem:s17], [sflag:$0xB], $0x3400, $0x38;
	[tilespmem:$0x1E840] =	vst v63  }
0x9a: {  	s7 =	simm.s32 @!p1 $0x10  }
0x9b: {  	_ =	swait.ge @!p1 [sflag:s7], $0x3000  }
0x9c: {  	[sflag:s7] =	ssyncset.done @!p1 $0x0  }
0x9d: {  	s18 =	sadd.s32 $0x2C0, s18;
	[sflag:s7] =	ssyncadd.s32 @!p1 $0xFFFFD000  }
0x9e: {  	[tilespmem:s26], [sflag:$0x8] =	stream.indirect.gather [spmem:s3], $0x80, s18, s14, $0xb8;
	[tilespmem:$0x1E840] =	vst v63  }
0x9f: {  	_ =	swait.ge [sflag:s28], $0x3000  }
0xa0: {  	[sflag:s28] =	ssyncset.done $0x0  }
0xa1: {  	s7 =	simm.s32 $0x0;
	[sflag:s28] =	ssyncadd.s32 $0xFFFFD000  }
0xa2: {  	v7 =	vld [tilespmem:s7+$0xB500]  }
0xa3: {  	v8 =	vld [tilespmem:s7+$0xB510]  }
0xa4: {  	v10 =	vld [tilespmem:s7+$0xB520]  }
0xa5: {  	v0 =	vmul.f32 $8.999999760e-01, v0;
	v9 =	vld [tilespmem:s7+$0xB530]  }
0xa6: {  	v3 =	vmul.f32 $8.999999760e-01, v3;
	v6 =	vld [tilespmem:s7+$0xB540]  }
0xa7: {  	v12 =	vmul.f32 $8.999999760e-01, v12;
	v7 =	vadd.f32 v7, v0;
	v0 =	vld [tilespmem:s7+$0xB550]  }
0xa8: {  	v11 =	vmul.f32 $8.999999760e-01, v11;
	s8 =	simm.s32 $0x200;
	v8 =	vadd.f32 v8, v3;
	v3 =	vld [tilespmem:s7+$0xB560]  }
.LBB2_9:
0xa9: {  	s9 =	sshra.s32 s8, $0x2;
	p1 =	sne.s32 s8, $0xBE00;
	v12 =	vadd.f32 v10, v12;
	v4 =	vmul.f32 $8.999999760e-01, v4;
	v13 =	vld [tilespmem:s7+$0xB570];
	[tilespmem:s7+$0xB500] =	vst v7  }
0xaa: {  	v1 =	vmul.f32 $8.999999760e-01, v1;
	v14 =	vld [tilespmem:s9+$0xB500];
	v11 =	vadd.f32 v9, v11;
	[tilespmem:s7+$0xB510] =	vst v8  }
0xab: {  	v5 =	vmul.f32 $8.999999760e-01, v5;
	v15 =	vld [tilespmem:s9+$0xB510];
	v4 =	vadd.f32 v6, v4;
	[tilespmem:s7+$0xB520] =	vst v12  }
.Ltmp3:
0xac: {  	v10 =	vld [tilespmem:s9+$0xB520];
	v1 =	vadd.f32 v0, v1;
	v0 =	vmul.f32 $8.999999760e-01, v2;
	[tilespmem:s7+$0xB530] =	vst v11;
	(pc) =	sbr.rel @p1 .LBB2_9-.Ltmp3, $4  }
0xad: {  	v7 =	vmul.f32 $8.999999760e-01, v7;
	v9 =	vld [tilespmem:s9+$0xB530];
	v5 =	vadd.f32 v3, v5;
	[tilespmem:s7+$0xB540] =	vst v4  }
0xae: {  	v3 =	vmul.f32 $8.999999760e-01, v8;
	v6 =	vld [tilespmem:s9+$0xB540];
	v2 =	vadd.f32 v13, v0;
	[tilespmem:s7+$0xB550] =	vst v1  }
0xaf: {  	v12 =	vmul.f32 $8.999999760e-01, v12;
	v7 =	vadd.f32 v14, v7;
	v0 =	vld [tilespmem:s9+$0xB550];
	[tilespmem:s7+$0xB560] =	vst v5  }
0xb0: {  	s8 =	sadd.s32 $0x200, s8;
	v11 =	vmul.f32 $8.999999760e-01, v11;
	v8 =	vadd.f32 v15, v3;
	v3 =	vld [tilespmem:s9+$0xB560];
	[tilespmem:s7+$0xB570] =	vst v2;
	s7 =	smov.u32 s9  }
0xb1: {  	v13 =	vld [tilespmem:s7+$0xB570];
	v10 =	vadd.f32 v10, v12;
	v4 =	vmul.f32 $8.999999760e-01, v4;
	[tilespmem:s7+$0xB500] =	vst v7  }
0xb2: {  	v1 =	vmul.f32 $8.999999760e-01, v1;
	s6 =	sadd.s32 s6, s5;
	v7 =	vadd.f32 v9, v11;
	[tilespmem:s7+$0xB510] =	vst v8  }
0xb3: {  	v5 =	vmul.f32 $8.999999760e-01, v5;
	s6 =	smul.u32 $0x6400, s6;
	v4 =	vadd.f32 v6, v4;
	[tilespmem:s7+$0xB520] =	vst v10  }
0xb4: {  	v0 =	vadd.f32 v0, v1;
	v1 =	vmul.f32 $8.999999760e-01, v2;
	[tilespmem:s7+$0xB530] =	vst v7  }
0xb5: {  	s6 =	sadd.s32 $0x6400, s6;
	v2 =	vadd.f32 v3, v5;
	[tilespmem:s7+$0xB540] =	vst v4  }
0xb6: {  	s6 =	sshrl.u32 s6, $0x3;
	v1 =	vadd.f32 v13, v1;
	[tilespmem:s7+$0xB550] =	vst v0  }
0xb7: {  	s6 =	sadd.s32 s2, s6;
	[tilespmem:s7+$0xB560] =	vst v2  }
0xb8: {  	s6 =	sadd.s32 $0x680, s6;
	[tilespmem:s7+$0xB570] =	vst v1  }
0xb9: {  	[hbm4b:s6+s4] =	stream.linear.scatter [tilespmem:s19], [sflag:$0xC], $0x3000, $0x38;
	[tilespmem:$0x1E840] =	vst v63  }
0xba: {  	s6 =	sor.u32 $0x4, s16  }
0xbb: {  	p1 =	sgt.u32 s6, $0x3B  }
0xbc: {  	s7 =	simm.s32 @!p1 $0x9;
	s8 =	sshrl.u32 @!p1 s16, $0x1  }
0xbd: {  	_ =	swait.ge @!p1 [sflag:s7], $0x3400;
	s8 =	smul.u32 @!p1 $0x320, s8  }
0xbe: {  	[sflag:s7] =	ssyncset.done @!p1 $0x0  }
0xbf: {  	[sflag:s7] =	ssyncadd.s32 @!p1 $0xFFFFCC00;
	s7 =	sadd.s32 @!p1 $0xC80, s8  }
0xc0: {  	s9 =	simm.s32 @!p1 $0x1900;
	s8 =	simm.s32 @!p1 $0x68;
	s7 =	sshra.s32 @!p1 s7, $0x2  }
0xc1: {  	[tilespmem:s9], [sflag:$0x1] =	stream.indirect.gather @!p1 [spmem:s3], $0x80, s7, s8, $0xb8;
	[tilespmem:$0x1E840] =	vst v63  }
0xc2: {  	_ =	swait.ge [sflag:s29], $0x3400  }
0xc3: {  	s18 =	sshll.u32 s6, $0x6;
	[sflag:s29] =	ssyncset.done $0x0  }
0xc4: {  	s7 =	sand.u32 $0x3FFFFFC0, s18;
	[sflag:s29] =	ssyncadd.s32 $0xFFFFCC00  }
0xc5: {  	v0 =	vld [tilespmem:s7+$0x1B900]  }
0xc6: {  	v3 =	vld [tilespmem:s7+$0x1B910]  }
0xc7: {  	v6 =	vld [tilespmem:s7+$0x1B920]  }
0xc8: {  	v11 =	vld [tilespmem:s7+$0x1B930]  }
0xc9: {  	v5 =	vld [tilespmem:s7+$0x1B940]  }
0xca: {  	v4 =	vld [tilespmem:s7+$0x1B950]  }
0xcb: {  	v1 =	vld [tilespmem:s7+$0x1B960]  }
0xcc: {  	v2 =	vld [tilespmem:s7+$0x1B970];
	s7 =	simm.s32 $0x0  }
0xcd: {  	v8 =	vld [tilespmem:s7+$0xE900]  }
0xce: {  	v13 =	vld [tilespmem:s7+$0xE910]  }
0xcf: {  	v10 =	vld [tilespmem:s7+$0xE920]  }
0xd0: {  	v9 =	vld [tilespmem:s7+$0xE930];
	v0 =	vmul.f32 $8.999999760e-01, v0  }
0xd1: {  	v7 =	vld [tilespmem:s7+$0xE940];
	v3 =	vmul.f32 $8.999999760e-01, v3  }
0xd2: {  	v12 =	vmul.f32 $8.999999760e-01, v6;
	v0 =	vadd.f32 v8, v0;
	v8 =	vld [tilespmem:s7+$0xE950]  }
0xd3: {  	s8 =	simm.s32 $0x200;
	v11 =	vmul.f32 $8.999999760e-01, v11;
	v6 =	vld [tilespmem:s7+$0xE960];
	v3 =	vadd.f32 v13, v3  }
.LBB2_11:
0xd4: {  	s9 =	sshra.s32 s8, $0x2;
	p1 =	sne.s32 s8, $0xCE00;
	v12 =	vadd.f32 v10, v12;
	v5 =	vmul.f32 $8.999999760e-01, v5;
	v13 =	vld [tilespmem:s7+$0xE970];
	[tilespmem:s7+$0xE900] =	vst v0  }
0xd5: {  	v4 =	vmul.f32 $8.999999760e-01, v4;
	v14 =	vld [tilespmem:s9+$0xE900];
	v11 =	vadd.f32 v9, v11;
	[tilespmem:s7+$0xE910] =	vst v3  }
0xd6: {  	v1 =	vmul.f32 $8.999999760e-01, v1;
	v15 =	vld [tilespmem:s9+$0xE910];
	v5 =	vadd.f32 v7, v5;
	[tilespmem:s7+$0xE920] =	vst v12  }
.Ltmp4:
0xd7: {  	v2 =	vmul.f32 $8.999999760e-01, v2;
	v10 =	vld [tilespmem:s9+$0xE920];
	v4 =	vadd.f32 v8, v4;
	[tilespmem:s7+$0xE930] =	vst v11;
	(pc) =	sbr.rel @p1 .LBB2_11-.Ltmp4, $4  }
0xd8: {  	v0 =	vmul.f32 $8.999999760e-01, v0;
	v9 =	vld [tilespmem:s9+$0xE930];
	v1 =	vadd.f32 v6, v1;
	[tilespmem:s7+$0xE940] =	vst v5  }
0xd9: {  	v3 =	vmul.f32 $8.999999760e-01, v3;
	v7 =	vld [tilespmem:s9+$0xE940];
	v2 =	vadd.f32 v13, v2;
	[tilespmem:s7+$0xE950] =	vst v4  }
0xda: {  	v12 =	vmul.f32 $8.999999760e-01, v12;
	v0 =	vadd.f32 v14, v0;
	v8 =	vld [tilespmem:s9+$0xE950];
	[tilespmem:s7+$0xE960] =	vst v1  }
0xdb: {  	s8 =	sadd.s32 $0x200, s8;
	v11 =	vmul.f32 $8.999999760e-01, v11;
	v3 =	vadd.f32 v15, v3;
	v6 =	vld [tilespmem:s9+$0xE960];
	[tilespmem:s7+$0xE970] =	vst v2;
	s7 =	smov.u32 s9  }
0xdc: {  	v13 =	vld [tilespmem:s7+$0xE970];
	v12 =	vadd.f32 v10, v12;
	v5 =	vmul.f32 $8.999999760e-01, v5;
	[tilespmem:s7+$0xE900] =	vst v0  }
0xdd: {  	v11 =	vadd.f32 v9, v11;
	v9 =	vmul.f32 $8.999999760e-01, v4;
	[tilespmem:s7+$0xE910] =	vst v3  }
0xde: {  	v4 =	vadd.f32 v7, v5;
	v5 =	vmul.f32 $8.999999760e-01, v1;
	[tilespmem:s7+$0xE920] =	vst v12  }
0xdf: {  	v2 =	vmul.f32 $8.999999760e-01, v2;
	s6 =	sshrl.u32 s6, $0x1;
	v1 =	vadd.f32 v8, v9;
	[tilespmem:s7+$0xE930] =	vst v11  }
0xe0: {  	s6 =	sadd.s32 s5, s6;
	v5 =	vadd.f32 v6, v5;
	[tilespmem:s7+$0xE940] =	vst v4  }
0xe1: {  	s6 =	smul.u32 $0xC80, s6;
	v2 =	vadd.f32 v13, v2;
	[tilespmem:s7+$0xE950] =	vst v1  }
0xe2: {  	[tilespmem:s7+$0xE960] =	vst v5  }
0xe3: {  	s6 =	sadd.s32 s2, s6;
	[tilespmem:s7+$0xE970] =	vst v2  }
0xe4: {  	[hbm4b:s6+s4] =	stream.linear.scatter [tilespmem:s20], [sflag:$0xD], $0x3400, $0x38;
	[tilespmem:$0x1E840] =	vst v63  }
0xe5: {  	s6 =	sor.u32 $0x5, s16  }
0xe6: {  	p1 =	sgt.u32 s6, $0x3B  }
0xe7: {  	s7 =	sshrl.u32 @!p1 s16, $0x1  }
0xe8: {  	s7 =	smul.u32 @!p1 $0x320, s7  }
0xe9: {  	s8 =	simm.s32 @!p1 $0xA  }
0xea: {  	_ =	swait.ge @!p1 [sflag:s8], $0x3000;
	s7 =	sadd.s32 @!p1 $0xC80, s7  }
0xeb: {  	s9 =	simm.s32 @!p1 $0x4D00;
	[sflag:s8] =	ssyncset.done @!p1 $0x0;
	s7 =	sshra.s32 @!p1 s7, $0x2  }
0xec: {  	[sflag:s8] =	ssyncadd.s32 @!p1 $0xFFFFD000;
	s8 =	simm.s32 @!p1 $0x60;
	s7 =	sadd.s32 @!p1 $0x68, s7  }
0xed: {  	[tilespmem:s9], [sflag:$0x2] =	stream.indirect.gather @!p1 [spmem:s3], $0x80, s7, s8, $0xb8;
	[tilespmem:$0x1E840] =	vst v63  }
0xee: {  	_ =	swait.ge [sflag:s30], $0x3000  }
0xef: {  	[sflag:s30] =	ssyncset.done $0x0  }
0xf0: {  	s7 =	simm.s32 $0x0;
	[sflag:s30] =	ssyncadd.s32 $0xFFFFD000  }
0xf1: {  	v7 =	vld [tilespmem:s7+$0x11D00]  }
0xf2: {  	v8 =	vld [tilespmem:s7+$0x11D10]  }
0xf3: {  	v10 =	vld [tilespmem:s7+$0x11D20]  }
0xf4: {  	v0 =	vmul.f32 $8.999999760e-01, v0;
	v9 =	vld [tilespmem:s7+$0x11D30]  }
0xf5: {  	v13 =	vmul.f32 $8.999999760e-01, v3;
	v6 =	vld [tilespmem:s7+$0x11D40]  }
0xf6: {  	v12 =	vmul.f32 $8.999999760e-01, v12;
	v3 =	vld [tilespmem:s7+$0x11D50];
	v7 =	vadd.f32 v7, v0  }
0xf7: {  	v11 =	vmul.f32 $8.999999760e-01, v11;
	s8 =	simm.s32 $0x200;
	v8 =	vadd.f32 v8, v13;
	v0 =	vld [tilespmem:s7+$0x11D60]  }
.LBB2_13:
0xf8: {  	s9 =	sshra.s32 s8, $0x2;
	p1 =	sne.s32 s8, $0xBE00;
	v12 =	vadd.f32 v10, v12;
	v4 =	vmul.f32 $8.999999760e-01, v4;
	v13 =	vld [tilespmem:s7+$0x11D70];
	[tilespmem:s7+$0x11D00] =	vst v7  }
0xf9: {  	v1 =	vmul.f32 $8.999999760e-01, v1;
	v14 =	vld [tilespmem:s9+$0x11D00];
	v11 =	vadd.f32 v9, v11;
	[tilespmem:s7+$0x11D10] =	vst v8  }
0xfa: {  	v5 =	vmul.f32 $8.999999760e-01, v5;
	v15 =	vld [tilespmem:s9+$0x11D10];
	v4 =	vadd.f32 v6, v4;
	[tilespmem:s7+$0x11D20] =	vst v12  }
.Ltmp5:
0xfb: {  	v2 =	vmul.f32 $8.999999760e-01, v2;
	v10 =	vld [tilespmem:s9+$0x11D20];
	v1 =	vadd.f32 v3, v1;
	[tilespmem:s7+$0x11D30] =	vst v11;
	(pc) =	sbr.rel @p1 .LBB2_13-.Ltmp5, $4  }
0xfc: {  	v3 =	vmul.f32 $8.999999760e-01, v7;
	v9 =	vld [tilespmem:s9+$0x11D30];
	v5 =	vadd.f32 v0, v5;
	[tilespmem:s7+$0x11D40] =	vst v4  }
0xfd: {  	v0 =	vmul.f32 $8.999999760e-01, v8;
	v6 =	vld [tilespmem:s9+$0x11D40];
	v2 =	vadd.f32 v13, v2;
	[tilespmem:s7+$0x11D50] =	vst v1  }
0xfe: {  	v12 =	vmul.f32 $8.999999760e-01, v12;
	v7 =	vadd.f32 v14, v3;
	v3 =	vld [tilespmem:s9+$0x11D50];
	[tilespmem:s7+$0x11D60] =	vst v5  }
0xff: {  	s8 =	sadd.s32 $0x200, s8;
	v11 =	vmul.f32 $8.999999760e-01, v11;
	v8 =	vadd.f32 v15, v0;
	v0 =	vld [tilespmem:s9+$0x11D60];
	[tilespmem:s7+$0x11D70] =	vst v2;
	s7 =	smov.u32 s9  }
0x100: {  	v13 =	vld [tilespmem:s7+$0x11D70];
	v10 =	vadd.f32 v10, v12;
	v4 =	vmul.f32 $8.999999760e-01, v4;
	[tilespmem:s7+$0x11D00] =	vst v7  }
0x101: {  	v1 =	vmul.f32 $8.999999760e-01, v1;
	s6 =	sshrl.u32 s6, $0x1;
	v7 =	vadd.f32 v9, v11;
	[tilespmem:s7+$0x11D10] =	vst v8  }
0x102: {  	v5 =	vmul.f32 $8.999999760e-01, v5;
	s6 =	sadd.s32 s5, s6;
	v4 =	vadd.f32 v6, v4;
	[tilespmem:s7+$0x11D20] =	vst v10  }
0x103: {  	v2 =	vmul.f32 $8.999999760e-01, v2;
	s6 =	smul.u32 $0x6400, s6;
	v1 =	vadd.f32 v3, v1;
	[tilespmem:s7+$0x11D30] =	vst v7  }
0x104: {  	v0 =	vadd.f32 v0, v5;
	[tilespmem:s7+$0x11D40] =	vst v4  }
0x105: {  	s6 =	sshrl.u32 s6, $0x3;
	v2 =	vadd.f32 v13, v2;
	[tilespmem:s7+$0x11D50] =	vst v1  }
0x106: {  	s6 =	sadd.s32 s2, s6;
	[tilespmem:s7+$0x11D60] =	vst v0  }
0x107: {  	s6 =	sadd.s32 $0x680, s6;
	[tilespmem:s7+$0x11D70] =	vst v2  }
0x108: {  	[hbm4b:s6+s4] =	stream.linear.scatter [tilespmem:s22], [sflag:$0xE], $0x3000, $0x38;
	[tilespmem:$0x1E840] =	vst v63  }
0x109: {  	s6 =	sor.u32 $0x6, s16  }
0x10a: {  	p1 =	sgt.u32 s6, $0x3B  }
0x10b: {  	s8 =	sadd.s32 @!p1 $0xA, s16  }
0x10c: {  	s7 =	simm.s32 @!p1 $0xB;
	s8 =	sshrl.u32 @!p1 s8, $0x1  }
0x10d: {  	_ =	swait.ge @!p1 [sflag:s7], $0x3400;
	s8 =	smul.u32 @!p1 $0x320, s8  }
0x10e: {  	s9 =	simm.s32 @!p1 $0x8100;
	[sflag:s7] =	ssyncset.done @!p1 $0x0  }
0x10f: {  	[sflag:s7] =	ssyncadd.s32 @!p1 $0xFFFFCC00;
	s7 =	sshra.s32 @!p1 s8, $0x2;
	s8 =	simm.s32 @!p1 $0x68  }
0x110: {  	[tilespmem:s9], [sflag:$0x3] =	stream.indirect.gather @!p1 [spmem:s3], $0x80, s7, s8, $0xb8;
	[tilespmem:$0x1E840] =	vst v63  }
0x111: {  	_ =	swait.ge [sflag:s31], $0x3400  }
0x112: {  	s18 =	sshll.u32 s6, $0x6;
	[sflag:s31] =	ssyncset.done $0x0  }
0x113: {  	s7 =	sand.u32 $0x3FFFFFC0, s18;
	[sflag:s31] =	ssyncadd.s32 $0xFFFFCC00  }
0x114: {  	v0 =	vld [tilespmem:s7+$0x1B900]  }
0x115: {  	v3 =	vld [tilespmem:s7+$0x1B910]  }
0x116: {  	v6 =	vld [tilespmem:s7+$0x1B920]  }
0x117: {  	v11 =	vld [tilespmem:s7+$0x1B930]  }
0x118: {  	v5 =	vld [tilespmem:s7+$0x1B940]  }
0x119: {  	v4 =	vld [tilespmem:s7+$0x1B950]  }
0x11a: {  	v1 =	vld [tilespmem:s7+$0x1B960]  }
0x11b: {  	v2 =	vld [tilespmem:s7+$0x1B970];
	s7 =	simm.s32 $0x0  }
0x11c: {  	v8 =	vld [tilespmem:s7+$0x15100]  }
0x11d: {  	v13 =	vld [tilespmem:s7+$0x15110]  }
0x11e: {  	v10 =	vld [tilespmem:s7+$0x15120]  }
0x11f: {  	v9 =	vld [tilespmem:s7+$0x15130];
	v0 =	vmul.f32 $8.999999760e-01, v0  }
0x120: {  	v7 =	vld [tilespmem:s7+$0x15140];
	v3 =	vmul.f32 $8.999999760e-01, v3  }
0x121: {  	v12 =	vmul.f32 $8.999999760e-01, v6;
	v0 =	vadd.f32 v8, v0;
	v8 =	vld [tilespmem:s7+$0x15150]  }
0x122: {  	s8 =	simm.s32 $0x200;
	v11 =	vmul.f32 $8.999999760e-01, v11;
	v6 =	vld [tilespmem:s7+$0x15160];
	v3 =	vadd.f32 v13, v3  }
.LBB2_15:
0x123: {  	s9 =	sshra.s32 s8, $0x2;
	p1 =	sne.s32 s8, $0xCE00;
	v12 =	vadd.f32 v10, v12;
	v5 =	vmul.f32 $8.999999760e-01, v5;
	v13 =	vld [tilespmem:s7+$0x15170];
	[tilespmem:s7+$0x15100] =	vst v0  }
0x124: {  	v4 =	vmul.f32 $8.999999760e-01, v4;
	v14 =	vld [tilespmem:s9+$0x15100];
	v11 =	vadd.f32 v9, v11;
	[tilespmem:s7+$0x15110] =	vst v3  }
0x125: {  	v1 =	vmul.f32 $8.999999760e-01, v1;
	v15 =	vld [tilespmem:s9+$0x15110];
	v5 =	vadd.f32 v7, v5;
	[tilespmem:s7+$0x15120] =	vst v12  }
.Ltmp6:
0x126: {  	v2 =	vmul.f32 $8.999999760e-01, v2;
	v10 =	vld [tilespmem:s9+$0x15120];
	v4 =	vadd.f32 v8, v4;
	[tilespmem:s7+$0x15130] =	vst v11;
	(pc) =	sbr.rel @p1 .LBB2_15-.Ltmp6, $4  }
0x127: {  	v0 =	vmul.f32 $8.999999760e-01, v0;
	v9 =	vld [tilespmem:s9+$0x15130];
	v1 =	vadd.f32 v6, v1;
	[tilespmem:s7+$0x15140] =	vst v5  }
0x128: {  	v3 =	vmul.f32 $8.999999760e-01, v3;
	v7 =	vld [tilespmem:s9+$0x15140];
	v2 =	vadd.f32 v13, v2;
	[tilespmem:s7+$0x15150] =	vst v4  }
0x129: {  	v12 =	vmul.f32 $8.999999760e-01, v12;
	v0 =	vadd.f32 v14, v0;
	v8 =	vld [tilespmem:s9+$0x15150];
	[tilespmem:s7+$0x15160] =	vst v1  }
0x12a: {  	s8 =	sadd.s32 $0x200, s8;
	v11 =	vmul.f32 $8.999999760e-01, v11;
	v3 =	vadd.f32 v15, v3;
	v6 =	vld [tilespmem:s9+$0x15160];
	[tilespmem:s7+$0x15170] =	vst v2;
	s7 =	smov.u32 s9  }
0x12b: {  	v13 =	vld [tilespmem:s7+$0x15170];
	v12 =	vadd.f32 v10, v12;
	v5 =	vmul.f32 $8.999999760e-01, v5;
	[tilespmem:s7+$0x15100] =	vst v0  }
0x12c: {  	v11 =	vadd.f32 v9, v11;
	v9 =	vmul.f32 $8.999999760e-01, v4;
	[tilespmem:s7+$0x15110] =	vst v3  }
0x12d: {  	v4 =	vadd.f32 v7, v5;
	v5 =	vmul.f32 $8.999999760e-01, v1;
	[tilespmem:s7+$0x15120] =	vst v12  }
0x12e: {  	v2 =	vmul.f32 $8.999999760e-01, v2;
	s6 =	sshrl.u32 s6, $0x1;
	v1 =	vadd.f32 v8, v9;
	[tilespmem:s7+$0x15130] =	vst v11  }
0x12f: {  	s6 =	sadd.s32 s5, s6;
	v5 =	vadd.f32 v6, v5;
	[tilespmem:s7+$0x15140] =	vst v4  }
0x130: {  	s6 =	smul.u32 $0xC80, s6;
	v2 =	vadd.f32 v13, v2;
	[tilespmem:s7+$0x15150] =	vst v1  }
0x131: {  	[tilespmem:s7+$0x15160] =	vst v5  }
0x132: {  	s6 =	sadd.s32 s2, s6;
	[tilespmem:s7+$0x15170] =	vst v2  }
0x133: {  	[hbm4b:s6+s4] =	stream.linear.scatter [tilespmem:s24], [sflag:$0xF], $0x3400, $0x38;
	[tilespmem:$0x1E840] =	vst v63  }
0x134: {  	s6 =	sor.u32 $0x7, s16  }
0x135: {  	p1 =	sgt.u32 s6, $0x3B  }
0x136: {  	s7 =	sadd.s32 @!p1 $0xA, s16  }
0x137: {  	s7 =	sshrl.u32 @!p1 s7, $0x1  }
0x138: {  	s8 =	simm.s32 @!p1 $0xC;
	s7 =	smul.u32 @!p1 $0x320, s7  }
0x139: {  	_ =	swait.ge @!p1 [sflag:s8], $0x3000  }
0x13a: {  	s9 =	simm.s32 @!p1 $0xB500;
	[sflag:s8] =	ssyncset.done @!p1 $0x0;
	s7 =	sshra.s32 @!p1 s7, $0x2  }
0x13b: {  	[sflag:s8] =	ssyncadd.s32 @!p1 $0xFFFFD000;
	s8 =	simm.s32 @!p1 $0x60;
	s7 =	sadd.s32 @!p1 $0x68, s7  }
0x13c: {  	[tilespmem:s9], [sflag:$0x4] =	stream.indirect.gather @!p1 [spmem:s3], $0x80, s7, s8, $0xb8;
	[tilespmem:$0x1E840] =	vst v63  }
0x13d: {  	_ =	swait.ge [sflag:s1], $0x3000  }
0x13e: {  	[sflag:s1] =	ssyncset.done $0x0  }
0x13f: {  	s7 =	simm.s32 $0x0;
	[sflag:s1] =	ssyncadd.s32 $0xFFFFD000  }
0x140: {  	v7 =	vld [tilespmem:s7+$0x18500]  }
0x141: {  	v8 =	vld [tilespmem:s7+$0x18510]  }
0x142: {  	v10 =	vld [tilespmem:s7+$0x18520]  }
0x143: {  	v0 =	vmul.f32 $8.999999760e-01, v0;
	v9 =	vld [tilespmem:s7+$0x18530]  }
0x144: {  	v13 =	vmul.f32 $8.999999760e-01, v3;
	v6 =	vld [tilespmem:s7+$0x18540]  }
0x145: {  	v12 =	vmul.f32 $8.999999760e-01, v12;
	v3 =	vld [tilespmem:s7+$0x18550];
	v7 =	vadd.f32 v7, v0  }
0x146: {  	v11 =	vmul.f32 $8.999999760e-01, v11;
	s8 =	simm.s32 $0x200;
	v8 =	vadd.f32 v8, v13;
	v0 =	vld [tilespmem:s7+$0x18560]  }
.LBB2_17:
0x147: {  	s9 =	sshra.s32 s8, $0x2;
	p1 =	sne.s32 s8, $0xBE00;
	v12 =	vadd.f32 v10, v12;
	v4 =	vmul.f32 $8.999999760e-01, v4;
	v13 =	vld [tilespmem:s7+$0x18570];
	[tilespmem:s7+$0x18500] =	vst v7  }
0x148: {  	v1 =	vmul.f32 $8.999999760e-01, v1;
	v14 =	vld [tilespmem:s9+$0x18500];
	v11 =	vadd.f32 v9, v11;
	[tilespmem:s7+$0x18510] =	vst v8  }
0x149: {  	v5 =	vmul.f32 $8.999999760e-01, v5;
	v15 =	vld [tilespmem:s9+$0x18510];
	v4 =	vadd.f32 v6, v4;
	[tilespmem:s7+$0x18520] =	vst v12  }
.Ltmp7:
0x14a: {  	v2 =	vmul.f32 $8.999999760e-01, v2;
	v10 =	vld [tilespmem:s9+$0x18520];
	v1 =	vadd.f32 v3, v1;
	[tilespmem:s7+$0x18530] =	vst v11;
	(pc) =	sbr.rel @p1 .LBB2_17-.Ltmp7, $4  }
0x14b: {  	v3 =	vmul.f32 $8.999999760e-01, v7;
	v9 =	vld [tilespmem:s9+$0x18530];
	v5 =	vadd.f32 v0, v5;
	[tilespmem:s7+$0x18540] =	vst v4  }
0x14c: {  	v0 =	vmul.f32 $8.999999760e-01, v8;
	v6 =	vld [tilespmem:s9+$0x18540];
	v2 =	vadd.f32 v13, v2;
	[tilespmem:s7+$0x18550] =	vst v1  }
0x14d: {  	v12 =	vmul.f32 $8.999999760e-01, v12;
	v7 =	vadd.f32 v14, v3;
	v3 =	vld [tilespmem:s9+$0x18550];
	[tilespmem:s7+$0x18560] =	vst v5  }
0x14e: {  	s8 =	sadd.s32 $0x200, s8;
	v11 =	vmul.f32 $8.999999760e-01, v11;
	v8 =	vadd.f32 v15, v0;
	v0 =	vld [tilespmem:s9+$0x18560];
	[tilespmem:s7+$0x18570] =	vst v2;
	s7 =	smov.u32 s9  }
0x14f: {  	v13 =	vld [tilespmem:s7+$0x18570];
	v10 =	vadd.f32 v10, v12;
	v4 =	vmul.f32 $8.999999760e-01, v4;
	[tilespmem:s7+$0x18500] =	vst v7  }
0x150: {  	v1 =	vmul.f32 $8.999999760e-01, v1;
	s6 =	sshrl.u32 s6, $0x1;
	v63 =	vadd.f32 v9, v11;
	[tilespmem:s7+$0x18510] =	vst v8  }
0x151: {  	v5 =	vmul.f32 $8.999999760e-01, v5;
	s11 =	sadd.s32 $0x1, s11;
	s6 =	sadd.s32 s5, s6;
	v4 =	vadd.f32 v6, v4;
	[tilespmem:s7+$0x18520] =	vst v10  }
0x152: {  	v2 =	vmul.f32 $8.999999760e-01, v2;
	p1 =	sne.s32 s11, $0x8;
	s6 =	smul.u32 $0x6400, s6;
	v1 =	vadd.f32 v3, v1;
	[tilespmem:s7+$0x18530] =	vst v63  }
.Ltmp8:
0x153: {  	v0 =	vadd.f32 v0, v5;
	[tilespmem:s7+$0x18540] =	vst v4;
	(pc) =	sbr.rel @p1 .LBB2_2-.Ltmp8, $4  }
0x154: {  	s6 =	sshrl.u32 s6, $0x3;
	v2 =	vadd.f32 v13, v2;
	[tilespmem:s7+$0x18550] =	vst v1  }
0x155: {  	s6 =	sadd.s32 s2, s6;
	[tilespmem:s7+$0x18560] =	vst v0  }
0x156: {  	s6 =	sadd.s32 $0x680, s6;
	[tilespmem:s7+$0x18570] =	vst v2  }
0x157: {  	[hbm4b:s6+s4] =	stream.linear.scatter [tilespmem:s26], [sflag:$0x10], $0x3000, $0x38;
	[tilespmem:$0x1E840] =	vst v63  }
0x158: {  	s6 =	simm.s32 $0x9  }
0x159: {  	_ =	swait.ge [sflag:s6], $0x3400  }
0x15a: {  	[sflag:s6] =	ssyncset.done $0x0  }
0x15b: {  	s7 =	simm.s32 $0xA;
	[sflag:s6] =	ssyncadd.s32 $0xFFFFCC00  }
0x15c: {  	_ =	swait.ge [sflag:s7], $0x3000  }
0x15d: {  	[sflag:s7] =	ssyncset.done $0x0  }
0x15e: {  	s8 =	simm.s32 $0xB;
	[sflag:s7] =	ssyncadd.s32 $0xFFFFD000  }
0x15f: {  	_ =	swait.ge [sflag:s8], $0x3400  }
0x160: {  	[sflag:s8] =	ssyncset.done $0x0  }
0x161: {  	s9 =	simm.s32 $0xC;
	[sflag:s8] =	ssyncadd.s32 $0xFFFFCC00  }
0x162: {  	_ =	swait.ge [sflag:s9], $0x3000  }
0x163: {  	[sflag:s9] =	ssyncset.done $0x0  }
0x164: {  	s10 =	simm.s32 $0xD;
	[sflag:s9] =	ssyncadd.s32 $0xFFFFD000  }
0x165: {  	_ =	swait.ge [sflag:s10], $0x3400  }
0x166: {  	[sflag:s10] =	ssyncset.done $0x0  }
0x167: {  	s11 =	simm.s32 $0xE;
	[sflag:s10] =	ssyncadd.s32 $0xFFFFCC00  }
0x168: {  	_ =	swait.ge [sflag:s11], $0x3000  }
0x169: {  	[sflag:s11] =	ssyncset.done $0x0  }
0x16a: {  	s16 =	simm.s32 $0xF;
	[sflag:s11] =	ssyncadd.s32 $0xFFFFD000  }
0x16b: {  	_ =	swait.ge [sflag:s16], $0x3400  }
0x16c: {  	[sflag:s16] =	ssyncset.done $0x0  }
0x16d: {  	s7 =	simm.s32 $0x10;
	[sflag:s16] =	ssyncadd.s32 $0xFFFFCC00  }
0x16e: {  	_ =	swait.ge [sflag:s7], $0x3000  }
0x16f: {  	s0 =	sadd.s32 $0x1, s0;
	s18 =	rddreg [dreg:$0x8]  }
0x170: {  	p1 =	sne.s32 s0, s18  }
.Ltmp9:
0x171: {  	_ = 	snop;
	(pc) =	sbr.rel @p1 .LBB2_1-.Ltmp9, $3  }
0x172: {  	_ =	sdelay $0x1  }
0x173: {  	[sflag:s7] =	ssyncset.done $0x0  }
0x174: {  	[sflag:s7] =	ssyncadd.s32 $0xFFFFD000  }
0x175: {  	_ =	sfence.sel $0x180000  }
0x176: {  	[bflag:$0x0] =	sbarrier.arrive $0xFFFF  }
0x177: {  	_ =	strace $0x90000047  }
0x178: {  	[bflag:$0x2] =	sbarrier.arrive $0xFFFF  }
0x179: {  	s0 =	rddreg [dreg:$0x5]  }
0x17a: {  	s0 =	sadd.s32 @!p0 $0x100000, s0  }
0x17b: {  	[sflag:s0] =	ssyncadd.tile.s32 @!p0 $0x1;
	_ =	shalt  }
.Lfunc_end2:
_tile_overlayer_lowered:
.L_overlay_start_2:
0x17c: {  	(tag) =	ssettag $0x2  }
0x17d: {  	s0 =	rddreg [dreg:$0x0];
	s2 =	stileid.u32  }
0x17e: {  	s1 =	rddreg [dreg:$0x1];
	p0 =	sne.s32 s2, $0x0  }
0x17f: {  	s3 =	rddreg [dreg:$0x2];
	[bflag:$0x3] =	sbarrier.arrive $0xFFFF;
	s2 =	simm.s32 @!p0 $0x1C11  }
0x180: {  	[timem:s3], [sflag:s2] =	dma.local @!p0 [hbm:s0], s1  }
0x181: {  	s0 =	simm.s32 @!p0 $0x11  }
0x182: {  	_ =	swait.ge @!p0 [sflag:s0], s1  }
0x183: {  	s1 =	ssub.s32 @!p0 $0x0, s1;
	[sflag:s0] =	ssyncset.done @!p0 $0x0  }
0x184: {  	[sflag:s0] =	ssyncadd.s32 @!p0 s1  }
0x185: {  	[bflag:$0x3] =	sbarrier.arrive $0xFFFF  }
0x186: {  	_ =	shalt  }

</sc_bundles>
